<compile_context>
chip_gen: v7x
topology: tpu7x:2x2x1
jax: 0.10.2.dev20260603
libtpu: 0.0.44.dev20260713+nightly
codegen_flags: <defaults>
</compile_context>

<pallas_src>
import functools

import jax
import jax.numpy as jnp
from jax import lax
from jax.experimental import pallas as pl
from jax.experimental.pallas import tpu as pltpu
from jax.experimental.pallas import tpu_sc as plsc

N = 10000
E = 320000
D = 128
NC = 2
NS = 16
NW = NC * NS
G = 128
NG = 80
GC = 16
EP = NW * NG * G
NP = 10240
BM = 1000

_mesh = plsc.VectorSubcoreMesh(core_axis_name="c", subcore_axis_name="s")



@functools.partial(
    pl.kernel,
    mesh=_mesh,
    out_type=jax.ShapeDtypeStruct((NC, 10, 1024), jnp.float32),
    scratch_types=[
        pltpu.VMEM((NG, G), jnp.int32),
        pltpu.VMEM((NG, G), jnp.float32),
        pltpu.VMEM((1024,), jnp.float32),
        pltpu.VMEM_SHARED((NP,), jnp.float32),
        pltpu.SemaphoreType.DMA,
    ],
)
def _deg_call(col_hbm, ew_hbm, out_hbm, colb, ewb, zb, acc, sem):
    cid = lax.axis_index("c")
    sid = lax.axis_index("s")
    wid = cid * NS + sid

    pltpu.sync_copy(col_hbm.at[wid], colb)
    pltpu.sync_copy(ew_hbm.at[wid], ewb)

    def _zero(i, carry):
        zb[pl.ds(i * 16, 16)] = jnp.zeros((16,), jnp.float32)
        return carry

    lax.fori_loop(0, 64, _zero, 0)

    @pl.when(sid < 10)
    def _():
        pltpu.sync_copy(zb, acc.at[pl.ds(sid * 1024, 1024)])

    plsc.subcore_barrier()

    def _grp(g, carry):
        pltpu.sync_copy(ewb.at[g], acc.at[colb.at[g]], add=True)
        return carry

    lax.fori_loop(0, NG, _grp, 0)

    plsc.subcore_barrier()

    @pl.when(sid < 10)
    def _():
        pltpu.sync_copy(acc.at[pl.ds(sid * 1024, 1024)], out_hbm.at[cid].at[sid])



def _lin_body(x_ref, w_ref, d0_ref, d1_ref, g_ref, dis_ref):
    deg = 1.0 + d0_ref[...] + d1_ref[...]
    dis = lax.rsqrt(deg)
    h = jnp.dot(x_ref[...], w_ref[...], preferred_element_type=jnp.float32)
    g_ref[...] = h * dis
    dis_ref[...] = dis


_lin_call = pl.pallas_call(
    _lin_body,
    grid=(N // BM,),
    in_specs=[
        pl.BlockSpec((BM, D), lambda i: (i, 0)),
        pl.BlockSpec((D, D), lambda i: (0, 0)),
        pl.BlockSpec((BM, 1), lambda i: (i, 0)),
        pl.BlockSpec((BM, 1), lambda i: (i, 0)),
    ],
    out_specs=[
        pl.BlockSpec((BM, D), lambda i: (i, 0)),
        pl.BlockSpec((BM, 1), lambda i: (i, 0)),
    ],
    out_shape=[
        jax.ShapeDtypeStruct((N, D), jnp.float32),
        jax.ShapeDtypeStruct((N, 1), jnp.float32),
    ],
)



@functools.partial(
    pl.kernel,
    mesh=_mesh,
    out_type=jax.ShapeDtypeStruct((NC, N, D), jnp.float32),
    scratch_types=[
        pltpu.VMEM((GC, G), jnp.int32),
        pltpu.VMEM((GC, G), jnp.int32),
        pltpu.VMEM((GC, G), jnp.float32),
        pltpu.VMEM((G, D), jnp.float32),
        pltpu.VMEM((G, D), jnp.float32),
        pltpu.VMEM_SHARED((N, D), jnp.float32),
        pltpu.SemaphoreType.DMA,
        pltpu.SemaphoreType.DMA,
        pltpu.SemaphoreType.DMA,
        pltpu.SemaphoreType.DMA,
        pltpu.SemaphoreType.DMA,
    ],
)
def _msg_call(g_hbm, row_hbm, col_hbm, ew_hbm, out_hbm,
              rowb, colb, ewb, sba, sbb, acc,
              sema, semb, ssema, ssemb, esem):
    cid = lax.axis_index("c")
    sid = lax.axis_index("s")
    wid = cid * NS + sid

    def _zrow(i, carry):
        z = jnp.zeros((16,), jnp.float32)
        for k in range(D // 16):
            sba[i, pl.ds(k * 16, 16)] = z
        return carry

    lax.fori_loop(0, G, _zrow, 0)

    @pl.when(sid < 10)
    def _():
        for j in range(7):
            pltpu.sync_copy(sba, acc.at[pl.ds(sid * 1000 + j * G, G)])
        pltpu.sync_copy(sba.at[pl.ds(0, 104)], acc.at[pl.ds(sid * 1000 + 7 * G, 104)])

    plsc.subcore_barrier()

    def _scale(g, buf):
        with jax.named_scope("scale"):
            @plsc.parallel_loop(0, G // 16, unroll=2)
            def _blk(bi):
                ew16 = ewb[g, pl.ds(bi * 16, 16)]
                for l in range(16):
                    s = ew16[l]
                    r = bi * 16 + l
                    for k in range(D // 16):
                        sl = pl.ds(k * 16, 16)
                        buf[r, sl] = buf[r, sl] * s

    def _chunk(c, carry):
        with jax.named_scope("stage"):
            sl = pl.ds(c * GC, GC)
            d0 = pltpu.async_copy(row_hbm.at[wid].at[sl], rowb, esem)
            d1 = pltpu.async_copy(col_hbm.at[wid].at[sl], colb, esem)
            d2 = pltpu.async_copy(ew_hbm.at[wid].at[sl], ewb, esem)
            d0.wait()
            d1.wait()
            d2.wait()

        pltpu.async_copy(g_hbm.at[rowb.at[0]], sba, sema)
        pltpu.async_copy(g_hbm.at[rowb.at[1]], sbb, semb)

        def _pair(p, c2):
            ga = 2 * p
            gb = 2 * p + 1
            with jax.named_scope("gwait"):
                pltpu.make_async_copy(g_hbm.at[rowb.at[ga]], sba, sema).wait()
            _scale(ga, sba)

            @pl.when(p > 0)
            def _():
                with jax.named_scope("swait"):
                    pltpu.make_async_copy(
                        sbb, acc.at[colb.at[gb - 2]], ssemb).wait()
                pltpu.async_copy(g_hbm.at[rowb.at[gb]], sbb, semb)

            with jax.named_scope("scatter"):
                pltpu.async_copy(sba, acc.at[colb.at[ga]], ssema, add=True)

            with jax.named_scope("gwait"):
                pltpu.make_async_copy(g_hbm.at[rowb.at[gb]], sbb, semb).wait()
            _scale(gb, sbb)

            @pl.when(ga + 2 < GC)
            def _():
                with jax.named_scope("swait"):
                    pltpu.make_async_copy(
                        sba, acc.at[colb.at[ga]], ssema).wait()
                pltpu.async_copy(g_hbm.at[rowb.at[ga + 2]], sba, sema)

            with jax.named_scope("scatter"):
                pltpu.async_copy(sbb, acc.at[colb.at[gb]], ssemb, add=True)
            return c2

        lax.fori_loop(0, GC // 2, _pair, 0)

        pltpu.make_async_copy(sba, acc.at[colb.at[GC - 2]], ssema).wait()
        pltpu.make_async_copy(sbb, acc.at[colb.at[GC - 1]], ssemb).wait()
        return carry

    lax.fori_loop(0, NG // GC, _chunk, 0)

    plsc.subcore_barrier()

    with jax.named_scope("drain"):
        @pl.when(sid < 10)
        def _():
            for j in range(5):
                sl = pl.ds(sid * 1000 + j * 200, 200)
                pltpu.sync_copy(acc.at[sl], out_hbm.at[cid].at[sl])



def _fin_body(a0_ref, a1_ref, g_ref, dis_ref, b_ref, o_ref):
    s = a0_ref[...] + a1_ref[...] + g_ref[...]
    o_ref[...] = jnp.maximum(s * dis_ref[...] + b_ref[...], 0.0)


_fin_call = pl.pallas_call(
    _fin_body,
    grid=(N // BM,),
    in_specs=[
        pl.BlockSpec((BM, D), lambda i: (i, 0)),
        pl.BlockSpec((BM, D), lambda i: (i, 0)),
        pl.BlockSpec((BM, D), lambda i: (i, 0)),
        pl.BlockSpec((BM, 1), lambda i: (i, 0)),
        pl.BlockSpec((1, D), lambda i: (0, 0)),
    ],
    out_specs=pl.BlockSpec((BM, D), lambda i: (i, 0)),
    out_shape=jax.ShapeDtypeStruct((N, D), jnp.float32),
)



@jax.jit
def kernel(x, edge_index, edge_weight, W, b):
    pad = EP - E
    spread = jnp.arange(pad, dtype=edge_index.dtype) % N
    row3 = jnp.concatenate([edge_index[0], spread]).reshape(NW, NG, G)
    col3 = jnp.concatenate([edge_index[1], spread]).reshape(NW, NG, G)
    ew3 = jnp.pad(edge_weight, (0, pad)).reshape(NW, NG, G)

    degp = _deg_call(col3, ew3)
    degf = degp.reshape(NC, NP)
    d0 = degf[0, :N].reshape(N, 1)
    d1 = degf[1, :N].reshape(N, 1)
    g, dis = _lin_call(x, W, d0, d1)
    accp = _msg_call(g, row3, col3, ew3)
    out = _fin_call(accp[0], accp[1], g, dis, b.reshape(1, D))
    return out

# --- scband reference (transcript-rebuilt; emitter-appended) ---
"""Pipeline reference for scband-gcnlayer-14147622273288 (READ-ONLY COPY).

The authoritative reference and input builder live on the scoring server;
editing this copy changes nothing except your own understanding.
"""

import jax, jax.numpy as jnp
import numpy as np

N = 10000
E = 320000
D_IN = 128
D_OUT = 128


def setup_inputs(seed: int = 0) -> dict:
    key = jax.random.key(seed)
    k1, k2, k3, k4 = jax.random.split(key, 4)
    x = jax.random.normal(k1, (N, D_IN), dtype=jnp.float32)
    edge_index = jax.random.randint(k2, (2, E), 0, N)
    edge_weight = jax.random.uniform(k3, (E,), dtype=jnp.float32)
    # GCNConv linear weight (no bias inside lin; bias added after aggregation)
    W = jax.random.normal(k4, (D_IN, D_OUT), dtype=jnp.float32) / np.sqrt(D_IN)
    b = jnp.zeros((D_OUT,), dtype=jnp.float32)
    return {"x": x, "edge_index": edge_index, "edge_weight": edge_weight, "W": W, "b": b}


def reference(x, edge_index, edge_weight, W, b):
    n = x.shape[0]
    # --- GCNConv: add self-loops with weight 1.0 ---
    loop = jnp.arange(n, dtype=edge_index.dtype)
    ei = jnp.concatenate([edge_index, jnp.stack([loop, loop], axis=0)], axis=1)
    ew = jnp.concatenate([edge_weight, jnp.ones((n,), dtype=edge_weight.dtype)], axis=0)
    row, col = ei[0], ei[1]
    # --- symmetric normalization: D^{-1/2} A D^{-1/2} ---
    deg = jax.ops.segment_sum(ew, col, num_segments=n)
    deg_inv_sqrt = jnp.where(deg > 0, jax.lax.rsqrt(jnp.maximum(deg, 1e-20)), 0.0)
    norm = deg_inv_sqrt[row] * ew * deg_inv_sqrt[col]
    # --- linear transform then message passing (gather + scatter-add) ---
    h = x @ W
    msg = norm[:, None] * jnp.take(h, row, axis=0)
    out = jax.ops.segment_sum(msg, col, num_segments=n) + b
    # dropout (p=0.0 -> identity), batch_norm = Identity, then ReLU
    out = jnp.maximum(out, 0.0)
    return out

if __name__ == "__main__":
    import jax
    _d = setup_inputs()
    print(jax.jit(kernel)(*tuple(_d.values())))

</pallas_src>

<mosaic_0001>
#map = affine_map<(d0, d1) -> (0, 0)>
#map1 = affine_map<(d0, d1) -> (0, 0, 0)>
module attributes {stable_mosaic.version = 14 : i64} {
  func.func @_msg_call(%arg0: i32, %arg1: i32, %arg2: memref<10000x128xf32, #tpu.memory_space<hbm>>, %arg3: memref<32x80x128xi32, #tpu.memory_space<hbm>>, %arg4: memref<32x80x128xi32, #tpu.memory_space<hbm>>, %arg5: memref<32x80x128xf32, #tpu.memory_space<hbm>>, %arg6: memref<2x10000x128xf32, #tpu.memory_space<hbm>>, %arg7: memref<16x128xi32, #tpu.memory_space<vmem>>, %arg8: memref<16x128xi32, #tpu.memory_space<vmem>>, %arg9: memref<16x128xf32, #tpu.memory_space<vmem>>, %arg10: memref<128x128xf32, #tpu.memory_space<vmem>>, %arg11: memref<128x128xf32, #tpu.memory_space<vmem>>, %arg12: memref<10000x128xf32, #tpu.memory_space<vmem_shared>>, %arg13: memref<!tpu.dma_semaphore, #tpu.memory_space<semaphore_mem>>, %arg14: memref<!tpu.dma_semaphore, #tpu.memory_space<semaphore_mem>>, %arg15: memref<!tpu.dma_semaphore, #tpu.memory_space<semaphore_mem>>, %arg16: memref<!tpu.dma_semaphore, #tpu.memory_space<semaphore_mem>>, %arg17: memref<!tpu.dma_semaphore, #tpu.memory_space<semaphore_mem>>) attributes {dimension_semantics = [#tpu.dimension_semantics<core_parallel>, #tpu.dimension_semantics<subcore_parallel>], iteration_bounds = array<i64: 2, 16>, scalar_prefetch = 0 : i64, scratch_operands = 11 : i64, tpu.core_type = #tpu.core_type<sc_vector_subcore>, window_params = [{transform_indices = #map}, {transform_indices = #map1}, {transform_indices = #map1}, {transform_indices = #map1}, {transform_indices = #map1}]} {
    %mul3A = arith.constant 16 : i32
    %mul3A_0 = arith.muli %arg0, %mul3A : i32
    %add3A = arith.addi %mul3A_0, %arg1 : i32
    %scan3A = arith.constant 0 : i32
    %scan3A_1 = arith.constant 0 : i32
    %scan3A_2 = arith.constant 128 : i32
    %scan3A_3 = arith.addi %scan3A_1, %scan3A_2 : i32
    %scan3A_4 = arith.constant 1 : i32
    scf.for %scan3A_20 = %scan3A_1 to %scan3A_3 step %scan3A_4  : i32 {
      %broadcast_in_dim3A = arith.constant 0.000000e+00 : f32
      %broadcast_in_dim3A_21 = vector.broadcast %broadcast_in_dim3A : f32 to vector<16xf32>
      %swap3A = arith.index_cast %scan3A_20 : i32 to index
      %swap3A_22 = arith.constant 0 : index
      %swap3A_23 = tpu.vector_load %arg10[%swap3A, %swap3A_22] {strides = array<i32>} : memref<128x128xf32, #tpu.memory_space<vmem>>, vector<1x16xf32>,
      %swap3A_24 = vector.shape_cast %swap3A_23 : vector<1x16xf32> to vector<16xf32>
      %swap3A_25 = vector.shape_cast %broadcast_in_dim3A_21 : vector<16xf32> to vector<1x16xf32>
      tpu.vector_store %arg10[%swap3A, %swap3A_22], %swap3A_25 {strides = array<i32>} : memref<128x128xf32, #tpu.memory_space<vmem>>, vector<1x16xf32>,
      %swap3A_26 = arith.index_cast %scan3A_20 : i32 to index
      %swap3A_27 = arith.constant 16 : index
      %swap3A_28 = tpu.vector_load %arg10[%swap3A_26, %swap3A_27] {strides = array<i32>} : memref<128x128xf32, #tpu.memory_space<vmem>>, vector<1x16xf32>,
      %swap3A_29 = vector.shape_cast %swap3A_28 : vector<1x16xf32> to vector<16xf32>
      %swap3A_30 = vector.shape_cast %broadcast_in_dim3A_21 : vector<16xf32> to vector<1x16xf32>
      tpu.vector_store %arg10[%swap3A_26, %swap3A_27], %swap3A_30 {strides = array<i32>} : memref<128x128xf32, #tpu.memory_space<vmem>>, vector<1x16xf32>,
      %swap3A_31 = arith.index_cast %scan3A_20 : i32 to index
      %swap3A_32 = arith.constant 32 : index
      %swap3A_33 = tpu.vector_load %arg10[%swap3A_31, %swap3A_32] {strides = array<i32>} : memref<128x128xf32, #tpu.memory_space<vmem>>, vector<1x16xf32>,
      %swap3A_34 = vector.shape_cast %swap3A_33 : vector<1x16xf32> to vector<16xf32>
      %swap3A_35 = vector.shape_cast %broadcast_in_dim3A_21 : vector<16xf32> to vector<1x16xf32>
      tpu.vector_store %arg10[%swap3A_31, %swap3A_32], %swap3A_35 {strides = array<i32>} : memref<128x128xf32, #tpu.memory_space<vmem>>, vector<1x16xf32>,
      %swap3A_36 = arith.index_cast %scan3A_20 : i32 to index
      %swap3A_37 = arith.constant 48 : index
      %swap3A_38 = tpu.vector_load %arg10[%swap3A_36, %swap3A_37] {strides = array<i32>} : memref<128x128xf32, #tpu.memory_space<vmem>>, vector<1x16xf32>,
      %swap3A_39 = vector.shape_cast %swap3A_38 : vector<1x16xf32> to vector<16xf32>
      %swap3A_40 = vector.shape_cast %broadcast_in_dim3A_21 : vector<16xf32> to vector<1x16xf32>
      tpu.vector_store %arg10[%swap3A_36, %swap3A_37], %swap3A_40 {strides = array<i32>} : memref<128x128xf32, #tpu.memory_space<vmem>>, vector<1x16xf32>,
      %swap3A_41 = arith.index_cast %scan3A_20 : i32 to index
      %swap3A_42 = arith.constant 64 : index
      %swap3A_43 = tpu.vector_load %arg10[%swap3A_41, %swap3A_42] {strides = array<i32>} : memref<128x128xf32, #tpu.memory_space<vmem>>, vector<1x16xf32>,
      %swap3A_44 = vector.shape_cast %swap3A_43 : vector<1x16xf32> to vector<16xf32>
      %swap3A_45 = vector.shape_cast %broadcast_in_dim3A_21 : vector<16xf32> to vector<1x16xf32>
      tpu.vector_store %arg10[%swap3A_41, %swap3A_42], %swap3A_45 {strides = array<i32>} : memref<128x128xf32, #tpu.memory_space<vmem>>, vector<1x16xf32>,
      %swap3A_46 = arith.index_cast %scan3A_20 : i32 to index
      %swap3A_47 = arith.constant 80 : index
      %swap3A_48 = tpu.vector_load %arg10[%swap3A_46, %swap3A_47] {strides = array<i32>} : memref<128x128xf32, #tpu.memory_space<vmem>>, vector<1x16xf32>,
      %swap3A_49 = vector.shape_cast %swap3A_48 : vector<1x16xf32> to vector<16xf32>
      %swap3A_50 = vector.shape_cast %broadcast_in_dim3A_21 : vector<16xf32> to vector<1x16xf32>
      tpu.vector_store %arg10[%swap3A_46, %swap3A_47], %swap3A_50 {strides = array<i32>} : memref<128x128xf32, #tpu.memory_space<vmem>>, vector<1x16xf32>,
      %swap3A_51 = arith.index_cast %scan3A_20 : i32 to index
      %swap3A_52 = arith.constant 96 : index
      %swap3A_53 = tpu.vector_load %arg10[%swap3A_51, %swap3A_52] {strides = array<i32>} : memref<128x128xf32, #tpu.memory_space<vmem>>, vector<1x16xf32>,
      %swap3A_54 = vector.shape_cast %swap3A_53 : vector<1x16xf32> to vector<16xf32>
      %swap3A_55 = vector.shape_cast %broadcast_in_dim3A_21 : vector<16xf32> to vector<1x16xf32>
      tpu.vector_store %arg10[%swap3A_51, %swap3A_52], %swap3A_55 {strides = array<i32>} : memref<128x128xf32, #tpu.memory_space<vmem>>, vector<1x16xf32>,
      %swap3A_56 = arith.index_cast %scan3A_20 : i32 to index
      %swap3A_57 = arith.constant 112 : index
      %swap3A_58 = tpu.vector_load %arg10[%swap3A_56, %swap3A_57] {strides = array<i32>} : memref<128x128xf32, #tpu.memory_space<vmem>>, vector<1x16xf32>,
      %swap3A_59 = vector.shape_cast %swap3A_58 : vector<1x16xf32> to vector<16xf32>
      %swap3A_60 = vector.shape_cast %broadcast_in_dim3A_21 : vector<16xf32> to vector<1x16xf32>
      tpu.vector_store %arg10[%swap3A_56, %swap3A_57], %swap3A_60 {strides = array<i32>} : memref<128x128xf32, #tpu.memory_space<vmem>>, vector<1x16xf32>,
    }
    %scan3A_5 = arith.constant 128 : i32
    %lt3A = arith.constant 10 : i32
    %lt3A_6 = arith.cmpi slt, %arg1, %lt3A : i32
    %convert_element_type3A = arith.extui %lt3A_6 : i1 to i32
    %cond3A = arith.constant 0 : i32
    %cond3A_7 = arith.cmpi ne, %convert_element_type3A, %cond3A : i32
    scf.if %cond3A_7 {
      %mul3A_20 = arith.constant 1000 : i32
      %mul3A_21 = arith.muli %arg1, %mul3A_20 : i32
      %add3A_22 = arith.constant 0 : i32
      %add3A_23 = arith.addi %mul3A_21, %add3A_22 : i32
      "tpu.region"() ({
        %run_scoped3A = tpu.sem_alloc : memref<!tpu.dma_semaphore, #tpu.memory_space<semaphore_mem>>
        %dma_start3A = arith.constant 0 : i32
        %dma_start3A_52 = tpu.memref_slice %arg12[%add3A_23, %dma_start3A] : memref<10000x128xf32, #tpu.memory_space<vmem_shared>> -> memref<128x128xf32, #tpu.memory_space<vmem_shared>>
        %dma_start3A_53 = arith.constant 0 : i32
        %dma_start3A_54 = tpu.memref_slice %arg12[%add3A_23, %dma_start3A_53] : memref<10000x128xf32, #tpu.memory_space<vmem_shared>> -> memref<128x128xf32, #tpu.memory_space<vmem_shared>>
        tpu.enqueue_dma source(%arg10 : memref<128x128xf32, #tpu.memory_space<vmem>>) target(%dma_start3A_54 : memref<128x128xf32, #tpu.memory_space<vmem_shared>>) target_semaphore(%run_scoped3A : memref<!tpu.dma_semaphore, #tpu.memory_space<semaphore_mem>>)
        %dma_wait3A = arith.constant 0 : i32
        %dma_wait3A_55 = tpu.memref_slice %arg12[%add3A_23, %dma_wait3A] : memref<10000x128xf32, #tpu.memory_space<vmem_shared>> -> memref<128x128xf32, #tpu.memory_space<vmem_shared>>
        %dma_wait3A_56 = arith.constant 0 : i32
        %dma_wait3A_57 = tpu.memref_slice %arg12[%add3A_23, %dma_wait3A_56] : memref<10000x128xf32, #tpu.memory_space<vmem_shared>> -> memref<128x128xf32, #tpu.memory_space<vmem_shared>>
        tpu.wait_dma2 semaphore(%run_scoped3A : memref<!tpu.dma_semaphore, #tpu.memory_space<semaphore_mem>>) src(%arg10 : memref<128x128xf32, #tpu.memory_space<vmem>>) dst(%dma_wait3A_57 : memref<128x128xf32, #tpu.memory_space<vmem_shared>>)
        tpu.yield
      }) : () -> ()
      %mul3A_24 = arith.constant 1000 : i32
      %mul3A_25 = arith.muli %arg1, %mul3A_24 : i32
      %add3A_26 = arith.constant 128 : i32
      %add3A_27 = arith.addi %mul3A_25, %add3A_26 : i32
      "tpu.region"() ({
        %run_scoped3A = tpu.sem_alloc : memref<!tpu.dma_semaphore, #tpu.memory_space<semaphore_mem>>
        %dma_start3A = arith.constant 0 : i32
        %dma_start3A_52 = tpu.memref_slice %arg12[%add3A_27, %dma_start3A] : memref<10000x128xf32, #tpu.memory_space<vmem_shared>> -> memref<128x128xf32, #tpu.memory_space<vmem_shared>>
        %dma_start3A_53 = arith.constant 0 : i32
        %dma_start3A_54 = tpu.memref_slice %arg12[%add3A_27, %dma_start3A_53] : memref<10000x128xf32, #tpu.memory_space<vmem_shared>> -> memref<128x128xf32, #tpu.memory_space<vmem_shared>>
        tpu.enqueue_dma source(%arg10 : memref<128x128xf32, #tpu.memory_space<vmem>>) target(%dma_start3A_54 : memref<128x128xf32, #tpu.memory_space<vmem_shared>>) target_semaphore(%run_scoped3A : memref<!tpu.dma_semaphore, #tpu.memory_space<semaphore_mem>>)
        %dma_wait3A = arith.constant 0 : i32
        %dma_wait3A_55 = tpu.memref_slice %arg12[%add3A_27, %dma_wait3A] : memref<10000x128xf32, #tpu.memory_space<vmem_shared>> -> memref<128x128xf32, #tpu.memory_space<vmem_shared>>
        %dma_wait3A_56 = arith.constant 0 : i32
        %dma_wait3A_57 = tpu.memref_slice %arg12[%add3A_27, %dma_wait3A_56] : memref<10000x128xf32, #tpu.memory_space<vmem_shared>> -> memref<128x128xf32, #tpu.memory_space<vmem_shared>>
        tpu.wait_dma2 semaphore(%run_scoped3A : memref<!tpu.dma_semaphore, #tpu.memory_space<semaphore_mem>>) src(%arg10 : memref<128x128xf32, #tpu.memory_space<vmem>>) dst(%dma_wait3A_57 : memref<128x128xf32, #tpu.memory_space<vmem_shared>>)
        tpu.yield
      }) : () -> ()
      %mul3A_28 = arith.constant 1000 : i32
      %mul3A_29 = arith.muli %arg1, %mul3A_28 : i32
      %add3A_30 = arith.constant 256 : i32
      %add3A_31 = arith.addi %mul3A_29, %add3A_30 : i32
      "tpu.region"() ({
        %run_scoped3A = tpu.sem_alloc : memref<!tpu.dma_semaphore, #tpu.memory_space<semaphore_mem>>
        %dma_start3A = arith.constant 0 : i32
        %dma_start3A_52 = tpu.memref_slice %arg12[%add3A_31, %dma_start3A] : memref<10000x128xf32, #tpu.memory_space<vmem_shared>> -> memref<128x128xf32, #tpu.memory_space<vmem_shared>>
        %dma_start3A_53 = arith.constant 0 : i32
        %dma_start3A_54 = tpu.memref_slice %arg12[%add3A_31, %dma_start3A_53] : memref<10000x128xf32, #tpu.memory_space<vmem_shared>> -> memref<128x128xf32, #tpu.memory_space<vmem_shared>>
        tpu.enqueue_dma source(%arg10 : memref<128x128xf32, #tpu.memory_space<vmem>>) target(%dma_start3A_54 : memref<128x128xf32, #tpu.memory_space<vmem_shared>>) target_semaphore(%run_scoped3A : memref<!tpu.dma_semaphore, #tpu.memory_space<semaphore_mem>>)
        %dma_wait3A = arith.constant 0 : i32
        %dma_wait3A_55 = tpu.memref_slice %arg12[%add3A_31, %dma_wait3A] : memref<10000x128xf32, #tpu.memory_space<vmem_shared>> -> memref<128x128xf32, #tpu.memory_space<vmem_shared>>
        %dma_wait3A_56 = arith.constant 0 : i32
        %dma_wait3A_57 = tpu.memref_slice %arg12[%add3A_31, %dma_wait3A_56] : memref<10000x128xf32, #tpu.memory_space<vmem_shared>> -> memref<128x128xf32, #tpu.memory_space<vmem_shared>>
        tpu.wait_dma2 semaphore(%run_scoped3A : memref<!tpu.dma_semaphore, #tpu.memory_space<semaphore_mem>>) src(%arg10 : memref<128x128xf32, #tpu.memory_space<vmem>>) dst(%dma_wait3A_57 : memref<128x128xf32, #tpu.memory_space<vmem_shared>>)
        tpu.yield
      }) : () -> ()
      %mul3A_32 = arith.constant 1000 : i32
      %mul3A_33 = arith.muli %arg1, %mul3A_32 : i32
      %add3A_34 = arith.constant 384 : i32
      %add3A_35 = arith.addi %mul3A_33, %add3A_34 : i32
      "tpu.region"() ({
        %run_scoped3A = tpu.sem_alloc : memref<!tpu.dma_semaphore, #tpu.memory_space<semaphore_mem>>
        %dma_start3A = arith.constant 0 : i32
        %dma_start3A_52 = tpu.memref_slice %arg12[%add3A_35, %dma_start3A] : memref<10000x128xf32, #tpu.memory_space<vmem_shared>> -> memref<128x128xf32, #tpu.memory_space<vmem_shared>>
        %dma_start3A_53 = arith.constant 0 : i32
        %dma_start3A_54 = tpu.memref_slice %arg12[%add3A_35, %dma_start3A_53] : memref<10000x128xf32, #tpu.memory_space<vmem_shared>> -> memref<128x128xf32, #tpu.memory_space<vmem_shared>>
        tpu.enqueue_dma source(%arg10 : memref<128x128xf32, #tpu.memory_space<vmem>>) target(%dma_start3A_54 : memref<128x128xf32, #tpu.memory_space<vmem_shared>>) target_semaphore(%run_scoped3A : memref<!tpu.dma_semaphore, #tpu.memory_space<semaphore_mem>>)
        %dma_wait3A = arith.constant 0 : i32
        %dma_wait3A_55 = tpu.memref_slice %arg12[%add3A_35, %dma_wait3A] : memref<10000x128xf32, #tpu.memory_space<vmem_shared>> -> memref<128x128xf32, #tpu.memory_space<vmem_shared>>
        %dma_wait3A_56 = arith.constant 0 : i32
        %dma_wait3A_57 = tpu.memref_slice %arg12[%add3A_35, %dma_wait3A_56] : memref<10000x128xf32, #tpu.memory_space<vmem_shared>> -> memref<128x128xf32, #tpu.memory_space<vmem_shared>>
        tpu.wait_dma2 semaphore(%run_scoped3A : memref<!tpu.dma_semaphore, #tpu.memory_space<semaphore_mem>>) src(%arg10 : memref<128x128xf32, #tpu.memory_space<vmem>>) dst(%dma_wait3A_57 : memref<128x128xf32, #tpu.memory_space<vmem_shared>>)
        tpu.yield
      }) : () -> ()
      %mul3A_36 = arith.constant 1000 : i32
      %mul3A_37 = arith.muli %arg1, %mul3A_36 : i32
      %add3A_38 = arith.constant 512 : i32
      %add3A_39 = arith.addi %mul3A_37, %add3A_38 : i32
      "tpu.region"() ({
        %run_scoped3A = tpu.sem_alloc : memref<!tpu.dma_semaphore, #tpu.memory_space<semaphore_mem>>
        %dma_start3A = arith.constant 0 : i32
        %dma_start3A_52 = tpu.memref_slice %arg12[%add3A_39, %dma_start3A] : memref<10000x128xf32, #tpu.memory_space<vmem_shared>> -> memref<128x128xf32, #tpu.memory_space<vmem_shared>>
        %dma_start3A_53 = arith.constant 0 : i32
        %dma_start3A_54 = tpu.memref_slice %arg12[%add3A_39, %dma_start3A_53] : memref<10000x128xf32, #tpu.memory_space<vmem_shared>> -> memref<128x128xf32, #tpu.memory_space<vmem_shared>>
        tpu.enqueue_dma source(%arg10 : memref<128x128xf32, #tpu.memory_space<vmem>>) target(%dma_start3A_54 : memref<128x128xf32, #tpu.memory_space<vmem_shared>>) target_semaphore(%run_scoped3A : memref<!tpu.dma_semaphore, #tpu.memory_space<semaphore_mem>>)
        %dma_wait3A = arith.constant 0 : i32
        %dma_wait3A_55 = tpu.memref_slice %arg12[%add3A_39, %dma_wait3A] : memref<10000x128xf32, #tpu.memory_space<vmem_shared>> -> memref<128x128xf32, #tpu.memory_space<vmem_shared>>
        %dma_wait3A_56 = arith.constant 0 : i32
        %dma_wait3A_57 = tpu.memref_slice %arg12[%add3A_39, %dma_wait3A_56] : memref<10000x128xf32, #tpu.memory_space<vmem_shared>> -> memref<128x128xf32, #tpu.memory_space<vmem_shared>>
        tpu.wait_dma2 semaphore(%run_scoped3A : memref<!tpu.dma_semaphore, #tpu.memory_space<semaphore_mem>>) src(%arg10 : memref<128x128xf32, #tpu.memory_space<vmem>>) dst(%dma_wait3A_57 : memref<128x128xf32, #tpu.memory_space<vmem_shared>>)
        tpu.yield
      }) : () -> ()
      %mul3A_40 = arith.constant 1000 : i32
      %mul3A_41 = arith.muli %arg1, %mul3A_40 : i32
      %add3A_42 = arith.constant 640 : i32
      %add3A_43 = arith.addi %mul3A_41, %add3A_42 : i32
      "tpu.region"() ({
        %run_scoped3A = tpu.sem_alloc : memref<!tpu.dma_semaphore, #tpu.memory_space<semaphore_mem>>
        %dma_start3A = arith.constant 0 : i32
        %dma_start3A_52 = tpu.memref_slice %arg12[%add3A_43, %dma_start3A] : memref<10000x128xf32, #tpu.memory_space<vmem_shared>> -> memref<128x128xf32, #tpu.memory_space<vmem_shared>>
        %dma_start3A_53 = arith.constant 0 : i32
        %dma_start3A_54 = tpu.memref_slice %arg12[%add3A_43, %dma_start3A_53] : memref<10000x128xf32, #tpu.memory_space<vmem_shared>> -> memref<128x128xf32, #tpu.memory_space<vmem_shared>>
        tpu.enqueue_dma source(%arg10 : memref<128x128xf32, #tpu.memory_space<vmem>>) target(%dma_start3A_54 : memref<128x128xf32, #tpu.memory_space<vmem_shared>>) target_semaphore(%run_scoped3A : memref<!tpu.dma_semaphore, #tpu.memory_space<semaphore_mem>>)
        %dma_wait3A = arith.constant 0 : i32
        %dma_wait3A_55 = tpu.memref_slice %arg12[%add3A_43, %dma_wait3A] : memref<10000x128xf32, #tpu.memory_space<vmem_shared>> -> memref<128x128xf32, #tpu.memory_space<vmem_shared>>
        %dma_wait3A_56 = arith.constant 0 : i32
        %dma_wait3A_57 = tpu.memref_slice %arg12[%add3A_43, %dma_wait3A_56] : memref<10000x128xf32, #tpu.memory_space<vmem_shared>> -> memref<128x128xf32, #tpu.memory_space<vmem_shared>>
        tpu.wait_dma2 semaphore(%run_scoped3A : memref<!tpu.dma_semaphore, #tpu.memory_space<semaphore_mem>>) src(%arg10 : memref<128x128xf32, #tpu.memory_space<vmem>>) dst(%dma_wait3A_57 : memref<128x128xf32, #tpu.memory_space<vmem_shared>>)
        tpu.yield
      }) : () -> ()
      %mul3A_44 = arith.constant 1000 : i32
      %mul3A_45 = arith.muli %arg1, %mul3A_44 : i32
      %add3A_46 = arith.constant 768 : i32
      %add3A_47 = arith.addi %mul3A_45, %add3A_46 : i32
      "tpu.region"() ({
        %run_scoped3A = tpu.sem_alloc : memref<!tpu.dma_semaphore, #tpu.memory_space<semaphore_mem>>
        %dma_start3A = arith.constant 0 : i32
        %dma_start3A_52 = tpu.memref_slice %arg12[%add3A_47, %dma_start3A] : memref<10000x128xf32, #tpu.memory_space<vmem_shared>> -> memref<128x128xf32, #tpu.memory_space<vmem_shared>>
        %dma_start3A_53 = arith.constant 0 : i32
        %dma_start3A_54 = tpu.memref_slice %arg12[%add3A_47, %dma_start3A_53] : memref<10000x128xf32, #tpu.memory_space<vmem_shared>> -> memref<128x128xf32, #tpu.memory_space<vmem_shared>>
        tpu.enqueue_dma source(%arg10 : memref<128x128xf32, #tpu.memory_space<vmem>>) target(%dma_start3A_54 : memref<128x128xf32, #tpu.memory_space<vmem_shared>>) target_semaphore(%run_scoped3A : memref<!tpu.dma_semaphore, #tpu.memory_space<semaphore_mem>>)
        %dma_wait3A = arith.constant 0 : i32
        %dma_wait3A_55 = tpu.memref_slice %arg12[%add3A_47, %dma_wait3A] : memref<10000x128xf32, #tpu.memory_space<vmem_shared>> -> memref<128x128xf32, #tpu.memory_space<vmem_shared>>
        %dma_wait3A_56 = arith.constant 0 : i32
        %dma_wait3A_57 = tpu.memref_slice %arg12[%add3A_47, %dma_wait3A_56] : memref<10000x128xf32, #tpu.memory_space<vmem_shared>> -> memref<128x128xf32, #tpu.memory_space<vmem_shared>>
        tpu.wait_dma2 semaphore(%run_scoped3A : memref<!tpu.dma_semaphore, #tpu.memory_space<semaphore_mem>>) src(%arg10 : memref<128x128xf32, #tpu.memory_space<vmem>>) dst(%dma_wait3A_57 : memref<128x128xf32, #tpu.memory_space<vmem_shared>>)
        tpu.yield
      }) : () -> ()
      %mul3A_48 = arith.constant 1000 : i32
      %mul3A_49 = arith.muli %arg1, %mul3A_48 : i32
      %add3A_50 = arith.constant 896 : i32
      %add3A_51 = arith.addi %mul3A_49, %add3A_50 : i32
      "tpu.region"() ({
        %run_scoped3A = tpu.sem_alloc : memref<!tpu.dma_semaphore, #tpu.memory_space<semaphore_mem>>
        %dma_start3A = arith.constant 0 : i32
        %dma_start3A_52 = arith.constant 0 : i32
        %dma_start3A_53 = tpu.memref_slice %arg10[%dma_start3A, %dma_start3A_52] : memref<128x128xf32, #tpu.memory_space<vmem>> -> memref<104x128xf32, #tpu.memory_space<vmem>>
        %dma_start3A_54 = arith.constant 0 : i32
        %dma_start3A_55 = tpu.memref_slice %arg12[%add3A_51, %dma_start3A_54] : memref<10000x128xf32, #tpu.memory_space<vmem_shared>> -> memref<104x128xf32, #tpu.memory_space<vmem_shared>>
        %dma_start3A_56 = arith.constant 0 : i32
        %dma_start3A_57 = tpu.memref_slice %arg12[%add3A_51, %dma_start3A_56] : memref<10000x128xf32, #tpu.memory_space<vmem_shared>> -> memref<104x128xf32, #tpu.memory_space<vmem_shared>>
        %dma_start3A_58 = arith.constant 0 : i32
        %dma_start3A_59 = arith.constant 0 : i32
        %dma_start3A_60 = tpu.memref_slice %arg10[%dma_start3A_58, %dma_start3A_59] : memref<128x128xf32, #tpu.memory_space<vmem>> -> memref<104x128xf32, #tpu.memory_space<vmem>>
        tpu.enqueue_dma source(%dma_start3A_60 : memref<104x128xf32, #tpu.memory_space<vmem>>) target(%dma_start3A_57 : memref<104x128xf32, #tpu.memory_space<vmem_shared>>) target_semaphore(%run_scoped3A : memref<!tpu.dma_semaphore, #tpu.memory_space<semaphore_mem>>)
        %dma_wait3A = arith.constant 0 : i32
        %dma_wait3A_61 = arith.constant 0 : i32
        %dma_wait3A_62 = tpu.memref_slice %arg10[%dma_wait3A, %dma_wait3A_61] : memref<128x128xf32, #tpu.memory_space<vmem>> -> memref<104x128xf32, #tpu.memory_space<vmem>>
        %dma_wait3A_63 = arith.constant 0 : i32
        %dma_wait3A_64 = tpu.memref_slice %arg12[%add3A_51, %dma_wait3A_63] : memref<10000x128xf32, #tpu.memory_space<vmem_shared>> -> memref<104x128xf32, #tpu.memory_space<vmem_shared>>
        %dma_wait3A_65 = arith.constant 0 : i32
        %dma_wait3A_66 = tpu.memref_slice %arg12[%add3A_51, %dma_wait3A_65] : memref<10000x128xf32, #tpu.memory_space<vmem_shared>> -> memref<104x128xf32, #tpu.memory_space<vmem_shared>>
        %dma_wait3A_67 = arith.constant 0 : i32
        %dma_wait3A_68 = arith.constant 0 : i32
        %dma_wait3A_69 = tpu.memref_slice %arg10[%dma_wait3A_67, %dma_wait3A_68] : memref<128x128xf32, #tpu.memory_space<vmem>> -> memref<104x128xf32, #tpu.memory_space<vmem>>
        tpu.wait_dma2 semaphore(%run_scoped3A : memref<!tpu.dma_semaphore, #tpu.memory_space<semaphore_mem>>) src(%dma_wait3A_69 : memref<104x128xf32, #tpu.memory_space<vmem>>) dst(%dma_wait3A_66 : memref<104x128xf32, #tpu.memory_space<vmem_shared>>)
        tpu.yield
      }) : () -> ()
    } else {
    }
    %barrier3A = arith.constant 0 : index
    tpu.barrier barrier_id(%barrier3A)
    %scan3A_8 = arith.constant 0 : i32
    %scan3A_9 = arith.constant 0 : i32
    %scan3A_10 = arith.constant 5 : i32
    %scan3A_11 = arith.addi %scan3A_9, %scan3A_10 : i32
    %scan3A_12 = arith.constant 1 : i32
    scf.for %scan3A_20 = %scan3A_9 to %scan3A_11 step %scan3A_12  : i32 {
      "tpu.trace_start"() <{level = 10 : i32, message = "stage"}> : () -> ()
      %mul3A_21 = arith.constant 16 : i32
      %mul3A_22 = arith.muli %scan3A_20, %mul3A_21 : i32
      %dma_start3A = arith.constant 0 : i32
      %dma_start3A_23 = arith.constant 0 : i32
      %dma_start3A_24 = tpu.memref_slice %arg3[%add3A, %dma_start3A, %dma_start3A_23] : memref<32x80x128xi32, #tpu.memory_space<hbm>> -> memref<1x80x128xi32, #tpu.memory_space<hbm>>
      %dma_start3A_25 = tpu.memref_squeeze %dma_start3A_24 : memref<1x80x128xi32, #tpu.memory_space<hbm>> -> memref<80x128xi32, #tpu.memory_space<hbm>>
      %dma_start3A_26 = arith.constant 0 : i32
      %dma_start3A_27 = tpu.memref_slice %dma_start3A_25[%mul3A_22, %dma_start3A_26] : memref<80x128xi32, #tpu.memory_space<hbm>> -> memref<16x128xi32, #tpu.memory_space<hbm>>
      %dma_start3A_28 = arith.constant 0 : i32
      %dma_start3A_29 = arith.constant 0 : i32
      %dma_start3A_30 = tpu.memref_slice %arg3[%add3A, %dma_start3A_28, %dma_start3A_29] : memref<32x80x128xi32, #tpu.memory_space<hbm>> -> memref<1x80x128xi32, #tpu.memory_space<hbm>>
      %dma_start3A_31 = tpu.memref_squeeze %dma_start3A_30 : memref<1x80x128xi32, #tpu.memory_space<hbm>> -> memref<80x128xi32, #tpu.memory_space<hbm>>
      %dma_start3A_32 = arith.constant 0 : i32
      %dma_start3A_33 = tpu.memref_slice %dma_start3A_31[%mul3A_22, %dma_start3A_32] : memref<80x128xi32, #tpu.memory_space<hbm>> -> memref<16x128xi32, #tpu.memory_space<hbm>>
      tpu.enqueue_dma source(%dma_start3A_33 : memref<16x128xi32, #tpu.memory_space<hbm>>) target(%arg7 : memref<16x128xi32, #tpu.memory_space<vmem>>) target_semaphore(%arg17 : memref<!tpu.dma_semaphore, #tpu.memory_space<semaphore_mem>>)
      %dma_start3A_34 = arith.constant 0 : i32
      %dma_start3A_35 = arith.constant 0 : i32
      %dma_start3A_36 = tpu.memref_slice %arg4[%add3A, %dma_start3A_34, %dma_start3A_35] : memref<32x80x128xi32, #tpu.memory_space<hbm>> -> memref<1x80x128xi32, #tpu.memory_space<hbm>>
      %dma_start3A_37 = tpu.memref_squeeze %dma_start3A_36 : memref<1x80x128xi32, #tpu.memory_space<hbm>> -> memref<80x128xi32, #tpu.memory_space<hbm>>
      %dma_start3A_38 = arith.constant 0 : i32
      %dma_start3A_39 = tpu.memref_slice %dma_start3A_37[%mul3A_22, %dma_start3A_38] : memref<80x128xi32, #tpu.memory_space<hbm>> -> memref<16x128xi32, #tpu.memory_space<hbm>>
      %dma_start3A_40 = arith.constant 0 : i32
      %dma_start3A_41 = arith.constant 0 : i32
      %dma_start3A_42 = tpu.memref_slice %arg4[%add3A, %dma_start3A_40, %dma_start3A_41] : memref<32x80x128xi32, #tpu.memory_space<hbm>> -> memref<1x80x128xi32, #tpu.memory_space<hbm>>
      %dma_start3A_43 = tpu.memref_squeeze %dma_start3A_42 : memref<1x80x128xi32, #tpu.memory_space<hbm>> -> memref<80x128xi32, #tpu.memory_space<hbm>>
      %dma_start3A_44 = arith.constant 0 : i32
      %dma_start3A_45 = tpu.memref_slice %dma_start3A_43[%mul3A_22, %dma_start3A_44] : memref<80x128xi32, #tpu.memory_space<hbm>> -> memref<16x128xi32, #tpu.memory_space<hbm>>
      tpu.enqueue_dma source(%dma_start3A_45 : memref<16x128xi32, #tpu.memory_space<hbm>>) target(%arg8 : memref<16x128xi32, #tpu.memory_space<vmem>>) target_semaphore(%arg17 : memref<!tpu.dma_semaphore, #tpu.memory_space<semaphore_mem>>)
      %dma_start3A_46 = arith.constant 0 : i32
      %dma_start3A_47 = arith.constant 0 : i32
      %dma_start3A_48 = tpu.memref_slice %arg5[%add3A, %dma_start3A_46, %dma_start3A_47] : memref<32x80x128xf32, #tpu.memory_space<hbm>> -> memref<1x80x128xf32, #tpu.memory_space<hbm>>
      %dma_start3A_49 = tpu.memref_squeeze %dma_start3A_48 : memref<1x80x128xf32, #tpu.memory_space<hbm>> -> memref<80x128xf32, #tpu.memory_space<hbm>>
      %dma_start3A_50 = arith.constant 0 : i32
      %dma_start3A_51 = tpu.memref_slice %dma_start3A_49[%mul3A_22, %dma_start3A_50] : memref<80x128xf32, #tpu.memory_space<hbm>> -> memref<16x128xf32, #tpu.memory_space<hbm>>
      %dma_start3A_52 = arith.constant 0 : i32
      %dma_start3A_53 = arith.constant 0 : i32
      %dma_start3A_54 = tpu.memref_slice %arg5[%add3A, %dma_start3A_52, %dma_start3A_53] : memref<32x80x128xf32, #tpu.memory_space<hbm>> -> memref<1x80x128xf32, #tpu.memory_space<hbm>>
      %dma_start3A_55 = tpu.memref_squeeze %dma_start3A_54 : memref<1x80x128xf32, #tpu.memory_space<hbm>> -> memref<80x128xf32, #tpu.memory_space<hbm>>
      %dma_start3A_56 = arith.constant 0 : i32
      %dma_start3A_57 = tpu.memref_slice %dma_start3A_55[%mul3A_22, %dma_start3A_56] : memref<80x128xf32, #tpu.memory_space<hbm>> -> memref<16x128xf32, #tpu.memory_space<hbm>>
      tpu.enqueue_dma source(%dma_start3A_57 : memref<16x128xf32, #tpu.memory_space<hbm>>) target(%arg9 : memref<16x128xf32, #tpu.memory_space<vmem>>) target_semaphore(%arg17 : memref<!tpu.dma_semaphore, #tpu.memory_space<semaphore_mem>>)
      %dma_wait3A = arith.constant 0 : i32
      %dma_wait3A_58 = arith.constant 0 : i32
      %dma_wait3A_59 = tpu.memref_slice %arg3[%add3A, %dma_wait3A, %dma_wait3A_58] : memref<32x80x128xi32, #tpu.memory_space<hbm>> -> memref<1x80x128xi32, #tpu.memory_space<hbm>>
      %dma_wait3A_60 = tpu.memref_squeeze %dma_wait3A_59 : memref<1x80x128xi32, #tpu.memory_space<hbm>> -> memref<80x128xi32, #tpu.memory_space<hbm>>
      %dma_wait3A_61 = arith.constant 0 : i32
      %dma_wait3A_62 = tpu.memref_slice %dma_wait3A_60[%mul3A_22, %dma_wait3A_61] : memref<80x128xi32, #tpu.memory_space<hbm>> -> memref<16x128xi32, #tpu.memory_space<hbm>>
      %dma_wait3A_63 = arith.constant 0 : i32
      %dma_wait3A_64 = arith.constant 0 : i32
      %dma_wait3A_65 = tpu.memref_slice %arg3[%add3A, %dma_wait3A_63, %dma_wait3A_64] : memref<32x80x128xi32, #tpu.memory_space<hbm>> -> memref<1x80x128xi32, #tpu.memory_space<hbm>>
      %dma_wait3A_66 = tpu.memref_squeeze %dma_wait3A_65 : memref<1x80x128xi32, #tpu.memory_space<hbm>> -> memref<80x128xi32, #tpu.memory_space<hbm>>
      %dma_wait3A_67 = arith.constant 0 : i32
      %dma_wait3A_68 = tpu.memref_slice %dma_wait3A_66[%mul3A_22, %dma_wait3A_67] : memref<80x128xi32, #tpu.memory_space<hbm>> -> memref<16x128xi32, #tpu.memory_space<hbm>>
      tpu.wait_dma2 semaphore(%arg17 : memref<!tpu.dma_semaphore, #tpu.memory_space<semaphore_mem>>) src(%dma_wait3A_68 : memref<16x128xi32, #tpu.memory_space<hbm>>) dst(%arg7 : memref<16x128xi32, #tpu.memory_space<vmem>>)
      %dma_wait3A_69 = arith.constant 0 : i32
      %dma_wait3A_70 = arith.constant 0 : i32
      %dma_wait3A_71 = tpu.memref_slice %arg4[%add3A, %dma_wait3A_69, %dma_wait3A_70] : memref<32x80x128xi32, #tpu.memory_space<hbm>> -> memref<1x80x128xi32, #tpu.memory_space<hbm>>
      %dma_wait3A_72 = tpu.memref_squeeze %dma_wait3A_71 : memref<1x80x128xi32, #tpu.memory_space<hbm>> -> memref<80x128xi32, #tpu.memory_space<hbm>>
      %dma_wait3A_73 = arith.constant 0 : i32
      %dma_wait3A_74 = tpu.memref_slice %dma_wait3A_72[%mul3A_22, %dma_wait3A_73] : memref<80x128xi32, #tpu.memory_space<hbm>> -> memref<16x128xi32, #tpu.memory_space<hbm>>
      %dma_wait3A_75 = arith.constant 0 : i32
      %dma_wait3A_76 = arith.constant 0 : i32
      %dma_wait3A_77 = tpu.memref_slice %arg4[%add3A, %dma_wait3A_75, %dma_wait3A_76] : memref<32x80x128xi32, #tpu.memory_space<hbm>> -> memref<1x80x128xi32, #tpu.memory_space<hbm>>
      %dma_wait3A_78 = tpu.memref_squeeze %dma_wait3A_77 : memref<1x80x128xi32, #tpu.memory_space<hbm>> -> memref<80x128xi32, #tpu.memory_space<hbm>>
      %dma_wait3A_79 = arith.constant 0 : i32
      %dma_wait3A_80 = tpu.memref_slice %dma_wait3A_78[%mul3A_22, %dma_wait3A_79] : memref<80x128xi32, #tpu.memory_space<hbm>> -> memref<16x128xi32, #tpu.memory_space<hbm>>
      tpu.wait_dma2 semaphore(%arg17 : memref<!tpu.dma_semaphore, #tpu.memory_space<semaphore_mem>>) src(%dma_wait3A_80 : memref<16x128xi32, #tpu.memory_space<hbm>>) dst(%arg8 : memref<16x128xi32, #tpu.memory_space<vmem>>)
      %dma_wait3A_81 = arith.constant 0 : i32
      %dma_wait3A_82 = arith.constant 0 : i32
      %dma_wait3A_83 = tpu.memref_slice %arg5[%add3A, %dma_wait3A_81, %dma_wait3A_82] : memref<32x80x128xf32, #tpu.memory_space<hbm>> -> memref<1x80x128xf32, #tpu.memory_space<hbm>>
      %dma_wait3A_84 = tpu.memref_squeeze %dma_wait3A_83 : memref<1x80x128xf32, #tpu.memory_space<hbm>> -> memref<80x128xf32, #tpu.memory_space<hbm>>
      %dma_wait3A_85 = arith.constant 0 : i32
      %dma_wait3A_86 = tpu.memref_slice %dma_wait3A_84[%mul3A_22, %dma_wait3A_85] : memref<80x128xf32, #tpu.memory_space<hbm>> -> memref<16x128xf32, #tpu.memory_space<hbm>>
      %dma_wait3A_87 = arith.constant 0 : i32
      %dma_wait3A_88 = arith.constant 0 : i32
      %dma_wait3A_89 = tpu.memref_slice %arg5[%add3A, %dma_wait3A_87, %dma_wait3A_88] : memref<32x80x128xf32, #tpu.memory_space<hbm>> -> memref<1x80x128xf32, #tpu.memory_space<hbm>>
      %dma_wait3A_90 = tpu.memref_squeeze %dma_wait3A_89 : memref<1x80x128xf32, #tpu.memory_space<hbm>> -> memref<80x128xf32, #tpu.memory_space<hbm>>
      %dma_wait3A_91 = arith.constant 0 : i32
      %dma_wait3A_92 = tpu.memref_slice %dma_wait3A_90[%mul3A_22, %dma_wait3A_91] : memref<80x128xf32, #tpu.memory_space<hbm>> -> memref<16x128xf32, #tpu.memory_space<hbm>>
      tpu.wait_dma2 semaphore(%arg17 : memref<!tpu.dma_semaphore, #tpu.memory_space<semaphore_mem>>) src(%dma_wait3A_92 : memref<16x128xf32, #tpu.memory_space<hbm>>) dst(%arg9 : memref<16x128xf32, #tpu.memory_space<vmem>>)
      %dma_start3A_93 = arith.constant 0 : i32
      "tpu.trace_stop"() : () -> ()
      %dma_start3A_94 = arith.constant 0 : i32
      %dma_start3A_95 = tpu.memref_slice %arg7[%dma_start3A_93, %dma_start3A_94] : memref<16x128xi32, #tpu.memory_space<vmem>> -> memref<1x128xi32, #tpu.memory_space<vmem>>
      %dma_start3A_96 = tpu.memref_squeeze %dma_start3A_95 : memref<1x128xi32, #tpu.memory_space<vmem>> -> memref<128xi32, #tpu.memory_space<vmem>>
      %dma_start3A_97 = arith.constant 0 : i32
      %dma_start3A_98 = arith.constant 0 : i32
      %dma_start3A_99 = tpu.memref_slice %arg2[%dma_start3A_97, %dma_start3A_98] : memref<10000x128xf32, #tpu.memory_space<hbm>> -> memref<10000x128xf32, #tpu.memory_space<hbm>>
      tpu.enqueue_indirect_dma source(%dma_start3A_99 : memref<10000x128xf32, #tpu.memory_space<hbm>>) target(%arg10 : memref<128x128xf32, #tpu.memory_space<vmem>>) offsets(%dma_start3A_96 : memref<128xi32, #tpu.memory_space<vmem>>) semaphore(%arg13 : memref<!tpu.dma_semaphore, #tpu.memory_space<semaphore_mem>>)
      %dma_start3A_100 = arith.constant 1 : i32
      %dma_start3A_101 = arith.constant 0 : i32
      %dma_start3A_102 = tpu.memref_slice %arg7[%dma_start3A_100, %dma_start3A_101] : memref<16x128xi32, #tpu.memory_space<vmem>> -> memref<1x128xi32, #tpu.memory_space<vmem>>
      %dma_start3A_103 = tpu.memref_squeeze %dma_start3A_102 : memref<1x128xi32, #tpu.memory_space<vmem>> -> memref<128xi32, #tpu.memory_space<vmem>>
      %dma_start3A_104 = arith.constant 0 : i32
      %dma_start3A_105 = arith.constant 0 : i32
      %dma_start3A_106 = tpu.memref_slice %arg2[%dma_start3A_104, %dma_start3A_105] : memref<10000x128xf32, #tpu.memory_space<hbm>> -> memref<10000x128xf32, #tpu.memory_space<hbm>>
      tpu.enqueue_indirect_dma source(%dma_start3A_106 : memref<10000x128xf32, #tpu.memory_space<hbm>>) target(%arg11 : memref<128x128xf32, #tpu.memory_space<vmem>>) offsets(%dma_start3A_103 : memref<128xi32, #tpu.memory_space<vmem>>) semaphore(%arg14 : memref<!tpu.dma_semaphore, #tpu.memory_space<semaphore_mem>>)
      %scan3A_107 = arith.constant 0 : i32
      %scan3A_108 = arith.constant 0 : i32
      %scan3A_109 = arith.constant 8 : i32
      %scan3A_110 = arith.addi %scan3A_108, %scan3A_109 : i32
      %scan3A_111 = arith.constant 1 : i32
      scf.for %scan3A_127 = %scan3A_108 to %scan3A_110 step %scan3A_111  : i32 {
        %mul3A_128 = arith.constant 2 : i32
        %mul3A_129 = arith.muli %mul3A_128, %scan3A_127 : i32
        %mul3A_130 = arith.constant 2 : i32
        %mul3A_131 = arith.muli %mul3A_130, %scan3A_127 : i32
        %add3A_132 = arith.constant 1 : i32
        %add3A_133 = arith.addi %mul3A_131, %add3A_132 : i32
        "tpu.trace_start"() <{level = 10 : i32, message = "gwait"}> : () -> ()
        %dma_wait3A_134 = arith.constant 0 : i32
        %dma_wait3A_135 = tpu.memref_slice %arg7[%mul3A_129, %dma_wait3A_134] : memref<16x128xi32, #tpu.memory_space<vmem>> -> memref<1x128xi32, #tpu.memory_space<vmem>>
        %dma_wait3A_136 = tpu.memref_squeeze %dma_wait3A_135 : memref<1x128xi32, #tpu.memory_space<vmem>> -> memref<128xi32, #tpu.memory_space<vmem>>
        %dma_wait3A_137 = arith.constant 0 : i32
        %dma_wait3A_138 = arith.constant 0 : i32
        %dma_wait3A_139 = tpu.memref_slice %arg2[%dma_wait3A_137, %dma_wait3A_138] : memref<10000x128xf32, #tpu.memory_space<hbm>> -> memref<10000x128xf32, #tpu.memory_space<hbm>>
        tpu.wait_indirect_dma semaphore(%arg13 : memref<!tpu.dma_semaphore, #tpu.memory_space<semaphore_mem>>) src(%dma_wait3A_139 : memref<10000x128xf32, #tpu.memory_space<hbm>>) dst(%arg10 : memref<128x128xf32, #tpu.memory_space<vmem>>)
        %parallel_loop3A = arith.constant 0 : i32
        %parallel_loop3A_140 = arith.constant 8 : i32
        %parallel_loop3A_141 = arith.constant 1 : i32
        "tpu.trace_stop"() : () -> ()
        "tpu.trace_start"() <{level = 10 : i32, message = "scale"}> : () -> ()
        scf.for %parallel_loop3A_174 = %parallel_loop3A to %parallel_loop3A_140 step %parallel_loop3A_141  : i32 {
          %parallel_loop3A_175 = arith.constant 16 : i32
          %parallel_loop3A_176 = arith.muli %parallel_loop3A_174, %parallel_loop3A_175 : i32
          %parallel_loop3A_177 = arith.index_cast %mul3A_129 : i32 to index
          %parallel_loop3A_178 = arith.index_cast %parallel_loop3A_176 : i32 to index
          %parallel_loop3A_179 = tpu.vector_load %arg9[%parallel_loop3A_177, %parallel_loop3A_178] {strides = array<i32>} : memref<16x128xf32, #tpu.memory_space<vmem>>, vector<1x16xf32>,
          %parallel_loop3A_180 = vector.shape_cast %parallel_loop3A_179 : vector<1x16xf32> to vector<16xf32>
          %parallel_loop3A_181 = vector.extract_strided_slice %parallel_loop3A_180 {offsets = [0], sizes = [1], strides = [1]} : vector<16xf32> to vector<1xf32>
          %parallel_loop3A_182 = vector.extract %parallel_loop3A_181[0] : f32 from vector<1xf32>
          %parallel_loop3A_183 = arith.constant 16 : i32
          %parallel_loop3A_184 = arith.muli %parallel_loop3A_174, %parallel_loop3A_183 : i32
          %parallel_loop3A_185 = arith.constant 0 : i32
          %parallel_loop3A_186 = arith.addi %parallel_loop3A_184, %parallel_loop3A_185 : i32
          %parallel_loop3A_187 = arith.index_cast %parallel_loop3A_186 : i32 to index
          %parallel_loop3A_188 = arith.constant 0 : index
          %parallel_loop3A_189 = tpu.vector_load %arg10[%parallel_loop3A_187, %parallel_loop3A_188] {strides = array<i32>} : memref<128x128xf32, #tpu.memory_space<vmem>>, vector<1x16xf32>,
          %parallel_loop3A_190 = vector.shape_cast %parallel_loop3A_189 : vector<1x16xf32> to vector<16xf32>
          %parallel_loop3A_191 = vector.broadcast %parallel_loop3A_182 : f32 to vector<16xf32>
          %parallel_loop3A_192 = arith.mulf %parallel_loop3A_190, %parallel_loop3A_191 : vector<16xf32>
          %parallel_loop3A_193 = arith.index_cast %parallel_loop3A_186 : i32 to index
          %parallel_loop3A_194 = arith.constant 0 : index
          %parallel_loop3A_195 = tpu.vector_load %arg10[%parallel_loop3A_193, %parallel_loop3A_194] {strides = array<i32>} : memref<128x128xf32, #tpu.memory_space<vmem>>, vector<1x16xf32>,
          %parallel_loop3A_196 = vector.shape_cast %parallel_loop3A_195 : vector<1x16xf32> to vector<16xf32>
          %parallel_loop3A_197 = vector.shape_cast %parallel_loop3A_192 : vector<16xf32> to vector<1x16xf32>
          tpu.vector_store %arg10[%parallel_loop3A_193, %parallel_loop3A_194], %parallel_loop3A_197 {strides = array<i32>} : memref<128x128xf32, #tpu.memory_space<vmem>>, vector<1x16xf32>,
          %parallel_loop3A_198 = arith.index_cast %parallel_loop3A_186 : i32 to index
          %parallel_loop3A_199 = arith.constant 16 : index
          %parallel_loop3A_200 = tpu.vector_load %arg10[%parallel_loop3A_198, %parallel_loop3A_199] {strides = array<i32>} : memref<128x128xf32, #tpu.memory_space<vmem>>, vector<1x16xf32>,
          %parallel_loop3A_201 = vector.shape_cast %parallel_loop3A_200 : vector<1x16xf32> to vector<16xf32>
          %parallel_loop3A_202 = vector.broadcast %parallel_loop3A_182 : f32 to vector<16xf32>
          %parallel_loop3A_203 = arith.mulf %parallel_loop3A_201, %parallel_loop3A_202 : vector<16xf32>
          %parallel_loop3A_204 = arith.index_cast %parallel_loop3A_186 : i32 to index
          %parallel_loop3A_205 = arith.constant 16 : index
          %parallel_loop3A_206 = tpu.vector_load %arg10[%parallel_loop3A_204, %parallel_loop3A_205] {strides = array<i32>} : memref<128x128xf32, #tpu.memory_space<vmem>>, vector<1x16xf32>,
          %parallel_loop3A_207 = vector.shape_cast %parallel_loop3A_206 : vector<1x16xf32> to vector<16xf32>
          %parallel_loop3A_208 = vector.shape_cast %parallel_loop3A_203 : vector<16xf32> to vector<1x16xf32>
          tpu.vector_store %arg10[%parallel_loop3A_204, %parallel_loop3A_205], %parallel_loop3A_208 {strides = array<i32>} : memref<128x128xf32, #tpu.memory_space<vmem>>, vector<1x16xf32>,
          %parallel_loop3A_209 = arith.index_cast %parallel_loop3A_186 : i32 to index
          %parallel_loop3A_210 = arith.constant 32 : index
          %parallel_loop3A_211 = tpu.vector_load %arg10[%parallel_loop3A_209, %parallel_loop3A_210] {strides = array<i32>} : memref<128x128xf32, #tpu.memory_space<vmem>>, vector<1x16xf32>,
          %parallel_loop3A_212 = vector.shape_cast %parallel_loop3A_211 : vector<1x16xf32> to vector<16xf32>
          %parallel_loop3A_213 = vector.broadcast %parallel_loop3A_182 : f32 to vector<16xf32>
          %parallel_loop3A_214 = arith.mulf %parallel_loop3A_212, %parallel_loop3A_213 : vector<16xf32>
          %parallel_loop3A_215 = arith.index_cast %parallel_loop3A_186 : i32 to index
          %parallel_loop3A_216 = arith.constant 32 : index
          %parallel_loop3A_217 = tpu.vector_load %arg10[%parallel_loop3A_215, %parallel_loop3A_216] {strides = array<i32>} : memref<128x128xf32, #tpu.memory_space<vmem>>, vector<1x16xf32>,
          %parallel_loop3A_218 = vector.shape_cast %parallel_loop3A_217 : vector<1x16xf32> to vector<16xf32>
          %parallel_loop3A_219 = vector.shape_cast %parallel_loop3A_214 : vector<16xf32> to vector<1x16xf32>
          tpu.vector_store %arg10[%parallel_loop3A_215, %parallel_loop3A_216], %parallel_loop3A_219 {strides = array<i32>} : memref<128x128xf32, #tpu.memory_space<vmem>>, vector<1x16xf32>,
          %parallel_loop3A_220 = arith.index_cast %parallel_loop3A_186 : i32 to index
          %parallel_loop3A_221 = arith.constant 48 : index
          %parallel_loop3A_222 = tpu.vector_load %arg10[%parallel_loop3A_220, %parallel_loop3A_221] {strides = array<i32>} : memref<128x128xf32, #tpu.memory_space<vmem>>, vector<1x16xf32>,
          %parallel_loop3A_223 = vector.shape_cast %parallel_loop3A_222 : vector<1x16xf32> to vector<16xf32>
          %parallel_loop3A_224 = vector.broadcast %parallel_loop3A_182 : f32 to vector<16xf32>
          %parallel_loop3A_225 = arith.mulf %parallel_loop3A_223, %parallel_loop3A_224 : vector<16xf32>
          %parallel_loop3A_226 = arith.index_cast %parallel_loop3A_186 : i32 to index
          %parallel_loop3A_227 = arith.constant 48 : index
          %parallel_loop3A_228 = tpu.vector_load %arg10[%parallel_loop3A_226, %parallel_loop3A_227] {strides = array<i32>} : memref<128x128xf32, #tpu.memory_space<vmem>>, vector<1x16xf32>,
          %parallel_loop3A_229 = vector.shape_cast %parallel_loop3A_228 : vector<1x16xf32> to vector<16xf32>
          %parallel_loop3A_230 = vector.shape_cast %parallel_loop3A_225 : vector<16xf32> to vector<1x16xf32>
          tpu.vector_store %arg10[%parallel_loop3A_226, %parallel_loop3A_227], %parallel_loop3A_230 {strides = array<i32>} : memref<128x128xf32, #tpu.memory_space<vmem>>, vector<1x16xf32>,
          %parallel_loop3A_231 = arith.index_cast %parallel_loop3A_186 : i32 to index
          %parallel_loop3A_232 = arith.constant 64 : index
          %parallel_loop3A_233 = tpu.vector_load %arg10[%parallel_loop3A_231, %parallel_loop3A_232] {strides = array<i32>} : memref<128x128xf32, #tpu.memory_space<vmem>>, vector<1x16xf32>,
          %parallel_loop3A_234 = vector.shape_cast %parallel_loop3A_233 : vector<1x16xf32> to vector<16xf32>
          %parallel_loop3A_235 = vector.broadcast %parallel_loop3A_182 : f32 to vector<16xf32>
          %parallel_loop3A_236 = arith.mulf %parallel_loop3A_234, %parallel_loop3A_235 : vector<16xf32>
          %parallel_loop3A_237 = arith.index_cast %parallel_loop3A_186 : i32 to index
          %parallel_loop3A_238 = arith.constant 64 : index
          %parallel_loop3A_239 = tpu.vector_load %arg10[%parallel_loop3A_237, %parallel_loop3A_238] {strides = array<i32>} : memref<128x128xf32, #tpu.memory_space<vmem>>, vector<1x16xf32>,
          %parallel_loop3A_240 = vector.shape_cast %parallel_loop3A_239 : vector<1x16xf32> to vector<16xf32>
          %parallel_loop3A_241 = vector.shape_cast %parallel_loop3A_236 : vector<16xf32> to vector<1x16xf32>
          tpu.vector_store %arg10[%parallel_loop3A_237, %parallel_loop3A_238], %parallel_loop3A_241 {strides = array<i32>} : memref<128x128xf32, #tpu.memory_space<vmem>>, vector<1x16xf32>,
          %parallel_loop3A_242 = arith.index_cast %parallel_loop3A_186 : i32 to index
          %parallel_loop3A_243 = arith.constant 80 : index
          %parallel_loop3A_244 = tpu.vector_load %arg10[%parallel_loop3A_242, %parallel_loop3A_243] {strides = array<i32>} : memref<128x128xf32, #tpu.memory_space<vmem>>, vector<1x16xf32>,
          %parallel_loop3A_245 = vector.shape_cast %parallel_loop3A_244 : vector<1x16xf32> to vector<16xf32>
          %parallel_loop3A_246 = vector.broadcast %parallel_loop3A_182 : f32 to vector<16xf32>
          %parallel_loop3A_247 = arith.mulf %parallel_loop3A_245, %parallel_loop3A_246 : vector<16xf32>
          %parallel_loop3A_248 = arith.index_cast %parallel_loop3A_186 : i32 to index
          %parallel_loop3A_249 = arith.constant 80 : index
          %parallel_loop3A_250 = tpu.vector_load %arg10[%parallel_loop3A_248, %parallel_loop3A_249] {strides = array<i32>} : memref<128x128xf32, #tpu.memory_space<vmem>>, vector<1x16xf32>,
          %parallel_loop3A_251 = vector.shape_cast %parallel_loop3A_250 : vector<1x16xf32> to vector<16xf32>
          %parallel_loop3A_252 = vector.shape_cast %parallel_loop3A_247 : vector<16xf32> to vector<1x16xf32>
          tpu.vector_store %arg10[%parallel_loop3A_248, %parallel_loop3A_249], %parallel_loop3A_252 {strides = array<i32>} : memref<128x128xf32, #tpu.memory_space<vmem>>, vector<1x16xf32>,
          %parallel_loop3A_253 = arith.index_cast %parallel_loop3A_186 : i32 to index
          %parallel_loop3A_254 = arith.constant 96 : index
          %parallel_loop3A_255 = tpu.vector_load %arg10[%parallel_loop3A_253, %parallel_loop3A_254] {strides = array<i32>} : memref<128x128xf32, #tpu.memory_space<vmem>>, vector<1x16xf32>,
          %parallel_loop3A_256 = vector.shape_cast %parallel_loop3A_255 : vector<1x16xf32> to vector<16xf32>
          %parallel_loop3A_257 = vector.broadcast %parallel_loop3A_182 : f32 to vector<16xf32>
          %parallel_loop3A_258 = arith.mulf %parallel_loop3A_256, %parallel_loop3A_257 : vector<16xf32>
          %parallel_loop3A_259 = arith.index_cast %parallel_loop3A_186 : i32 to index
          %parallel_loop3A_260 = arith.constant 96 : index
          %parallel_loop3A_261 = tpu.vector_load %arg10[%parallel_loop3A_259, %parallel_loop3A_260] {strides = array<i32>} : memref<128x128xf32, #tpu.memory_space<vmem>>, vector<1x16xf32>,
          %parallel_loop3A_262 = vector.shape_cast %parallel_loop3A_261 : vector<1x16xf32> to vector<16xf32>
          %parallel_loop3A_263 = vector.shape_cast %parallel_loop3A_258 : vector<16xf32> to vector<1x16xf32>
          tpu.vector_store %arg10[%parallel_loop3A_259, %parallel_loop3A_260], %parallel_loop3A_263 {strides = array<i32>} : memref<128x128xf32, #tpu.memory_space<vmem>>, vector<1x16xf32>,
          %parallel_loop3A_264 = arith.index_cast %parallel_loop3A_186 : i32 to index
          %parallel_loop3A_265 = arith.constant 112 : index
          %parallel_loop3A_266 = tpu.vector_load %arg10[%parallel_loop3A_264, %parallel_loop3A_265] {strides = array<i32>} : memref<128x128xf32, #tpu.memory_space<vmem>>, vector<1x16xf32>,
          %parallel_loop3A_267 = vector.shape_cast %parallel_loop3A_266 : vector<1x16xf32> to vector<16xf32>
          %parallel_loop3A_268 = vector.broadcast %parallel_loop3A_182 : f32 to vector<16xf32>
          %parallel_loop3A_269 = arith.mulf %parallel_loop3A_267, %parallel_loop3A_268 : vector<16xf32>
          %parallel_loop3A_270 = arith.index_cast %parallel_loop3A_186 : i32 to index
          %parallel_loop3A_271 = arith.constant 112 : index
          %parallel_loop3A_272 = tpu.vector_load %arg10[%parallel_loop3A_270, %parallel_loop3A_271] {strides = array<i32>} : memref<128x128xf32, #tpu.memory_space<vmem>>, vector<1x16xf32>,
          %parallel_loop3A_273 = vector.shape_cast %parallel_loop3A_272 : vector<1x16xf32> to vector<16xf32>
          %parallel_loop3A_274 = vector.shape_cast %parallel_loop3A_269 : vector<16xf32> to vector<1x16xf32>
          tpu.vector_store %arg10[%parallel_loop3A_270, %parallel_loop3A_271], %parallel_loop3A_274 {strides = array<i32>} : memref<128x128xf32, #tpu.memory_space<vmem>>, vector<1x16xf32>,
          %parallel_loop3A_275 = vector.extract_strided_slice %parallel_loop3A_180 {offsets = [1], sizes = [1], strides = [1]} : vector<16xf32> to vector<1xf32>
          %parallel_loop3A_276 = vector.extract %parallel_loop3A_275[0] : f32 from vector<1xf32>
          %parallel_loop3A_277 = arith.constant 16 : i32
          %parallel_loop3A_278 = arith.muli %parallel_loop3A_174, %parallel_loop3A_277 : i32
          %parallel_loop3A_279 = arith.constant 1 : i32
          %parallel_loop3A_280 = arith.addi %parallel_loop3A_278, %parallel_loop3A_279 : i32
          %parallel_loop3A_281 = arith.index_cast %parallel_loop3A_280 : i32 to index
          %parallel_loop3A_282 = arith.constant 0 : index
          %parallel_loop3A_283 = tpu.vector_load %arg10[%parallel_loop3A_281, %parallel_loop3A_282] {strides = array<i32>} : memref<128x128xf32, #tpu.memory_space<vmem>>, vector<1x16xf32>,
          %parallel_loop3A_284 = vector.shape_cast %parallel_loop3A_283 : vector<1x16xf32> to vector<16xf32>
          %parallel_loop3A_285 = vector.broadcast %parallel_loop3A_276 : f32 to vector<16xf32>
          %parallel_loop3A_286 = arith.mulf %parallel_loop3A_284, %parallel_loop3A_285 : vector<16xf32>
          %parallel_loop3A_287 = arith.index_cast %parallel_loop3A_280 : i32 to index
          %parallel_loop3A_288 = arith.constant 0 : index
          %parallel_loop3A_289 = tpu.vector_load %arg10[%parallel_loop3A_287, %parallel_loop3A_288] {strides = array<i32>} : memref<128x128xf32, #tpu.memory_space<vmem>>, vector<1x16xf32>,
          %parallel_loop3A_290 = vector.shape_cast %parallel_loop3A_289 : vector<1x16xf32> to vector<16xf32>
          %parallel_loop3A_291 = vector.shape_cast %parallel_loop3A_286 : vector<16xf32> to vector<1x16xf32>
          tpu.vector_store %arg10[%parallel_loop3A_287, %parallel_loop3A_288], %parallel_loop3A_291 {strides = array<i32>} : memref<128x128xf32, #tpu.memory_space<vmem>>, vector<1x16xf32>,
          %parallel_loop3A_292 = arith.index_cast %parallel_loop3A_280 : i32 to index
          %parallel_loop3A_293 = arith.constant 16 : index
          %parallel_loop3A_294 = tpu.vector_load %arg10[%parallel_loop3A_292, %parallel_loop3A_293] {strides = array<i32>} : memref<128x128xf32, #tpu.memory_space<vmem>>, vector<1x16xf32>,
          %parallel_loop3A_295 = vector.shape_cast %parallel_loop3A_294 : vector<1x16xf32> to vector<16xf32>
          %parallel_loop3A_296 = vector.broadcast %parallel_loop3A_276 : f32 to vector<16xf32>
          %parallel_loop3A_297 = arith.mulf %parallel_loop3A_295, %parallel_loop3A_296 : vector<16xf32>
          %parallel_loop3A_298 = arith.index_cast %parallel_loop3A_280 : i32 to index
          %parallel_loop3A_299 = arith.constant 16 : index
          %parallel_loop3A_300 = tpu.vector_load %arg10[%parallel_loop3A_298, %parallel_loop3A_299] {strides = array<i32>} : memref<128x128xf32, #tpu.memory_space<vmem>>, vector<1x16xf32>,
          %parallel_loop3A_301 = vector.shape_cast %parallel_loop3A_300 : vector<1x16xf32> to vector<16xf32>
          %parallel_loop3A_302 = vector.shape_cast %parallel_loop3A_297 : vector<16xf32> to vector<1x16xf32>
          tpu.vector_store %arg10[%parallel_loop3A_298, %parallel_loop3A_299], %parallel_loop3A_302 {strides = array<i32>} : memref<128x128xf32, #tpu.memory_space<vmem>>, vector<1x16xf32>,
          %parallel_loop3A_303 = arith.index_cast %parallel_loop3A_280 : i32 to index
          %parallel_loop3A_304 = arith.constant 32 : index
          %parallel_loop3A_305 = tpu.vector_load %arg10[%parallel_loop3A_303, %parallel_loop3A_304] {strides = array<i32>} : memref<128x128xf32, #tpu.memory_space<vmem>>, vector<1x16xf32>,
          %parallel_loop3A_306 = vector.shape_cast %parallel_loop3A_305 : vector<1x16xf32> to vector<16xf32>
          %parallel_loop3A_307 = vector.broadcast %parallel_loop3A_276 : f32 to vector<16xf32>
          %parallel_loop3A_308 = arith.mulf %parallel_loop3A_306, %parallel_loop3A_307 : vector<16xf32>
          %parallel_loop3A_309 = arith.index_cast %parallel_loop3A_280 : i32 to index
          %parallel_loop3A_310 = arith.constant 32 : index
          %parallel_loop3A_311 = tpu.vector_load %arg10[%parallel_loop3A_309, %parallel_loop3A_310] {strides = array<i32>} : memref<128x128xf32, #tpu.memory_space<vmem>>, vector<1x16xf32>,
          %parallel_loop3A_312 = vector.shape_cast %parallel_loop3A_311 : vector<1x16xf32> to vector<16xf32>
          %parallel_loop3A_313 = vector.shape_cast %parallel_loop3A_308 : vector<16xf32> to vector<1x16xf32>
          tpu.vector_store %arg10[%parallel_loop3A_309, %parallel_loop3A_310], %parallel_loop3A_313 {strides = array<i32>} : memref<128x128xf32, #tpu.memory_space<vmem>>, vector<1x16xf32>,
          %parallel_loop3A_314 = arith.index_cast %parallel_loop3A_280 : i32 to index
          %parallel_loop3A_315 = arith.constant 48 : index
          %parallel_loop3A_316 = tpu.vector_load %arg10[%parallel_loop3A_314, %parallel_loop3A_315] {strides = array<i32>} : memref<128x128xf32, #tpu.memory_space<vmem>>, vector<1x16xf32>,
          %parallel_loop3A_317 = vector.shape_cast %parallel_loop3A_316 : vector<1x16xf32> to vector<16xf32>
          %parallel_loop3A_318 = vector.broadcast %parallel_loop3A_276 : f32 to vector<16xf32>
          %parallel_loop3A_319 = arith.mulf %parallel_loop3A_317, %parallel_loop3A_318 : vector<16xf32>
          %parallel_loop3A_320 = arith.index_cast %parallel_loop3A_280 : i32 to index
          %parallel_loop3A_321 = arith.constant 48 : index
          %parallel_loop3A_322 = tpu.vector_load %arg10[%parallel_loop3A_320, %parallel_loop3A_321] {strides = array<i32>} : memref<128x128xf32, #tpu.memory_space<vmem>>, vector<1x16xf32>,
          %parallel_loop3A_323 = vector.shape_cast %parallel_loop3A_322 : vector<1x16xf32> to vector<16xf32>
          %parallel_loop3A_324 = vector.shape_cast %parallel_loop3A_319 : vector<16xf32> to vector<1x16xf32>
          tpu.vector_store %arg10[%parallel_loop3A_320, %parallel_loop3A_321], %parallel_loop3A_324 {strides = array<i32>} : memref<128x128xf32, #tpu.memory_space<vmem>>, vector<1x16xf32>,
          %parallel_loop3A_325 = arith.index_cast %parallel_loop3A_280 : i32 to index
          %parallel_loop3A_326 = arith.constant 64 : index
          %parallel_loop3A_327 = tpu.vector_load %arg10[%parallel_loop3A_325, %parallel_loop3A_326] {strides = array<i32>} : memref<128x128xf32, #tpu.memory_space<vmem>>, vector<1x16xf32>,
          %parallel_loop3A_328 = vector.shape_cast %parallel_loop3A_327 : vector<1x16xf32> to vector<16xf32>
          %parallel_loop3A_329 = vector.broadcast %parallel_loop3A_276 : f32 to vector<16xf32>
          %parallel_loop3A_330 = arith.mulf %parallel_loop3A_328, %parallel_loop3A_329 : vector<16xf32>
          %parallel_loop3A_331 = arith.index_cast %parallel_loop3A_280 : i32 to index
          %parallel_loop3A_332 = arith.constant 64 : index
          %parallel_loop3A_333 = tpu.vector_load %arg10[%parallel_loop3A_331, %parallel_loop3A_332] {strides = array<i32>} : memref<128x128xf32, #tpu.memory_space<vmem>>, vector<1x16xf32>,
          %parallel_loop3A_334 = vector.shape_cast %parallel_loop3A_333 : vector<1x16xf32> to vector<16xf32>
          %parallel_loop3A_335 = vector.shape_cast %parallel_loop3A_330 : vector<16xf32> to vector<1x16xf32>
          tpu.vector_store %arg10[%parallel_loop3A_331, %parallel_loop3A_332], %parallel_loop3A_335 {strides = array<i32>} : memref<128x128xf32, #tpu.memory_space<vmem>>, vector<1x16xf32>,
          %parallel_loop3A_336 = arith.index_cast %parallel_loop3A_280 : i32 to index
          %parallel_loop3A_337 = arith.constant 80 : index
          %parallel_loop3A_338 = tpu.vector_load %arg10[%parallel_loop3A_336, %parallel_loop3A_337] {strides = array<i32>} : memref<128x128xf32, #tpu.memory_space<vmem>>, vector<1x16xf32>,
          %parallel_loop3A_339 = vector.shape_cast %parallel_loop3A_338 : vector<1x16xf32> to vector<16xf32>
          %parallel_loop3A_340 = vector.broadcast %parallel_loop3A_276 : f32 to vector<16xf32>
          %parallel_loop3A_341 = arith.mulf %parallel_loop3A_339, %parallel_loop3A_340 : vector<16xf32>
          %parallel_loop3A_342 = arith.index_cast %parallel_loop3A_280 : i32 to index
          %parallel_loop3A_343 = arith.constant 80 : index
          %parallel_loop3A_344 = tpu.vector_load %arg10[%parallel_loop3A_342, %parallel_loop3A_343] {strides = array<i32>} : memref<128x128xf32, #tpu.memory_space<vmem>>, vector<1x16xf32>,
          %parallel_loop3A_345 = vector.shape_cast %parallel_loop3A_344 : vector<1x16xf32> to vector<16xf32>
          %parallel_loop3A_346 = vector.shape_cast %parallel_loop3A_341 : vector<16xf32> to vector<1x16xf32>
          tpu.vector_store %arg10[%parallel_loop3A_342, %parallel_loop3A_343], %parallel_loop3A_346 {strides = array<i32>} : memref<128x128xf32, #tpu.memory_space<vmem>>, vector<1x16xf32>,
          %parallel_loop3A_347 = arith.index_cast %parallel_loop3A_280 : i32 to index
          %parallel_loop3A_348 = arith.constant 96 : index
          %parallel_loop3A_349 = tpu.vector_load %arg10[%parallel_loop3A_347, %parallel_loop3A_348] {strides = array<i32>} : memref<128x128xf32, #tpu.memory_space<vmem>>, vector<1x16xf32>,
          %parallel_loop3A_350 = vector.shape_cast %parallel_loop3A_349 : vector<1x16xf32> to vector<16xf32>
          %parallel_loop3A_351 = vector.broadcast %parallel_loop3A_276 : f32 to vector<16xf32>
          %parallel_loop3A_352 = arith.mulf %parallel_loop3A_350, %parallel_loop3A_351 : vector<16xf32>
          %parallel_loop3A_353 = arith.index_cast %parallel_loop3A_280 : i32 to index
          %parallel_loop3A_354 = arith.constant 96 : index
          %parallel_loop3A_355 = tpu.vector_load %arg10[%parallel_loop3A_353, %parallel_loop3A_354] {strides = array<i32>} : memref<128x128xf32, #tpu.memory_space<vmem>>, vector<1x16xf32>,
          %parallel_loop3A_356 = vector.shape_cast %parallel_loop3A_355 : vector<1x16xf32> to vector<16xf32>
          %parallel_loop3A_357 = vector.shape_cast %parallel_loop3A_352 : vector<16xf32> to vector<1x16xf32>
          tpu.vector_store %arg10[%parallel_loop3A_353, %parallel_loop3A_354], %parallel_loop3A_357 {strides = array<i32>} : memref<128x128xf32, #tpu.memory_space<vmem>>, vector<1x16xf32>,
          %parallel_loop3A_358 = arith.index_cast %parallel_loop3A_280 : i32 to index
          %parallel_loop3A_359 = arith.constant 112 : index
          %parallel_loop3A_360 = tpu.vector_load %arg10[%parallel_loop3A_358, %parallel_loop3A_359] {strides = array<i32>} : memref<128x128xf32, #tpu.memory_space<vmem>>, vector<1x16xf32>,
          %parallel_loop3A_361 = vector.shape_cast %parallel_loop3A_360 : vector<1x16xf32> to vector<16xf32>
          %parallel_loop3A_362 = vector.broadcast %parallel_loop3A_276 : f32 to vector<16xf32>
          %parallel_loop3A_363 = arith.mulf %parallel_loop3A_361, %parallel_loop3A_362 : vector<16xf32>
          %parallel_loop3A_364 = arith.index_cast %parallel_loop3A_280 : i32 to index
          %parallel_loop3A_365 = arith.constant 112 : index
          %parallel_loop3A_366 = tpu.vector_load %arg10[%parallel_loop3A_364, %parallel_loop3A_365] {strides = array<i32>} : memref<128x128xf32, #tpu.memory_space<vmem>>, vector<1x16xf32>,
          %parallel_loop3A_367 = vector.shape_cast %parallel_loop3A_366 : vector<1x16xf32> to vector<16xf32>
          %parallel_loop3A_368 = vector.shape_cast %parallel_loop3A_363 : vector<16xf32> to vector<1x16xf32>
          tpu.vector_store %arg10[%parallel_loop3A_364, %parallel_loop3A_365], %parallel_loop3A_368 {strides = array<i32>} : memref<128x128xf32, #tpu.memory_space<vmem>>, vector<1x16xf32>,
          %parallel_loop3A_369 = vector.extract_strided_slice %parallel_loop3A_180 {offsets = [2], sizes = [1], strides = [1]} : vector<16xf32> to vector<1xf32>
          %parallel_loop3A_370 = vector.extract %parallel_loop3A_369[0] : f32 from vector<1xf32>
          %parallel_loop3A_371 = arith.constant 16 : i32
          %parallel_loop3A_372 = arith.muli %parallel_loop3A_174, %parallel_loop3A_371 : i32
          %parallel_loop3A_373 = arith.constant 2 : i32
          %parallel_loop3A_374 = arith.addi %parallel_loop3A_372, %parallel_loop3A_373 : i32
          %parallel_loop3A_375 = arith.index_cast %parallel_loop3A_374 : i32 to index
          %parallel_loop3A_376 = arith.constant 0 : index
          %parallel_loop3A_377 = tpu.vector_load %arg10[%parallel_loop3A_375, %parallel_loop3A_376] {strides = array<i32>} : memref<128x128xf32, #tpu.memory_space<vmem>>, vector<1x16xf32>,
          %parallel_loop3A_378 = vector.shape_cast %parallel_loop3A_377 : vector<1x16xf32> to vector<16xf32>
          %parallel_loop3A_379 = vector.broadcast %parallel_loop3A_370 : f32 to vector<16xf32>
          %parallel_loop3A_380 = arith.mulf %parallel_loop3A_378, %parallel_loop3A_379 : vector<16xf32>
          %parallel_loop3A_381 = arith.index_cast %parallel_loop3A_374 : i32 to index
          %parallel_loop3A_382 = arith.constant 0 : index
          %parallel_loop3A_383 = tpu.vector_load %arg10[%parallel_loop3A_381, %parallel_loop3A_382] {strides = array<i32>} : memref<128x128xf32, #tpu.memory_space<vmem>>, vector<1x16xf32>,
          %parallel_loop3A_384 = vector.shape_cast %parallel_loop3A_383 : vector<1x16xf32> to vector<16xf32>
          %parallel_loop3A_385 = vector.shape_cast %parallel_loop3A_380 : vector<16xf32> to vector<1x16xf32>
          tpu.vector_store %arg10[%parallel_loop3A_381, %parallel_loop3A_382], %parallel_loop3A_385 {strides = array<i32>} : memref<128x128xf32, #tpu.memory_space<vmem>>, vector<1x16xf32>,
          %parallel_loop3A_386 = arith.index_cast %parallel_loop3A_374 : i32 to index
          %parallel_loop3A_387 = arith.constant 16 : index
          %parallel_loop3A_388 = tpu.vector_load %arg10[%parallel_loop3A_386, %parallel_loop3A_387] {strides = array<i32>} : memref<128x128xf32, #tpu.memory_space<vmem>>, vector<1x16xf32>,
          %parallel_loop3A_389 = vector.shape_cast %parallel_loop3A_388 : vector<1x16xf32> to vector<16xf32>
          %parallel_loop3A_390 = vector.broadcast %parallel_loop3A_370 : f32 to vector<16xf32>
          %parallel_loop3A_391 = arith.mulf %parallel_loop3A_389, %parallel_loop3A_390 : vector<16xf32>
          %parallel_loop3A_392 = arith.index_cast %parallel_loop3A_374 : i32 to index
          %parallel_loop3A_393 = arith.constant 16 : index
          %parallel_loop3A_394 = tpu.vector_load %arg10[%parallel_loop3A_392, %parallel_loop3A_393] {strides = array<i32>} : memref<128x128xf32, #tpu.memory_space<vmem>>, vector<1x16xf32>,
          %parallel_loop3A_395 = vector.shape_cast %parallel_loop3A_394 : vector<1x16xf32> to vector<16xf32>
          %parallel_loop3A_396 = vector.shape_cast %parallel_loop3A_391 : vector<16xf32> to vector<1x16xf32>
          tpu.vector_store %arg10[%parallel_loop3A_392, %parallel_loop3A_393], %parallel_loop3A_396 {strides = array<i32>} : memref<128x128xf32, #tpu.memory_space<vmem>>, vector<1x16xf32>,
          %parallel_loop3A_397 = arith.index_cast %parallel_loop3A_374 : i32 to index
          %parallel_loop3A_398 = arith.constant 32 : index
          %parallel_loop3A_399 = tpu.vector_load %arg10[%parallel_loop3A_397, %parallel_loop3A_398] {strides = array<i32>} : memref<128x128xf32, #tpu.memory_space<vmem>>, vector<1x16xf32>,
          %parallel_loop3A_400 = vector.shape_cast %parallel_loop3A_399 : vector<1x16xf32> to vector<16xf32>
          %parallel_loop3A_401 = vector.broadcast %parallel_loop3A_370 : f32 to vector<16xf32>
          %parallel_loop3A_402 = arith.mulf %parallel_loop3A_400, %parallel_loop3A_401 : vector<16xf32>
          %parallel_loop3A_403 = arith.index_cast %parallel_loop3A_374 : i32 to index
          %parallel_loop3A_404 = arith.constant 32 : index
          %parallel_loop3A_405 = tpu.vector_load %arg10[%parallel_loop3A_403, %parallel_loop3A_404] {strides = array<i32>} : memref<128x128xf32, #tpu.memory_space<vmem>>, vector<1x16xf32>,
          %parallel_loop3A_406 = vector.shape_cast %parallel_loop3A_405 : vector<1x16xf32> to vector<16xf32>
          %parallel_loop3A_407 = vector.shape_cast %parallel_loop3A_402 : vector<16xf32> to vector<1x16xf32>
          tpu.vector_store %arg10[%parallel_loop3A_403, %parallel_loop3A_404], %parallel_loop3A_407 {strides = array<i32>} : memref<128x128xf32, #tpu.memory_space<vmem>>, vector<1x16xf32>,
          %parallel_loop3A_408 = arith.index_cast %parallel_loop3A_374 : i32 to index
          %parallel_loop3A_409 = arith.constant 48 : index
          %parallel_loop3A_410 = tpu.vector_load %arg10[%parallel_loop3A_408, %parallel_loop3A_409] {strides = array<i32>} : memref<128x128xf32, #tpu.memory_space<vmem>>, vector<1x16xf32>,
          %parallel_loop3A_411 = vector.shape_cast %parallel_loop3A_410 : vector<1x16xf32> to vector<16xf32>
          %parallel_loop3A_412 = vector.broadcast %parallel_loop3A_370 : f32 to vector<16xf32>
          %parallel_loop3A_413 = arith.mulf %parallel_loop3A_411, %parallel_loop3A_412 : vector<16xf32>
          %parallel_loop3A_414 = arith.index_cast %parallel_loop3A_374 : i32 to index
          %parallel_loop3A_415 = arith.constant 48 : index
          %parallel_loop3A_416 = tpu.vector_load %arg10[%parallel_loop3A_414, %parallel_loop3A_415] {strides = array<i32>} : memref<128x128xf32, #tpu.memory_space<vmem>>, vector<1x16xf32>,
          %parallel_loop3A_417 = vector.shape_cast %parallel_loop3A_416 : vector<1x16xf32> to vector<16xf32>
          %parallel_loop3A_418 = vector.shape_cast %parallel_loop3A_413 : vector<16xf32> to vector<1x16xf32>
          tpu.vector_store %arg10[%parallel_loop3A_414, %parallel_loop3A_415], %parallel_loop3A_418 {strides = array<i32>} : memref<128x128xf32, #tpu.memory_space<vmem>>, vector<1x16xf32>,
          %parallel_loop3A_419 = arith.index_cast %parallel_loop3A_374 : i32 to index
          %parallel_loop3A_420 = arith.constant 64 : index
          %parallel_loop3A_421 = tpu.vector_load %arg10[%parallel_loop3A_419, %parallel_loop3A_420] {strides = array<i32>} : memref<128x128xf32, #tpu.memory_space<vmem>>, vector<1x16xf32>,
          %parallel_loop3A_422 = vector.shape_cast %parallel_loop3A_421 : vector<1x16xf32> to vector<16xf32>
          %parallel_loop3A_423 = vector.broadcast %parallel_loop3A_370 : f32 to vector<16xf32>
          %parallel_loop3A_424 = arith.mulf %parallel_loop3A_422, %parallel_loop3A_423 : vector<16xf32>
          %parallel_loop3A_425 = arith.index_cast %parallel_loop3A_374 : i32 to index
          %parallel_loop3A_426 = arith.constant 64 : index
          %parallel_loop3A_427 = tpu.vector_load %arg10[%parallel_loop3A_425, %parallel_loop3A_426] {strides = array<i32>} : memref<128x128xf32, #tpu.memory_space<vmem>>, vector<1x16xf32>,
          %parallel_loop3A_428 = vector.shape_cast %parallel_loop3A_427 : vector<1x16xf32> to vector<16xf32>
          %parallel_loop3A_429 = vector.shape_cast %parallel_loop3A_424 : vector<16xf32> to vector<1x16xf32>
          tpu.vector_store %arg10[%parallel_loop3A_425, %parallel_loop3A_426], %parallel_loop3A_429 {strides = array<i32>} : memref<128x128xf32, #tpu.memory_space<vmem>>, vector<1x16xf32>,
          %parallel_loop3A_430 = arith.index_cast %parallel_loop3A_374 : i32 to index
          %parallel_loop3A_431 = arith.constant 80 : index
          %parallel_loop3A_432 = tpu.vector_load %arg10[%parallel_loop3A_430, %parallel_loop3A_431] {strides = array<i32>} : memref<128x128xf32, #tpu.memory_space<vmem>>, vector<1x16xf32>,
          %parallel_loop3A_433 = vector.shape_cast %parallel_loop3A_432 : vector<1x16xf32> to vector<16xf32>
          %parallel_loop3A_434 = vector.broadcast %parallel_loop3A_370 : f32 to vector<16xf32>
          %parallel_loop3A_435 = arith.mulf %parallel_loop3A_433, %parallel_loop3A_434 : vector<16xf32>
          %parallel_loop3A_436 = arith.index_cast %parallel_loop3A_374 : i32 to index
          %parallel_loop3A_437 = arith.constant 80 : index
          %parallel_loop3A_438 = tpu.vector_load %arg10[%parallel_loop3A_436, %parallel_loop3A_437] {strides = array<i32>} : memref<128x128xf32, #tpu.memory_space<vmem>>, vector<1x16xf32>,
          %parallel_loop3A_439 = vector.shape_cast %parallel_loop3A_438 : vector<1x16xf32> to vector<16xf32>
          %parallel_loop3A_440 = vector.shape_cast %parallel_loop3A_435 : vector<16xf32> to vector<1x16xf32>
          tpu.vector_store %arg10[%parallel_loop3A_436, %parallel_loop3A_437], %parallel_loop3A_440 {strides = array<i32>} : memref<128x128xf32, #tpu.memory_space<vmem>>, vector<1x16xf32>,
          %parallel_loop3A_441 = arith.index_cast %parallel_loop3A_374 : i32 to index
          %parallel_loop3A_442 = arith.constant 96 : index
          %parallel_loop3A_443 = tpu.vector_load %arg10[%parallel_loop3A_441, %parallel_loop3A_442] {strides = array<i32>} : memref<128x128xf32, #tpu.memory_space<vmem>>, vector<1x16xf32>,
          %parallel_loop3A_444 = vector.shape_cast %parallel_loop3A_443 : vector<1x16xf32> to vector<16xf32>
          %parallel_loop3A_445 = vector.broadcast %parallel_loop3A_370 : f32 to vector<16xf32>
          %parallel_loop3A_446 = arith.mulf %parallel_loop3A_444, %parallel_loop3A_445 : vector<16xf32>
          %parallel_loop3A_447 = arith.index_cast %parallel_loop3A_374 : i32 to index
          %parallel_loop3A_448 = arith.constant 96 : index
          %parallel_loop3A_449 = tpu.vector_load %arg10[%parallel_loop3A_447, %parallel_loop3A_448] {strides = array<i32>} : memref<128x128xf32, #tpu.memory_space<vmem>>, vector<1x16xf32>,
          %parallel_loop3A_450 = vector.shape_cast %parallel_loop3A_449 : vector<1x16xf32> to vector<16xf32>
          %parallel_loop3A_451 = vector.shape_cast %parallel_loop3A_446 : vector<16xf32> to vector<1x16xf32>
          tpu.vector_store %arg10[%parallel_loop3A_447, %parallel_loop3A_448], %parallel_loop3A_451 {strides = array<i32>} : memref<128x128xf32, #tpu.memory_space<vmem>>, vector<1x16xf32>,
          %parallel_loop3A_452 = arith.index_cast %parallel_loop3A_374 : i32 to index
          %parallel_loop3A_453 = arith.constant 112 : index
          %parallel_loop3A_454 = tpu.vector_load %arg10[%parallel_loop3A_452, %parallel_loop3A_453] {strides = array<i32>} : memref<128x128xf32, #tpu.memory_space<vmem>>, vector<1x16xf32>,
          %parallel_loop3A_455 = vector.shape_cast %parallel_loop3A_454 : vector<1x16xf32> to vector<16xf32>
          %parallel_loop3A_456 = vector.broadcast %parallel_loop3A_370 : f32 to vector<16xf32>
          %parallel_loop3A_457 = arith.mulf %parallel_loop3A_455, %parallel_loop3A_456 : vector<16xf32>
          %parallel_loop3A_458 = arith.index_cast %parallel_loop3A_374 : i32 to index
          %parallel_loop3A_459 = arith.constant 112 : index
          %parallel_loop3A_460 = tpu.vector_load %arg10[%parallel_loop3A_458, %parallel_loop3A_459] {strides = array<i32>} : memref<128x128xf32, #tpu.memory_space<vmem>>, vector<1x16xf32>,
          %parallel_loop3A_461 = vector.shape_cast %parallel_loop3A_460 : vector<1x16xf32> to vector<16xf32>
          %parallel_loop3A_462 = vector.shape_cast %parallel_loop3A_457 : vector<16xf32> to vector<1x16xf32>
          tpu.vector_store %arg10[%parallel_loop3A_458, %parallel_loop3A_459], %parallel_loop3A_462 {strides = array<i32>} : memref<128x128xf32, #tpu.memory_space<vmem>>, vector<1x16xf32>,
          %parallel_loop3A_463 = vector.extract_strided_slice %parallel_loop3A_180 {offsets = [3], sizes = [1], strides = [1]} : vector<16xf32> to vector<1xf32>
          %parallel_loop3A_464 = vector.extract %parallel_loop3A_463[0] : f32 from vector<1xf32>
          %parallel_loop3A_465 = arith.constant 16 : i32
          %parallel_loop3A_466 = arith.muli %parallel_loop3A_174, %parallel_loop3A_465 : i32
          %parallel_loop3A_467 = arith.constant 3 : i32
          %parallel_loop3A_468 = arith.addi %parallel_loop3A_466, %parallel_loop3A_467 : i32
          %parallel_loop3A_469 = arith.index_cast %parallel_loop3A_468 : i32 to index
          %parallel_loop3A_470 = arith.constant 0 : index
          %parallel_loop3A_471 = tpu.vector_load %arg10[%parallel_loop3A_469, %parallel_loop3A_470] {strides = array<i32>} : memref<128x128xf32, #tpu.memory_space<vmem>>, vector<1x16xf32>,
          %parallel_loop3A_472 = vector.shape_cast %parallel_loop3A_471 : vector<1x16xf32> to vector<16xf32>
          %parallel_loop3A_473 = vector.broadcast %parallel_loop3A_464 : f32 to vector<16xf32>
          %parallel_loop3A_474 = arith.mulf %parallel_loop3A_472, %parallel_loop3A_473 : vector<16xf32>
          %parallel_loop3A_475 = arith.index_cast %parallel_loop3A_468 : i32 to index
          %parallel_loop3A_476 = arith.constant 0 : index
          %parallel_loop3A_477 = tpu.vector_load %arg10[%parallel_loop3A_475, %parallel_loop3A_476] {strides = array<i32>} : memref<128x128xf32, #tpu.memory_space<vmem>>, vector<1x16xf32>,
          %parallel_loop3A_478 = vector.shape_cast %parallel_loop3A_477 : vector<1x16xf32> to vector<16xf32>
          %parallel_loop3A_479 = vector.shape_cast %parallel_loop3A_474 : vector<16xf32> to vector<1x16xf32>
          tpu.vector_store %arg10[%parallel_loop3A_475, %parallel_loop3A_476], %parallel_loop3A_479 {strides = array<i32>} : memref<128x128xf32, #tpu.memory_space<vmem>>, vector<1x16xf32>,
          %parallel_loop3A_480 = arith.index_cast %parallel_loop3A_468 : i32 to index
          %parallel_loop3A_481 = arith.constant 16 : index
          %parallel_loop3A_482 = tpu.vector_load %arg10[%parallel_loop3A_480, %parallel_loop3A_481] {strides = array<i32>} : memref<128x128xf32, #tpu.memory_space<vmem>>, vector<1x16xf32>,
          %parallel_loop3A_483 = vector.shape_cast %parallel_loop3A_482 : vector<1x16xf32> to vector<16xf32>
          %parallel_loop3A_484 = vector.broadcast %parallel_loop3A_464 : f32 to vector<16xf32>
          %parallel_loop3A_485 = arith.mulf %parallel_loop3A_483, %parallel_loop3A_484 : vector<16xf32>
          %parallel_loop3A_486 = arith.index_cast %parallel_loop3A_468 : i32 to index
          %parallel_loop3A_487 = arith.constant 16 : index
          %parallel_loop3A_488 = tpu.vector_load %arg10[%parallel_loop3A_486, %parallel_loop3A_487] {strides = array<i32>} : memref<128x128xf32, #tpu.memory_space<vmem>>, vector<1x16xf32>,
          %parallel_loop3A_489 = vector.shape_cast %parallel_loop3A_488 : vector<1x16xf32> to vector<16xf32>
          %parallel_loop3A_490 = vector.shape_cast %parallel_loop3A_485 : vector<16xf32> to vector<1x16xf32>
          tpu.vector_store %arg10[%parallel_loop3A_486, %parallel_loop3A_487], %parallel_loop3A_490 {strides = array<i32>} : memref<128x128xf32, #tpu.memory_space<vmem>>, vector<1x16xf32>,
          %parallel_loop3A_491 = arith.index_cast %parallel_loop3A_468 : i32 to index
          %parallel_loop3A_492 = arith.constant 32 : index
          %parallel_loop3A_493 = tpu.vector_load %arg10[%parallel_loop3A_491, %parallel_loop3A_492] {strides = array<i32>} : memref<128x128xf32, #tpu.memory_space<vmem>>, vector<1x16xf32>,
          %parallel_loop3A_494 = vector.shape_cast %parallel_loop3A_493 : vector<1x16xf32> to vector<16xf32>
          %parallel_loop3A_495 = vector.broadcast %parallel_loop3A_464 : f32 to vector<16xf32>
          %parallel_loop3A_496 = arith.mulf %parallel_loop3A_494, %parallel_loop3A_495 : vector<16xf32>
          %parallel_loop3A_497 = arith.index_cast %parallel_loop3A_468 : i32 to index
          %parallel_loop3A_498 = arith.constant 32 : index
          %parallel_loop3A_499 = tpu.vector_load %arg10[%parallel_loop3A_497, %parallel_loop3A_498] {strides = array<i32>} : memref<128x128xf32, #tpu.memory_space<vmem>>, vector<1x16xf32>,
          %parallel_loop3A_500 = vector.shape_cast %parallel_loop3A_499 : vector<1x16xf32> to vector<16xf32>
          %parallel_loop3A_501 = vector.shape_cast %parallel_loop3A_496 : vector<16xf32> to vector<1x16xf32>
          tpu.vector_store %arg10[%parallel_loop3A_497, %parallel_loop3A_498], %parallel_loop3A_501 {strides = array<i32>} : memref<128x128xf32, #tpu.memory_space<vmem>>, vector<1x16xf32>,
          %parallel_loop3A_502 = arith.index_cast %parallel_loop3A_468 : i32 to index
          %parallel_loop3A_503 = arith.constant 48 : index
          %parallel_loop3A_504 = tpu.vector_load %arg10[%parallel_loop3A_502, %parallel_loop3A_503] {strides = array<i32>} : memref<128x128xf32, #tpu.memory_space<vmem>>, vector<1x16xf32>,
          %parallel_loop3A_505 = vector.shape_cast %parallel_loop3A_504 : vector<1x16xf32> to vector<16xf32>
          %parallel_loop3A_506 = vector.broadcast %parallel_loop3A_464 : f32 to vector<16xf32>
          %parallel_loop3A_507 = arith.mulf %parallel_loop3A_505, %parallel_loop3A_506 : vector<16xf32>
          %parallel_loop3A_508 = arith.index_cast %parallel_loop3A_468 : i32 to index
          %parallel_loop3A_509 = arith.constant 48 : index
          %parallel_loop3A_510 = tpu.vector_load %arg10[%parallel_loop3A_508, %parallel_loop3A_509] {strides = array<i32>} : memref<128x128xf32, #tpu.memory_space<vmem>>, vector<1x16xf32>,
          %parallel_loop3A_511 = vector.shape_cast %parallel_loop3A_510 : vector<1x16xf32> to vector<16xf32>
          %parallel_loop3A_512 = vector.shape_cast %parallel_loop3A_507 : vector<16xf32> to vector<1x16xf32>
          tpu.vector_store %arg10[%parallel_loop3A_508, %parallel_loop3A_509], %parallel_loop3A_512 {strides = array<i32>} : memref<128x128xf32, #tpu.memory_space<vmem>>, vector<1x16xf32>,
          %parallel_loop3A_513 = arith.index_cast %parallel_loop3A_468 : i32 to index
          %parallel_loop3A_514 = arith.constant 64 : index
          %parallel_loop3A_515 = tpu.vector_load %arg10[%parallel_loop3A_513, %parallel_loop3A_514] {strides = array<i32>} : memref<128x128xf32, #tpu.memory_space<vmem>>, vector<1x16xf32>,
          %parallel_loop3A_516 = vector.shape_cast %parallel_loop3A_515 : vector<1x16xf32> to vector<16xf32>
          %parallel_loop3A_517 = vector.broadcast %parallel_loop3A_464 : f32 to vector<16xf32>
          %parallel_loop3A_518 = arith.mulf %parallel_loop3A_516, %parallel_loop3A_517 : vector<16xf32>
          %parallel_loop3A_519 = arith.index_cast %parallel_loop3A_468 : i32 to index
          %parallel_loop3A_520 = arith.constant 64 : index
          %parallel_loop3A_521 = tpu.vector_load %arg10[%parallel_loop3A_519, %parallel_loop3A_520] {strides = array<i32>} : memref<128x128xf32, #tpu.memory_space<vmem>>, vector<1x16xf32>,
          %parallel_loop3A_522 = vector.shape_cast %parallel_loop3A_521 : vector<1x16xf32> to vector<16xf32>
          %parallel_loop3A_523 = vector.shape_cast %parallel_loop3A_518 : vector<16xf32> to vector<1x16xf32>
          tpu.vector_store %arg10[%parallel_loop3A_519, %parallel_loop3A_520], %parallel_loop3A_523 {strides = array<i32>} : memref<128x128xf32, #tpu.memory_space<vmem>>, vector<1x16xf32>,
          %parallel_loop3A_524 = arith.index_cast %parallel_loop3A_468 : i32 to index
          %parallel_loop3A_525 = arith.constant 80 : index
          %parallel_loop3A_526 = tpu.vector_load %arg10[%parallel_loop3A_524, %parallel_loop3A_525] {strides = array<i32>} : memref<128x128xf32, #tpu.memory_space<vmem>>, vector<1x16xf32>,
          %parallel_loop3A_527 = vector.shape_cast %parallel_loop3A_526 : vector<1x16xf32> to vector<16xf32>
          %parallel_loop3A_528 = vector.broadcast %parallel_loop3A_464 : f32 to vector<16xf32>
          %parallel_loop3A_529 = arith.mulf %parallel_loop3A_527, %parallel_loop3A_528 : vector<16xf32>
          %parallel_loop3A_530 = arith.index_cast %parallel_loop3A_468 : i32 to index
          %parallel_loop3A_531 = arith.constant 80 : index
          %parallel_loop3A_532 = tpu.vector_load %arg10[%parallel_loop3A_530, %parallel_loop3A_531] {strides = array<i32>} : memref<128x128xf32, #tpu.memory_space<vmem>>, vector<1x16xf32>,
          %parallel_loop3A_533 = vector.shape_cast %parallel_loop3A_532 : vector<1x16xf32> to vector<16xf32>
          %parallel_loop3A_534 = vector.shape_cast %parallel_loop3A_529 : vector<16xf32> to vector<1x16xf32>
          tpu.vector_store %arg10[%parallel_loop3A_530, %parallel_loop3A_531], %parallel_loop3A_534 {strides = array<i32>} : memref<128x128xf32, #tpu.memory_space<vmem>>, vector<1x16xf32>,
          %parallel_loop3A_535 = arith.index_cast %parallel_loop3A_468 : i32 to index
          %parallel_loop3A_536 = arith.constant 96 : index
          %parallel_loop3A_537 = tpu.vector_load %arg10[%parallel_loop3A_535, %parallel_loop3A_536] {strides = array<i32>} : memref<128x128xf32, #tpu.memory_space<vmem>>, vector<1x16xf32>,
          %parallel_loop3A_538 = vector.shape_cast %parallel_loop3A_537 : vector<1x16xf32> to vector<16xf32>
          %parallel_loop3A_539 = vector.broadcast %parallel_loop3A_464 : f32 to vector<16xf32>
          %parallel_loop3A_540 = arith.mulf %parallel_loop3A_538, %parallel_loop3A_539 : vector<16xf32>
          %parallel_loop3A_541 = arith.index_cast %parallel_loop3A_468 : i32 to index
          %parallel_loop3A_542 = arith.constant 96 : index
          %parallel_loop3A_543 = tpu.vector_load %arg10[%parallel_loop3A_541, %parallel_loop3A_542] {strides = array<i32>} : memref<128x128xf32, #tpu.memory_space<vmem>>, vector<1x16xf32>,
          %parallel_loop3A_544 = vector.shape_cast %parallel_loop3A_543 : vector<1x16xf32> to vector<16xf32>
          %parallel_loop3A_545 = vector.shape_cast %parallel_loop3A_540 : vector<16xf32> to vector<1x16xf32>
          tpu.vector_store %arg10[%parallel_loop3A_541, %parallel_loop3A_542], %parallel_loop3A_545 {strides = array<i32>} : memref<128x128xf32, #tpu.memory_space<vmem>>, vector<1x16xf32>,
          %parallel_loop3A_546 = arith.index_cast %parallel_loop3A_468 : i32 to index
          %parallel_loop3A_547 = arith.constant 112 : index
          %parallel_loop3A_548 = tpu.vector_load %arg10[%parallel_loop3A_546, %parallel_loop3A_547] {strides = array<i32>} : memref<128x128xf32, #tpu.memory_space<vmem>>, vector<1x16xf32>,
          %parallel_loop3A_549 = vector.shape_cast %parallel_loop3A_548 : vector<1x16xf32> to vector<16xf32>
          %parallel_loop3A_550 = vector.broadcast %parallel_loop3A_464 : f32 to vector<16xf32>
          %parallel_loop3A_551 = arith.mulf %parallel_loop3A_549, %parallel_loop3A_550 : vector<16xf32>
          %parallel_loop3A_552 = arith.index_cast %parallel_loop3A_468 : i32 to index
          %parallel_loop3A_553 = arith.constant 112 : index
          %parallel_loop3A_554 = tpu.vector_load %arg10[%parallel_loop3A_552, %parallel_loop3A_553] {strides = array<i32>} : memref<128x128xf32, #tpu.memory_space<vmem>>, vector<1x16xf32>,
          %parallel_loop3A_555 = vector.shape_cast %parallel_loop3A_554 : vector<1x16xf32> to vector<16xf32>
          %parallel_loop3A_556 = vector.shape_cast %parallel_loop3A_551 : vector<16xf32> to vector<1x16xf32>
          tpu.vector_store %arg10[%parallel_loop3A_552, %parallel_loop3A_553], %parallel_loop3A_556 {strides = array<i32>} : memref<128x128xf32, #tpu.memory_space<vmem>>, vector<1x16xf32>,
          %parallel_loop3A_557 = vector.extract_strided_slice %parallel_loop3A_180 {offsets = [4], sizes = [1], strides = [1]} : vector<16xf32> to vector<1xf32>
          %parallel_loop3A_558 = vector.extract %parallel_loop3A_557[0] : f32 from vector<1xf32>
          %parallel_loop3A_559 = arith.constant 16 : i32
          %parallel_loop3A_560 = arith.muli %parallel_loop3A_174, %parallel_loop3A_559 : i32
          %parallel_loop3A_561 = arith.constant 4 : i32
          %parallel_loop3A_562 = arith.addi %parallel_loop3A_560, %parallel_loop3A_561 : i32
          %parallel_loop3A_563 = arith.index_cast %parallel_loop3A_562 : i32 to index
          %parallel_loop3A_564 = arith.constant 0 : index
          %parallel_loop3A_565 = tpu.vector_load %arg10[%parallel_loop3A_563, %parallel_loop3A_564] {strides = array<i32>} : memref<128x128xf32, #tpu.memory_space<vmem>>, vector<1x16xf32>,
          %parallel_loop3A_566 = vector.shape_cast %parallel_loop3A_565 : vector<1x16xf32> to vector<16xf32>
          %parallel_loop3A_567 = vector.broadcast %parallel_loop3A_558 : f32 to vector<16xf32>
          %parallel_loop3A_568 = arith.mulf %parallel_loop3A_566, %parallel_loop3A_567 : vector<16xf32>
          %parallel_loop3A_569 = arith.index_cast %parallel_loop3A_562 : i32 to index
          %parallel_loop3A_570 = arith.constant 0 : index
          %parallel_loop3A_571 = tpu.vector_load %arg10[%parallel_loop3A_569, %parallel_loop3A_570] {strides = array<i32>} : memref<128x128xf32, #tpu.memory_space<vmem>>, vector<1x16xf32>,
          %parallel_loop3A_572 = vector.shape_cast %parallel_loop3A_571 : vector<1x16xf32> to vector<16xf32>
          %parallel_loop3A_573 = vector.shape_cast %parallel_loop3A_568 : vector<16xf32> to vector<1x16xf32>
          tpu.vector_store %arg10[%parallel_loop3A_569, %parallel_loop3A_570], %parallel_loop3A_573 {strides = array<i32>} : memref<128x128xf32, #tpu.memory_space<vmem>>, vector<1x16xf32>,
          %parallel_loop3A_574 = arith.index_cast %parallel_loop3A_562 : i32 to index
          %parallel_loop3A_575 = arith.constant 16 : index
          %parallel_loop3A_576 = tpu.vector_load %arg10[%parallel_loop3A_574, %parallel_loop3A_575] {strides = array<i32>} : memref<128x128xf32, #tpu.memory_space<vmem>>, vector<1x16xf32>,
          %parallel_loop3A_577 = vector.shape_cast %parallel_loop3A_576 : vector<1x16xf32> to vector<16xf32>
          %parallel_loop3A_578 = vector.broadcast %parallel_loop3A_558 : f32 to vector<16xf32>
          %parallel_loop3A_579 = arith.mulf %parallel_loop3A_577, %parallel_loop3A_578 : vector<16xf32>
          %parallel_loop3A_580 = arith.index_cast %parallel_loop3A_562 : i32 to index
          %parallel_loop3A_581 = arith.constant 16 : index
          %parallel_loop3A_582 = tpu.vector_load %arg10[%parallel_loop3A_580, %parallel_loop3A_581] {strides = array<i32>} : memref<128x128xf32, #tpu.memory_space<vmem>>, vector<1x16xf32>,
          %parallel_loop3A_583 = vector.shape_cast %parallel_loop3A_582 : vector<1x16xf32> to vector<16xf32>
          %parallel_loop3A_584 = vector.shape_cast %parallel_loop3A_579 : vector<16xf32> to vector<1x16xf32>
          tpu.vector_store %arg10[%parallel_loop3A_580, %parallel_loop3A_581], %parallel_loop3A_584 {strides = array<i32>} : memref<128x128xf32, #tpu.memory_space<vmem>>, vector<1x16xf32>,
          %parallel_loop3A_585 = arith.index_cast %parallel_loop3A_562 : i32 to index
          %parallel_loop3A_586 = arith.constant 32 : index
          %parallel_loop3A_587 = tpu.vector_load %arg10[%parallel_loop3A_585, %parallel_loop3A_586] {strides = array<i32>} : memref<128x128xf32, #tpu.memory_space<vmem>>, vector<1x16xf32>,
          %parallel_loop3A_588 = vector.shape_cast %parallel_loop3A_587 : vector<1x16xf32> to vector<16xf32>
          %parallel_loop3A_589 = vector.broadcast %parallel_loop3A_558 : f32 to vector<16xf32>
          %parallel_loop3A_590 = arith.mulf %parallel_loop3A_588, %parallel_loop3A_589 : vector<16xf32>
          %parallel_loop3A_591 = arith.index_cast %parallel_loop3A_562 : i32 to index
          %parallel_loop3A_592 = arith.constant 32 : index
          %parallel_loop3A_593 = tpu.vector_load %arg10[%parallel_loop3A_591, %parallel_loop3A_592] {strides = array<i32>} : memref<128x128xf32, #tpu.memory_space<vmem>>, vector<1x16xf32>,
          %parallel_loop3A_594 = vector.shape_cast %parallel_loop3A_593 : vector<1x16xf32> to vector<16xf32>
          %parallel_loop3A_595 = vector.shape_cast %parallel_loop3A_590 : vector<16xf32> to vector<1x16xf32>
          tpu.vector_store %arg10[%parallel_loop3A_591, %parallel_loop3A_592], %parallel_loop3A_595 {strides = array<i32>} : memref<128x128xf32, #tpu.memory_space<vmem>>, vector<1x16xf32>,
          %parallel_loop3A_596 = arith.index_cast %parallel_loop3A_562 : i32 to index
          %parallel_loop3A_597 = arith.constant 48 : index
          %parallel_loop3A_598 = tpu.vector_load %arg10[%parallel_loop3A_596, %parallel_loop3A_597] {strides = array<i32>} : memref<128x128xf32, #tpu.memory_space<vmem>>, vector<1x16xf32>,
          %parallel_loop3A_599 = vector.shape_cast %parallel_loop3A_598 : vector<1x16xf32> to vector<16xf32>
          %parallel_loop3A_600 = vector.broadcast %parallel_loop3A_558 : f32 to vector<16xf32>
          %parallel_loop3A_601 = arith.mulf %parallel_loop3A_599, %parallel_loop3A_600 : vector<16xf32>
          %parallel_loop3A_602 = arith.index_cast %parallel_loop3A_562 : i32 to index
          %parallel_loop3A_603 = arith.constant 48 : index
          %parallel_loop3A_604 = tpu.vector_load %arg10[%parallel_loop3A_602, %parallel_loop3A_603] {strides = array<i32>} : memref<128x128xf32, #tpu.memory_space<vmem>>, vector<1x16xf32>,
          %parallel_loop3A_605 = vector.shape_cast %parallel_loop3A_604 : vector<1x16xf32> to vector<16xf32>
          %parallel_loop3A_606 = vector.shape_cast %parallel_loop3A_601 : vector<16xf32> to vector<1x16xf32>
          tpu.vector_store %arg10[%parallel_loop3A_602, %parallel_loop3A_603], %parallel_loop3A_606 {strides = array<i32>} : memref<128x128xf32, #tpu.memory_space<vmem>>, vector<1x16xf32>,
          %parallel_loop3A_607 = arith.index_cast %parallel_loop3A_562 : i32 to index
          %parallel_loop3A_608 = arith.constant 64 : index
          %parallel_loop3A_609 = tpu.vector_load %arg10[%parallel_loop3A_607, %parallel_loop3A_608] {strides = array<i32>} : memref<128x128xf32, #tpu.memory_space<vmem>>, vector<1x16xf32>,
          %parallel_loop3A_610 = vector.shape_cast %parallel_loop3A_609 : vector<1x16xf32> to vector<16xf32>
          %parallel_loop3A_611 = vector.broadcast %parallel_loop3A_558 : f32 to vector<16xf32>
          %parallel_loop3A_612 = arith.mulf %parallel_loop3A_610, %parallel_loop3A_611 : vector<16xf32>
          %parallel_loop3A_613 = arith.index_cast %parallel_loop3A_562 : i32 to index
          %parallel_loop3A_614 = arith.constant 64 : index
          %parallel_loop3A_615 = tpu.vector_load %arg10[%parallel_loop3A_613, %parallel_loop3A_614] {strides = array<i32>} : memref<128x128xf32, #tpu.memory_space<vmem>>, vector<1x16xf32>,
          %parallel_loop3A_616 = vector.shape_cast %parallel_loop3A_615 : vector<1x16xf32> to vector<16xf32>
          %parallel_loop3A_617 = vector.shape_cast %parallel_loop3A_612 : vector<16xf32> to vector<1x16xf32>
          tpu.vector_store %arg10[%parallel_loop3A_613, %parallel_loop3A_614], %parallel_loop3A_617 {strides = array<i32>} : memref<128x128xf32, #tpu.memory_space<vmem>>, vector<1x16xf32>,
          %parallel_loop3A_618 = arith.index_cast %parallel_loop3A_562 : i32 to index
          %parallel_loop3A_619 = arith.constant 80 : index
          %parallel_loop3A_620 = tpu.vector_load %arg10[%parallel_loop3A_618, %parallel_loop3A_619] {strides = array<i32>} : memref<128x128xf32, #tpu.memory_space<vmem>>, vector<1x16xf32>,
          %parallel_loop3A_621 = vector.shape_cast %parallel_loop3A_620 : vector<1x16xf32> to vector<16xf32>
          %parallel_loop3A_622 = vector.broadcast %parallel_loop3A_558 : f32 to vector<16xf32>
          %parallel_loop3A_623 = arith.mulf %parallel_loop3A_621, %parallel_loop3A_622 : vector<16xf32>
          %parallel_loop3A_624 = arith.index_cast %parallel_loop3A_562 : i32 to index
          %parallel_loop3A_625 = arith.constant 80 : index
          %parallel_loop3A_626 = tpu.vector_load %arg10[%parallel_loop3A_624, %parallel_loop3A_625] {strides = array<i32>} : memref<128x128xf32, #tpu.memory_space<vmem>>, vector<1x16xf32>,
          %parallel_loop3A_627 = vector.shape_cast %parallel_loop3A_626 : vector<1x16xf32> to vector<16xf32>
          %parallel_loop3A_628 = vector.shape_cast %parallel_loop3A_623 : vector<16xf32> to vector<1x16xf32>
          tpu.vector_store %arg10[%parallel_loop3A_624, %parallel_loop3A_625], %parallel_loop3A_628 {strides = array<i32>} : memref<128x128xf32, #tpu.memory_space<vmem>>, vector<1x16xf32>,
          %parallel_loop3A_629 = arith.index_cast %parallel_loop3A_562 : i32 to index
          %parallel_loop3A_630 = arith.constant 96 : index
          %parallel_loop3A_631 = tpu.vector_load %arg10[%parallel_loop3A_629, %parallel_loop3A_630] {strides = array<i32>} : memref<128x128xf32, #tpu.memory_space<vmem>>, vector<1x16xf32>,
          %parallel_loop3A_632 = vector.shape_cast %parallel_loop3A_631 : vector<1x16xf32> to vector<16xf32>
          %parallel_loop3A_633 = vector.broadcast %parallel_loop3A_558 : f32 to vector<16xf32>
          %parallel_loop3A_634 = arith.mulf %parallel_loop3A_632, %parallel_loop3A_633 : vector<16xf32>
          %parallel_loop3A_635 = arith.index_cast %parallel_loop3A_562 : i32 to index
          %parallel_loop3A_636 = arith.constant 96 : index
          %parallel_loop3A_637 = tpu.vector_load %arg10[%parallel_loop3A_635, %parallel_loop3A_636] {strides = array<i32>} : memref<128x128xf32, #tpu.memory_space<vmem>>, vector<1x16xf32>,
          %parallel_loop3A_638 = vector.shape_cast %parallel_loop3A_637 : vector<1x16xf32> to vector<16xf32>
          %parallel_loop3A_639 = vector.shape_cast %parallel_loop3A_634 : vector<16xf32> to vector<1x16xf32>
          tpu.vector_store %arg10[%parallel_loop3A_635, %parallel_loop3A_636], %parallel_loop3A_639 {strides = array<i32>} : memref<128x128xf32, #tpu.memory_space<vmem>>, vector<1x16xf32>,
          %parallel_loop3A_640 = arith.index_cast %parallel_loop3A_562 : i32 to index
          %parallel_loop3A_641 = arith.constant 112 : index
          %parallel_loop3A_642 = tpu.vector_load %arg10[%parallel_loop3A_640, %parallel_loop3A_641] {strides = array<i32>} : memref<128x128xf32, #tpu.memory_space<vmem>>, vector<1x16xf32>,
          %parallel_loop3A_643 = vector.shape_cast %parallel_loop3A_642 : vector<1x16xf32> to vector<16xf32>
          %parallel_loop3A_644 = vector.broadcast %parallel_loop3A_558 : f32 to vector<16xf32>
          %parallel_loop3A_645 = arith.mulf %parallel_loop3A_643, %parallel_loop3A_644 : vector<16xf32>
          %parallel_loop3A_646 = arith.index_cast %parallel_loop3A_562 : i32 to index
          %parallel_loop3A_647 = arith.constant 112 : index
          %parallel_loop3A_648 = tpu.vector_load %arg10[%parallel_loop3A_646, %parallel_loop3A_647] {strides = array<i32>} : memref<128x128xf32, #tpu.memory_space<vmem>>, vector<1x16xf32>,
          %parallel_loop3A_649 = vector.shape_cast %parallel_loop3A_648 : vector<1x16xf32> to vector<16xf32>
          %parallel_loop3A_650 = vector.shape_cast %parallel_loop3A_645 : vector<16xf32> to vector<1x16xf32>
          tpu.vector_store %arg10[%parallel_loop3A_646, %parallel_loop3A_647], %parallel_loop3A_650 {strides = array<i32>} : memref<128x128xf32, #tpu.memory_space<vmem>>, vector<1x16xf32>,
          %parallel_loop3A_651 = vector.extract_strided_slice %parallel_loop3A_180 {offsets = [5], sizes = [1], strides = [1]} : vector<16xf32> to vector<1xf32>
          %parallel_loop3A_652 = vector.extract %parallel_loop3A_651[0] : f32 from vector<1xf32>
          %parallel_loop3A_653 = arith.constant 16 : i32
          %parallel_loop3A_654 = arith.muli %parallel_loop3A_174, %parallel_loop3A_653 : i32
          %parallel_loop3A_655 = arith.constant 5 : i32
          %parallel_loop3A_656 = arith.addi %parallel_loop3A_654, %parallel_loop3A_655 : i32
          %parallel_loop3A_657 = arith.index_cast %parallel_loop3A_656 : i32 to index
          %parallel_loop3A_658 = arith.constant 0 : index
          %parallel_loop3A_659 = tpu.vector_load %arg10[%parallel_loop3A_657, %parallel_loop3A_658] {strides = array<i32>} : memref<128x128xf32, #tpu.memory_space<vmem>>, vector<1x16xf32>,
          %parallel_loop3A_660 = vector.shape_cast %parallel_loop3A_659 : vector<1x16xf32> to vector<16xf32>
          %parallel_loop3A_661 = vector.broadcast %parallel_loop3A_652 : f32 to vector<16xf32>
          %parallel_loop3A_662 = arith.mulf %parallel_loop3A_660, %parallel_loop3A_661 : vector<16xf32>
          %parallel_loop3A_663 = arith.index_cast %parallel_loop3A_656 : i32 to index
          %parallel_loop3A_664 = arith.constant 0 : index
          %parallel_loop3A_665 = tpu.vector_load %arg10[%parallel_loop3A_663, %parallel_loop3A_664] {strides = array<i32>} : memref<128x128xf32, #tpu.memory_space<vmem>>, vector<1x16xf32>,
          %parallel_loop3A_666 = vector.shape_cast %parallel_loop3A_665 : vector<1x16xf32> to vector<16xf32>
          %parallel_loop3A_667 = vector.shape_cast %parallel_loop3A_662 : vector<16xf32> to vector<1x16xf32>
          tpu.vector_store %arg10[%parallel_loop3A_663, %parallel_loop3A_664], %parallel_loop3A_667 {strides = array<i32>} : memref<128x128xf32, #tpu.memory_space<vmem>>, vector<1x16xf32>,
          %parallel_loop3A_668 = arith.index_cast %parallel_loop3A_656 : i32 to index
          %parallel_loop3A_669 = arith.constant 16 : index
          %parallel_loop3A_670 = tpu.vector_load %arg10[%parallel_loop3A_668, %parallel_loop3A_669] {strides = array<i32>} : memref<128x128xf32, #tpu.memory_space<vmem>>, vector<1x16xf32>,
          %parallel_loop3A_671 = vector.shape_cast %parallel_loop3A_670 : vector<1x16xf32> to vector<16xf32>
          %parallel_loop3A_672 = vector.broadcast %parallel_loop3A_652 : f32 to vector<16xf32>
          %parallel_loop3A_673 = arith.mulf %parallel_loop3A_671, %parallel_loop3A_672 : vector<16xf32>
          %parallel_loop3A_674 = arith.index_cast %parallel_loop3A_656 : i32 to index
          %parallel_loop3A_675 = arith.constant 16 : index
          %parallel_loop3A_676 = tpu.vector_load %arg10[%parallel_loop3A_674, %parallel_loop3A_675] {strides = array<i32>} : memref<128x128xf32, #tpu.memory_space<vmem>>, vector<1x16xf32>,
          %parallel_loop3A_677 = vector.shape_cast %parallel_loop3A_676 : vector<1x16xf32> to vector<16xf32>
          %parallel_loop3A_678 = vector.shape_cast %parallel_loop3A_673 : vector<16xf32> to vector<1x16xf32>
          tpu.vector_store %arg10[%parallel_loop3A_674, %parallel_loop3A_675], %parallel_loop3A_678 {strides = array<i32>} : memref<128x128xf32, #tpu.memory_space<vmem>>, vector<1x16xf32>,
          %parallel_loop3A_679 = arith.index_cast %parallel_loop3A_656 : i32 to index
          %parallel_loop3A_680 = arith.constant 32 : index
          %parallel_loop3A_681 = tpu.vector_load %arg10[%parallel_loop3A_679, %parallel_loop3A_680] {strides = array<i32>} : memref<128x128xf32, #tpu.memory_space<vmem>>, vector<1x16xf32>,
          %parallel_loop3A_682 = vector.shape_cast %parallel_loop3A_681 : vector<1x16xf32> to vector<16xf32>
          %parallel_loop3A_683 = vector.broadcast %parallel_loop3A_652 : f32 to vector<16xf32>
          %parallel_loop3A_684 = arith.mulf %parallel_loop3A_682, %parallel_loop3A_683 : vector<16xf32>
          %parallel_loop3A_685 = arith.index_cast %parallel_loop3A_656 : i32 to index
          %parallel_loop3A_686 = arith.constant 32 : index
          %parallel_loop3A_687 = tpu.vector_load %arg10[%parallel_loop3A_685, %parallel_loop3A_686] {strides = array<i32>} : memref<128x128xf32, #tpu.memory_space<vmem>>, vector<1x16xf32>,
          %parallel_loop3A_688 = vector.shape_cast %parallel_loop3A_687 : vector<1x16xf32> to vector<16xf32>
          %parallel_loop3A_689 = vector.shape_cast %parallel_loop3A_684 : vector<16xf32> to vector<1x16xf32>
          tpu.vector_store %arg10[%parallel_loop3A_685, %parallel_loop3A_686], %parallel_loop3A_689 {strides = array<i32>} : memref<128x128xf32, #tpu.memory_space<vmem>>, vector<1x16xf32>,
          %parallel_loop3A_690 = arith.index_cast %parallel_loop3A_656 : i32 to index
          %parallel_loop3A_691 = arith.constant 48 : index
          %parallel_loop3A_692 = tpu.vector_load %arg10[%parallel_loop3A_690, %parallel_loop3A_691] {strides = array<i32>} : memref<128x128xf32, #tpu.memory_space<vmem>>, vector<1x16xf32>,
          %parallel_loop3A_693 = vector.shape_cast %parallel_loop3A_692 : vector<1x16xf32> to vector<16xf32>
          %parallel_loop3A_694 = vector.broadcast %parallel_loop3A_652 : f32 to vector<16xf32>
          %parallel_loop3A_695 = arith.mulf %parallel_loop3A_693, %parallel_loop3A_694 : vector<16xf32>
          %parallel_loop3A_696 = arith.index_cast %parallel_loop3A_656 : i32 to index
          %parallel_loop3A_697 = arith.constant 48 : index
          %parallel_loop3A_698 = tpu.vector_load %arg10[%parallel_loop3A_696, %parallel_loop3A_697] {strides = array<i32>} : memref<128x128xf32, #tpu.memory_space<vmem>>, vector<1x16xf32>,
          %parallel_loop3A_699 = vector.shape_cast %parallel_loop3A_698 : vector<1x16xf32> to vector<16xf32>
          %parallel_loop3A_700 = vector.shape_cast %parallel_loop3A_695 : vector<16xf32> to vector<1x16xf32>
          tpu.vector_store %arg10[%parallel_loop3A_696, %parallel_loop3A_697], %parallel_loop3A_700 {strides = array<i32>} : memref<128x128xf32, #tpu.memory_space<vmem>>, vector<1x16xf32>,
          %parallel_loop3A_701 = arith.index_cast %parallel_loop3A_656 : i32 to index
          %parallel_loop3A_702 = arith.constant 64 : index
          %parallel_loop3A_703 = tpu.vector_load %arg10[%parallel_loop3A_701, %parallel_loop3A_702] {strides = array<i32>} : memref<128x128xf32, #tpu.memory_space<vmem>>, vector<1x16xf32>,
          %parallel_loop3A_704 = vector.shape_cast %parallel_loop3A_703 : vector<1x16xf32> to vector<16xf32>
          %parallel_loop3A_705 = vector.broadcast %parallel_loop3A_652 : f32 to vector<16xf32>
          %parallel_loop3A_706 = arith.mulf %parallel_loop3A_704, %parallel_loop3A_705 : vector<16xf32>
          %parallel_loop3A_707 = arith.index_cast %parallel_loop3A_656 : i32 to index
          %parallel_loop3A_708 = arith.constant 64 : index
          %parallel_loop3A_709 = tpu.vector_load %arg10[%parallel_loop3A_707, %parallel_loop3A_708] {strides = array<i32>} : memref<128x128xf32, #tpu.memory_space<vmem>>, vector<1x16xf32>,
          %parallel_loop3A_710 = vector.shape_cast %parallel_loop3A_709 : vector<1x16xf32> to vector<16xf32>
          %parallel_loop3A_711 = vector.shape_cast %parallel_loop3A_706 : vector<16xf32> to vector<1x16xf32>
          tpu.vector_store %arg10[%parallel_loop3A_707, %parallel_loop3A_708], %parallel_loop3A_711 {strides = array<i32>} : memref<128x128xf32, #tpu.memory_space<vmem>>, vector<1x16xf32>,
          %parallel_loop3A_712 = arith.index_cast %parallel_loop3A_656 : i32 to index
          %parallel_loop3A_713 = arith.constant 80 : index
          %parallel_loop3A_714 = tpu.vector_load %arg10[%parallel_loop3A_712, %parallel_loop3A_713] {strides = array<i32>} : memref<128x128xf32, #tpu.memory_space<vmem>>, vector<1x16xf32>,
          %parallel_loop3A_715 = vector.shape_cast %parallel_loop3A_714 : vector<1x16xf32> to vector<16xf32>
          %parallel_loop3A_716 = vector.broadcast %parallel_loop3A_652 : f32 to vector<16xf32>
          %parallel_loop3A_717 = arith.mulf %parallel_loop3A_715, %parallel_loop3A_716 : vector<16xf32>
          %parallel_loop3A_718 = arith.index_cast %parallel_loop3A_656 : i32 to index
          %parallel_loop3A_719 = arith.constant 80 : index
          %parallel_loop3A_720 = tpu.vector_load %arg10[%parallel_loop3A_718, %parallel_loop3A_719] {strides = array<i32>} : memref<128x128xf32, #tpu.memory_space<vmem>>, vector<1x16xf32>,
          %parallel_loop3A_721 = vector.shape_cast %parallel_loop3A_720 : vector<1x16xf32> to vector<16xf32>
          %parallel_loop3A_722 = vector.shape_cast %parallel_loop3A_717 : vector<16xf32> to vector<1x16xf32>
          tpu.vector_store %arg10[%parallel_loop3A_718, %parallel_loop3A_719], %parallel_loop3A_722 {strides = array<i32>} : memref<128x128xf32, #tpu.memory_space<vmem>>, vector<1x16xf32>,
          %parallel_loop3A_723 = arith.index_cast %parallel_loop3A_656 : i32 to index
          %parallel_loop3A_724 = arith.constant 96 : index
          %parallel_loop3A_725 = tpu.vector_load %arg10[%parallel_loop3A_723, %parallel_loop3A_724] {strides = array<i32>} : memref<128x128xf32, #tpu.memory_space<vmem>>, vector<1x16xf32>,
          %parallel_loop3A_726 = vector.shape_cast %parallel_loop3A_725 : vector<1x16xf32> to vector<16xf32>
          %parallel_loop3A_727 = vector.broadcast %parallel_loop3A_652 : f32 to vector<16xf32>
          %parallel_loop3A_728 = arith.mulf %parallel_loop3A_726, %parallel_loop3A_727 : vector<16xf32>
          %parallel_loop3A_729 = arith.index_cast %parallel_loop3A_656 : i32 to index
          %parallel_loop3A_730 = arith.constant 96 : index
          %parallel_loop3A_731 = tpu.vector_load %arg10[%parallel_loop3A_729, %parallel_loop3A_730] {strides = array<i32>} : memref<128x128xf32, #tpu.memory_space<vmem>>, vector<1x16xf32>,
          %parallel_loop3A_732 = vector.shape_cast %parallel_loop3A_731 : vector<1x16xf32> to vector<16xf32>
          %parallel_loop3A_733 = vector.shape_cast %parallel_loop3A_728 : vector<16xf32> to vector<1x16xf32>
          tpu.vector_store %arg10[%parallel_loop3A_729, %parallel_loop3A_730], %parallel_loop3A_733 {strides = array<i32>} : memref<128x128xf32, #tpu.memory_space<vmem>>, vector<1x16xf32>,
          %parallel_loop3A_734 = arith.index_cast %parallel_loop3A_656 : i32 to index
          %parallel_loop3A_735 = arith.constant 112 : index
          %parallel_loop3A_736 = tpu.vector_load %arg10[%parallel_loop3A_734, %parallel_loop3A_735] {strides = array<i32>} : memref<128x128xf32, #tpu.memory_space<vmem>>, vector<1x16xf32>,
          %parallel_loop3A_737 = vector.shape_cast %parallel_loop3A_736 : vector<1x16xf32> to vector<16xf32>
          %parallel_loop3A_738 = vector.broadcast %parallel_loop3A_652 : f32 to vector<16xf32>
          %parallel_loop3A_739 = arith.mulf %parallel_loop3A_737, %parallel_loop3A_738 : vector<16xf32>
          %parallel_loop3A_740 = arith.index_cast %parallel_loop3A_656 : i32 to index
          %parallel_loop3A_741 = arith.constant 112 : index
          %parallel_loop3A_742 = tpu.vector_load %arg10[%parallel_loop3A_740, %parallel_loop3A_741] {strides = array<i32>} : memref<128x128xf32, #tpu.memory_space<vmem>>, vector<1x16xf32>,
          %parallel_loop3A_743 = vector.shape_cast %parallel_loop3A_742 : vector<1x16xf32> to vector<16xf32>
          %parallel_loop3A_744 = vector.shape_cast %parallel_loop3A_739 : vector<16xf32> to vector<1x16xf32>
          tpu.vector_store %arg10[%parallel_loop3A_740, %parallel_loop3A_741], %parallel_loop3A_744 {strides = array<i32>} : memref<128x128xf32, #tpu.memory_space<vmem>>, vector<1x16xf32>,
          %parallel_loop3A_745 = vector.extract_strided_slice %parallel_loop3A_180 {offsets = [6], sizes = [1], strides = [1]} : vector<16xf32> to vector<1xf32>
          %parallel_loop3A_746 = vector.extract %parallel_loop3A_745[0] : f32 from vector<1xf32>
          %parallel_loop3A_747 = arith.constant 16 : i32
          %parallel_loop3A_748 = arith.muli %parallel_loop3A_174, %parallel_loop3A_747 : i32
          %parallel_loop3A_749 = arith.constant 6 : i32
          %parallel_loop3A_750 = arith.addi %parallel_loop3A_748, %parallel_loop3A_749 : i32
          %parallel_loop3A_751 = arith.index_cast %parallel_loop3A_750 : i32 to index
          %parallel_loop3A_752 = arith.constant 0 : index
          %parallel_loop3A_753 = tpu.vector_load %arg10[%parallel_loop3A_751, %parallel_loop3A_752] {strides = array<i32>} : memref<128x128xf32, #tpu.memory_space<vmem>>, vector<1x16xf32>,
          %parallel_loop3A_754 = vector.shape_cast %parallel_loop3A_753 : vector<1x16xf32> to vector<16xf32>
          %parallel_loop3A_755 = vector.broadcast %parallel_loop3A_746 : f32 to vector<16xf32>
          %parallel_loop3A_756 = arith.mulf %parallel_loop3A_754, %parallel_loop3A_755 : vector<16xf32>
          %parallel_loop3A_757 = arith.index_cast %parallel_loop3A_750 : i32 to index
          %parallel_loop3A_758 = arith.constant 0 : index
          %parallel_loop3A_759 = tpu.vector_load %arg10[%parallel_loop3A_757, %parallel_loop3A_758] {strides = array<i32>} : memref<128x128xf32, #tpu.memory_space<vmem>>, vector<1x16xf32>,
          %parallel_loop3A_760 = vector.shape_cast %parallel_loop3A_759 : vector<1x16xf32> to vector<16xf32>
          %parallel_loop3A_761 = vector.shape_cast %parallel_loop3A_756 : vector<16xf32> to vector<1x16xf32>
          tpu.vector_store %arg10[%parallel_loop3A_757, %parallel_loop3A_758], %parallel_loop3A_761 {strides = array<i32>} : memref<128x128xf32, #tpu.memory_space<vmem>>, vector<1x16xf32>,
          %parallel_loop3A_762 = arith.index_cast %parallel_loop3A_750 : i32 to index
          %parallel_loop3A_763 = arith.constant 16 : index
          %parallel_loop3A_764 = tpu.vector_load %arg10[%parallel_loop3A_762, %parallel_loop3A_763] {strides = array<i32>} : memref<128x128xf32, #tpu.memory_space<vmem>>, vector<1x16xf32>,
          %parallel_loop3A_765 = vector.shape_cast %parallel_loop3A_764 : vector<1x16xf32> to vector<16xf32>
          %parallel_loop3A_766 = vector.broadcast %parallel_loop3A_746 : f32 to vector<16xf32>
          %parallel_loop3A_767 = arith.mulf %parallel_loop3A_765, %parallel_loop3A_766 : vector<16xf32>
          %parallel_loop3A_768 = arith.index_cast %parallel_loop3A_750 : i32 to index
          %parallel_loop3A_769 = arith.constant 16 : index
          %parallel_loop3A_770 = tpu.vector_load %arg10[%parallel_loop3A_768, %parallel_loop3A_769] {strides = array<i32>} : memref<128x128xf32, #tpu.memory_space<vmem>>, vector<1x16xf32>,
          %parallel_loop3A_771 = vector.shape_cast %parallel_loop3A_770 : vector<1x16xf32> to vector<16xf32>
          %parallel_loop3A_772 = vector.shape_cast %parallel_loop3A_767 : vector<16xf32> to vector<1x16xf32>
          tpu.vector_store %arg10[%parallel_loop3A_768, %parallel_loop3A_769], %parallel_loop3A_772 {strides = array<i32>} : memref<128x128xf32, #tpu.memory_space<vmem>>, vector<1x16xf32>,
          %parallel_loop3A_773 = arith.index_cast %parallel_loop3A_750 : i32 to index
          %parallel_loop3A_774 = arith.constant 32 : index
          %parallel_loop3A_775 = tpu.vector_load %arg10[%parallel_loop3A_773, %parallel_loop3A_774] {strides = array<i32>} : memref<128x128xf32, #tpu.memory_space<vmem>>, vector<1x16xf32>,
          %parallel_loop3A_776 = vector.shape_cast %parallel_loop3A_775 : vector<1x16xf32> to vector<16xf32>
          %parallel_loop3A_777 = vector.broadcast %parallel_loop3A_746 : f32 to vector<16xf32>
          %parallel_loop3A_778 = arith.mulf %parallel_loop3A_776, %parallel_loop3A_777 : vector<16xf32>
          %parallel_loop3A_779 = arith.index_cast %parallel_loop3A_750 : i32 to index
          %parallel_loop3A_780 = arith.constant 32 : index
          %parallel_loop3A_781 = tpu.vector_load %arg10[%parallel_loop3A_779, %parallel_loop3A_780] {strides = array<i32>} : memref<128x128xf32, #tpu.memory_space<vmem>>, vector<1x16xf32>,
          %parallel_loop3A_782 = vector.shape_cast %parallel_loop3A_781 : vector<1x16xf32> to vector<16xf32>
          %parallel_loop3A_783 = vector.shape_cast %parallel_loop3A_778 : vector<16xf32> to vector<1x16xf32>
          tpu.vector_store %arg10[%parallel_loop3A_779, %parallel_loop3A_780], %parallel_loop3A_783 {strides = array<i32>} : memref<128x128xf32, #tpu.memory_space<vmem>>, vector<1x16xf32>,
          %parallel_loop3A_784 = arith.index_cast %parallel_loop3A_750 : i32 to index
          %parallel_loop3A_785 = arith.constant 48 : index
          %parallel_loop3A_786 = tpu.vector_load %arg10[%parallel_loop3A_784, %parallel_loop3A_785] {strides = array<i32>} : memref<128x128xf32, #tpu.memory_space<vmem>>, vector<1x16xf32>,
          %parallel_loop3A_787 = vector.shape_cast %parallel_loop3A_786 : vector<1x16xf32> to vector<16xf32>
          %parallel_loop3A_788 = vector.broadcast %parallel_loop3A_746 : f32 to vector<16xf32>
          %parallel_loop3A_789 = arith.mulf %parallel_loop3A_787, %parallel_loop3A_788 : vector<16xf32>
          %parallel_loop3A_790 = arith.index_cast %parallel_loop3A_750 : i32 to index
          %parallel_loop3A_791 = arith.constant 48 : index
          %parallel_loop3A_792 = tpu.vector_load %arg10[%parallel_loop3A_790, %parallel_loop3A_791] {strides = array<i32>} : memref<128x128xf32, #tpu.memory_space<vmem>>, vector<1x16xf32>,
          %parallel_loop3A_793 = vector.shape_cast %parallel_loop3A_792 : vector<1x16xf32> to vector<16xf32>
          %parallel_loop3A_794 = vector.shape_cast %parallel_loop3A_789 : vector<16xf32> to vector<1x16xf32>
          tpu.vector_store %arg10[%parallel_loop3A_790, %parallel_loop3A_791], %parallel_loop3A_794 {strides = array<i32>} : memref<128x128xf32, #tpu.memory_space<vmem>>, vector<1x16xf32>,
          %parallel_loop3A_795 = arith.index_cast %parallel_loop3A_750 : i32 to index
          %parallel_loop3A_796 = arith.constant 64 : index
          %parallel_loop3A_797 = tpu.vector_load %arg10[%parallel_loop3A_795, %parallel_loop3A_796] {strides = array<i32>} : memref<128x128xf32, #tpu.memory_space<vmem>>, vector<1x16xf32>,
          %parallel_loop3A_798 = vector.shape_cast %parallel_loop3A_797 : vector<1x16xf32> to vector<16xf32>
          %parallel_loop3A_799 = vector.broadcast %parallel_loop3A_746 : f32 to vector<16xf32>
          %parallel_loop3A_800 = arith.mulf %parallel_loop3A_798, %parallel_loop3A_799 : vector<16xf32>
          %parallel_loop3A_801 = arith.index_cast %parallel_loop3A_750 : i32 to index
          %parallel_loop3A_802 = arith.constant 64 : index
          %parallel_loop3A_803 = tpu.vector_load %arg10[%parallel_loop3A_801, %parallel_loop3A_802] {strides = array<i32>} : memref<128x128xf32, #tpu.memory_space<vmem>>, vector<1x16xf32>,
          %parallel_loop3A_804 = vector.shape_cast %parallel_loop3A_803 : vector<1x16xf32> to vector<16xf32>
          %parallel_loop3A_805 = vector.shape_cast %parallel_loop3A_800 : vector<16xf32> to vector<1x16xf32>
          tpu.vector_store %arg10[%parallel_loop3A_801, %parallel_loop3A_802], %parallel_loop3A_805 {strides = array<i32>} : memref<128x128xf32, #tpu.memory_space<vmem>>, vector<1x16xf32>,
          %parallel_loop3A_806 = arith.index_cast %parallel_loop3A_750 : i32 to index
          %parallel_loop3A_807 = arith.constant 80 : index
          %parallel_loop3A_808 = tpu.vector_load %arg10[%parallel_loop3A_806, %parallel_loop3A_807] {strides = array<i32>} : memref<128x128xf32, #tpu.memory_space<vmem>>, vector<1x16xf32>,
          %parallel_loop3A_809 = vector.shape_cast %parallel_loop3A_808 : vector<1x16xf32> to vector<16xf32>
          %parallel_loop3A_810 = vector.broadcast %parallel_loop3A_746 : f32 to vector<16xf32>
          %parallel_loop3A_811 = arith.mulf %parallel_loop3A_809, %parallel_loop3A_810 : vector<16xf32>
          %parallel_loop3A_812 = arith.index_cast %parallel_loop3A_750 : i32 to index
          %parallel_loop3A_813 = arith.constant 80 : index
          %parallel_loop3A_814 = tpu.vector_load %arg10[%parallel_loop3A_812, %parallel_loop3A_813] {strides = array<i32>} : memref<128x128xf32, #tpu.memory_space<vmem>>, vector<1x16xf32>,
          %parallel_loop3A_815 = vector.shape_cast %parallel_loop3A_814 : vector<1x16xf32> to vector<16xf32>
          %parallel_loop3A_816 = vector.shape_cast %parallel_loop3A_811 : vector<16xf32> to vector<1x16xf32>
          tpu.vector_store %arg10[%parallel_loop3A_812, %parallel_loop3A_813], %parallel_loop3A_816 {strides = array<i32>} : memref<128x128xf32, #tpu.memory_space<vmem>>, vector<1x16xf32>,
          %parallel_loop3A_817 = arith.index_cast %parallel_loop3A_750 : i32 to index
          %parallel_loop3A_818 = arith.constant 96 : index
          %parallel_loop3A_819 = tpu.vector_load %arg10[%parallel_loop3A_817, %parallel_loop3A_818] {strides = array<i32>} : memref<128x128xf32, #tpu.memory_space<vmem>>, vector<1x16xf32>,
          %parallel_loop3A_820 = vector.shape_cast %parallel_loop3A_819 : vector<1x16xf32> to vector<16xf32>
          %parallel_loop3A_821 = vector.broadcast %parallel_loop3A_746 : f32 to vector<16xf32>
          %parallel_loop3A_822 = arith.mulf %parallel_loop3A_820, %parallel_loop3A_821 : vector<16xf32>
          %parallel_loop3A_823 = arith.index_cast %parallel_loop3A_750 : i32 to index
          %parallel_loop3A_824 = arith.constant 96 : index
          %parallel_loop3A_825 = tpu.vector_load %arg10[%parallel_loop3A_823, %parallel_loop3A_824] {strides = array<i32>} : memref<128x128xf32, #tpu.memory_space<vmem>>, vector<1x16xf32>,
          %parallel_loop3A_826 = vector.shape_cast %parallel_loop3A_825 : vector<1x16xf32> to vector<16xf32>
          %parallel_loop3A_827 = vector.shape_cast %parallel_loop3A_822 : vector<16xf32> to vector<1x16xf32>
          tpu.vector_store %arg10[%parallel_loop3A_823, %parallel_loop3A_824], %parallel_loop3A_827 {strides = array<i32>} : memref<128x128xf32, #tpu.memory_space<vmem>>, vector<1x16xf32>,
          %parallel_loop3A_828 = arith.index_cast %parallel_loop3A_750 : i32 to index
          %parallel_loop3A_829 = arith.constant 112 : index
          %parallel_loop3A_830 = tpu.vector_load %arg10[%parallel_loop3A_828, %parallel_loop3A_829] {strides = array<i32>} : memref<128x128xf32, #tpu.memory_space<vmem>>, vector<1x16xf32>,
          %parallel_loop3A_831 = vector.shape_cast %parallel_loop3A_830 : vector<1x16xf32> to vector<16xf32>
          %parallel_loop3A_832 = vector.broadcast %parallel_loop3A_746 : f32 to vector<16xf32>
          %parallel_loop3A_833 = arith.mulf %parallel_loop3A_831, %parallel_loop3A_832 : vector<16xf32>
          %parallel_loop3A_834 = arith.index_cast %parallel_loop3A_750 : i32 to index
          %parallel_loop3A_835 = arith.constant 112 : index
          %parallel_loop3A_836 = tpu.vector_load %arg10[%parallel_loop3A_834, %parallel_loop3A_835] {strides = array<i32>} : memref<128x128xf32, #tpu.memory_space<vmem>>, vector<1x16xf32>,
          %parallel_loop3A_837 = vector.shape_cast %parallel_loop3A_836 : vector<1x16xf32> to vector<16xf32>
          %parallel_loop3A_838 = vector.shape_cast %parallel_loop3A_833 : vector<16xf32> to vector<1x16xf32>
          tpu.vector_store %arg10[%parallel_loop3A_834, %parallel_loop3A_835], %parallel_loop3A_838 {strides = array<i32>} : memref<128x128xf32, #tpu.memory_space<vmem>>, vector<1x16xf32>,
          %parallel_loop3A_839 = vector.extract_strided_slice %parallel_loop3A_180 {offsets = [7], sizes = [1], strides = [1]} : vector<16xf32> to vector<1xf32>
          %parallel_loop3A_840 = vector.extract %parallel_loop3A_839[0] : f32 from vector<1xf32>
          %parallel_loop3A_841 = arith.constant 16 : i32
          %parallel_loop3A_842 = arith.muli %parallel_loop3A_174, %parallel_loop3A_841 : i32
          %parallel_loop3A_843 = arith.constant 7 : i32
          %parallel_loop3A_844 = arith.addi %parallel_loop3A_842, %parallel_loop3A_843 : i32
          %parallel_loop3A_845 = arith.index_cast %parallel_loop3A_844 : i32 to index
          %parallel_loop3A_846 = arith.constant 0 : index
          %parallel_loop3A_847 = tpu.vector_load %arg10[%parallel_loop3A_845, %parallel_loop3A_846] {strides = array<i32>} : memref<128x128xf32, #tpu.memory_space<vmem>>, vector<1x16xf32>,
          %parallel_loop3A_848 = vector.shape_cast %parallel_loop3A_847 : vector<1x16xf32> to vector<16xf32>
          %parallel_loop3A_849 = vector.broadcast %parallel_loop3A_840 : f32 to vector<16xf32>
          %parallel_loop3A_850 = arith.mulf %parallel_loop3A_848, %parallel_loop3A_849 : vector<16xf32>
          %parallel_loop3A_851 = arith.index_cast %parallel_loop3A_844 : i32 to index
          %parallel_loop3A_852 = arith.constant 0 : index
          %parallel_loop3A_853 = tpu.vector_load %arg10[%parallel_loop3A_851, %parallel_loop3A_852] {strides = array<i32>} : memref<128x128xf32, #tpu.memory_space<vmem>>, vector<1x16xf32>,
          %parallel_loop3A_854 = vector.shape_cast %parallel_loop3A_853 : vector<1x16xf32> to vector<16xf32>
          %parallel_loop3A_855 = vector.shape_cast %parallel_loop3A_850 : vector<16xf32> to vector<1x16xf32>
          tpu.vector_store %arg10[%parallel_loop3A_851, %parallel_loop3A_852], %parallel_loop3A_855 {strides = array<i32>} : memref<128x128xf32, #tpu.memory_space<vmem>>, vector<1x16xf32>,
          %parallel_loop3A_856 = arith.index_cast %parallel_loop3A_844 : i32 to index
          %parallel_loop3A_857 = arith.constant 16 : index
          %parallel_loop3A_858 = tpu.vector_load %arg10[%parallel_loop3A_856, %parallel_loop3A_857] {strides = array<i32>} : memref<128x128xf32, #tpu.memory_space<vmem>>, vector<1x16xf32>,
          %parallel_loop3A_859 = vector.shape_cast %parallel_loop3A_858 : vector<1x16xf32> to vector<16xf32>
          %parallel_loop3A_860 = vector.broadcast %parallel_loop3A_840 : f32 to vector<16xf32>
          %parallel_loop3A_861 = arith.mulf %parallel_loop3A_859, %parallel_loop3A_860 : vector<16xf32>
          %parallel_loop3A_862 = arith.index_cast %parallel_loop3A_844 : i32 to index
          %parallel_loop3A_863 = arith.constant 16 : index
          %parallel_loop3A_864 = tpu.vector_load %arg10[%parallel_loop3A_862, %parallel_loop3A_863] {strides = array<i32>} : memref<128x128xf32, #tpu.memory_space<vmem>>, vector<1x16xf32>,
          %parallel_loop3A_865 = vector.shape_cast %parallel_loop3A_864 : vector<1x16xf32> to vector<16xf32>
          %parallel_loop3A_866 = vector.shape_cast %parallel_loop3A_861 : vector<16xf32> to vector<1x16xf32>
          tpu.vector_store %arg10[%parallel_loop3A_862, %parallel_loop3A_863], %parallel_loop3A_866 {strides = array<i32>} : memref<128x128xf32, #tpu.memory_space<vmem>>, vector<1x16xf32>,
          %parallel_loop3A_867 = arith.index_cast %parallel_loop3A_844 : i32 to index
          %parallel_loop3A_868 = arith.constant 32 : index
          %parallel_loop3A_869 = tpu.vector_load %arg10[%parallel_loop3A_867, %parallel_loop3A_868] {strides = array<i32>} : memref<128x128xf32, #tpu.memory_space<vmem>>, vector<1x16xf32>,
          %parallel_loop3A_870 = vector.shape_cast %parallel_loop3A_869 : vector<1x16xf32> to vector<16xf32>
          %parallel_loop3A_871 = vector.broadcast %parallel_loop3A_840 : f32 to vector<16xf32>
          %parallel_loop3A_872 = arith.mulf %parallel_loop3A_870, %parallel_loop3A_871 : vector<16xf32>
          %parallel_loop3A_873 = arith.index_cast %parallel_loop3A_844 : i32 to index
          %parallel_loop3A_874 = arith.constant 32 : index
          %parallel_loop3A_875 = tpu.vector_load %arg10[%parallel_loop3A_873, %parallel_loop3A_874] {strides = array<i32>} : memref<128x128xf32, #tpu.memory_space<vmem>>, vector<1x16xf32>,
          %parallel_loop3A_876 = vector.shape_cast %parallel_loop3A_875 : vector<1x16xf32> to vector<16xf32>
          %parallel_loop3A_877 = vector.shape_cast %parallel_loop3A_872 : vector<16xf32> to vector<1x16xf32>
          tpu.vector_store %arg10[%parallel_loop3A_873, %parallel_loop3A_874], %parallel_loop3A_877 {strides = array<i32>} : memref<128x128xf32, #tpu.memory_space<vmem>>, vector<1x16xf32>,
          %parallel_loop3A_878 = arith.index_cast %parallel_loop3A_844 : i32 to index
          %parallel_loop3A_879 = arith.constant 48 : index
          %parallel_loop3A_880 = tpu.vector_load %arg10[%parallel_loop3A_878, %parallel_loop3A_879] {strides = array<i32>} : memref<128x128xf32, #tpu.memory_space<vmem>>, vector<1x16xf32>,
          %parallel_loop3A_881 = vector.shape_cast %parallel_loop3A_880 : vector<1x16xf32> to vector<16xf32>
          %parallel_loop3A_882 = vector.broadcast %parallel_loop3A_840 : f32 to vector<16xf32>
          %parallel_loop3A_883 = arith.mulf %parallel_loop3A_881, %parallel_loop3A_882 : vector<16xf32>
          %parallel_loop3A_884 = arith.index_cast %parallel_loop3A_844 : i32 to index
          %parallel_loop3A_885 = arith.constant 48 : index
          %parallel_loop3A_886 = tpu.vector_load %arg10[%parallel_loop3A_884, %parallel_loop3A_885] {strides = array<i32>} : memref<128x128xf32, #tpu.memory_space<vmem>>, vector<1x16xf32>,
          %parallel_loop3A_887 = vector.shape_cast %parallel_loop3A_886 : vector<1x16xf32> to vector<16xf32>
          %parallel_loop3A_888 = vector.shape_cast %parallel_loop3A_883 : vector<16xf32> to vector<1x16xf32>
          tpu.vector_store %arg10[%parallel_loop3A_884, %parallel_loop3A_885], %parallel_loop3A_888 {strides = array<i32>} : memref<128x128xf32, #tpu.memory_space<vmem>>, vector<1x16xf32>,
          %parallel_loop3A_889 = arith.index_cast %parallel_loop3A_844 : i32 to index
          %parallel_loop3A_890 = arith.constant 64 : index
          %parallel_loop3A_891 = tpu.vector_load %arg10[%parallel_loop3A_889, %parallel_loop3A_890] {strides = array<i32>} : memref<128x128xf32, #tpu.memory_space<vmem>>, vector<1x16xf32>,
          %parallel_loop3A_892 = vector.shape_cast %parallel_loop3A_891 : vector<1x16xf32> to vector<16xf32>
          %parallel_loop3A_893 = vector.broadcast %parallel_loop3A_840 : f32 to vector<16xf32>
          %parallel_loop3A_894 = arith.mulf %parallel_loop3A_892, %parallel_loop3A_893 : vector<16xf32>
          %parallel_loop3A_895 = arith.index_cast %parallel_loop3A_844 : i32 to index
          %parallel_loop3A_896 = arith.constant 64 : index
          %parallel_loop3A_897 = tpu.vector_load %arg10[%parallel_loop3A_895, %parallel_loop3A_896] {strides = array<i32>} : memref<128x128xf32, #tpu.memory_space<vmem>>, vector<1x16xf32>,
          %parallel_loop3A_898 = vector.shape_cast %parallel_loop3A_897 : vector<1x16xf32> to vector<16xf32>
          %parallel_loop3A_899 = vector.shape_cast %parallel_loop3A_894 : vector<16xf32> to vector<1x16xf32>
          tpu.vector_store %arg10[%parallel_loop3A_895, %parallel_loop3A_896], %parallel_loop3A_899 {strides = array<i32>} : memref<128x128xf32, #tpu.memory_space<vmem>>, vector<1x16xf32>,
          %parallel_loop3A_900 = arith.index_cast %parallel_loop3A_844 : i32 to index
          %parallel_loop3A_901 = arith.constant 80 : index
          %parallel_loop3A_902 = tpu.vector_load %arg10[%parallel_loop3A_900, %parallel_loop3A_901] {strides = array<i32>} : memref<128x128xf32, #tpu.memory_space<vmem>>, vector<1x16xf32>,
          %parallel_loop3A_903 = vector.shape_cast %parallel_loop3A_902 : vector<1x16xf32> to vector<16xf32>
          %parallel_loop3A_904 = vector.broadcast %parallel_loop3A_840 : f32 to vector<16xf32>
          %parallel_loop3A_905 = arith.mulf %parallel_loop3A_903, %parallel_loop3A_904 : vector<16xf32>
          %parallel_loop3A_906 = arith.index_cast %parallel_loop3A_844 : i32 to index
          %parallel_loop3A_907 = arith.constant 80 : index
          %parallel_loop3A_908 = tpu.vector_load %arg10[%parallel_loop3A_906, %parallel_loop3A_907] {strides = array<i32>} : memref<128x128xf32, #tpu.memory_space<vmem>>, vector<1x16xf32>,
          %parallel_loop3A_909 = vector.shape_cast %parallel_loop3A_908 : vector<1x16xf32> to vector<16xf32>
          %parallel_loop3A_910 = vector.shape_cast %parallel_loop3A_905 : vector<16xf32> to vector<1x16xf32>
          tpu.vector_store %arg10[%parallel_loop3A_906, %parallel_loop3A_907], %parallel_loop3A_910 {strides = array<i32>} : memref<128x128xf32, #tpu.memory_space<vmem>>, vector<1x16xf32>,
          %parallel_loop3A_911 = arith.index_cast %parallel_loop3A_844 : i32 to index
          %parallel_loop3A_912 = arith.constant 96 : index
          %parallel_loop3A_913 = tpu.vector_load %arg10[%parallel_loop3A_911, %parallel_loop3A_912] {strides = array<i32>} : memref<128x128xf32, #tpu.memory_space<vmem>>, vector<1x16xf32>,
          %parallel_loop3A_914 = vector.shape_cast %parallel_loop3A_913 : vector<1x16xf32> to vector<16xf32>
          %parallel_loop3A_915 = vector.broadcast %parallel_loop3A_840 : f32 to vector<16xf32>
          %parallel_loop3A_916 = arith.mulf %parallel_loop3A_914, %parallel_loop3A_915 : vector<16xf32>
          %parallel_loop3A_917 = arith.index_cast %parallel_loop3A_844 : i32 to index
          %parallel_loop3A_918 = arith.constant 96 : index
          %parallel_loop3A_919 = tpu.vector_load %arg10[%parallel_loop3A_917, %parallel_loop3A_918] {strides = array<i32>} : memref<128x128xf32, #tpu.memory_space<vmem>>, vector<1x16xf32>,
          %parallel_loop3A_920 = vector.shape_cast %parallel_loop3A_919 : vector<1x16xf32> to vector<16xf32>
          %parallel_loop3A_921 = vector.shape_cast %parallel_loop3A_916 : vector<16xf32> to vector<1x16xf32>
          tpu.vector_store %arg10[%parallel_loop3A_917, %parallel_loop3A_918], %parallel_loop3A_921 {strides = array<i32>} : memref<128x128xf32, #tpu.memory_space<vmem>>, vector<1x16xf32>,
          %parallel_loop3A_922 = arith.index_cast %parallel_loop3A_844 : i32 to index
          %parallel_loop3A_923 = arith.constant 112 : index
          %parallel_loop3A_924 = tpu.vector_load %arg10[%parallel_loop3A_922, %parallel_loop3A_923] {strides = array<i32>} : memref<128x128xf32, #tpu.memory_space<vmem>>, vector<1x16xf32>,
          %parallel_loop3A_925 = vector.shape_cast %parallel_loop3A_924 : vector<1x16xf32> to vector<16xf32>
          %parallel_loop3A_926 = vector.broadcast %parallel_loop3A_840 : f32 to vector<16xf32>
          %parallel_loop3A_927 = arith.mulf %parallel_loop3A_925, %parallel_loop3A_926 : vector<16xf32>
          %parallel_loop3A_928 = arith.index_cast %parallel_loop3A_844 : i32 to index
          %parallel_loop3A_929 = arith.constant 112 : index
          %parallel_loop3A_930 = tpu.vector_load %arg10[%parallel_loop3A_928, %parallel_loop3A_929] {strides = array<i32>} : memref<128x128xf32, #tpu.memory_space<vmem>>, vector<1x16xf32>,
          %parallel_loop3A_931 = vector.shape_cast %parallel_loop3A_930 : vector<1x16xf32> to vector<16xf32>
          %parallel_loop3A_932 = vector.shape_cast %parallel_loop3A_927 : vector<16xf32> to vector<1x16xf32>
          tpu.vector_store %arg10[%parallel_loop3A_928, %parallel_loop3A_929], %parallel_loop3A_932 {strides = array<i32>} : memref<128x128xf32, #tpu.memory_space<vmem>>, vector<1x16xf32>,
          %parallel_loop3A_933 = vector.extract_strided_slice %parallel_loop3A_180 {offsets = [8], sizes = [1], strides = [1]} : vector<16xf32> to vector<1xf32>
          %parallel_loop3A_934 = vector.extract %parallel_loop3A_933[0] : f32 from vector<1xf32>
          %parallel_loop3A_935 = arith.constant 16 : i32
          %parallel_loop3A_936 = arith.muli %parallel_loop3A_174, %parallel_loop3A_935 : i32
          %parallel_loop3A_937 = arith.constant 8 : i32
          %parallel_loop3A_938 = arith.addi %parallel_loop3A_936, %parallel_loop3A_937 : i32
          %parallel_loop3A_939 = arith.index_cast %parallel_loop3A_938 : i32 to index
          %parallel_loop3A_940 = arith.constant 0 : index
          %parallel_loop3A_941 = tpu.vector_load %arg10[%parallel_loop3A_939, %parallel_loop3A_940] {strides = array<i32>} : memref<128x128xf32, #tpu.memory_space<vmem>>, vector<1x16xf32>,
          %parallel_loop3A_942 = vector.shape_cast %parallel_loop3A_941 : vector<1x16xf32> to vector<16xf32>
          %parallel_loop3A_943 = vector.broadcast %parallel_loop3A_934 : f32 to vector<16xf32>
          %parallel_loop3A_944 = arith.mulf %parallel_loop3A_942, %parallel_loop3A_943 : vector<16xf32>
          %parallel_loop3A_945 = arith.index_cast %parallel_loop3A_938 : i32 to index
          %parallel_loop3A_946 = arith.constant 0 : index
          %parallel_loop3A_947 = tpu.vector_load %arg10[%parallel_loop3A_945, %parallel_loop3A_946] {strides = array<i32>} : memref<128x128xf32, #tpu.memory_space<vmem>>, vector<1x16xf32>,
          %parallel_loop3A_948 = vector.shape_cast %parallel_loop3A_947 : vector<1x16xf32> to vector<16xf32>
          %parallel_loop3A_949 = vector.shape_cast %parallel_loop3A_944 : vector<16xf32> to vector<1x16xf32>
          tpu.vector_store %arg10[%parallel_loop3A_945, %parallel_loop3A_946], %parallel_loop3A_949 {strides = array<i32>} : memref<128x128xf32, #tpu.memory_space<vmem>>, vector<1x16xf32>,
          %parallel_loop3A_950 = arith.index_cast %parallel_loop3A_938 : i32 to index
          %parallel_loop3A_951 = arith.constant 16 : index
          %parallel_loop3A_952 = tpu.vector_load %arg10[%parallel_loop3A_950, %parallel_loop3A_951] {strides = array<i32>} : memref<128x128xf32, #tpu.memory_space<vmem>>, vector<1x16xf32>,
          %parallel_loop3A_953 = vector.shape_cast %parallel_loop3A_952 : vector<1x16xf32> to vector<16xf32>
          %parallel_loop3A_954 = vector.broadcast %parallel_loop3A_934 : f32 to vector<16xf32>
          %parallel_loop3A_955 = arith.mulf %parallel_loop3A_953, %parallel_loop3A_954 : vector<16xf32>
          %parallel_loop3A_956 = arith.index_cast %parallel_loop3A_938 : i32 to index
          %parallel_loop3A_957 = arith.constant 16 : index
          %parallel_loop3A_958 = tpu.vector_load %arg10[%parallel_loop3A_956, %parallel_loop3A_957] {strides = array<i32>} : memref<128x128xf32, #tpu.memory_space<vmem>>, vector<1x16xf32>,
          %parallel_loop3A_959 = vector.shape_cast %parallel_loop3A_958 : vector<1x16xf32> to vector<16xf32>
          %parallel_loop3A_960 = vector.shape_cast %parallel_loop3A_955 : vector<16xf32> to vector<1x16xf32>
          tpu.vector_store %arg10[%parallel_loop3A_956, %parallel_loop3A_957], %parallel_loop3A_960 {strides = array<i32>} : memref<128x128xf32, #tpu.memory_space<vmem>>, vector<1x16xf32>,
          %parallel_loop3A_961 = arith.index_cast %parallel_loop3A_938 : i32 to index
          %parallel_loop3A_962 = arith.constant 32 : index
          %parallel_loop3A_963 = tpu.vector_load %arg10[%parallel_loop3A_961, %parallel_loop3A_962] {strides = array<i32>} : memref<128x128xf32, #tpu.memory_space<vmem>>, vector<1x16xf32>,
          %parallel_loop3A_964 = vector.shape_cast %parallel_loop3A_963 : vector<1x16xf32> to vector<16xf32>
          %parallel_loop3A_965 = vector.broadcast %parallel_loop3A_934 : f32 to vector<16xf32>
          %parallel_loop3A_966 = arith.mulf %parallel_loop3A_964, %parallel_loop3A_965 : vector<16xf32>
          %parallel_loop3A_967 = arith.index_cast %parallel_loop3A_938 : i32 to index
          %parallel_loop3A_968 = arith.constant 32 : index
          %parallel_loop3A_969 = tpu.vector_load %arg10[%parallel_loop3A_967, %parallel_loop3A_968] {strides = array<i32>} : memref<128x128xf32, #tpu.memory_space<vmem>>, vector<1x16xf32>,
          %parallel_loop3A_970 = vector.shape_cast %parallel_loop3A_969 : vector<1x16xf32> to vector<16xf32>
          %parallel_loop3A_971 = vector.shape_cast %parallel_loop3A_966 : vector<16xf32> to vector<1x16xf32>
          tpu.vector_store %arg10[%parallel_loop3A_967, %parallel_loop3A_968], %parallel_loop3A_971 {strides = array<i32>} : memref<128x128xf32, #tpu.memory_space<vmem>>, vector<1x16xf32>,
          %parallel_loop3A_972 = arith.index_cast %parallel_loop3A_938 : i32 to index
          %parallel_loop3A_973 = arith.constant 48 : index
          %parallel_loop3A_974 = tpu.vector_load %arg10[%parallel_loop3A_972, %parallel_loop3A_973] {strides = array<i32>} : memref<128x128xf32, #tpu.memory_space<vmem>>, vector<1x16xf32>,
          %parallel_loop3A_975 = vector.shape_cast %parallel_loop3A_974 : vector<1x16xf32> to vector<16xf32>
          %parallel_loop3A_976 = vector.broadcast %parallel_loop3A_934 : f32 to vector<16xf32>
          %parallel_loop3A_977 = arith.mulf %parallel_loop3A_975, %parallel_loop3A_976 : vector<16xf32>
          %parallel_loop3A_978 = arith.index_cast %parallel_loop3A_938 : i32 to index
          %parallel_loop3A_979 = arith.constant 48 : index
          %parallel_loop3A_980 = tpu.vector_load %arg10[%parallel_loop3A_978, %parallel_loop3A_979] {strides = array<i32>} : memref<128x128xf32, #tpu.memory_space<vmem>>, vector<1x16xf32>,
          %parallel_loop3A_981 = vector.shape_cast %parallel_loop3A_980 : vector<1x16xf32> to vector<16xf32>
          %parallel_loop3A_982 = vector.shape_cast %parallel_loop3A_977 : vector<16xf32> to vector<1x16xf32>
          tpu.vector_store %arg10[%parallel_loop3A_978, %parallel_loop3A_979], %parallel_loop3A_982 {strides = array<i32>} : memref<128x128xf32, #tpu.memory_space<vmem>>, vector<1x16xf32>,
          %parallel_loop3A_983 = arith.index_cast %parallel_loop3A_938 : i32 to index
          %parallel_loop3A_984 = arith.constant 64 : index
          %parallel_loop3A_985 = tpu.vector_load %arg10[%parallel_loop3A_983, %parallel_loop3A_984] {strides = array<i32>} : memref<128x128xf32, #tpu.memory_space<vmem>>, vector<1x16xf32>,
          %parallel_loop3A_986 = vector.shape_cast %parallel_loop3A_985 : vector<1x16xf32> to vector<16xf32>
          %parallel_loop3A_987 = vector.broadcast %parallel_loop3A_934 : f32 to vector<16xf32>
          %parallel_loop3A_988 = arith.mulf %parallel_loop3A_986, %parallel_loop3A_987 : vector<16xf32>
          %parallel_loop3A_989 = arith.index_cast %parallel_loop3A_938 : i32 to index
          %parallel_loop3A_990 = arith.constant 64 : index
          %parallel_loop3A_991 = tpu.vector_load %arg10[%parallel_loop3A_989, %parallel_loop3A_990] {strides = array<i32>} : memref<128x128xf32, #tpu.memory_space<vmem>>, vector<1x16xf32>,
          %parallel_loop3A_992 = vector.shape_cast %parallel_loop3A_991 : vector<1x16xf32> to vector<16xf32>
          %parallel_loop3A_993 = vector.shape_cast %parallel_loop3A_988 : vector<16xf32> to vector<1x16xf32>
          tpu.vector_store %arg10[%parallel_loop3A_989, %parallel_loop3A_990], %parallel_loop3A_993 {strides = array<i32>} : memref<128x128xf32, #tpu.memory_space<vmem>>, vector<1x16xf32>,
          %parallel_loop3A_994 = arith.index_cast %parallel_loop3A_938 : i32 to index
          %parallel_loop3A_995 = arith.constant 80 : index
          %parallel_loop3A_996 = tpu.vector_load %arg10[%parallel_loop3A_994, %parallel_loop3A_995] {strides = array<i32>} : memref<128x128xf32, #tpu.memory_space<vmem>>, vector<1x16xf32>,
          %parallel_loop3A_997 = vector.shape_cast %parallel_loop3A_996 : vector<1x16xf32> to vector<16xf32>
          %parallel_loop3A_998 = vector.broadcast %parallel_loop3A_934 : f32 to vector<16xf32>
          %parallel_loop3A_999 = arith.mulf %parallel_loop3A_997, %parallel_loop3A_998 : vector<16xf32>
          %parallel_loop3A_1000 = arith.index_cast %parallel_loop3A_938 : i32 to index
          %parallel_loop3A_1001 = arith.constant 80 : index
          %parallel_loop3A_1002 = tpu.vector_load %arg10[%parallel_loop3A_1000, %parallel_loop3A_1001] {strides = array<i32>} : memref<128x128xf32, #tpu.memory_space<vmem>>, vector<1x16xf32>,
          %parallel_loop3A_1003 = vector.shape_cast %parallel_loop3A_1002 : vector<1x16xf32> to vector<16xf32>
          %parallel_loop3A_1004 = vector.shape_cast %parallel_loop3A_999 : vector<16xf32> to vector<1x16xf32>
          tpu.vector_store %arg10[%parallel_loop3A_1000, %parallel_loop3A_1001], %parallel_loop3A_1004 {strides = array<i32>} : memref<128x128xf32, #tpu.memory_space<vmem>>, vector<1x16xf32>,
          %parallel_loop3A_1005 = arith.index_cast %parallel_loop3A_938 : i32 to index
          %parallel_loop3A_1006 = arith.constant 96 : index
          %parallel_loop3A_1007 = tpu.vector_load %arg10[%parallel_loop3A_1005, %parallel_loop3A_1006] {strides = array<i32>} : memref<128x128xf32, #tpu.memory_space<vmem>>, vector<1x16xf32>,
          %parallel_loop3A_1008 = vector.shape_cast %parallel_loop3A_1007 : vector<1x16xf32> to vector<16xf32>
          %parallel_loop3A_1009 = vector.broadcast %parallel_loop3A_934 : f32 to vector<16xf32>
          %parallel_loop3A_1010 = arith.mulf %parallel_loop3A_1008, %parallel_loop3A_1009 : vector<16xf32>
          %parallel_loop3A_1011 = arith.index_cast %parallel_loop3A_938 : i32 to index
          %parallel_loop3A_1012 = arith.constant 96 : index
          %parallel_loop3A_1013 = tpu.vector_load %arg10[%parallel_loop3A_1011, %parallel_loop3A_1012] {strides = array<i32>} : memref<128x128xf32, #tpu.memory_space<vmem>>, vector<1x16xf32>,
          %parallel_loop3A_1014 = vector.shape_cast %parallel_loop3A_1013 : vector<1x16xf32> to vector<16xf32>
          %parallel_loop3A_1015 = vector.shape_cast %parallel_loop3A_1010 : vector<16xf32> to vector<1x16xf32>
          tpu.vector_store %arg10[%parallel_loop3A_1011, %parallel_loop3A_1012], %parallel_loop3A_1015 {strides = array<i32>} : memref<128x128xf32, #tpu.memory_space<vmem>>, vector<1x16xf32>,
          %parallel_loop3A_1016 = arith.index_cast %parallel_loop3A_938 : i32 to index
          %parallel_loop3A_1017 = arith.constant 112 : index
          %parallel_loop3A_1018 = tpu.vector_load %arg10[%parallel_loop3A_1016, %parallel_loop3A_1017] {strides = array<i32>} : memref<128x128xf32, #tpu.memory_space<vmem>>, vector<1x16xf32>,
          %parallel_loop3A_1019 = vector.shape_cast %parallel_loop3A_1018 : vector<1x16xf32> to vector<16xf32>
          %parallel_loop3A_1020 = vector.broadcast %parallel_loop3A_934 : f32 to vector<16xf32>
          %parallel_loop3A_1021 = arith.mulf %parallel_loop3A_1019, %parallel_loop3A_1020 : vector<16xf32>
          %parallel_loop3A_1022 = arith.index_cast %parallel_loop3A_938 : i32 to index
          %parallel_loop3A_1023 = arith.constant 112 : index
          %parallel_loop3A_1024 = tpu.vector_load %arg10[%parallel_loop3A_1022, %parallel_loop3A_1023] {strides = array<i32>} : memref<128x128xf32, #tpu.memory_space<vmem>>, vector<1x16xf32>,
          %parallel_loop3A_1025 = vector.shape_cast %parallel_loop3A_1024 : vector<1x16xf32> to vector<16xf32>
          %parallel_loop3A_1026 = vector.shape_cast %parallel_loop3A_1021 : vector<16xf32> to vector<1x16xf32>
          tpu.vector_store %arg10[%parallel_loop3A_1022, %parallel_loop3A_1023], %parallel_loop3A_1026 {strides = array<i32>} : memref<128x128xf32, #tpu.memory_space<vmem>>, vector<1x16xf32>,
          %parallel_loop3A_1027 = vector.extract_strided_slice %parallel_loop3A_180 {offsets = [9], sizes = [1], strides = [1]} : vector<16xf32> to vector<1xf32>
          %parallel_loop3A_1028 = vector.extract %parallel_loop3A_1027[0] : f32 from vector<1xf32>
          %parallel_loop3A_1029 = arith.constant 16 : i32
          %parallel_loop3A_1030 = arith.muli %parallel_loop3A_174, %parallel_loop3A_1029 : i32
          %parallel_loop3A_1031 = arith.constant 9 : i32
          %parallel_loop3A_1032 = arith.addi %parallel_loop3A_1030, %parallel_loop3A_1031 : i32
          %parallel_loop3A_1033 = arith.index_cast %parallel_loop3A_1032 : i32 to index
          %parallel_loop3A_1034 = arith.constant 0 : index
          %parallel_loop3A_1035 = tpu.vector_load %arg10[%parallel_loop3A_1033, %parallel_loop3A_1034] {strides = array<i32>} : memref<128x128xf32, #tpu.memory_space<vmem>>, vector<1x16xf32>,
          %parallel_loop3A_1036 = vector.shape_cast %parallel_loop3A_1035 : vector<1x16xf32> to vector<16xf32>
          %parallel_loop3A_1037 = vector.broadcast %parallel_loop3A_1028 : f32 to vector<16xf32>
          %parallel_loop3A_1038 = arith.mulf %parallel_loop3A_1036, %parallel_loop3A_1037 : vector<16xf32>
          %parallel_loop3A_1039 = arith.index_cast %parallel_loop3A_1032 : i32 to index
          %parallel_loop3A_1040 = arith.constant 0 : index
          %parallel_loop3A_1041 = tpu.vector_load %arg10[%parallel_loop3A_1039, %parallel_loop3A_1040] {strides = array<i32>} : memref<128x128xf32, #tpu.memory_space<vmem>>, vector<1x16xf32>,
          %parallel_loop3A_1042 = vector.shape_cast %parallel_loop3A_1041 : vector<1x16xf32> to vector<16xf32>
          %parallel_loop3A_1043 = vector.shape_cast %parallel_loop3A_1038 : vector<16xf32> to vector<1x16xf32>
          tpu.vector_store %arg10[%parallel_loop3A_1039, %parallel_loop3A_1040], %parallel_loop3A_1043 {strides = array<i32>} : memref<128x128xf32, #tpu.memory_space<vmem>>, vector<1x16xf32>,
          %parallel_loop3A_1044 = arith.index_cast %parallel_loop3A_1032 : i32 to index
          %parallel_loop3A_1045 = arith.constant 16 : index
          %parallel_loop3A_1046 = tpu.vector_load %arg10[%parallel_loop3A_1044, %parallel_loop3A_1045] {strides = array<i32>} : memref<128x128xf32, #tpu.memory_space<vmem>>, vector<1x16xf32>,
          %parallel_loop3A_1047 = vector.shape_cast %parallel_loop3A_1046 : vector<1x16xf32> to vector<16xf32>
          %parallel_loop3A_1048 = vector.broadcast %parallel_loop3A_1028 : f32 to vector<16xf32>
          %parallel_loop3A_1049 = arith.mulf %parallel_loop3A_1047, %parallel_loop3A_1048 : vector<16xf32>
          %parallel_loop3A_1050 = arith.index_cast %parallel_loop3A_1032 : i32 to index
          %parallel_loop3A_1051 = arith.constant 16 : index
          %parallel_loop3A_1052 = tpu.vector_load %arg10[%parallel_loop3A_1050, %parallel_loop3A_1051] {strides = array<i32>} : memref<128x128xf32, #tpu.memory_space<vmem>>, vector<1x16xf32>,
          %parallel_loop3A_1053 = vector.shape_cast %parallel_loop3A_1052 : vector<1x16xf32> to vector<16xf32>
          %parallel_loop3A_1054 = vector.shape_cast %parallel_loop3A_1049 : vector<16xf32> to vector<1x16xf32>
          tpu.vector_store %arg10[%parallel_loop3A_1050, %parallel_loop3A_1051], %parallel_loop3A_1054 {strides = array<i32>} : memref<128x128xf32, #tpu.memory_space<vmem>>, vector<1x16xf32>,
          %parallel_loop3A_1055 = arith.index_cast %parallel_loop3A_1032 : i32 to index
          %parallel_loop3A_1056 = arith.constant 32 : index
          %parallel_loop3A_1057 = tpu.vector_load %arg10[%parallel_loop3A_1055, %parallel_loop3A_1056] {strides = array<i32>} : memref<128x128xf32, #tpu.memory_space<vmem>>, vector<1x16xf32>,
          %parallel_loop3A_1058 = vector.shape_cast %parallel_loop3A_1057 : vector<1x16xf32> to vector<16xf32>
          %parallel_loop3A_1059 = vector.broadcast %parallel_loop3A_1028 : f32 to vector<16xf32>
          %parallel_loop3A_1060 = arith.mulf %parallel_loop3A_1058, %parallel_loop3A_1059 : vector<16xf32>
          %parallel_loop3A_1061 = arith.index_cast %parallel_loop3A_1032 : i32 to index
          %parallel_loop3A_1062 = arith.constant 32 : index
          %parallel_loop3A_1063 = tpu.vector_load %arg10[%parallel_loop3A_1061, %parallel_loop3A_1062] {strides = array<i32>} : memref<128x128xf32, #tpu.memory_space<vmem>>, vector<1x16xf32>,
          %parallel_loop3A_1064 = vector.shape_cast %parallel_loop3A_1063 : vector<1x16xf32> to vector<16xf32>
          %parallel_loop3A_1065 = vector.shape_cast %parallel_loop3A_1060 : vector<16xf32> to vector<1x16xf32>
          tpu.vector_store %arg10[%parallel_loop3A_1061, %parallel_loop3A_1062], %parallel_loop3A_1065 {strides = array<i32>} : memref<128x128xf32, #tpu.memory_space<vmem>>, vector<1x16xf32>,
          %parallel_loop3A_1066 = arith.index_cast %parallel_loop3A_1032 : i32 to index
          %parallel_loop3A_1067 = arith.constant 48 : index
          %parallel_loop3A_1068 = tpu.vector_load %arg10[%parallel_loop3A_1066, %parallel_loop3A_1067] {strides = array<i32>} : memref<128x128xf32, #tpu.memory_space<vmem>>, vector<1x16xf32>,
          %parallel_loop3A_1069 = vector.shape_cast %parallel_loop3A_1068 : vector<1x16xf32> to vector<16xf32>
          %parallel_loop3A_1070 = vector.broadcast %parallel_loop3A_1028 : f32 to vector<16xf32>
          %parallel_loop3A_1071 = arith.mulf %parallel_loop3A_1069, %parallel_loop3A_1070 : vector<16xf32>
          %parallel_loop3A_1072 = arith.index_cast %parallel_loop3A_1032 : i32 to index
          %parallel_loop3A_1073 = arith.constant 48 : index
          %parallel_loop3A_1074 = tpu.vector_load %arg10[%parallel_loop3A_1072, %parallel_loop3A_1073] {strides = array<i32>} : memref<128x128xf32, #tpu.memory_space<vmem>>, vector<1x16xf32>,
          %parallel_loop3A_1075 = vector.shape_cast %parallel_loop3A_1074 : vector<1x16xf32> to vector<16xf32>
          %parallel_loop3A_1076 = vector.shape_cast %parallel_loop3A_1071 : vector<16xf32> to vector<1x16xf32>
          tpu.vector_store %arg10[%parallel_loop3A_1072, %parallel_loop3A_1073], %parallel_loop3A_1076 {strides = array<i32>} : memref<128x128xf32, #tpu.memory_space<vmem>>, vector<1x16xf32>,
          %parallel_loop3A_1077 = arith.index_cast %parallel_loop3A_1032 : i32 to index
          %parallel_loop3A_1078 = arith.constant 64 : index
          %parallel_loop3A_1079 = tpu.vector_load %arg10[%parallel_loop3A_1077, %parallel_loop3A_1078] {strides = array<i32>} : memref<128x128xf32, #tpu.memory_space<vmem>>, vector<1x16xf32>,
          %parallel_loop3A_1080 = vector.shape_cast %parallel_loop3A_1079 : vector<1x16xf32> to vector<16xf32>
          %parallel_loop3A_1081 = vector.broadcast %parallel_loop3A_1028 : f32 to vector<16xf32>
          %parallel_loop3A_1082 = arith.mulf %parallel_loop3A_1080, %parallel_loop3A_1081 : vector<16xf32>
          %parallel_loop3A_1083 = arith.index_cast %parallel_loop3A_1032 : i32 to index
          %parallel_loop3A_1084 = arith.constant 64 : index
          %parallel_loop3A_1085 = tpu.vector_load %arg10[%parallel_loop3A_1083, %parallel_loop3A_1084] {strides = array<i32>} : memref<128x128xf32, #tpu.memory_space<vmem>>, vector<1x16xf32>,
          %parallel_loop3A_1086 = vector.shape_cast %parallel_loop3A_1085 : vector<1x16xf32> to vector<16xf32>
          %parallel_loop3A_1087 = vector.shape_cast %parallel_loop3A_1082 : vector<16xf32> to vector<1x16xf32>
          tpu.vector_store %arg10[%parallel_loop3A_1083, %parallel_loop3A_1084], %parallel_loop3A_1087 {strides = array<i32>} : memref<128x128xf32, #tpu.memory_space<vmem>>, vector<1x16xf32>,
          %parallel_loop3A_1088 = arith.index_cast %parallel_loop3A_1032 : i32 to index
          %parallel_loop3A_1089 = arith.constant 80 : index
          %parallel_loop3A_1090 = tpu.vector_load %arg10[%parallel_loop3A_1088, %parallel_loop3A_1089] {strides = array<i32>} : memref<128x128xf32, #tpu.memory_space<vmem>>, vector<1x16xf32>,
          %parallel_loop3A_1091 = vector.shape_cast %parallel_loop3A_1090 : vector<1x16xf32> to vector<16xf32>
          %parallel_loop3A_1092 = vector.broadcast %parallel_loop3A_1028 : f32 to vector<16xf32>
          %parallel_loop3A_1093 = arith.mulf %parallel_loop3A_1091, %parallel_loop3A_1092 : vector<16xf32>
          %parallel_loop3A_1094 = arith.index_cast %parallel_loop3A_1032 : i32 to index
          %parallel_loop3A_1095 = arith.constant 80 : index
          %parallel_loop3A_1096 = tpu.vector_load %arg10[%parallel_loop3A_1094, %parallel_loop3A_1095] {strides = array<i32>} : memref<128x128xf32, #tpu.memory_space<vmem>>, vector<1x16xf32>,
          %parallel_loop3A_1097 = vector.shape_cast %parallel_loop3A_1096 : vector<1x16xf32> to vector<16xf32>
          %parallel_loop3A_1098 = vector.shape_cast %parallel_loop3A_1093 : vector<16xf32> to vector<1x16xf32>
          tpu.vector_store %arg10[%parallel_loop3A_1094, %parallel_loop3A_1095], %parallel_loop3A_1098 {strides = array<i32>} : memref<128x128xf32, #tpu.memory_space<vmem>>, vector<1x16xf32>,
          %parallel_loop3A_1099 = arith.index_cast %parallel_loop3A_1032 : i32 to index
          %parallel_loop3A_1100 = arith.constant 96 : index
          %parallel_loop3A_1101 = tpu.vector_load %arg10[%parallel_loop3A_1099, %parallel_loop3A_1100] {strides = array<i32>} : memref<128x128xf32, #tpu.memory_space<vmem>>, vector<1x16xf32>,
          %parallel_loop3A_1102 = vector.shape_cast %parallel_loop3A_1101 : vector<1x16xf32> to vector<16xf32>
          %parallel_loop3A_1103 = vector.broadcast %parallel_loop3A_1028 : f32 to vector<16xf32>
          %parallel_loop3A_1104 = arith.mulf %parallel_loop3A_1102, %parallel_loop3A_1103 : vector<16xf32>
          %parallel_loop3A_1105 = arith.index_cast %parallel_loop3A_1032 : i32 to index
          %parallel_loop3A_1106 = arith.constant 96 : index
          %parallel_loop3A_1107 = tpu.vector_load %arg10[%parallel_loop3A_1105, %parallel_loop3A_1106] {strides = array<i32>} : memref<128x128xf32, #tpu.memory_space<vmem>>, vector<1x16xf32>,
          %parallel_loop3A_1108 = vector.shape_cast %parallel_loop3A_1107 : vector<1x16xf32> to vector<16xf32>
          %parallel_loop3A_1109 = vector.shape_cast %parallel_loop3A_1104 : vector<16xf32> to vector<1x16xf32>
          tpu.vector_store %arg10[%parallel_loop3A_1105, %parallel_loop3A_1106], %parallel_loop3A_1109 {strides = array<i32>} : memref<128x128xf32, #tpu.memory_space<vmem>>, vector<1x16xf32>,
          %parallel_loop3A_1110 = arith.index_cast %parallel_loop3A_1032 : i32 to index
          %parallel_loop3A_1111 = arith.constant 112 : index
          %parallel_loop3A_1112 = tpu.vector_load %arg10[%parallel_loop3A_1110, %parallel_loop3A_1111] {strides = array<i32>} : memref<128x128xf32, #tpu.memory_space<vmem>>, vector<1x16xf32>,
          %parallel_loop3A_1113 = vector.shape_cast %parallel_loop3A_1112 : vector<1x16xf32> to vector<16xf32>
          %parallel_loop3A_1114 = vector.broadcast %parallel_loop3A_1028 : f32 to vector<16xf32>
          %parallel_loop3A_1115 = arith.mulf %parallel_loop3A_1113, %parallel_loop3A_1114 : vector<16xf32>
          %parallel_loop3A_1116 = arith.index_cast %parallel_loop3A_1032 : i32 to index
          %parallel_loop3A_1117 = arith.constant 112 : index
          %parallel_loop3A_1118 = tpu.vector_load %arg10[%parallel_loop3A_1116, %parallel_loop3A_1117] {strides = array<i32>} : memref<128x128xf32, #tpu.memory_space<vmem>>, vector<1x16xf32>,
          %parallel_loop3A_1119 = vector.shape_cast %parallel_loop3A_1118 : vector<1x16xf32> to vector<16xf32>
          %parallel_loop3A_1120 = vector.shape_cast %parallel_loop3A_1115 : vector<16xf32> to vector<1x16xf32>
          tpu.vector_store %arg10[%parallel_loop3A_1116, %parallel_loop3A_1117], %parallel_loop3A_1120 {strides = array<i32>} : memref<128x128xf32, #tpu.memory_space<vmem>>, vector<1x16xf32>,
          %parallel_loop3A_1121 = vector.extract_strided_slice %parallel_loop3A_180 {offsets = [10], sizes = [1], strides = [1]} : vector<16xf32> to vector<1xf32>
          %parallel_loop3A_1122 = vector.extract %parallel_loop3A_1121[0] : f32 from vector<1xf32>
          %parallel_loop3A_1123 = arith.constant 16 : i32
          %parallel_loop3A_1124 = arith.muli %parallel_loop3A_174, %parallel_loop3A_1123 : i32
          %parallel_loop3A_1125 = arith.constant 10 : i32
          %parallel_loop3A_1126 = arith.addi %parallel_loop3A_1124, %parallel_loop3A_1125 : i32
          %parallel_loop3A_1127 = arith.index_cast %parallel_loop3A_1126 : i32 to index
          %parallel_loop3A_1128 = arith.constant 0 : index
          %parallel_loop3A_1129 = tpu.vector_load %arg10[%parallel_loop3A_1127, %parallel_loop3A_1128] {strides = array<i32>} : memref<128x128xf32, #tpu.memory_space<vmem>>, vector<1x16xf32>,
          %parallel_loop3A_1130 = vector.shape_cast %parallel_loop3A_1129 : vector<1x16xf32> to vector<16xf32>
          %parallel_loop3A_1131 = vector.broadcast %parallel_loop3A_1122 : f32 to vector<16xf32>
          %parallel_loop3A_1132 = arith.mulf %parallel_loop3A_1130, %parallel_loop3A_1131 : vector<16xf32>
          %parallel_loop3A_1133 = arith.index_cast %parallel_loop3A_1126 : i32 to index
          %parallel_loop3A_1134 = arith.constant 0 : index
          %parallel_loop3A_1135 = tpu.vector_load %arg10[%parallel_loop3A_1133, %parallel_loop3A_1134] {strides = array<i32>} : memref<128x128xf32, #tpu.memory_space<vmem>>, vector<1x16xf32>,
          %parallel_loop3A_1136 = vector.shape_cast %parallel_loop3A_1135 : vector<1x16xf32> to vector<16xf32>
          %parallel_loop3A_1137 = vector.shape_cast %parallel_loop3A_1132 : vector<16xf32> to vector<1x16xf32>
          tpu.vector_store %arg10[%parallel_loop3A_1133, %parallel_loop3A_1134], %parallel_loop3A_1137 {strides = array<i32>} : memref<128x128xf32, #tpu.memory_space<vmem>>, vector<1x16xf32>,
          %parallel_loop3A_1138 = arith.index_cast %parallel_loop3A_1126 : i32 to index
          %parallel_loop3A_1139 = arith.constant 16 : index
          %parallel_loop3A_1140 = tpu.vector_load %arg10[%parallel_loop3A_1138, %parallel_loop3A_1139] {strides = array<i32>} : memref<128x128xf32, #tpu.memory_space<vmem>>, vector<1x16xf32>,
          %parallel_loop3A_1141 = vector.shape_cast %parallel_loop3A_1140 : vector<1x16xf32> to vector<16xf32>
          %parallel_loop3A_1142 = vector.broadcast %parallel_loop3A_1122 : f32 to vector<16xf32>
          %parallel_loop3A_1143 = arith.mulf %parallel_loop3A_1141, %parallel_loop3A_1142 : vector<16xf32>
          %parallel_loop3A_1144 = arith.index_cast %parallel_loop3A_1126 : i32 to index
          %parallel_loop3A_1145 = arith.constant 16 : index
          %parallel_loop3A_1146 = tpu.vector_load %arg10[%parallel_loop3A_1144, %parallel_loop3A_1145] {strides = array<i32>} : memref<128x128xf32, #tpu.memory_space<vmem>>, vector<1x16xf32>,
          %parallel_loop3A_1147 = vector.shape_cast %parallel_loop3A_1146 : vector<1x16xf32> to vector<16xf32>
          %parallel_loop3A_1148 = vector.shape_cast %parallel_loop3A_1143 : vector<16xf32> to vector<1x16xf32>
          tpu.vector_store %arg10[%parallel_loop3A_1144, %parallel_loop3A_1145], %parallel_loop3A_1148 {strides = array<i32>} : memref<128x128xf32, #tpu.memory_space<vmem>>, vector<1x16xf32>,
          %parallel_loop3A_1149 = arith.index_cast %parallel_loop3A_1126 : i32 to index
          %parallel_loop3A_1150 = arith.constant 32 : index
          %parallel_loop3A_1151 = tpu.vector_load %arg10[%parallel_loop3A_1149, %parallel_loop3A_1150] {strides = array<i32>} : memref<128x128xf32, #tpu.memory_space<vmem>>, vector<1x16xf32>,
          %parallel_loop3A_1152 = vector.shape_cast %parallel_loop3A_1151 : vector<1x16xf32> to vector<16xf32>
          %parallel_loop3A_1153 = vector.broadcast %parallel_loop3A_1122 : f32 to vector<16xf32>
          %parallel_loop3A_1154 = arith.mulf %parallel_loop3A_1152, %parallel_loop3A_1153 : vector<16xf32>
          %parallel_loop3A_1155 = arith.index_cast %parallel_loop3A_1126 : i32 to index
          %parallel_loop3A_1156 = arith.constant 32 : index
          %parallel_loop3A_1157 = tpu.vector_load %arg10[%parallel_loop3A_1155, %parallel_loop3A_1156] {strides = array<i32>} : memref<128x128xf32, #tpu.memory_space<vmem>>, vector<1x16xf32>,
          %parallel_loop3A_1158 = vector.shape_cast %parallel_loop3A_1157 : vector<1x16xf32> to vector<16xf32>
          %parallel_loop3A_1159 = vector.shape_cast %parallel_loop3A_1154 : vector<16xf32> to vector<1x16xf32>
          tpu.vector_store %arg10[%parallel_loop3A_1155, %parallel_loop3A_1156], %parallel_loop3A_1159 {strides = array<i32>} : memref<128x128xf32, #tpu.memory_space<vmem>>, vector<1x16xf32>,
          %parallel_loop3A_1160 = arith.index_cast %parallel_loop3A_1126 : i32 to index
          %parallel_loop3A_1161 = arith.constant 48 : index
          %parallel_loop3A_1162 = tpu.vector_load %arg10[%parallel_loop3A_1160, %parallel_loop3A_1161] {strides = array<i32>} : memref<128x128xf32, #tpu.memory_space<vmem>>, vector<1x16xf32>,
          %parallel_loop3A_1163 = vector.shape_cast %parallel_loop3A_1162 : vector<1x16xf32> to vector<16xf32>
          %parallel_loop3A_1164 = vector.broadcast %parallel_loop3A_1122 : f32 to vector<16xf32>
          %parallel_loop3A_1165 = arith.mulf %parallel_loop3A_1163, %parallel_loop3A_1164 : vector<16xf32>
          %parallel_loop3A_1166 = arith.index_cast %parallel_loop3A_1126 : i32 to index
          %parallel_loop3A_1167 = arith.constant 48 : index
          %parallel_loop3A_1168 = tpu.vector_load %arg10[%parallel_loop3A_1166, %parallel_loop3A_1167] {strides = array<i32>} : memref<128x128xf32, #tpu.memory_space<vmem>>, vector<1x16xf32>,
          %parallel_loop3A_1169 = vector.shape_cast %parallel_loop3A_1168 : vector<1x16xf32> to vector<16xf32>
          %parallel_loop3A_1170 = vector.shape_cast %parallel_loop3A_1165 : vector<16xf32> to vector<1x16xf32>
          tpu.vector_store %arg10[%parallel_loop3A_1166, %parallel_loop3A_1167], %parallel_loop3A_1170 {strides = array<i32>} : memref<128x128xf32, #tpu.memory_space<vmem>>, vector<1x16xf32>,
          %parallel_loop3A_1171 = arith.index_cast %parallel_loop3A_1126 : i32 to index
          %parallel_loop3A_1172 = arith.constant 64 : index
          %parallel_loop3A_1173 = tpu.vector_load %arg10[%parallel_loop3A_1171, %parallel_loop3A_1172] {strides = array<i32>} : memref<128x128xf32, #tpu.memory_space<vmem>>, vector<1x16xf32>,
          %parallel_loop3A_1174 = vector.shape_cast %parallel_loop3A_1173 : vector<1x16xf32> to vector<16xf32>
          %parallel_loop3A_1175 = vector.broadcast %parallel_loop3A_1122 : f32 to vector<16xf32>
          %parallel_loop3A_1176 = arith.mulf %parallel_loop3A_1174, %parallel_loop3A_1175 : vector<16xf32>
          %parallel_loop3A_1177 = arith.index_cast %parallel_loop3A_1126 : i32 to index
          %parallel_loop3A_1178 = arith.constant 64 : index
          %parallel_loop3A_1179 = tpu.vector_load %arg10[%parallel_loop3A_1177, %parallel_loop3A_1178] {strides = array<i32>} : memref<128x128xf32, #tpu.memory_space<vmem>>, vector<1x16xf32>,
          %parallel_loop3A_1180 = vector.shape_cast %parallel_loop3A_1179 : vector<1x16xf32> to vector<16xf32>
          %parallel_loop3A_1181 = vector.shape_cast %parallel_loop3A_1176 : vector<16xf32> to vector<1x16xf32>
          tpu.vector_store %arg10[%parallel_loop3A_1177, %parallel_loop3A_1178], %parallel_loop3A_1181 {strides = array<i32>} : memref<128x128xf32, #tpu.memory_space<vmem>>, vector<1x16xf32>,
          %parallel_loop3A_1182 = arith.index_cast %parallel_loop3A_1126 : i32 to index
          %parallel_loop3A_1183 = arith.constant 80 : index
          %parallel_loop3A_1184 = tpu.vector_load %arg10[%parallel_loop3A_1182, %parallel_loop3A_1183] {strides = array<i32>} : memref<128x128xf32, #tpu.memory_space<vmem>>, vector<1x16xf32>,
          %parallel_loop3A_1185 = vector.shape_cast %parallel_loop3A_1184 : vector<1x16xf32> to vector<16xf32>
          %parallel_loop3A_1186 = vector.broadcast %parallel_loop3A_1122 : f32 to vector<16xf32>
          %parallel_loop3A_1187 = arith.mulf %parallel_loop3A_1185, %parallel_loop3A_1186 : vector<16xf32>
          %parallel_loop3A_1188 = arith.index_cast %parallel_loop3A_1126 : i32 to index
          %parallel_loop3A_1189 = arith.constant 80 : index
          %parallel_loop3A_1190 = tpu.vector_load %arg10[%parallel_loop3A_1188, %parallel_loop3A_1189] {strides = array<i32>} : memref<128x128xf32, #tpu.memory_space<vmem>>, vector<1x16xf32>,
          %parallel_loop3A_1191 = vector.shape_cast %parallel_loop3A_1190 : vector<1x16xf32> to vector<16xf32>
          %parallel_loop3A_1192 = vector.shape_cast %parallel_loop3A_1187 : vector<16xf32> to vector<1x16xf32>
          tpu.vector_store %arg10[%parallel_loop3A_1188, %parallel_loop3A_1189], %parallel_loop3A_1192 {strides = array<i32>} : memref<128x128xf32, #tpu.memory_space<vmem>>, vector<1x16xf32>,
          %parallel_loop3A_1193 = arith.index_cast %parallel_loop3A_1126 : i32 to index
          %parallel_loop3A_1194 = arith.constant 96 : index
          %parallel_loop3A_1195 = tpu.vector_load %arg10[%parallel_loop3A_1193, %parallel_loop3A_1194] {strides = array<i32>} : memref<128x128xf32, #tpu.memory_space<vmem>>, vector<1x16xf32>,
          %parallel_loop3A_1196 = vector.shape_cast %parallel_loop3A_1195 : vector<1x16xf32> to vector<16xf32>
          %parallel_loop3A_1197 = vector.broadcast %parallel_loop3A_1122 : f32 to vector<16xf32>
          %parallel_loop3A_1198 = arith.mulf %parallel_loop3A_1196, %parallel_loop3A_1197 : vector<16xf32>
          %parallel_loop3A_1199 = arith.index_cast %parallel_loop3A_1126 : i32 to index
          %parallel_loop3A_1200 = arith.constant 96 : index
          %parallel_loop3A_1201 = tpu.vector_load %arg10[%parallel_loop3A_1199, %parallel_loop3A_1200] {strides = array<i32>} : memref<128x128xf32, #tpu.memory_space<vmem>>, vector<1x16xf32>,
          %parallel_loop3A_1202 = vector.shape_cast %parallel_loop3A_1201 : vector<1x16xf32> to vector<16xf32>
          %parallel_loop3A_1203 = vector.shape_cast %parallel_loop3A_1198 : vector<16xf32> to vector<1x16xf32>
          tpu.vector_store %arg10[%parallel_loop3A_1199, %parallel_loop3A_1200], %parallel_loop3A_1203 {strides = array<i32>} : memref<128x128xf32, #tpu.memory_space<vmem>>, vector<1x16xf32>,
          %parallel_loop3A_1204 = arith.index_cast %parallel_loop3A_1126 : i32 to index
          %parallel_loop3A_1205 = arith.constant 112 : index
          %parallel_loop3A_1206 = tpu.vector_load %arg10[%parallel_loop3A_1204, %parallel_loop3A_1205] {strides = array<i32>} : memref<128x128xf32, #tpu.memory_space<vmem>>, vector<1x16xf32>,
          %parallel_loop3A_1207 = vector.shape_cast %parallel_loop3A_1206 : vector<1x16xf32> to vector<16xf32>
          %parallel_loop3A_1208 = vector.broadcast %parallel_loop3A_1122 : f32 to vector<16xf32>
          %parallel_loop3A_1209 = arith.mulf %parallel_loop3A_1207, %parallel_loop3A_1208 : vector<16xf32>
          %parallel_loop3A_1210 = arith.index_cast %parallel_loop3A_1126 : i32 to index
          %parallel_loop3A_1211 = arith.constant 112 : index
          %parallel_loop3A_1212 = tpu.vector_load %arg10[%parallel_loop3A_1210, %parallel_loop3A_1211] {strides = array<i32>} : memref<128x128xf32, #tpu.memory_space<vmem>>, vector<1x16xf32>,
          %parallel_loop3A_1213 = vector.shape_cast %parallel_loop3A_1212 : vector<1x16xf32> to vector<16xf32>
          %parallel_loop3A_1214 = vector.shape_cast %parallel_loop3A_1209 : vector<16xf32> to vector<1x16xf32>
          tpu.vector_store %arg10[%parallel_loop3A_1210, %parallel_loop3A_1211], %parallel_loop3A_1214 {strides = array<i32>} : memref<128x128xf32, #tpu.memory_space<vmem>>, vector<1x16xf32>,
          %parallel_loop3A_1215 = vector.extract_strided_slice %parallel_loop3A_180 {offsets = [11], sizes = [1], strides = [1]} : vector<16xf32> to vector<1xf32>
          %parallel_loop3A_1216 = vector.extract %parallel_loop3A_1215[0] : f32 from vector<1xf32>
          %parallel_loop3A_1217 = arith.constant 16 : i32
          %parallel_loop3A_1218 = arith.muli %parallel_loop3A_174, %parallel_loop3A_1217 : i32
          %parallel_loop3A_1219 = arith.constant 11 : i32
          %parallel_loop3A_1220 = arith.addi %parallel_loop3A_1218, %parallel_loop3A_1219 : i32
          %parallel_loop3A_1221 = arith.index_cast %parallel_loop3A_1220 : i32 to index
          %parallel_loop3A_1222 = arith.constant 0 : index
          %parallel_loop3A_1223 = tpu.vector_load %arg10[%parallel_loop3A_1221, %parallel_loop3A_1222] {strides = array<i32>} : memref<128x128xf32, #tpu.memory_space<vmem>>, vector<1x16xf32>,
          %parallel_loop3A_1224 = vector.shape_cast %parallel_loop3A_1223 : vector<1x16xf32> to vector<16xf32>
          %parallel_loop3A_1225 = vector.broadcast %parallel_loop3A_1216 : f32 to vector<16xf32>
          %parallel_loop3A_1226 = arith.mulf %parallel_loop3A_1224, %parallel_loop3A_1225 : vector<16xf32>
          %parallel_loop3A_1227 = arith.index_cast %parallel_loop3A_1220 : i32 to index
          %parallel_loop3A_1228 = arith.constant 0 : index
          %parallel_loop3A_1229 = tpu.vector_load %arg10[%parallel_loop3A_1227, %parallel_loop3A_1228] {strides = array<i32>} : memref<128x128xf32, #tpu.memory_space<vmem>>, vector<1x16xf32>,
          %parallel_loop3A_1230 = vector.shape_cast %parallel_loop3A_1229 : vector<1x16xf32> to vector<16xf32>
          %parallel_loop3A_1231 = vector.shape_cast %parallel_loop3A_1226 : vector<16xf32> to vector<1x16xf32>
          tpu.vector_store %arg10[%parallel_loop3A_1227, %parallel_loop3A_1228], %parallel_loop3A_1231 {strides = array<i32>} : memref<128x128xf32, #tpu.memory_space<vmem>>, vector<1x16xf32>,
          %parallel_loop3A_1232 = arith.index_cast %parallel_loop3A_1220 : i32 to index
          %parallel_loop3A_1233 = arith.constant 16 : index
          %parallel_loop3A_1234 = tpu.vector_load %arg10[%parallel_loop3A_1232, %parallel_loop3A_1233] {strides = array<i32>} : memref<128x128xf32, #tpu.memory_space<vmem>>, vector<1x16xf32>,
          %parallel_loop3A_1235 = vector.shape_cast %parallel_loop3A_1234 : vector<1x16xf32> to vector<16xf32>
          %parallel_loop3A_1236 = vector.broadcast %parallel_loop3A_1216 : f32 to vector<16xf32>
          %parallel_loop3A_1237 = arith.mulf %parallel_loop3A_1235, %parallel_loop3A_1236 : vector<16xf32>
          %parallel_loop3A_1238 = arith.index_cast %parallel_loop3A_1220 : i32 to index
          %parallel_loop3A_1239 = arith.constant 16 : index
          %parallel_loop3A_1240 = tpu.vector_load %arg10[%parallel_loop3A_1238, %parallel_loop3A_1239] {strides = array<i32>} : memref<128x128xf32, #tpu.memory_space<vmem>>, vector<1x16xf32>,
          %parallel_loop3A_1241 = vector.shape_cast %parallel_loop3A_1240 : vector<1x16xf32> to vector<16xf32>
          %parallel_loop3A_1242 = vector.shape_cast %parallel_loop3A_1237 : vector<16xf32> to vector<1x16xf32>
          tpu.vector_store %arg10[%parallel_loop3A_1238, %parallel_loop3A_1239], %parallel_loop3A_1242 {strides = array<i32>} : memref<128x128xf32, #tpu.memory_space<vmem>>, vector<1x16xf32>,
          %parallel_loop3A_1243 = arith.index_cast %parallel_loop3A_1220 : i32 to index
          %parallel_loop3A_1244 = arith.constant 32 : index
          %parallel_loop3A_1245 = tpu.vector_load %arg10[%parallel_loop3A_1243, %parallel_loop3A_1244] {strides = array<i32>} : memref<128x128xf32, #tpu.memory_space<vmem>>, vector<1x16xf32>,
          %parallel_loop3A_1246 = vector.shape_cast %parallel_loop3A_1245 : vector<1x16xf32> to vector<16xf32>
          %parallel_loop3A_1247 = vector.broadcast %parallel_loop3A_1216 : f32 to vector<16xf32>
          %parallel_loop3A_1248 = arith.mulf %parallel_loop3A_1246, %parallel_loop3A_1247 : vector<16xf32>
          %parallel_loop3A_1249 = arith.index_cast %parallel_loop3A_1220 : i32 to index
          %parallel_loop3A_1250 = arith.constant 32 : index
          %parallel_loop3A_1251 = tpu.vector_load %arg10[%parallel_loop3A_1249, %parallel_loop3A_1250] {strides = array<i32>} : memref<128x128xf32, #tpu.memory_space<vmem>>, vector<1x16xf32>,
          %parallel_loop3A_1252 = vector.shape_cast %parallel_loop3A_1251 : vector<1x16xf32> to vector<16xf32>
          %parallel_loop3A_1253 = vector.shape_cast %parallel_loop3A_1248 : vector<16xf32> to vector<1x16xf32>
          tpu.vector_store %arg10[%parallel_loop3A_1249, %parallel_loop3A_1250], %parallel_loop3A_1253 {strides = array<i32>} : memref<128x128xf32, #tpu.memory_space<vmem>>, vector<1x16xf32>,
          %parallel_loop3A_1254 = arith.index_cast %parallel_loop3A_1220 : i32 to index
          %parallel_loop3A_1255 = arith.constant 48 : index
          %parallel_loop3A_1256 = tpu.vector_load %arg10[%parallel_loop3A_1254, %parallel_loop3A_1255] {strides = array<i32>} : memref<128x128xf32, #tpu.memory_space<vmem>>, vector<1x16xf32>,
          %parallel_loop3A_1257 = vector.shape_cast %parallel_loop3A_1256 : vector<1x16xf32> to vector<16xf32>
          %parallel_loop3A_1258 = vector.broadcast %parallel_loop3A_1216 : f32 to vector<16xf32>
          %parallel_loop3A_1259 = arith.mulf %parallel_loop3A_1257, %parallel_loop3A_1258 : vector<16xf32>
          %parallel_loop3A_1260 = arith.index_cast %parallel_loop3A_1220 : i32 to index
          %parallel_loop3A_1261 = arith.constant 48 : index
          %parallel_loop3A_1262 = tpu.vector_load %arg10[%parallel_loop3A_1260, %parallel_loop3A_1261] {strides = array<i32>} : memref<128x128xf32, #tpu.memory_space<vmem>>, vector<1x16xf32>,
          %parallel_loop3A_1263 = vector.shape_cast %parallel_loop3A_1262 : vector<1x16xf32> to vector<16xf32>
          %parallel_loop3A_1264 = vector.shape_cast %parallel_loop3A_1259 : vector<16xf32> to vector<1x16xf32>
          tpu.vector_store %arg10[%parallel_loop3A_1260, %parallel_loop3A_1261], %parallel_loop3A_1264 {strides = array<i32>} : memref<128x128xf32, #tpu.memory_space<vmem>>, vector<1x16xf32>,
          %parallel_loop3A_1265 = arith.index_cast %parallel_loop3A_1220 : i32 to index
          %parallel_loop3A_1266 = arith.constant 64 : index
          %parallel_loop3A_1267 = tpu.vector_load %arg10[%parallel_loop3A_1265, %parallel_loop3A_1266] {strides = array<i32>} : memref<128x128xf32, #tpu.memory_space<vmem>>, vector<1x16xf32>,
          %parallel_loop3A_1268 = vector.shape_cast %parallel_loop3A_1267 : vector<1x16xf32> to vector<16xf32>
          %parallel_loop3A_1269 = vector.broadcast %parallel_loop3A_1216 : f32 to vector<16xf32>
          %parallel_loop3A_1270 = arith.mulf %parallel_loop3A_1268, %parallel_loop3A_1269 : vector<16xf32>
          %parallel_loop3A_1271 = arith.index_cast %parallel_loop3A_1220 : i32 to index
          %parallel_loop3A_1272 = arith.constant 64 : index
          %parallel_loop3A_1273 = tpu.vector_load %arg10[%parallel_loop3A_1271, %parallel_loop3A_1272] {strides = array<i32>} : memref<128x128xf32, #tpu.memory_space<vmem>>, vector<1x16xf32>,
          %parallel_loop3A_1274 = vector.shape_cast %parallel_loop3A_1273 : vector<1x16xf32> to vector<16xf32>
          %parallel_loop3A_1275 = vector.shape_cast %parallel_loop3A_1270 : vector<16xf32> to vector<1x16xf32>
          tpu.vector_store %arg10[%parallel_loop3A_1271, %parallel_loop3A_1272], %parallel_loop3A_1275 {strides = array<i32>} : memref<128x128xf32, #tpu.memory_space<vmem>>, vector<1x16xf32>,
          %parallel_loop3A_1276 = arith.index_cast %parallel_loop3A_1220 : i32 to index
          %parallel_loop3A_1277 = arith.constant 80 : index
          %parallel_loop3A_1278 = tpu.vector_load %arg10[%parallel_loop3A_1276, %parallel_loop3A_1277] {strides = array<i32>} : memref<128x128xf32, #tpu.memory_space<vmem>>, vector<1x16xf32>,
          %parallel_loop3A_1279 = vector.shape_cast %parallel_loop3A_1278 : vector<1x16xf32> to vector<16xf32>
          %parallel_loop3A_1280 = vector.broadcast %parallel_loop3A_1216 : f32 to vector<16xf32>
          %parallel_loop3A_1281 = arith.mulf %parallel_loop3A_1279, %parallel_loop3A_1280 : vector<16xf32>
          %parallel_loop3A_1282 = arith.index_cast %parallel_loop3A_1220 : i32 to index
          %parallel_loop3A_1283 = arith.constant 80 : index
          %parallel_loop3A_1284 = tpu.vector_load %arg10[%parallel_loop3A_1282, %parallel_loop3A_1283] {strides = array<i32>} : memref<128x128xf32, #tpu.memory_space<vmem>>, vector<1x16xf32>,
          %parallel_loop3A_1285 = vector.shape_cast %parallel_loop3A_1284 : vector<1x16xf32> to vector<16xf32>
          %parallel_loop3A_1286 = vector.shape_cast %parallel_loop3A_1281 : vector<16xf32> to vector<1x16xf32>
          tpu.vector_store %arg10[%parallel_loop3A_1282, %parallel_loop3A_1283], %parallel_loop3A_1286 {strides = array<i32>} : memref<128x128xf32, #tpu.memory_space<vmem>>, vector<1x16xf32>,
          %parallel_loop3A_1287 = arith.index_cast %parallel_loop3A_1220 : i32 to index
          %parallel_loop3A_1288 = arith.constant 96 : index
          %parallel_loop3A_1289 = tpu.vector_load %arg10[%parallel_loop3A_1287, %parallel_loop3A_1288] {strides = array<i32>} : memref<128x128xf32, #tpu.memory_space<vmem>>, vector<1x16xf32>,
          %parallel_loop3A_1290 = vector.shape_cast %parallel_loop3A_1289 : vector<1x16xf32> to vector<16xf32>
          %parallel_loop3A_1291 = vector.broadcast %parallel_loop3A_1216 : f32 to vector<16xf32>
          %parallel_loop3A_1292 = arith.mulf %parallel_loop3A_1290, %parallel_loop3A_1291 : vector<16xf32>
          %parallel_loop3A_1293 = arith.index_cast %parallel_loop3A_1220 : i32 to index
          %parallel_loop3A_1294 = arith.constant 96 : index
          %parallel_loop3A_1295 = tpu.vector_load %arg10[%parallel_loop3A_1293, %parallel_loop3A_1294] {strides = array<i32>} : memref<128x128xf32, #tpu.memory_space<vmem>>, vector<1x16xf32>,
          %parallel_loop3A_1296 = vector.shape_cast %parallel_loop3A_1295 : vector<1x16xf32> to vector<16xf32>
          %parallel_loop3A_1297 = vector.shape_cast %parallel_loop3A_1292 : vector<16xf32> to vector<1x16xf32>
          tpu.vector_store %arg10[%parallel_loop3A_1293, %parallel_loop3A_1294], %parallel_loop3A_1297 {strides = array<i32>} : memref<128x128xf32, #tpu.memory_space<vmem>>, vector<1x16xf32>,
          %parallel_loop3A_1298 = arith.index_cast %parallel_loop3A_1220 : i32 to index
          %parallel_loop3A_1299 = arith.constant 112 : index
          %parallel_loop3A_1300 = tpu.vector_load %arg10[%parallel_loop3A_1298, %parallel_loop3A_1299] {strides = array<i32>} : memref<128x128xf32, #tpu.memory_space<vmem>>, vector<1x16xf32>,
          %parallel_loop3A_1301 = vector.shape_cast %parallel_loop3A_1300 : vector<1x16xf32> to vector<16xf32>
          %parallel_loop3A_1302 = vector.broadcast %parallel_loop3A_1216 : f32 to vector<16xf32>
          %parallel_loop3A_1303 = arith.mulf %parallel_loop3A_1301, %parallel_loop3A_1302 : vector<16xf32>
          %parallel_loop3A_1304 = arith.index_cast %parallel_loop3A_1220 : i32 to index
          %parallel_loop3A_1305 = arith.constant 112 : index
          %parallel_loop3A_1306 = tpu.vector_load %arg10[%parallel_loop3A_1304, %parallel_loop3A_1305] {strides = array<i32>} : memref<128x128xf32, #tpu.memory_space<vmem>>, vector<1x16xf32>,
          %parallel_loop3A_1307 = vector.shape_cast %parallel_loop3A_1306 : vector<1x16xf32> to vector<16xf32>
          %parallel_loop3A_1308 = vector.shape_cast %parallel_loop3A_1303 : vector<16xf32> to vector<1x16xf32>
          tpu.vector_store %arg10[%parallel_loop3A_1304, %parallel_loop3A_1305], %parallel_loop3A_1308 {strides = array<i32>} : memref<128x128xf32, #tpu.memory_space<vmem>>, vector<1x16xf32>,
          %parallel_loop3A_1309 = vector.extract_strided_slice %parallel_loop3A_180 {offsets = [12], sizes = [1], strides = [1]} : vector<16xf32> to vector<1xf32>
          %parallel_loop3A_1310 = vector.extract %parallel_loop3A_1309[0] : f32 from vector<1xf32>
          %parallel_loop3A_1311 = arith.constant 16 : i32
          %parallel_loop3A_1312 = arith.muli %parallel_loop3A_174, %parallel_loop3A_1311 : i32
          %parallel_loop3A_1313 = arith.constant 12 : i32
          %parallel_loop3A_1314 = arith.addi %parallel_loop3A_1312, %parallel_loop3A_1313 : i32
          %parallel_loop3A_1315 = arith.index_cast %parallel_loop3A_1314 : i32 to index
          %parallel_loop3A_1316 = arith.constant 0 : index
          %parallel_loop3A_1317 = tpu.vector_load %arg10[%parallel_loop3A_1315, %parallel_loop3A_1316] {strides = array<i32>} : memref<128x128xf32, #tpu.memory_space<vmem>>, vector<1x16xf32>,
          %parallel_loop3A_1318 = vector.shape_cast %parallel_loop3A_1317 : vector<1x16xf32> to vector<16xf32>
          %parallel_loop3A_1319 = vector.broadcast %parallel_loop3A_1310 : f32 to vector<16xf32>
          %parallel_loop3A_1320 = arith.mulf %parallel_loop3A_1318, %parallel_loop3A_1319 : vector<16xf32>
          %parallel_loop3A_1321 = arith.index_cast %parallel_loop3A_1314 : i32 to index
          %parallel_loop3A_1322 = arith.constant 0 : index
          %parallel_loop3A_1323 = tpu.vector_load %arg10[%parallel_loop3A_1321, %parallel_loop3A_1322] {strides = array<i32>} : memref<128x128xf32, #tpu.memory_space<vmem>>, vector<1x16xf32>,
          %parallel_loop3A_1324 = vector.shape_cast %parallel_loop3A_1323 : vector<1x16xf32> to vector<16xf32>
          %parallel_loop3A_1325 = vector.shape_cast %parallel_loop3A_1320 : vector<16xf32> to vector<1x16xf32>
          tpu.vector_store %arg10[%parallel_loop3A_1321, %parallel_loop3A_1322], %parallel_loop3A_1325 {strides = array<i32>} : memref<128x128xf32, #tpu.memory_space<vmem>>, vector<1x16xf32>,
          %parallel_loop3A_1326 = arith.index_cast %parallel_loop3A_1314 : i32 to index
          %parallel_loop3A_1327 = arith.constant 16 : index
          %parallel_loop3A_1328 = tpu.vector_load %arg10[%parallel_loop3A_1326, %parallel_loop3A_1327] {strides = array<i32>} : memref<128x128xf32, #tpu.memory_space<vmem>>, vector<1x16xf32>,
          %parallel_loop3A_1329 = vector.shape_cast %parallel_loop3A_1328 : vector<1x16xf32> to vector<16xf32>
          %parallel_loop3A_1330 = vector.broadcast %parallel_loop3A_1310 : f32 to vector<16xf32>
          %parallel_loop3A_1331 = arith.mulf %parallel_loop3A_1329, %parallel_loop3A_1330 : vector<16xf32>
          %parallel_loop3A_1332 = arith.index_cast %parallel_loop3A_1314 : i32 to index
          %parallel_loop3A_1333 = arith.constant 16 : index
          %parallel_loop3A_1334 = tpu.vector_load %arg10[%parallel_loop3A_1332, %parallel_loop3A_1333] {strides = array<i32>} : memref<128x128xf32, #tpu.memory_space<vmem>>, vector<1x16xf32>,
          %parallel_loop3A_1335 = vector.shape_cast %parallel_loop3A_1334 : vector<1x16xf32> to vector<16xf32>
          %parallel_loop3A_1336 = vector.shape_cast %parallel_loop3A_1331 : vector<16xf32> to vector<1x16xf32>
          tpu.vector_store %arg10[%parallel_loop3A_1332, %parallel_loop3A_1333], %parallel_loop3A_1336 {strides = array<i32>} : memref<128x128xf32, #tpu.memory_space<vmem>>, vector<1x16xf32>,
          %parallel_loop3A_1337 = arith.index_cast %parallel_loop3A_1314 : i32 to index
          %parallel_loop3A_1338 = arith.constant 32 : index
          %parallel_loop3A_1339 = tpu.vector_load %arg10[%parallel_loop3A_1337, %parallel_loop3A_1338] {strides = array<i32>} : memref<128x128xf32, #tpu.memory_space<vmem>>, vector<1x16xf32>,
          %parallel_loop3A_1340 = vector.shape_cast %parallel_loop3A_1339 : vector<1x16xf32> to vector<16xf32>
          %parallel_loop3A_1341 = vector.broadcast %parallel_loop3A_1310 : f32 to vector<16xf32>
          %parallel_loop3A_1342 = arith.mulf %parallel_loop3A_1340, %parallel_loop3A_1341 : vector<16xf32>
          %parallel_loop3A_1343 = arith.index_cast %parallel_loop3A_1314 : i32 to index
          %parallel_loop3A_1344 = arith.constant 32 : index
          %parallel_loop3A_1345 = tpu.vector_load %arg10[%parallel_loop3A_1343, %parallel_loop3A_1344] {strides = array<i32>} : memref<128x128xf32, #tpu.memory_space<vmem>>, vector<1x16xf32>,
          %parallel_loop3A_1346 = vector.shape_cast %parallel_loop3A_1345 : vector<1x16xf32> to vector<16xf32>
          %parallel_loop3A_1347 = vector.shape_cast %parallel_loop3A_1342 : vector<16xf32> to vector<1x16xf32>
          tpu.vector_store %arg10[%parallel_loop3A_1343, %parallel_loop3A_1344], %parallel_loop3A_1347 {strides = array<i32>} : memref<128x128xf32, #tpu.memory_space<vmem>>, vector<1x16xf32>,
          %parallel_loop3A_1348 = arith.index_cast %parallel_loop3A_1314 : i32 to index
          %parallel_loop3A_1349 = arith.constant 48 : index
          %parallel_loop3A_1350 = tpu.vector_load %arg10[%parallel_loop3A_1348, %parallel_loop3A_1349] {strides = array<i32>} : memref<128x128xf32, #tpu.memory_space<vmem>>, vector<1x16xf32>,
          %parallel_loop3A_1351 = vector.shape_cast %parallel_loop3A_1350 : vector<1x16xf32> to vector<16xf32>
          %parallel_loop3A_1352 = vector.broadcast %parallel_loop3A_1310 : f32 to vector<16xf32>
          %parallel_loop3A_1353 = arith.mulf %parallel_loop3A_1351, %parallel_loop3A_1352 : vector<16xf32>
          %parallel_loop3A_1354 = arith.index_cast %parallel_loop3A_1314 : i32 to index
          %parallel_loop3A_1355 = arith.constant 48 : index
          %parallel_loop3A_1356 = tpu.vector_load %arg10[%parallel_loop3A_1354, %parallel_loop3A_1355] {strides = array<i32>} : memref<128x128xf32, #tpu.memory_space<vmem>>, vector<1x16xf32>,
          %parallel_loop3A_1357 = vector.shape_cast %parallel_loop3A_1356 : vector<1x16xf32> to vector<16xf32>
          %parallel_loop3A_1358 = vector.shape_cast %parallel_loop3A_1353 : vector<16xf32> to vector<1x16xf32>
          tpu.vector_store %arg10[%parallel_loop3A_1354, %parallel_loop3A_1355], %parallel_loop3A_1358 {strides = array<i32>} : memref<128x128xf32, #tpu.memory_space<vmem>>, vector<1x16xf32>,
          %parallel_loop3A_1359 = arith.index_cast %parallel_loop3A_1314 : i32 to index
          %parallel_loop3A_1360 = arith.constant 64 : index
          %parallel_loop3A_1361 = tpu.vector_load %arg10[%parallel_loop3A_1359, %parallel_loop3A_1360] {strides = array<i32>} : memref<128x128xf32, #tpu.memory_space<vmem>>, vector<1x16xf32>,
          %parallel_loop3A_1362 = vector.shape_cast %parallel_loop3A_1361 : vector<1x16xf32> to vector<16xf32>
          %parallel_loop3A_1363 = vector.broadcast %parallel_loop3A_1310 : f32 to vector<16xf32>
          %parallel_loop3A_1364 = arith.mulf %parallel_loop3A_1362, %parallel_loop3A_1363 : vector<16xf32>
          %parallel_loop3A_1365 = arith.index_cast %parallel_loop3A_1314 : i32 to index
          %parallel_loop3A_1366 = arith.constant 64 : index
          %parallel_loop3A_1367 = tpu.vector_load %arg10[%parallel_loop3A_1365, %parallel_loop3A_1366] {strides = array<i32>} : memref<128x128xf32, #tpu.memory_space<vmem>>, vector<1x16xf32>,
          %parallel_loop3A_1368 = vector.shape_cast %parallel_loop3A_1367 : vector<1x16xf32> to vector<16xf32>
          %parallel_loop3A_1369 = vector.shape_cast %parallel_loop3A_1364 : vector<16xf32> to vector<1x16xf32>
          tpu.vector_store %arg10[%parallel_loop3A_1365, %parallel_loop3A_1366], %parallel_loop3A_1369 {strides = array<i32>} : memref<128x128xf32, #tpu.memory_space<vmem>>, vector<1x16xf32>,
          %parallel_loop3A_1370 = arith.index_cast %parallel_loop3A_1314 : i32 to index
          %parallel_loop3A_1371 = arith.constant 80 : index
          %parallel_loop3A_1372 = tpu.vector_load %arg10[%parallel_loop3A_1370, %parallel_loop3A_1371] {strides = array<i32>} : memref<128x128xf32, #tpu.memory_space<vmem>>, vector<1x16xf32>,
          %parallel_loop3A_1373 = vector.shape_cast %parallel_loop3A_1372 : vector<1x16xf32> to vector<16xf32>
          %parallel_loop3A_1374 = vector.broadcast %parallel_loop3A_1310 : f32 to vector<16xf32>
          %parallel_loop3A_1375 = arith.mulf %parallel_loop3A_1373, %parallel_loop3A_1374 : vector<16xf32>
          %parallel_loop3A_1376 = arith.index_cast %parallel_loop3A_1314 : i32 to index
          %parallel_loop3A_1377 = arith.constant 80 : index
          %parallel_loop3A_1378 = tpu.vector_load %arg10[%parallel_loop3A_1376, %parallel_loop3A_1377] {strides = array<i32>} : memref<128x128xf32, #tpu.memory_space<vmem>>, vector<1x16xf32>,
          %parallel_loop3A_1379 = vector.shape_cast %parallel_loop3A_1378 : vector<1x16xf32> to vector<16xf32>
          %parallel_loop3A_1380 = vector.shape_cast %parallel_loop3A_1375 : vector<16xf32> to vector<1x16xf32>
          tpu.vector_store %arg10[%parallel_loop3A_1376, %parallel_loop3A_1377], %parallel_loop3A_1380 {strides = array<i32>} : memref<128x128xf32, #tpu.memory_space<vmem>>, vector<1x16xf32>,
          %parallel_loop3A_1381 = arith.index_cast %parallel_loop3A_1314 : i32 to index
          %parallel_loop3A_1382 = arith.constant 96 : index
          %parallel_loop3A_1383 = tpu.vector_load %arg10[%parallel_loop3A_1381, %parallel_loop3A_1382] {strides = array<i32>} : memref<128x128xf32, #tpu.memory_space<vmem>>, vector<1x16xf32>,
          %parallel_loop3A_1384 = vector.shape_cast %parallel_loop3A_1383 : vector<1x16xf32> to vector<16xf32>
          %parallel_loop3A_1385 = vector.broadcast %parallel_loop3A_1310 : f32 to vector<16xf32>
          %parallel_loop3A_1386 = arith.mulf %parallel_loop3A_1384, %parallel_loop3A_1385 : vector<16xf32>
          %parallel_loop3A_1387 = arith.index_cast %parallel_loop3A_1314 : i32 to index
          %parallel_loop3A_1388 = arith.constant 96 : index
          %parallel_loop3A_1389 = tpu.vector_load %arg10[%parallel_loop3A_1387, %parallel_loop3A_1388] {strides = array<i32>} : memref<128x128xf32, #tpu.memory_space<vmem>>, vector<1x16xf32>,
          %parallel_loop3A_1390 = vector.shape_cast %parallel_loop3A_1389 : vector<1x16xf32> to vector<16xf32>
          %parallel_loop3A_1391 = vector.shape_cast %parallel_loop3A_1386 : vector<16xf32> to vector<1x16xf32>
          tpu.vector_store %arg10[%parallel_loop3A_1387, %parallel_loop3A_1388], %parallel_loop3A_1391 {strides = array<i32>} : memref<128x128xf32, #tpu.memory_space<vmem>>, vector<1x16xf32>,
          %parallel_loop3A_1392 = arith.index_cast %parallel_loop3A_1314 : i32 to index
          %parallel_loop3A_1393 = arith.constant 112 : index
          %parallel_loop3A_1394 = tpu.vector_load %arg10[%parallel_loop3A_1392, %parallel_loop3A_1393] {strides = array<i32>} : memref<128x128xf32, #tpu.memory_space<vmem>>, vector<1x16xf32>,
          %parallel_loop3A_1395 = vector.shape_cast %parallel_loop3A_1394 : vector<1x16xf32> to vector<16xf32>
          %parallel_loop3A_1396 = vector.broadcast %parallel_loop3A_1310 : f32 to vector<16xf32>
          %parallel_loop3A_1397 = arith.mulf %parallel_loop3A_1395, %parallel_loop3A_1396 : vector<16xf32>
          %parallel_loop3A_1398 = arith.index_cast %parallel_loop3A_1314 : i32 to index
          %parallel_loop3A_1399 = arith.constant 112 : index
          %parallel_loop3A_1400 = tpu.vector_load %arg10[%parallel_loop3A_1398, %parallel_loop3A_1399] {strides = array<i32>} : memref<128x128xf32, #tpu.memory_space<vmem>>, vector<1x16xf32>,
          %parallel_loop3A_1401 = vector.shape_cast %parallel_loop3A_1400 : vector<1x16xf32> to vector<16xf32>
          %parallel_loop3A_1402 = vector.shape_cast %parallel_loop3A_1397 : vector<16xf32> to vector<1x16xf32>
          tpu.vector_store %arg10[%parallel_loop3A_1398, %parallel_loop3A_1399], %parallel_loop3A_1402 {strides = array<i32>} : memref<128x128xf32, #tpu.memory_space<vmem>>, vector<1x16xf32>,
          %parallel_loop3A_1403 = vector.extract_strided_slice %parallel_loop3A_180 {offsets = [13], sizes = [1], strides = [1]} : vector<16xf32> to vector<1xf32>
          %parallel_loop3A_1404 = vector.extract %parallel_loop3A_1403[0] : f32 from vector<1xf32>
          %parallel_loop3A_1405 = arith.constant 16 : i32
          %parallel_loop3A_1406 = arith.muli %parallel_loop3A_174, %parallel_loop3A_1405 : i32
          %parallel_loop3A_1407 = arith.constant 13 : i32
          %parallel_loop3A_1408 = arith.addi %parallel_loop3A_1406, %parallel_loop3A_1407 : i32
          %parallel_loop3A_1409 = arith.index_cast %parallel_loop3A_1408 : i32 to index
          %parallel_loop3A_1410 = arith.constant 0 : index
          %parallel_loop3A_1411 = tpu.vector_load %arg10[%parallel_loop3A_1409, %parallel_loop3A_1410] {strides = array<i32>} : memref<128x128xf32, #tpu.memory_space<vmem>>, vector<1x16xf32>,
          %parallel_loop3A_1412 = vector.shape_cast %parallel_loop3A_1411 : vector<1x16xf32> to vector<16xf32>
          %parallel_loop3A_1413 = vector.broadcast %parallel_loop3A_1404 : f32 to vector<16xf32>
          %parallel_loop3A_1414 = arith.mulf %parallel_loop3A_1412, %parallel_loop3A_1413 : vector<16xf32>
          %parallel_loop3A_1415 = arith.index_cast %parallel_loop3A_1408 : i32 to index
          %parallel_loop3A_1416 = arith.constant 0 : index
          %parallel_loop3A_1417 = tpu.vector_load %arg10[%parallel_loop3A_1415, %parallel_loop3A_1416] {strides = array<i32>} : memref<128x128xf32, #tpu.memory_space<vmem>>, vector<1x16xf32>,
          %parallel_loop3A_1418 = vector.shape_cast %parallel_loop3A_1417 : vector<1x16xf32> to vector<16xf32>
          %parallel_loop3A_1419 = vector.shape_cast %parallel_loop3A_1414 : vector<16xf32> to vector<1x16xf32>
          tpu.vector_store %arg10[%parallel_loop3A_1415, %parallel_loop3A_1416], %parallel_loop3A_1419 {strides = array<i32>} : memref<128x128xf32, #tpu.memory_space<vmem>>, vector<1x16xf32>,
          %parallel_loop3A_1420 = arith.index_cast %parallel_loop3A_1408 : i32 to index
          %parallel_loop3A_1421 = arith.constant 16 : index
          %parallel_loop3A_1422 = tpu.vector_load %arg10[%parallel_loop3A_1420, %parallel_loop3A_1421] {strides = array<i32>} : memref<128x128xf32, #tpu.memory_space<vmem>>, vector<1x16xf32>,
          %parallel_loop3A_1423 = vector.shape_cast %parallel_loop3A_1422 : vector<1x16xf32> to vector<16xf32>
          %parallel_loop3A_1424 = vector.broadcast %parallel_loop3A_1404 : f32 to vector<16xf32>
          %parallel_loop3A_1425 = arith.mulf %parallel_loop3A_1423, %parallel_loop3A_1424 : vector<16xf32>
          %parallel_loop3A_1426 = arith.index_cast %parallel_loop3A_1408 : i32 to index
          %parallel_loop3A_1427 = arith.constant 16 : index
          %parallel_loop3A_1428 = tpu.vector_load %arg10[%parallel_loop3A_1426, %parallel_loop3A_1427] {strides = array<i32>} : memref<128x128xf32, #tpu.memory_space<vmem>>, vector<1x16xf32>,
          %parallel_loop3A_1429 = vector.shape_cast %parallel_loop3A_1428 : vector<1x16xf32> to vector<16xf32>
          %parallel_loop3A_1430 = vector.shape_cast %parallel_loop3A_1425 : vector<16xf32> to vector<1x16xf32>
          tpu.vector_store %arg10[%parallel_loop3A_1426, %parallel_loop3A_1427], %parallel_loop3A_1430 {strides = array<i32>} : memref<128x128xf32, #tpu.memory_space<vmem>>, vector<1x16xf32>,
          %parallel_loop3A_1431 = arith.index_cast %parallel_loop3A_1408 : i32 to index
          %parallel_loop3A_1432 = arith.constant 32 : index
          %parallel_loop3A_1433 = tpu.vector_load %arg10[%parallel_loop3A_1431, %parallel_loop3A_1432] {strides = array<i32>} : memref<128x128xf32, #tpu.memory_space<vmem>>, vector<1x16xf32>,
          %parallel_loop3A_1434 = vector.shape_cast %parallel_loop3A_1433 : vector<1x16xf32> to vector<16xf32>
          %parallel_loop3A_1435 = vector.broadcast %parallel_loop3A_1404 : f32 to vector<16xf32>
          %parallel_loop3A_1436 = arith.mulf %parallel_loop3A_1434, %parallel_loop3A_1435 : vector<16xf32>
          %parallel_loop3A_1437 = arith.index_cast %parallel_loop3A_1408 : i32 to index
          %parallel_loop3A_1438 = arith.constant 32 : index
          %parallel_loop3A_1439 = tpu.vector_load %arg10[%parallel_loop3A_1437, %parallel_loop3A_1438] {strides = array<i32>} : memref<128x128xf32, #tpu.memory_space<vmem>>, vector<1x16xf32>,
          %parallel_loop3A_1440 = vector.shape_cast %parallel_loop3A_1439 : vector<1x16xf32> to vector<16xf32>
          %parallel_loop3A_1441 = vector.shape_cast %parallel_loop3A_1436 : vector<16xf32> to vector<1x16xf32>
          tpu.vector_store %arg10[%parallel_loop3A_1437, %parallel_loop3A_1438], %parallel_loop3A_1441 {strides = array<i32>} : memref<128x128xf32, #tpu.memory_space<vmem>>, vector<1x16xf32>,
          %parallel_loop3A_1442 = arith.index_cast %parallel_loop3A_1408 : i32 to index
          %parallel_loop3A_1443 = arith.constant 48 : index
          %parallel_loop3A_1444 = tpu.vector_load %arg10[%parallel_loop3A_1442, %parallel_loop3A_1443] {strides = array<i32>} : memref<128x128xf32, #tpu.memory_space<vmem>>, vector<1x16xf32>,
          %parallel_loop3A_1445 = vector.shape_cast %parallel_loop3A_1444 : vector<1x16xf32> to vector<16xf32>
          %parallel_loop3A_1446 = vector.broadcast %parallel_loop3A_1404 : f32 to vector<16xf32>
          %parallel_loop3A_1447 = arith.mulf %parallel_loop3A_1445, %parallel_loop3A_1446 : vector<16xf32>
          %parallel_loop3A_1448 = arith.index_cast %parallel_loop3A_1408 : i32 to index
          %parallel_loop3A_1449 = arith.constant 48 : index
          %parallel_loop3A_1450 = tpu.vector_load %arg10[%parallel_loop3A_1448, %parallel_loop3A_1449] {strides = array<i32>} : memref<128x128xf32, #tpu.memory_space<vmem>>, vector<1x16xf32>,
          %parallel_loop3A_1451 = vector.shape_cast %parallel_loop3A_1450 : vector<1x16xf32> to vector<16xf32>
          %parallel_loop3A_1452 = vector.shape_cast %parallel_loop3A_1447 : vector<16xf32> to vector<1x16xf32>
          tpu.vector_store %arg10[%parallel_loop3A_1448, %parallel_loop3A_1449], %parallel_loop3A_1452 {strides = array<i32>} : memref<128x128xf32, #tpu.memory_space<vmem>>, vector<1x16xf32>,
          %parallel_loop3A_1453 = arith.index_cast %parallel_loop3A_1408 : i32 to index
          %parallel_loop3A_1454 = arith.constant 64 : index
          %parallel_loop3A_1455 = tpu.vector_load %arg10[%parallel_loop3A_1453, %parallel_loop3A_1454] {strides = array<i32>} : memref<128x128xf32, #tpu.memory_space<vmem>>, vector<1x16xf32>,
          %parallel_loop3A_1456 = vector.shape_cast %parallel_loop3A_1455 : vector<1x16xf32> to vector<16xf32>
          %parallel_loop3A_1457 = vector.broadcast %parallel_loop3A_1404 : f32 to vector<16xf32>
          %parallel_loop3A_1458 = arith.mulf %parallel_loop3A_1456, %parallel_loop3A_1457 : vector<16xf32>
          %parallel_loop3A_1459 = arith.index_cast %parallel_loop3A_1408 : i32 to index
          %parallel_loop3A_1460 = arith.constant 64 : index
          %parallel_loop3A_1461 = tpu.vector_load %arg10[%parallel_loop3A_1459, %parallel_loop3A_1460] {strides = array<i32>} : memref<128x128xf32, #tpu.memory_space<vmem>>, vector<1x16xf32>,
          %parallel_loop3A_1462 = vector.shape_cast %parallel_loop3A_1461 : vector<1x16xf32> to vector<16xf32>
          %parallel_loop3A_1463 = vector.shape_cast %parallel_loop3A_1458 : vector<16xf32> to vector<1x16xf32>
          tpu.vector_store %arg10[%parallel_loop3A_1459, %parallel_loop3A_1460], %parallel_loop3A_1463 {strides = array<i32>} : memref<128x128xf32, #tpu.memory_space<vmem>>, vector<1x16xf32>,
          %parallel_loop3A_1464 = arith.index_cast %parallel_loop3A_1408 : i32 to index
          %parallel_loop3A_1465 = arith.constant 80 : index
          %parallel_loop3A_1466 = tpu.vector_load %arg10[%parallel_loop3A_1464, %parallel_loop3A_1465] {strides = array<i32>} : memref<128x128xf32, #tpu.memory_space<vmem>>, vector<1x16xf32>,
          %parallel_loop3A_1467 = vector.shape_cast %parallel_loop3A_1466 : vector<1x16xf32> to vector<16xf32>
          %parallel_loop3A_1468 = vector.broadcast %parallel_loop3A_1404 : f32 to vector<16xf32>
          %parallel_loop3A_1469 = arith.mulf %parallel_loop3A_1467, %parallel_loop3A_1468 : vector<16xf32>
          %parallel_loop3A_1470 = arith.index_cast %parallel_loop3A_1408 : i32 to index
          %parallel_loop3A_1471 = arith.constant 80 : index
          %parallel_loop3A_1472 = tpu.vector_load %arg10[%parallel_loop3A_1470, %parallel_loop3A_1471] {strides = array<i32>} : memref<128x128xf32, #tpu.memory_space<vmem>>, vector<1x16xf32>,
          %parallel_loop3A_1473 = vector.shape_cast %parallel_loop3A_1472 : vector<1x16xf32> to vector<16xf32>
          %parallel_loop3A_1474 = vector.shape_cast %parallel_loop3A_1469 : vector<16xf32> to vector<1x16xf32>
          tpu.vector_store %arg10[%parallel_loop3A_1470, %parallel_loop3A_1471], %parallel_loop3A_1474 {strides = array<i32>} : memref<128x128xf32, #tpu.memory_space<vmem>>, vector<1x16xf32>,
          %parallel_loop3A_1475 = arith.index_cast %parallel_loop3A_1408 : i32 to index
          %parallel_loop3A_1476 = arith.constant 96 : index
          %parallel_loop3A_1477 = tpu.vector_load %arg10[%parallel_loop3A_1475, %parallel_loop3A_1476] {strides = array<i32>} : memref<128x128xf32, #tpu.memory_space<vmem>>, vector<1x16xf32>,
          %parallel_loop3A_1478 = vector.shape_cast %parallel_loop3A_1477 : vector<1x16xf32> to vector<16xf32>
          %parallel_loop3A_1479 = vector.broadcast %parallel_loop3A_1404 : f32 to vector<16xf32>
          %parallel_loop3A_1480 = arith.mulf %parallel_loop3A_1478, %parallel_loop3A_1479 : vector<16xf32>
          %parallel_loop3A_1481 = arith.index_cast %parallel_loop3A_1408 : i32 to index
          %parallel_loop3A_1482 = arith.constant 96 : index
          %parallel_loop3A_1483 = tpu.vector_load %arg10[%parallel_loop3A_1481, %parallel_loop3A_1482] {strides = array<i32>} : memref<128x128xf32, #tpu.memory_space<vmem>>, vector<1x16xf32>,
          %parallel_loop3A_1484 = vector.shape_cast %parallel_loop3A_1483 : vector<1x16xf32> to vector<16xf32>
          %parallel_loop3A_1485 = vector.shape_cast %parallel_loop3A_1480 : vector<16xf32> to vector<1x16xf32>
          tpu.vector_store %arg10[%parallel_loop3A_1481, %parallel_loop3A_1482], %parallel_loop3A_1485 {strides = array<i32>} : memref<128x128xf32, #tpu.memory_space<vmem>>, vector<1x16xf32>,
          %parallel_loop3A_1486 = arith.index_cast %parallel_loop3A_1408 : i32 to index
          %parallel_loop3A_1487 = arith.constant 112 : index
          %parallel_loop3A_1488 = tpu.vector_load %arg10[%parallel_loop3A_1486, %parallel_loop3A_1487] {strides = array<i32>} : memref<128x128xf32, #tpu.memory_space<vmem>>, vector<1x16xf32>,
          %parallel_loop3A_1489 = vector.shape_cast %parallel_loop3A_1488 : vector<1x16xf32> to vector<16xf32>
          %parallel_loop3A_1490 = vector.broadcast %parallel_loop3A_1404 : f32 to vector<16xf32>
          %parallel_loop3A_1491 = arith.mulf %parallel_loop3A_1489, %parallel_loop3A_1490 : vector<16xf32>
          %parallel_loop3A_1492 = arith.index_cast %parallel_loop3A_1408 : i32 to index
          %parallel_loop3A_1493 = arith.constant 112 : index
          %parallel_loop3A_1494 = tpu.vector_load %arg10[%parallel_loop3A_1492, %parallel_loop3A_1493] {strides = array<i32>} : memref<128x128xf32, #tpu.memory_space<vmem>>, vector<1x16xf32>,
          %parallel_loop3A_1495 = vector.shape_cast %parallel_loop3A_1494 : vector<1x16xf32> to vector<16xf32>
          %parallel_loop3A_1496 = vector.shape_cast %parallel_loop3A_1491 : vector<16xf32> to vector<1x16xf32>
          tpu.vector_store %arg10[%parallel_loop3A_1492, %parallel_loop3A_1493], %parallel_loop3A_1496 {strides = array<i32>} : memref<128x128xf32, #tpu.memory_space<vmem>>, vector<1x16xf32>,
          %parallel_loop3A_1497 = vector.extract_strided_slice %parallel_loop3A_180 {offsets = [14], sizes = [1], strides = [1]} : vector<16xf32> to vector<1xf32>
          %parallel_loop3A_1498 = vector.extract %parallel_loop3A_1497[0] : f32 from vector<1xf32>
          %parallel_loop3A_1499 = arith.constant 16 : i32
          %parallel_loop3A_1500 = arith.muli %parallel_loop3A_174, %parallel_loop3A_1499 : i32
          %parallel_loop3A_1501 = arith.constant 14 : i32
          %parallel_loop3A_1502 = arith.addi %parallel_loop3A_1500, %parallel_loop3A_1501 : i32
          %parallel_loop3A_1503 = arith.index_cast %parallel_loop3A_1502 : i32 to index
          %parallel_loop3A_1504 = arith.constant 0 : index
          %parallel_loop3A_1505 = tpu.vector_load %arg10[%parallel_loop3A_1503, %parallel_loop3A_1504] {strides = array<i32>} : memref<128x128xf32, #tpu.memory_space<vmem>>, vector<1x16xf32>,
          %parallel_loop3A_1506 = vector.shape_cast %parallel_loop3A_1505 : vector<1x16xf32> to vector<16xf32>
          %parallel_loop3A_1507 = vector.broadcast %parallel_loop3A_1498 : f32 to vector<16xf32>
          %parallel_loop3A_1508 = arith.mulf %parallel_loop3A_1506, %parallel_loop3A_1507 : vector<16xf32>
          %parallel_loop3A_1509 = arith.index_cast %parallel_loop3A_1502 : i32 to index
          %parallel_loop3A_1510 = arith.constant 0 : index
          %parallel_loop3A_1511 = tpu.vector_load %arg10[%parallel_loop3A_1509, %parallel_loop3A_1510] {strides = array<i32>} : memref<128x128xf32, #tpu.memory_space<vmem>>, vector<1x16xf32>,
          %parallel_loop3A_1512 = vector.shape_cast %parallel_loop3A_1511 : vector<1x16xf32> to vector<16xf32>
          %parallel_loop3A_1513 = vector.shape_cast %parallel_loop3A_1508 : vector<16xf32> to vector<1x16xf32>
          tpu.vector_store %arg10[%parallel_loop3A_1509, %parallel_loop3A_1510], %parallel_loop3A_1513 {strides = array<i32>} : memref<128x128xf32, #tpu.memory_space<vmem>>, vector<1x16xf32>,
          %parallel_loop3A_1514 = arith.index_cast %parallel_loop3A_1502 : i32 to index
          %parallel_loop3A_1515 = arith.constant 16 : index
          %parallel_loop3A_1516 = tpu.vector_load %arg10[%parallel_loop3A_1514, %parallel_loop3A_1515] {strides = array<i32>} : memref<128x128xf32, #tpu.memory_space<vmem>>, vector<1x16xf32>,
          %parallel_loop3A_1517 = vector.shape_cast %parallel_loop3A_1516 : vector<1x16xf32> to vector<16xf32>
          %parallel_loop3A_1518 = vector.broadcast %parallel_loop3A_1498 : f32 to vector<16xf32>
          %parallel_loop3A_1519 = arith.mulf %parallel_loop3A_1517, %parallel_loop3A_1518 : vector<16xf32>
          %parallel_loop3A_1520 = arith.index_cast %parallel_loop3A_1502 : i32 to index
          %parallel_loop3A_1521 = arith.constant 16 : index
          %parallel_loop3A_1522 = tpu.vector_load %arg10[%parallel_loop3A_1520, %parallel_loop3A_1521] {strides = array<i32>} : memref<128x128xf32, #tpu.memory_space<vmem>>, vector<1x16xf32>,
          %parallel_loop3A_1523 = vector.shape_cast %parallel_loop3A_1522 : vector<1x16xf32> to vector<16xf32>
          %parallel_loop3A_1524 = vector.shape_cast %parallel_loop3A_1519 : vector<16xf32> to vector<1x16xf32>
          tpu.vector_store %arg10[%parallel_loop3A_1520, %parallel_loop3A_1521], %parallel_loop3A_1524 {strides = array<i32>} : memref<128x128xf32, #tpu.memory_space<vmem>>, vector<1x16xf32>,
          %parallel_loop3A_1525 = arith.index_cast %parallel_loop3A_1502 : i32 to index
          %parallel_loop3A_1526 = arith.constant 32 : index
          %parallel_loop3A_1527 = tpu.vector_load %arg10[%parallel_loop3A_1525, %parallel_loop3A_1526] {strides = array<i32>} : memref<128x128xf32, #tpu.memory_space<vmem>>, vector<1x16xf32>,
          %parallel_loop3A_1528 = vector.shape_cast %parallel_loop3A_1527 : vector<1x16xf32> to vector<16xf32>
          %parallel_loop3A_1529 = vector.broadcast %parallel_loop3A_1498 : f32 to vector<16xf32>
          %parallel_loop3A_1530 = arith.mulf %parallel_loop3A_1528, %parallel_loop3A_1529 : vector<16xf32>
          %parallel_loop3A_1531 = arith.index_cast %parallel_loop3A_1502 : i32 to index
          %parallel_loop3A_1532 = arith.constant 32 : index
          %parallel_loop3A_1533 = tpu.vector_load %arg10[%parallel_loop3A_1531, %parallel_loop3A_1532] {strides = array<i32>} : memref<128x128xf32, #tpu.memory_space<vmem>>, vector<1x16xf32>,
          %parallel_loop3A_1534 = vector.shape_cast %parallel_loop3A_1533 : vector<1x16xf32> to vector<16xf32>
          %parallel_loop3A_1535 = vector.shape_cast %parallel_loop3A_1530 : vector<16xf32> to vector<1x16xf32>
          tpu.vector_store %arg10[%parallel_loop3A_1531, %parallel_loop3A_1532], %parallel_loop3A_1535 {strides = array<i32>} : memref<128x128xf32, #tpu.memory_space<vmem>>, vector<1x16xf32>,
          %parallel_loop3A_1536 = arith.index_cast %parallel_loop3A_1502 : i32 to index
          %parallel_loop3A_1537 = arith.constant 48 : index
          %parallel_loop3A_1538 = tpu.vector_load %arg10[%parallel_loop3A_1536, %parallel_loop3A_1537] {strides = array<i32>} : memref<128x128xf32, #tpu.memory_space<vmem>>, vector<1x16xf32>,
          %parallel_loop3A_1539 = vector.shape_cast %parallel_loop3A_1538 : vector<1x16xf32> to vector<16xf32>
          %parallel_loop3A_1540 = vector.broadcast %parallel_loop3A_1498 : f32 to vector<16xf32>
          %parallel_loop3A_1541 = arith.mulf %parallel_loop3A_1539, %parallel_loop3A_1540 : vector<16xf32>
          %parallel_loop3A_1542 = arith.index_cast %parallel_loop3A_1502 : i32 to index
          %parallel_loop3A_1543 = arith.constant 48 : index
          %parallel_loop3A_1544 = tpu.vector_load %arg10[%parallel_loop3A_1542, %parallel_loop3A_1543] {strides = array<i32>} : memref<128x128xf32, #tpu.memory_space<vmem>>, vector<1x16xf32>,
          %parallel_loop3A_1545 = vector.shape_cast %parallel_loop3A_1544 : vector<1x16xf32> to vector<16xf32>
          %parallel_loop3A_1546 = vector.shape_cast %parallel_loop3A_1541 : vector<16xf32> to vector<1x16xf32>
          tpu.vector_store %arg10[%parallel_loop3A_1542, %parallel_loop3A_1543], %parallel_loop3A_1546 {strides = array<i32>} : memref<128x128xf32, #tpu.memory_space<vmem>>, vector<1x16xf32>,
          %parallel_loop3A_1547 = arith.index_cast %parallel_loop3A_1502 : i32 to index
          %parallel_loop3A_1548 = arith.constant 64 : index
          %parallel_loop3A_1549 = tpu.vector_load %arg10[%parallel_loop3A_1547, %parallel_loop3A_1548] {strides = array<i32>} : memref<128x128xf32, #tpu.memory_space<vmem>>, vector<1x16xf32>,
          %parallel_loop3A_1550 = vector.shape_cast %parallel_loop3A_1549 : vector<1x16xf32> to vector<16xf32>
          %parallel_loop3A_1551 = vector.broadcast %parallel_loop3A_1498 : f32 to vector<16xf32>
          %parallel_loop3A_1552 = arith.mulf %parallel_loop3A_1550, %parallel_loop3A_1551 : vector<16xf32>
          %parallel_loop3A_1553 = arith.index_cast %parallel_loop3A_1502 : i32 to index
          %parallel_loop3A_1554 = arith.constant 64 : index
          %parallel_loop3A_1555 = tpu.vector_load %arg10[%parallel_loop3A_1553, %parallel_loop3A_1554] {strides = array<i32>} : memref<128x128xf32, #tpu.memory_space<vmem>>, vector<1x16xf32>,
          %parallel_loop3A_1556 = vector.shape_cast %parallel_loop3A_1555 : vector<1x16xf32> to vector<16xf32>
          %parallel_loop3A_1557 = vector.shape_cast %parallel_loop3A_1552 : vector<16xf32> to vector<1x16xf32>
          tpu.vector_store %arg10[%parallel_loop3A_1553, %parallel_loop3A_1554], %parallel_loop3A_1557 {strides = array<i32>} : memref<128x128xf32, #tpu.memory_space<vmem>>, vector<1x16xf32>,
          %parallel_loop3A_1558 = arith.index_cast %parallel_loop3A_1502 : i32 to index
          %parallel_loop3A_1559 = arith.constant 80 : index
          %parallel_loop3A_1560 = tpu.vector_load %arg10[%parallel_loop3A_1558, %parallel_loop3A_1559] {strides = array<i32>} : memref<128x128xf32, #tpu.memory_space<vmem>>, vector<1x16xf32>,
          %parallel_loop3A_1561 = vector.shape_cast %parallel_loop3A_1560 : vector<1x16xf32> to vector<16xf32>
          %parallel_loop3A_1562 = vector.broadcast %parallel_loop3A_1498 : f32 to vector<16xf32>
          %parallel_loop3A_1563 = arith.mulf %parallel_loop3A_1561, %parallel_loop3A_1562 : vector<16xf32>
          %parallel_loop3A_1564 = arith.index_cast %parallel_loop3A_1502 : i32 to index
          %parallel_loop3A_1565 = arith.constant 80 : index
          %parallel_loop3A_1566 = tpu.vector_load %arg10[%parallel_loop3A_1564, %parallel_loop3A_1565] {strides = array<i32>} : memref<128x128xf32, #tpu.memory_space<vmem>>, vector<1x16xf32>,
          %parallel_loop3A_1567 = vector.shape_cast %parallel_loop3A_1566 : vector<1x16xf32> to vector<16xf32>
          %parallel_loop3A_1568 = vector.shape_cast %parallel_loop3A_1563 : vector<16xf32> to vector<1x16xf32>
          tpu.vector_store %arg10[%parallel_loop3A_1564, %parallel_loop3A_1565], %parallel_loop3A_1568 {strides = array<i32>} : memref<128x128xf32, #tpu.memory_space<vmem>>, vector<1x16xf32>,
          %parallel_loop3A_1569 = arith.index_cast %parallel_loop3A_1502 : i32 to index
          %parallel_loop3A_1570 = arith.constant 96 : index
          %parallel_loop3A_1571 = tpu.vector_load %arg10[%parallel_loop3A_1569, %parallel_loop3A_1570] {strides = array<i32>} : memref<128x128xf32, #tpu.memory_space<vmem>>, vector<1x16xf32>,
          %parallel_loop3A_1572 = vector.shape_cast %parallel_loop3A_1571 : vector<1x16xf32> to vector<16xf32>
          %parallel_loop3A_1573 = vector.broadcast %parallel_loop3A_1498 : f32 to vector<16xf32>
          %parallel_loop3A_1574 = arith.mulf %parallel_loop3A_1572, %parallel_loop3A_1573 : vector<16xf32>
          %parallel_loop3A_1575 = arith.index_cast %parallel_loop3A_1502 : i32 to index
          %parallel_loop3A_1576 = arith.constant 96 : index
          %parallel_loop3A_1577 = tpu.vector_load %arg10[%parallel_loop3A_1575, %parallel_loop3A_1576] {strides = array<i32>} : memref<128x128xf32, #tpu.memory_space<vmem>>, vector<1x16xf32>,
          %parallel_loop3A_1578 = vector.shape_cast %parallel_loop3A_1577 : vector<1x16xf32> to vector<16xf32>
          %parallel_loop3A_1579 = vector.shape_cast %parallel_loop3A_1574 : vector<16xf32> to vector<1x16xf32>
          tpu.vector_store %arg10[%parallel_loop3A_1575, %parallel_loop3A_1576], %parallel_loop3A_1579 {strides = array<i32>} : memref<128x128xf32, #tpu.memory_space<vmem>>, vector<1x16xf32>,
          %parallel_loop3A_1580 = arith.index_cast %parallel_loop3A_1502 : i32 to index
          %parallel_loop3A_1581 = arith.constant 112 : index
          %parallel_loop3A_1582 = tpu.vector_load %arg10[%parallel_loop3A_1580, %parallel_loop3A_1581] {strides = array<i32>} : memref<128x128xf32, #tpu.memory_space<vmem>>, vector<1x16xf32>,
          %parallel_loop3A_1583 = vector.shape_cast %parallel_loop3A_1582 : vector<1x16xf32> to vector<16xf32>
          %parallel_loop3A_1584 = vector.broadcast %parallel_loop3A_1498 : f32 to vector<16xf32>
          %parallel_loop3A_1585 = arith.mulf %parallel_loop3A_1583, %parallel_loop3A_1584 : vector<16xf32>
          %parallel_loop3A_1586 = arith.index_cast %parallel_loop3A_1502 : i32 to index
          %parallel_loop3A_1587 = arith.constant 112 : index
          %parallel_loop3A_1588 = tpu.vector_load %arg10[%parallel_loop3A_1586, %parallel_loop3A_1587] {strides = array<i32>} : memref<128x128xf32, #tpu.memory_space<vmem>>, vector<1x16xf32>,
          %parallel_loop3A_1589 = vector.shape_cast %parallel_loop3A_1588 : vector<1x16xf32> to vector<16xf32>
          %parallel_loop3A_1590 = vector.shape_cast %parallel_loop3A_1585 : vector<16xf32> to vector<1x16xf32>
          tpu.vector_store %arg10[%parallel_loop3A_1586, %parallel_loop3A_1587], %parallel_loop3A_1590 {strides = array<i32>} : memref<128x128xf32, #tpu.memory_space<vmem>>, vector<1x16xf32>,
          %parallel_loop3A_1591 = vector.extract_strided_slice %parallel_loop3A_180 {offsets = [15], sizes = [1], strides = [1]} : vector<16xf32> to vector<1xf32>
          %parallel_loop3A_1592 = vector.extract %parallel_loop3A_1591[0] : f32 from vector<1xf32>
          %parallel_loop3A_1593 = arith.constant 16 : i32
          %parallel_loop3A_1594 = arith.muli %parallel_loop3A_174, %parallel_loop3A_1593 : i32
          %parallel_loop3A_1595 = arith.constant 15 : i32
          %parallel_loop3A_1596 = arith.addi %parallel_loop3A_1594, %parallel_loop3A_1595 : i32
          %parallel_loop3A_1597 = arith.index_cast %parallel_loop3A_1596 : i32 to index
          %parallel_loop3A_1598 = arith.constant 0 : index
          %parallel_loop3A_1599 = tpu.vector_load %arg10[%parallel_loop3A_1597, %parallel_loop3A_1598] {strides = array<i32>} : memref<128x128xf32, #tpu.memory_space<vmem>>, vector<1x16xf32>,
          %parallel_loop3A_1600 = vector.shape_cast %parallel_loop3A_1599 : vector<1x16xf32> to vector<16xf32>
          %parallel_loop3A_1601 = vector.broadcast %parallel_loop3A_1592 : f32 to vector<16xf32>
          %parallel_loop3A_1602 = arith.mulf %parallel_loop3A_1600, %parallel_loop3A_1601 : vector<16xf32>
          %parallel_loop3A_1603 = arith.index_cast %parallel_loop3A_1596 : i32 to index
          %parallel_loop3A_1604 = arith.constant 0 : index
          %parallel_loop3A_1605 = tpu.vector_load %arg10[%parallel_loop3A_1603, %parallel_loop3A_1604] {strides = array<i32>} : memref<128x128xf32, #tpu.memory_space<vmem>>, vector<1x16xf32>,
          %parallel_loop3A_1606 = vector.shape_cast %parallel_loop3A_1605 : vector<1x16xf32> to vector<16xf32>
          %parallel_loop3A_1607 = vector.shape_cast %parallel_loop3A_1602 : vector<16xf32> to vector<1x16xf32>
          tpu.vector_store %arg10[%parallel_loop3A_1603, %parallel_loop3A_1604], %parallel_loop3A_1607 {strides = array<i32>} : memref<128x128xf32, #tpu.memory_space<vmem>>, vector<1x16xf32>,
          %parallel_loop3A_1608 = arith.index_cast %parallel_loop3A_1596 : i32 to index
          %parallel_loop3A_1609 = arith.constant 16 : index
          %parallel_loop3A_1610 = tpu.vector_load %arg10[%parallel_loop3A_1608, %parallel_loop3A_1609] {strides = array<i32>} : memref<128x128xf32, #tpu.memory_space<vmem>>, vector<1x16xf32>,
          %parallel_loop3A_1611 = vector.shape_cast %parallel_loop3A_1610 : vector<1x16xf32> to vector<16xf32>
          %parallel_loop3A_1612 = vector.broadcast %parallel_loop3A_1592 : f32 to vector<16xf32>
          %parallel_loop3A_1613 = arith.mulf %parallel_loop3A_1611, %parallel_loop3A_1612 : vector<16xf32>
          %parallel_loop3A_1614 = arith.index_cast %parallel_loop3A_1596 : i32 to index
          %parallel_loop3A_1615 = arith.constant 16 : index
          %parallel_loop3A_1616 = tpu.vector_load %arg10[%parallel_loop3A_1614, %parallel_loop3A_1615] {strides = array<i32>} : memref<128x128xf32, #tpu.memory_space<vmem>>, vector<1x16xf32>,
          %parallel_loop3A_1617 = vector.shape_cast %parallel_loop3A_1616 : vector<1x16xf32> to vector<16xf32>
          %parallel_loop3A_1618 = vector.shape_cast %parallel_loop3A_1613 : vector<16xf32> to vector<1x16xf32>
          tpu.vector_store %arg10[%parallel_loop3A_1614, %parallel_loop3A_1615], %parallel_loop3A_1618 {strides = array<i32>} : memref<128x128xf32, #tpu.memory_space<vmem>>, vector<1x16xf32>,
          %parallel_loop3A_1619 = arith.index_cast %parallel_loop3A_1596 : i32 to index
          %parallel_loop3A_1620 = arith.constant 32 : index
          %parallel_loop3A_1621 = tpu.vector_load %arg10[%parallel_loop3A_1619, %parallel_loop3A_1620] {strides = array<i32>} : memref<128x128xf32, #tpu.memory_space<vmem>>, vector<1x16xf32>,
          %parallel_loop3A_1622 = vector.shape_cast %parallel_loop3A_1621 : vector<1x16xf32> to vector<16xf32>
          %parallel_loop3A_1623 = vector.broadcast %parallel_loop3A_1592 : f32 to vector<16xf32>
          %parallel_loop3A_1624 = arith.mulf %parallel_loop3A_1622, %parallel_loop3A_1623 : vector<16xf32>
          %parallel_loop3A_1625 = arith.index_cast %parallel_loop3A_1596 : i32 to index
          %parallel_loop3A_1626 = arith.constant 32 : index
          %parallel_loop3A_1627 = tpu.vector_load %arg10[%parallel_loop3A_1625, %parallel_loop3A_1626] {strides = array<i32>} : memref<128x128xf32, #tpu.memory_space<vmem>>, vector<1x16xf32>,
          %parallel_loop3A_1628 = vector.shape_cast %parallel_loop3A_1627 : vector<1x16xf32> to vector<16xf32>
          %parallel_loop3A_1629 = vector.shape_cast %parallel_loop3A_1624 : vector<16xf32> to vector<1x16xf32>
          tpu.vector_store %arg10[%parallel_loop3A_1625, %parallel_loop3A_1626], %parallel_loop3A_1629 {strides = array<i32>} : memref<128x128xf32, #tpu.memory_space<vmem>>, vector<1x16xf32>,
          %parallel_loop3A_1630 = arith.index_cast %parallel_loop3A_1596 : i32 to index
          %parallel_loop3A_1631 = arith.constant 48 : index
          %parallel_loop3A_1632 = tpu.vector_load %arg10[%parallel_loop3A_1630, %parallel_loop3A_1631] {strides = array<i32>} : memref<128x128xf32, #tpu.memory_space<vmem>>, vector<1x16xf32>,
          %parallel_loop3A_1633 = vector.shape_cast %parallel_loop3A_1632 : vector<1x16xf32> to vector<16xf32>
          %parallel_loop3A_1634 = vector.broadcast %parallel_loop3A_1592 : f32 to vector<16xf32>
          %parallel_loop3A_1635 = arith.mulf %parallel_loop3A_1633, %parallel_loop3A_1634 : vector<16xf32>
          %parallel_loop3A_1636 = arith.index_cast %parallel_loop3A_1596 : i32 to index
          %parallel_loop3A_1637 = arith.constant 48 : index
          %parallel_loop3A_1638 = tpu.vector_load %arg10[%parallel_loop3A_1636, %parallel_loop3A_1637] {strides = array<i32>} : memref<128x128xf32, #tpu.memory_space<vmem>>, vector<1x16xf32>,
          %parallel_loop3A_1639 = vector.shape_cast %parallel_loop3A_1638 : vector<1x16xf32> to vector<16xf32>
          %parallel_loop3A_1640 = vector.shape_cast %parallel_loop3A_1635 : vector<16xf32> to vector<1x16xf32>
          tpu.vector_store %arg10[%parallel_loop3A_1636, %parallel_loop3A_1637], %parallel_loop3A_1640 {strides = array<i32>} : memref<128x128xf32, #tpu.memory_space<vmem>>, vector<1x16xf32>,
          %parallel_loop3A_1641 = arith.index_cast %parallel_loop3A_1596 : i32 to index
          %parallel_loop3A_1642 = arith.constant 64 : index
          %parallel_loop3A_1643 = tpu.vector_load %arg10[%parallel_loop3A_1641, %parallel_loop3A_1642] {strides = array<i32>} : memref<128x128xf32, #tpu.memory_space<vmem>>, vector<1x16xf32>,
          %parallel_loop3A_1644 = vector.shape_cast %parallel_loop3A_1643 : vector<1x16xf32> to vector<16xf32>
          %parallel_loop3A_1645 = vector.broadcast %parallel_loop3A_1592 : f32 to vector<16xf32>
          %parallel_loop3A_1646 = arith.mulf %parallel_loop3A_1644, %parallel_loop3A_1645 : vector<16xf32>
          %parallel_loop3A_1647 = arith.index_cast %parallel_loop3A_1596 : i32 to index
          %parallel_loop3A_1648 = arith.constant 64 : index
          %parallel_loop3A_1649 = tpu.vector_load %arg10[%parallel_loop3A_1647, %parallel_loop3A_1648] {strides = array<i32>} : memref<128x128xf32, #tpu.memory_space<vmem>>, vector<1x16xf32>,
          %parallel_loop3A_1650 = vector.shape_cast %parallel_loop3A_1649 : vector<1x16xf32> to vector<16xf32>
          %parallel_loop3A_1651 = vector.shape_cast %parallel_loop3A_1646 : vector<16xf32> to vector<1x16xf32>
          tpu.vector_store %arg10[%parallel_loop3A_1647, %parallel_loop3A_1648], %parallel_loop3A_1651 {strides = array<i32>} : memref<128x128xf32, #tpu.memory_space<vmem>>, vector<1x16xf32>,
          %parallel_loop3A_1652 = arith.index_cast %parallel_loop3A_1596 : i32 to index
          %parallel_loop3A_1653 = arith.constant 80 : index
          %parallel_loop3A_1654 = tpu.vector_load %arg10[%parallel_loop3A_1652, %parallel_loop3A_1653] {strides = array<i32>} : memref<128x128xf32, #tpu.memory_space<vmem>>, vector<1x16xf32>,
          %parallel_loop3A_1655 = vector.shape_cast %parallel_loop3A_1654 : vector<1x16xf32> to vector<16xf32>
          %parallel_loop3A_1656 = vector.broadcast %parallel_loop3A_1592 : f32 to vector<16xf32>
          %parallel_loop3A_1657 = arith.mulf %parallel_loop3A_1655, %parallel_loop3A_1656 : vector<16xf32>
          %parallel_loop3A_1658 = arith.index_cast %parallel_loop3A_1596 : i32 to index
          %parallel_loop3A_1659 = arith.constant 80 : index
          %parallel_loop3A_1660 = tpu.vector_load %arg10[%parallel_loop3A_1658, %parallel_loop3A_1659] {strides = array<i32>} : memref<128x128xf32, #tpu.memory_space<vmem>>, vector<1x16xf32>,
          %parallel_loop3A_1661 = vector.shape_cast %parallel_loop3A_1660 : vector<1x16xf32> to vector<16xf32>
          %parallel_loop3A_1662 = vector.shape_cast %parallel_loop3A_1657 : vector<16xf32> to vector<1x16xf32>
          tpu.vector_store %arg10[%parallel_loop3A_1658, %parallel_loop3A_1659], %parallel_loop3A_1662 {strides = array<i32>} : memref<128x128xf32, #tpu.memory_space<vmem>>, vector<1x16xf32>,
          %parallel_loop3A_1663 = arith.index_cast %parallel_loop3A_1596 : i32 to index
          %parallel_loop3A_1664 = arith.constant 96 : index
          %parallel_loop3A_1665 = tpu.vector_load %arg10[%parallel_loop3A_1663, %parallel_loop3A_1664] {strides = array<i32>} : memref<128x128xf32, #tpu.memory_space<vmem>>, vector<1x16xf32>,
          %parallel_loop3A_1666 = vector.shape_cast %parallel_loop3A_1665 : vector<1x16xf32> to vector<16xf32>
          %parallel_loop3A_1667 = vector.broadcast %parallel_loop3A_1592 : f32 to vector<16xf32>
          %parallel_loop3A_1668 = arith.mulf %parallel_loop3A_1666, %parallel_loop3A_1667 : vector<16xf32>
          %parallel_loop3A_1669 = arith.index_cast %parallel_loop3A_1596 : i32 to index
          %parallel_loop3A_1670 = arith.constant 96 : index
          %parallel_loop3A_1671 = tpu.vector_load %arg10[%parallel_loop3A_1669, %parallel_loop3A_1670] {strides = array<i32>} : memref<128x128xf32, #tpu.memory_space<vmem>>, vector<1x16xf32>,
          %parallel_loop3A_1672 = vector.shape_cast %parallel_loop3A_1671 : vector<1x16xf32> to vector<16xf32>
          %parallel_loop3A_1673 = vector.shape_cast %parallel_loop3A_1668 : vector<16xf32> to vector<1x16xf32>
          tpu.vector_store %arg10[%parallel_loop3A_1669, %parallel_loop3A_1670], %parallel_loop3A_1673 {strides = array<i32>} : memref<128x128xf32, #tpu.memory_space<vmem>>, vector<1x16xf32>,
          %parallel_loop3A_1674 = arith.index_cast %parallel_loop3A_1596 : i32 to index
          %parallel_loop3A_1675 = arith.constant 112 : index
          %parallel_loop3A_1676 = tpu.vector_load %arg10[%parallel_loop3A_1674, %parallel_loop3A_1675] {strides = array<i32>} : memref<128x128xf32, #tpu.memory_space<vmem>>, vector<1x16xf32>,
          %parallel_loop3A_1677 = vector.shape_cast %parallel_loop3A_1676 : vector<1x16xf32> to vector<16xf32>
          %parallel_loop3A_1678 = vector.broadcast %parallel_loop3A_1592 : f32 to vector<16xf32>
          %parallel_loop3A_1679 = arith.mulf %parallel_loop3A_1677, %parallel_loop3A_1678 : vector<16xf32>
          %parallel_loop3A_1680 = arith.index_cast %parallel_loop3A_1596 : i32 to index
          %parallel_loop3A_1681 = arith.constant 112 : index
          %parallel_loop3A_1682 = tpu.vector_load %arg10[%parallel_loop3A_1680, %parallel_loop3A_1681] {strides = array<i32>} : memref<128x128xf32, #tpu.memory_space<vmem>>, vector<1x16xf32>,
          %parallel_loop3A_1683 = vector.shape_cast %parallel_loop3A_1682 : vector<1x16xf32> to vector<16xf32>
          %parallel_loop3A_1684 = vector.shape_cast %parallel_loop3A_1679 : vector<16xf32> to vector<1x16xf32>
          tpu.vector_store %arg10[%parallel_loop3A_1680, %parallel_loop3A_1681], %parallel_loop3A_1684 {strides = array<i32>} : memref<128x128xf32, #tpu.memory_space<vmem>>, vector<1x16xf32>,
        } {sc.loop_unroll_factor = 2 : i64, sc.parallel_access}
        %gt3A = arith.constant 0 : i32
        "tpu.trace_stop"() : () -> ()
        %gt3A_142 = arith.cmpi sgt, %scan3A_127, %gt3A : i32
        %convert_element_type3A_143 = arith.extui %gt3A_142 : i1 to i32
        %cond3A_144 = arith.constant 0 : i32
        %cond3A_145 = arith.cmpi ne, %convert_element_type3A_143, %cond3A_144 : i32
        scf.if %cond3A_145 {
          "tpu.trace_start"() <{level = 10 : i32, message = "swait"}> : () -> ()
          %sub3A = arith.constant 2 : i32
          %sub3A_174 = arith.subi %add3A_133, %sub3A : i32
          %dma_wait3A_175 = arith.constant 0 : i32
          %dma_wait3A_176 = tpu.memref_slice %arg8[%sub3A_174, %dma_wait3A_175] : memref<16x128xi32, #tpu.memory_space<vmem>> -> memref<1x128xi32, #tpu.memory_space<vmem>>
          %dma_wait3A_177 = tpu.memref_squeeze %dma_wait3A_176 : memref<1x128xi32, #tpu.memory_space<vmem>> -> memref<128xi32, #tpu.memory_space<vmem>>
          %dma_wait3A_178 = arith.constant 0 : i32
          %dma_wait3A_179 = arith.constant 0 : i32
          %dma_wait3A_180 = tpu.memref_slice %arg12[%dma_wait3A_178, %dma_wait3A_179] : memref<10000x128xf32, #tpu.memory_space<vmem_shared>> -> memref<10000x128xf32, #tpu.memory_space<vmem_shared>>
          tpu.wait_indirect_dma semaphore(%arg16 : memref<!tpu.dma_semaphore, #tpu.memory_space<semaphore_mem>>) src(%arg11 : memref<128x128xf32, #tpu.memory_space<vmem>>) dst(%dma_wait3A_180 : memref<10000x128xf32, #tpu.memory_space<vmem_shared>>)
          "tpu.trace_stop"() : () -> ()
          %dma_start3A_181 = arith.constant 0 : i32
          %dma_start3A_182 = tpu.memref_slice %arg7[%add3A_133, %dma_start3A_181] : memref<16x128xi32, #tpu.memory_space<vmem>> -> memref<1x128xi32, #tpu.memory_space<vmem>>
          %dma_start3A_183 = tpu.memref_squeeze %dma_start3A_182 : memref<1x128xi32, #tpu.memory_space<vmem>> -> memref<128xi32, #tpu.memory_space<vmem>>
          %dma_start3A_184 = arith.constant 0 : i32
          %dma_start3A_185 = arith.constant 0 : i32
          %dma_start3A_186 = tpu.memref_slice %arg2[%dma_start3A_184, %dma_start3A_185] : memref<10000x128xf32, #tpu.memory_space<hbm>> -> memref<10000x128xf32, #tpu.memory_space<hbm>>
          tpu.enqueue_indirect_dma source(%dma_start3A_186 : memref<10000x128xf32, #tpu.memory_space<hbm>>) target(%arg11 : memref<128x128xf32, #tpu.memory_space<vmem>>) offsets(%dma_start3A_183 : memref<128xi32, #tpu.memory_space<vmem>>) semaphore(%arg14 : memref<!tpu.dma_semaphore, #tpu.memory_space<semaphore_mem>>)
        } else {
        }
        "tpu.trace_start"() <{level = 10 : i32, message = "scatter"}> : () -> ()
        %dma_start3A_146 = arith.constant 0 : i32
        %dma_start3A_147 = tpu.memref_slice %arg8[%mul3A_129, %dma_start3A_146] : memref<16x128xi32, #tpu.memory_space<vmem>> -> memref<1x128xi32, #tpu.memory_space<vmem>>
        %dma_start3A_148 = tpu.memref_squeeze %dma_start3A_147 : memref<1x128xi32, #tpu.memory_space<vmem>> -> memref<128xi32, #tpu.memory_space<vmem>>
        %dma_start3A_149 = arith.constant 0 : i32
        %dma_start3A_150 = arith.constant 0 : i32
        %dma_start3A_151 = tpu.memref_slice %arg12[%dma_start3A_149, %dma_start3A_150] : memref<10000x128xf32, #tpu.memory_space<vmem_shared>> -> memref<10000x128xf32, #tpu.memory_space<vmem_shared>>
        tpu.enqueue_indirect_dma source(%arg10 : memref<128x128xf32, #tpu.memory_space<vmem>>) target(%dma_start3A_151 : memref<10000x128xf32, #tpu.memory_space<vmem_shared>>) offsets(%dma_start3A_148 : memref<128xi32, #tpu.memory_space<vmem>>) semaphore(%arg15 : memref<!tpu.dma_semaphore, #tpu.memory_space<semaphore_mem>>) {add = true}
        "tpu.trace_stop"() : () -> ()
        "tpu.trace_start"() <{level = 10 : i32, message = "gwait"}> : () -> ()
        %dma_wait3A_152 = arith.constant 0 : i32
        %dma_wait3A_153 = tpu.memref_slice %arg7[%add3A_133, %dma_wait3A_152] : memref<16x128xi32, #tpu.memory_space<vmem>> -> memref<1x128xi32, #tpu.memory_space<vmem>>
        %dma_wait3A_154 = tpu.memref_squeeze %dma_wait3A_153 : memref<1x128xi32, #tpu.memory_space<vmem>> -> memref<128xi32, #tpu.memory_space<vmem>>
        %dma_wait3A_155 = arith.constant 0 : i32
        %dma_wait3A_156 = arith.constant 0 : i32
        %dma_wait3A_157 = tpu.memref_slice %arg2[%dma_wait3A_155, %dma_wait3A_156] : memref<10000x128xf32, #tpu.memory_space<hbm>> -> memref<10000x128xf32, #tpu.memory_space<hbm>>
        tpu.wait_indirect_dma semaphore(%arg14 : memref<!tpu.dma_semaphore, #tpu.memory_space<semaphore_mem>>) src(%dma_wait3A_157 : memref<10000x128xf32, #tpu.memory_space<hbm>>) dst(%arg11 : memref<128x128xf32, #tpu.memory_space<vmem>>)
        %parallel_loop3A_158 = arith.constant 0 : i32
        %parallel_loop3A_159 = arith.constant 8 : i32
        %parallel_loop3A_160 = arith.constant 1 : i32
        "tpu.trace_stop"() : () -> ()
        "tpu.trace_start"() <{level = 10 : i32, message = "scale"}> : () -> ()
        scf.for %parallel_loop3A_174 = %parallel_loop3A_158 to %parallel_loop3A_159 step %parallel_loop3A_160  : i32 {
          %parallel_loop3A_175 = arith.constant 16 : i32
          %parallel_loop3A_176 = arith.muli %parallel_loop3A_174, %parallel_loop3A_175 : i32
          %parallel_loop3A_177 = arith.index_cast %add3A_133 : i32 to index
          %parallel_loop3A_178 = arith.index_cast %parallel_loop3A_176 : i32 to index
          %parallel_loop3A_179 = tpu.vector_load %arg9[%parallel_loop3A_177, %parallel_loop3A_178] {strides = array<i32>} : memref<16x128xf32, #tpu.memory_space<vmem>>, vector<1x16xf32>,
          %parallel_loop3A_180 = vector.shape_cast %parallel_loop3A_179 : vector<1x16xf32> to vector<16xf32>
          %parallel_loop3A_181 = vector.extract_strided_slice %parallel_loop3A_180 {offsets = [0], sizes = [1], strides = [1]} : vector<16xf32> to vector<1xf32>
          %parallel_loop3A_182 = vector.extract %parallel_loop3A_181[0] : f32 from vector<1xf32>
          %parallel_loop3A_183 = arith.constant 16 : i32
          %parallel_loop3A_184 = arith.muli %parallel_loop3A_174, %parallel_loop3A_183 : i32
          %parallel_loop3A_185 = arith.constant 0 : i32
          %parallel_loop3A_186 = arith.addi %parallel_loop3A_184, %parallel_loop3A_185 : i32
          %parallel_loop3A_187 = arith.index_cast %parallel_loop3A_186 : i32 to index
          %parallel_loop3A_188 = arith.constant 0 : index
          %parallel_loop3A_189 = tpu.vector_load %arg11[%parallel_loop3A_187, %parallel_loop3A_188] {strides = array<i32>} : memref<128x128xf32, #tpu.memory_space<vmem>>, vector<1x16xf32>,
          %parallel_loop3A_190 = vector.shape_cast %parallel_loop3A_189 : vector<1x16xf32> to vector<16xf32>
          %parallel_loop3A_191 = vector.broadcast %parallel_loop3A_182 : f32 to vector<16xf32>
          %parallel_loop3A_192 = arith.mulf %parallel_loop3A_190, %parallel_loop3A_191 : vector<16xf32>
          %parallel_loop3A_193 = arith.index_cast %parallel_loop3A_186 : i32 to index
          %parallel_loop3A_194 = arith.constant 0 : index
          %parallel_loop3A_195 = tpu.vector_load %arg11[%parallel_loop3A_193, %parallel_loop3A_194] {strides = array<i32>} : memref<128x128xf32, #tpu.memory_space<vmem>>, vector<1x16xf32>,
          %parallel_loop3A_196 = vector.shape_cast %parallel_loop3A_195 : vector<1x16xf32> to vector<16xf32>
          %parallel_loop3A_197 = vector.shape_cast %parallel_loop3A_192 : vector<16xf32> to vector<1x16xf32>
          tpu.vector_store %arg11[%parallel_loop3A_193, %parallel_loop3A_194], %parallel_loop3A_197 {strides = array<i32>} : memref<128x128xf32, #tpu.memory_space<vmem>>, vector<1x16xf32>,
          %parallel_loop3A_198 = arith.index_cast %parallel_loop3A_186 : i32 to index
          %parallel_loop3A_199 = arith.constant 16 : index
          %parallel_loop3A_200 = tpu.vector_load %arg11[%parallel_loop3A_198, %parallel_loop3A_199] {strides = array<i32>} : memref<128x128xf32, #tpu.memory_space<vmem>>, vector<1x16xf32>,
          %parallel_loop3A_201 = vector.shape_cast %parallel_loop3A_200 : vector<1x16xf32> to vector<16xf32>
          %parallel_loop3A_202 = vector.broadcast %parallel_loop3A_182 : f32 to vector<16xf32>
          %parallel_loop3A_203 = arith.mulf %parallel_loop3A_201, %parallel_loop3A_202 : vector<16xf32>
          %parallel_loop3A_204 = arith.index_cast %parallel_loop3A_186 : i32 to index
          %parallel_loop3A_205 = arith.constant 16 : index
          %parallel_loop3A_206 = tpu.vector_load %arg11[%parallel_loop3A_204, %parallel_loop3A_205] {strides = array<i32>} : memref<128x128xf32, #tpu.memory_space<vmem>>, vector<1x16xf32>,
          %parallel_loop3A_207 = vector.shape_cast %parallel_loop3A_206 : vector<1x16xf32> to vector<16xf32>
          %parallel_loop3A_208 = vector.shape_cast %parallel_loop3A_203 : vector<16xf32> to vector<1x16xf32>
          tpu.vector_store %arg11[%parallel_loop3A_204, %parallel_loop3A_205], %parallel_loop3A_208 {strides = array<i32>} : memref<128x128xf32, #tpu.memory_space<vmem>>, vector<1x16xf32>,
          %parallel_loop3A_209 = arith.index_cast %parallel_loop3A_186 : i32 to index
          %parallel_loop3A_210 = arith.constant 32 : index
          %parallel_loop3A_211 = tpu.vector_load %arg11[%parallel_loop3A_209, %parallel_loop3A_210] {strides = array<i32>} : memref<128x128xf32, #tpu.memory_space<vmem>>, vector<1x16xf32>,
          %parallel_loop3A_212 = vector.shape_cast %parallel_loop3A_211 : vector<1x16xf32> to vector<16xf32>
          %parallel_loop3A_213 = vector.broadcast %parallel_loop3A_182 : f32 to vector<16xf32>
          %parallel_loop3A_214 = arith.mulf %parallel_loop3A_212, %parallel_loop3A_213 : vector<16xf32>
          %parallel_loop3A_215 = arith.index_cast %parallel_loop3A_186 : i32 to index
          %parallel_loop3A_216 = arith.constant 32 : index
          %parallel_loop3A_217 = tpu.vector_load %arg11[%parallel_loop3A_215, %parallel_loop3A_216] {strides = array<i32>} : memref<128x128xf32, #tpu.memory_space<vmem>>, vector<1x16xf32>,
          %parallel_loop3A_218 = vector.shape_cast %parallel_loop3A_217 : vector<1x16xf32> to vector<16xf32>
          %parallel_loop3A_219 = vector.shape_cast %parallel_loop3A_214 : vector<16xf32> to vector<1x16xf32>
          tpu.vector_store %arg11[%parallel_loop3A_215, %parallel_loop3A_216], %parallel_loop3A_219 {strides = array<i32>} : memref<128x128xf32, #tpu.memory_space<vmem>>, vector<1x16xf32>,
          %parallel_loop3A_220 = arith.index_cast %parallel_loop3A_186 : i32 to index
          %parallel_loop3A_221 = arith.constant 48 : index
          %parallel_loop3A_222 = tpu.vector_load %arg11[%parallel_loop3A_220, %parallel_loop3A_221] {strides = array<i32>} : memref<128x128xf32, #tpu.memory_space<vmem>>, vector<1x16xf32>,
          %parallel_loop3A_223 = vector.shape_cast %parallel_loop3A_222 : vector<1x16xf32> to vector<16xf32>
          %parallel_loop3A_224 = vector.broadcast %parallel_loop3A_182 : f32 to vector<16xf32>
          %parallel_loop3A_225 = arith.mulf %parallel_loop3A_223, %parallel_loop3A_224 : vector<16xf32>
          %parallel_loop3A_226 = arith.index_cast %parallel_loop3A_186 : i32 to index
          %parallel_loop3A_227 = arith.constant 48 : index
          %parallel_loop3A_228 = tpu.vector_load %arg11[%parallel_loop3A_226, %parallel_loop3A_227] {strides = array<i32>} : memref<128x128xf32, #tpu.memory_space<vmem>>, vector<1x16xf32>,
          %parallel_loop3A_229 = vector.shape_cast %parallel_loop3A_228 : vector<1x16xf32> to vector<16xf32>
          %parallel_loop3A_230 = vector.shape_cast %parallel_loop3A_225 : vector<16xf32> to vector<1x16xf32>
          tpu.vector_store %arg11[%parallel_loop3A_226, %parallel_loop3A_227], %parallel_loop3A_230 {strides = array<i32>} : memref<128x128xf32, #tpu.memory_space<vmem>>, vector<1x16xf32>,
          %parallel_loop3A_231 = arith.index_cast %parallel_loop3A_186 : i32 to index
          %parallel_loop3A_232 = arith.constant 64 : index
          %parallel_loop3A_233 = tpu.vector_load %arg11[%parallel_loop3A_231, %parallel_loop3A_232] {strides = array<i32>} : memref<128x128xf32, #tpu.memory_space<vmem>>, vector<1x16xf32>,
          %parallel_loop3A_234 = vector.shape_cast %parallel_loop3A_233 : vector<1x16xf32> to vector<16xf32>
          %parallel_loop3A_235 = vector.broadcast %parallel_loop3A_182 : f32 to vector<16xf32>
          %parallel_loop3A_236 = arith.mulf %parallel_loop3A_234, %parallel_loop3A_235 : vector<16xf32>
          %parallel_loop3A_237 = arith.index_cast %parallel_loop3A_186 : i32 to index
          %parallel_loop3A_238 = arith.constant 64 : index
          %parallel_loop3A_239 = tpu.vector_load %arg11[%parallel_loop3A_237, %parallel_loop3A_238] {strides = array<i32>} : memref<128x128xf32, #tpu.memory_space<vmem>>, vector<1x16xf32>,
          %parallel_loop3A_240 = vector.shape_cast %parallel_loop3A_239 : vector<1x16xf32> to vector<16xf32>
          %parallel_loop3A_241 = vector.shape_cast %parallel_loop3A_236 : vector<16xf32> to vector<1x16xf32>
          tpu.vector_store %arg11[%parallel_loop3A_237, %parallel_loop3A_238], %parallel_loop3A_241 {strides = array<i32>} : memref<128x128xf32, #tpu.memory_space<vmem>>, vector<1x16xf32>,
          %parallel_loop3A_242 = arith.index_cast %parallel_loop3A_186 : i32 to index
          %parallel_loop3A_243 = arith.constant 80 : index
          %parallel_loop3A_244 = tpu.vector_load %arg11[%parallel_loop3A_242, %parallel_loop3A_243] {strides = array<i32>} : memref<128x128xf32, #tpu.memory_space<vmem>>, vector<1x16xf32>,
          %parallel_loop3A_245 = vector.shape_cast %parallel_loop3A_244 : vector<1x16xf32> to vector<16xf32>
          %parallel_loop3A_246 = vector.broadcast %parallel_loop3A_182 : f32 to vector<16xf32>
          %parallel_loop3A_247 = arith.mulf %parallel_loop3A_245, %parallel_loop3A_246 : vector<16xf32>
          %parallel_loop3A_248 = arith.index_cast %parallel_loop3A_186 : i32 to index
          %parallel_loop3A_249 = arith.constant 80 : index
          %parallel_loop3A_250 = tpu.vector_load %arg11[%parallel_loop3A_248, %parallel_loop3A_249] {strides = array<i32>} : memref<128x128xf32, #tpu.memory_space<vmem>>, vector<1x16xf32>,
          %parallel_loop3A_251 = vector.shape_cast %parallel_loop3A_250 : vector<1x16xf32> to vector<16xf32>
          %parallel_loop3A_252 = vector.shape_cast %parallel_loop3A_247 : vector<16xf32> to vector<1x16xf32>
          tpu.vector_store %arg11[%parallel_loop3A_248, %parallel_loop3A_249], %parallel_loop3A_252 {strides = array<i32>} : memref<128x128xf32, #tpu.memory_space<vmem>>, vector<1x16xf32>,
          %parallel_loop3A_253 = arith.index_cast %parallel_loop3A_186 : i32 to index
          %parallel_loop3A_254 = arith.constant 96 : index
          %parallel_loop3A_255 = tpu.vector_load %arg11[%parallel_loop3A_253, %parallel_loop3A_254] {strides = array<i32>} : memref<128x128xf32, #tpu.memory_space<vmem>>, vector<1x16xf32>,
          %parallel_loop3A_256 = vector.shape_cast %parallel_loop3A_255 : vector<1x16xf32> to vector<16xf32>
          %parallel_loop3A_257 = vector.broadcast %parallel_loop3A_182 : f32 to vector<16xf32>
          %parallel_loop3A_258 = arith.mulf %parallel_loop3A_256, %parallel_loop3A_257 : vector<16xf32>
          %parallel_loop3A_259 = arith.index_cast %parallel_loop3A_186 : i32 to index
          %parallel_loop3A_260 = arith.constant 96 : index
          %parallel_loop3A_261 = tpu.vector_load %arg11[%parallel_loop3A_259, %parallel_loop3A_260] {strides = array<i32>} : memref<128x128xf32, #tpu.memory_space<vmem>>, vector<1x16xf32>,
          %parallel_loop3A_262 = vector.shape_cast %parallel_loop3A_261 : vector<1x16xf32> to vector<16xf32>
          %parallel_loop3A_263 = vector.shape_cast %parallel_loop3A_258 : vector<16xf32> to vector<1x16xf32>
          tpu.vector_store %arg11[%parallel_loop3A_259, %parallel_loop3A_260], %parallel_loop3A_263 {strides = array<i32>} : memref<128x128xf32, #tpu.memory_space<vmem>>, vector<1x16xf32>,
          %parallel_loop3A_264 = arith.index_cast %parallel_loop3A_186 : i32 to index
          %parallel_loop3A_265 = arith.constant 112 : index
          %parallel_loop3A_266 = tpu.vector_load %arg11[%parallel_loop3A_264, %parallel_loop3A_265] {strides = array<i32>} : memref<128x128xf32, #tpu.memory_space<vmem>>, vector<1x16xf32>,
          %parallel_loop3A_267 = vector.shape_cast %parallel_loop3A_266 : vector<1x16xf32> to vector<16xf32>
          %parallel_loop3A_268 = vector.broadcast %parallel_loop3A_182 : f32 to vector<16xf32>
          %parallel_loop3A_269 = arith.mulf %parallel_loop3A_267, %parallel_loop3A_268 : vector<16xf32>
          %parallel_loop3A_270 = arith.index_cast %parallel_loop3A_186 : i32 to index
          %parallel_loop3A_271 = arith.constant 112 : index
          %parallel_loop3A_272 = tpu.vector_load %arg11[%parallel_loop3A_270, %parallel_loop3A_271] {strides = array<i32>} : memref<128x128xf32, #tpu.memory_space<vmem>>, vector<1x16xf32>,
          %parallel_loop3A_273 = vector.shape_cast %parallel_loop3A_272 : vector<1x16xf32> to vector<16xf32>
          %parallel_loop3A_274 = vector.shape_cast %parallel_loop3A_269 : vector<16xf32> to vector<1x16xf32>
          tpu.vector_store %arg11[%parallel_loop3A_270, %parallel_loop3A_271], %parallel_loop3A_274 {strides = array<i32>} : memref<128x128xf32, #tpu.memory_space<vmem>>, vector<1x16xf32>,
          %parallel_loop3A_275 = vector.extract_strided_slice %parallel_loop3A_180 {offsets = [1], sizes = [1], strides = [1]} : vector<16xf32> to vector<1xf32>
          %parallel_loop3A_276 = vector.extract %parallel_loop3A_275[0] : f32 from vector<1xf32>
          %parallel_loop3A_277 = arith.constant 16 : i32
          %parallel_loop3A_278 = arith.muli %parallel_loop3A_174, %parallel_loop3A_277 : i32
          %parallel_loop3A_279 = arith.constant 1 : i32
          %parallel_loop3A_280 = arith.addi %parallel_loop3A_278, %parallel_loop3A_279 : i32
          %parallel_loop3A_281 = arith.index_cast %parallel_loop3A_280 : i32 to index
          %parallel_loop3A_282 = arith.constant 0 : index
          %parallel_loop3A_283 = tpu.vector_load %arg11[%parallel_loop3A_281, %parallel_loop3A_282] {strides = array<i32>} : memref<128x128xf32, #tpu.memory_space<vmem>>, vector<1x16xf32>,
          %parallel_loop3A_284 = vector.shape_cast %parallel_loop3A_283 : vector<1x16xf32> to vector<16xf32>
          %parallel_loop3A_285 = vector.broadcast %parallel_loop3A_276 : f32 to vector<16xf32>
          %parallel_loop3A_286 = arith.mulf %parallel_loop3A_284, %parallel_loop3A_285 : vector<16xf32>
          %parallel_loop3A_287 = arith.index_cast %parallel_loop3A_280 : i32 to index
          %parallel_loop3A_288 = arith.constant 0 : index
          %parallel_loop3A_289 = tpu.vector_load %arg11[%parallel_loop3A_287, %parallel_loop3A_288] {strides = array<i32>} : memref<128x128xf32, #tpu.memory_space<vmem>>, vector<1x16xf32>,
          %parallel_loop3A_290 = vector.shape_cast %parallel_loop3A_289 : vector<1x16xf32> to vector<16xf32>
          %parallel_loop3A_291 = vector.shape_cast %parallel_loop3A_286 : vector<16xf32> to vector<1x16xf32>
          tpu.vector_store %arg11[%parallel_loop3A_287, %parallel_loop3A_288], %parallel_loop3A_291 {strides = array<i32>} : memref<128x128xf32, #tpu.memory_space<vmem>>, vector<1x16xf32>,
          %parallel_loop3A_292 = arith.index_cast %parallel_loop3A_280 : i32 to index
          %parallel_loop3A_293 = arith.constant 16 : index
          %parallel_loop3A_294 = tpu.vector_load %arg11[%parallel_loop3A_292, %parallel_loop3A_293] {strides = array<i32>} : memref<128x128xf32, #tpu.memory_space<vmem>>, vector<1x16xf32>,
          %parallel_loop3A_295 = vector.shape_cast %parallel_loop3A_294 : vector<1x16xf32> to vector<16xf32>
          %parallel_loop3A_296 = vector.broadcast %parallel_loop3A_276 : f32 to vector<16xf32>
          %parallel_loop3A_297 = arith.mulf %parallel_loop3A_295, %parallel_loop3A_296 : vector<16xf32>
          %parallel_loop3A_298 = arith.index_cast %parallel_loop3A_280 : i32 to index
          %parallel_loop3A_299 = arith.constant 16 : index
          %parallel_loop3A_300 = tpu.vector_load %arg11[%parallel_loop3A_298, %parallel_loop3A_299] {strides = array<i32>} : memref<128x128xf32, #tpu.memory_space<vmem>>, vector<1x16xf32>,
          %parallel_loop3A_301 = vector.shape_cast %parallel_loop3A_300 : vector<1x16xf32> to vector<16xf32>
          %parallel_loop3A_302 = vector.shape_cast %parallel_loop3A_297 : vector<16xf32> to vector<1x16xf32>
          tpu.vector_store %arg11[%parallel_loop3A_298, %parallel_loop3A_299], %parallel_loop3A_302 {strides = array<i32>} : memref<128x128xf32, #tpu.memory_space<vmem>>, vector<1x16xf32>,
          %parallel_loop3A_303 = arith.index_cast %parallel_loop3A_280 : i32 to index
          %parallel_loop3A_304 = arith.constant 32 : index
          %parallel_loop3A_305 = tpu.vector_load %arg11[%parallel_loop3A_303, %parallel_loop3A_304] {strides = array<i32>} : memref<128x128xf32, #tpu.memory_space<vmem>>, vector<1x16xf32>,
          %parallel_loop3A_306 = vector.shape_cast %parallel_loop3A_305 : vector<1x16xf32> to vector<16xf32>
          %parallel_loop3A_307 = vector.broadcast %parallel_loop3A_276 : f32 to vector<16xf32>
          %parallel_loop3A_308 = arith.mulf %parallel_loop3A_306, %parallel_loop3A_307 : vector<16xf32>
          %parallel_loop3A_309 = arith.index_cast %parallel_loop3A_280 : i32 to index
          %parallel_loop3A_310 = arith.constant 32 : index
          %parallel_loop3A_311 = tpu.vector_load %arg11[%parallel_loop3A_309, %parallel_loop3A_310] {strides = array<i32>} : memref<128x128xf32, #tpu.memory_space<vmem>>, vector<1x16xf32>,
          %parallel_loop3A_312 = vector.shape_cast %parallel_loop3A_311 : vector<1x16xf32> to vector<16xf32>
          %parallel_loop3A_313 = vector.shape_cast %parallel_loop3A_308 : vector<16xf32> to vector<1x16xf32>
          tpu.vector_store %arg11[%parallel_loop3A_309, %parallel_loop3A_310], %parallel_loop3A_313 {strides = array<i32>} : memref<128x128xf32, #tpu.memory_space<vmem>>, vector<1x16xf32>,
          %parallel_loop3A_314 = arith.index_cast %parallel_loop3A_280 : i32 to index
          %parallel_loop3A_315 = arith.constant 48 : index
          %parallel_loop3A_316 = tpu.vector_load %arg11[%parallel_loop3A_314, %parallel_loop3A_315] {strides = array<i32>} : memref<128x128xf32, #tpu.memory_space<vmem>>, vector<1x16xf32>,
          %parallel_loop3A_317 = vector.shape_cast %parallel_loop3A_316 : vector<1x16xf32> to vector<16xf32>
          %parallel_loop3A_318 = vector.broadcast %parallel_loop3A_276 : f32 to vector<16xf32>
          %parallel_loop3A_319 = arith.mulf %parallel_loop3A_317, %parallel_loop3A_318 : vector<16xf32>
          %parallel_loop3A_320 = arith.index_cast %parallel_loop3A_280 : i32 to index
          %parallel_loop3A_321 = arith.constant 48 : index
          %parallel_loop3A_322 = tpu.vector_load %arg11[%parallel_loop3A_320, %parallel_loop3A_321] {strides = array<i32>} : memref<128x128xf32, #tpu.memory_space<vmem>>, vector<1x16xf32>,
          %parallel_loop3A_323 = vector.shape_cast %parallel_loop3A_322 : vector<1x16xf32> to vector<16xf32>
          %parallel_loop3A_324 = vector.shape_cast %parallel_loop3A_319 : vector<16xf32> to vector<1x16xf32>
          tpu.vector_store %arg11[%parallel_loop3A_320, %parallel_loop3A_321], %parallel_loop3A_324 {strides = array<i32>} : memref<128x128xf32, #tpu.memory_space<vmem>>, vector<1x16xf32>,
          %parallel_loop3A_325 = arith.index_cast %parallel_loop3A_280 : i32 to index
          %parallel_loop3A_326 = arith.constant 64 : index
          %parallel_loop3A_327 = tpu.vector_load %arg11[%parallel_loop3A_325, %parallel_loop3A_326] {strides = array<i32>} : memref<128x128xf32, #tpu.memory_space<vmem>>, vector<1x16xf32>,
          %parallel_loop3A_328 = vector.shape_cast %parallel_loop3A_327 : vector<1x16xf32> to vector<16xf32>
          %parallel_loop3A_329 = vector.broadcast %parallel_loop3A_276 : f32 to vector<16xf32>
          %parallel_loop3A_330 = arith.mulf %parallel_loop3A_328, %parallel_loop3A_329 : vector<16xf32>
          %parallel_loop3A_331 = arith.index_cast %parallel_loop3A_280 : i32 to index
          %parallel_loop3A_332 = arith.constant 64 : index
          %parallel_loop3A_333 = tpu.vector_load %arg11[%parallel_loop3A_331, %parallel_loop3A_332] {strides = array<i32>} : memref<128x128xf32, #tpu.memory_space<vmem>>, vector<1x16xf32>,
          %parallel_loop3A_334 = vector.shape_cast %parallel_loop3A_333 : vector<1x16xf32> to vector<16xf32>
          %parallel_loop3A_335 = vector.shape_cast %parallel_loop3A_330 : vector<16xf32> to vector<1x16xf32>
          tpu.vector_store %arg11[%parallel_loop3A_331, %parallel_loop3A_332], %parallel_loop3A_335 {strides = array<i32>} : memref<128x128xf32, #tpu.memory_space<vmem>>, vector<1x16xf32>,
          %parallel_loop3A_336 = arith.index_cast %parallel_loop3A_280 : i32 to index
          %parallel_loop3A_337 = arith.constant 80 : index
          %parallel_loop3A_338 = tpu.vector_load %arg11[%parallel_loop3A_336, %parallel_loop3A_337] {strides = array<i32>} : memref<128x128xf32, #tpu.memory_space<vmem>>, vector<1x16xf32>,
          %parallel_loop3A_339 = vector.shape_cast %parallel_loop3A_338 : vector<1x16xf32> to vector<16xf32>
          %parallel_loop3A_340 = vector.broadcast %parallel_loop3A_276 : f32 to vector<16xf32>
          %parallel_loop3A_341 = arith.mulf %parallel_loop3A_339, %parallel_loop3A_340 : vector<16xf32>
          %parallel_loop3A_342 = arith.index_cast %parallel_loop3A_280 : i32 to index
          %parallel_loop3A_343 = arith.constant 80 : index
          %parallel_loop3A_344 = tpu.vector_load %arg11[%parallel_loop3A_342, %parallel_loop3A_343] {strides = array<i32>} : memref<128x128xf32, #tpu.memory_space<vmem>>, vector<1x16xf32>,
          %parallel_loop3A_345 = vector.shape_cast %parallel_loop3A_344 : vector<1x16xf32> to vector<16xf32>
          %parallel_loop3A_346 = vector.shape_cast %parallel_loop3A_341 : vector<16xf32> to vector<1x16xf32>
          tpu.vector_store %arg11[%parallel_loop3A_342, %parallel_loop3A_343], %parallel_loop3A_346 {strides = array<i32>} : memref<128x128xf32, #tpu.memory_space<vmem>>, vector<1x16xf32>,
          %parallel_loop3A_347 = arith.index_cast %parallel_loop3A_280 : i32 to index
          %parallel_loop3A_348 = arith.constant 96 : index
          %parallel_loop3A_349 = tpu.vector_load %arg11[%parallel_loop3A_347, %parallel_loop3A_348] {strides = array<i32>} : memref<128x128xf32, #tpu.memory_space<vmem>>, vector<1x16xf32>,
          %parallel_loop3A_350 = vector.shape_cast %parallel_loop3A_349 : vector<1x16xf32> to vector<16xf32>
          %parallel_loop3A_351 = vector.broadcast %parallel_loop3A_276 : f32 to vector<16xf32>
          %parallel_loop3A_352 = arith.mulf %parallel_loop3A_350, %parallel_loop3A_351 : vector<16xf32>
          %parallel_loop3A_353 = arith.index_cast %parallel_loop3A_280 : i32 to index
          %parallel_loop3A_354 = arith.constant 96 : index
          %parallel_loop3A_355 = tpu.vector_load %arg11[%parallel_loop3A_353, %parallel_loop3A_354] {strides = array<i32>} : memref<128x128xf32, #tpu.memory_space<vmem>>, vector<1x16xf32>,
          %parallel_loop3A_356 = vector.shape_cast %parallel_loop3A_355 : vector<1x16xf32> to vector<16xf32>
          %parallel_loop3A_357 = vector.shape_cast %parallel_loop3A_352 : vector<16xf32> to vector<1x16xf32>
          tpu.vector_store %arg11[%parallel_loop3A_353, %parallel_loop3A_354], %parallel_loop3A_357 {strides = array<i32>} : memref<128x128xf32, #tpu.memory_space<vmem>>, vector<1x16xf32>,
          %parallel_loop3A_358 = arith.index_cast %parallel_loop3A_280 : i32 to index
          %parallel_loop3A_359 = arith.constant 112 : index
          %parallel_loop3A_360 = tpu.vector_load %arg11[%parallel_loop3A_358, %parallel_loop3A_359] {strides = array<i32>} : memref<128x128xf32, #tpu.memory_space<vmem>>, vector<1x16xf32>,
          %parallel_loop3A_361 = vector.shape_cast %parallel_loop3A_360 : vector<1x16xf32> to vector<16xf32>
          %parallel_loop3A_362 = vector.broadcast %parallel_loop3A_276 : f32 to vector<16xf32>
          %parallel_loop3A_363 = arith.mulf %parallel_loop3A_361, %parallel_loop3A_362 : vector<16xf32>
          %parallel_loop3A_364 = arith.index_cast %parallel_loop3A_280 : i32 to index
          %parallel_loop3A_365 = arith.constant 112 : index
          %parallel_loop3A_366 = tpu.vector_load %arg11[%parallel_loop3A_364, %parallel_loop3A_365] {strides = array<i32>} : memref<128x128xf32, #tpu.memory_space<vmem>>, vector<1x16xf32>,
          %parallel_loop3A_367 = vector.shape_cast %parallel_loop3A_366 : vector<1x16xf32> to vector<16xf32>
          %parallel_loop3A_368 = vector.shape_cast %parallel_loop3A_363 : vector<16xf32> to vector<1x16xf32>
          tpu.vector_store %arg11[%parallel_loop3A_364, %parallel_loop3A_365], %parallel_loop3A_368 {strides = array<i32>} : memref<128x128xf32, #tpu.memory_space<vmem>>, vector<1x16xf32>,
          %parallel_loop3A_369 = vector.extract_strided_slice %parallel_loop3A_180 {offsets = [2], sizes = [1], strides = [1]} : vector<16xf32> to vector<1xf32>
          %parallel_loop3A_370 = vector.extract %parallel_loop3A_369[0] : f32 from vector<1xf32>
          %parallel_loop3A_371 = arith.constant 16 : i32
          %parallel_loop3A_372 = arith.muli %parallel_loop3A_174, %parallel_loop3A_371 : i32
          %parallel_loop3A_373 = arith.constant 2 : i32
          %parallel_loop3A_374 = arith.addi %parallel_loop3A_372, %parallel_loop3A_373 : i32
          %parallel_loop3A_375 = arith.index_cast %parallel_loop3A_374 : i32 to index
          %parallel_loop3A_376 = arith.constant 0 : index
          %parallel_loop3A_377 = tpu.vector_load %arg11[%parallel_loop3A_375, %parallel_loop3A_376] {strides = array<i32>} : memref<128x128xf32, #tpu.memory_space<vmem>>, vector<1x16xf32>,
          %parallel_loop3A_378 = vector.shape_cast %parallel_loop3A_377 : vector<1x16xf32> to vector<16xf32>
          %parallel_loop3A_379 = vector.broadcast %parallel_loop3A_370 : f32 to vector<16xf32>
          %parallel_loop3A_380 = arith.mulf %parallel_loop3A_378, %parallel_loop3A_379 : vector<16xf32>
          %parallel_loop3A_381 = arith.index_cast %parallel_loop3A_374 : i32 to index
          %parallel_loop3A_382 = arith.constant 0 : index
          %parallel_loop3A_383 = tpu.vector_load %arg11[%parallel_loop3A_381, %parallel_loop3A_382] {strides = array<i32>} : memref<128x128xf32, #tpu.memory_space<vmem>>, vector<1x16xf32>,
          %parallel_loop3A_384 = vector.shape_cast %parallel_loop3A_383 : vector<1x16xf32> to vector<16xf32>
          %parallel_loop3A_385 = vector.shape_cast %parallel_loop3A_380 : vector<16xf32> to vector<1x16xf32>
          tpu.vector_store %arg11[%parallel_loop3A_381, %parallel_loop3A_382], %parallel_loop3A_385 {strides = array<i32>} : memref<128x128xf32, #tpu.memory_space<vmem>>, vector<1x16xf32>,
          %parallel_loop3A_386 = arith.index_cast %parallel_loop3A_374 : i32 to index
          %parallel_loop3A_387 = arith.constant 16 : index
          %parallel_loop3A_388 = tpu.vector_load %arg11[%parallel_loop3A_386, %parallel_loop3A_387] {strides = array<i32>} : memref<128x128xf32, #tpu.memory_space<vmem>>, vector<1x16xf32>,
          %parallel_loop3A_389 = vector.shape_cast %parallel_loop3A_388 : vector<1x16xf32> to vector<16xf32>
          %parallel_loop3A_390 = vector.broadcast %parallel_loop3A_370 : f32 to vector<16xf32>
          %parallel_loop3A_391 = arith.mulf %parallel_loop3A_389, %parallel_loop3A_390 : vector<16xf32>
          %parallel_loop3A_392 = arith.index_cast %parallel_loop3A_374 : i32 to index
          %parallel_loop3A_393 = arith.constant 16 : index
          %parallel_loop3A_394 = tpu.vector_load %arg11[%parallel_loop3A_392, %parallel_loop3A_393] {strides = array<i32>} : memref<128x128xf32, #tpu.memory_space<vmem>>, vector<1x16xf32>,
          %parallel_loop3A_395 = vector.shape_cast %parallel_loop3A_394 : vector<1x16xf32> to vector<16xf32>
          %parallel_loop3A_396 = vector.shape_cast %parallel_loop3A_391 : vector<16xf32> to vector<1x16xf32>
          tpu.vector_store %arg11[%parallel_loop3A_392, %parallel_loop3A_393], %parallel_loop3A_396 {strides = array<i32>} : memref<128x128xf32, #tpu.memory_space<vmem>>, vector<1x16xf32>,
          %parallel_loop3A_397 = arith.index_cast %parallel_loop3A_374 : i32 to index
          %parallel_loop3A_398 = arith.constant 32 : index
          %parallel_loop3A_399 = tpu.vector_load %arg11[%parallel_loop3A_397, %parallel_loop3A_398] {strides = array<i32>} : memref<128x128xf32, #tpu.memory_space<vmem>>, vector<1x16xf32>,
          %parallel_loop3A_400 = vector.shape_cast %parallel_loop3A_399 : vector<1x16xf32> to vector<16xf32>
          %parallel_loop3A_401 = vector.broadcast %parallel_loop3A_370 : f32 to vector<16xf32>
          %parallel_loop3A_402 = arith.mulf %parallel_loop3A_400, %parallel_loop3A_401 : vector<16xf32>
          %parallel_loop3A_403 = arith.index_cast %parallel_loop3A_374 : i32 to index
          %parallel_loop3A_404 = arith.constant 32 : index
          %parallel_loop3A_405 = tpu.vector_load %arg11[%parallel_loop3A_403, %parallel_loop3A_404] {strides = array<i32>} : memref<128x128xf32, #tpu.memory_space<vmem>>, vector<1x16xf32>,
          %parallel_loop3A_406 = vector.shape_cast %parallel_loop3A_405 : vector<1x16xf32> to vector<16xf32>
          %parallel_loop3A_407 = vector.shape_cast %parallel_loop3A_402 : vector<16xf32> to vector<1x16xf32>
          tpu.vector_store %arg11[%parallel_loop3A_403, %parallel_loop3A_404], %parallel_loop3A_407 {strides = array<i32>} : memref<128x128xf32, #tpu.memory_space<vmem>>, vector<1x16xf32>,
          %parallel_loop3A_408 = arith.index_cast %parallel_loop3A_374 : i32 to index
          %parallel_loop3A_409 = arith.constant 48 : index
          %parallel_loop3A_410 = tpu.vector_load %arg11[%parallel_loop3A_408, %parallel_loop3A_409] {strides = array<i32>} : memref<128x128xf32, #tpu.memory_space<vmem>>, vector<1x16xf32>,
          %parallel_loop3A_411 = vector.shape_cast %parallel_loop3A_410 : vector<1x16xf32> to vector<16xf32>
          %parallel_loop3A_412 = vector.broadcast %parallel_loop3A_370 : f32 to vector<16xf32>
          %parallel_loop3A_413 = arith.mulf %parallel_loop3A_411, %parallel_loop3A_412 : vector<16xf32>
          %parallel_loop3A_414 = arith.index_cast %parallel_loop3A_374 : i32 to index
          %parallel_loop3A_415 = arith.constant 48 : index
          %parallel_loop3A_416 = tpu.vector_load %arg11[%parallel_loop3A_414, %parallel_loop3A_415] {strides = array<i32>} : memref<128x128xf32, #tpu.memory_space<vmem>>, vector<1x16xf32>,
          %parallel_loop3A_417 = vector.shape_cast %parallel_loop3A_416 : vector<1x16xf32> to vector<16xf32>
          %parallel_loop3A_418 = vector.shape_cast %parallel_loop3A_413 : vector<16xf32> to vector<1x16xf32>
          tpu.vector_store %arg11[%parallel_loop3A_414, %parallel_loop3A_415], %parallel_loop3A_418 {strides = array<i32>} : memref<128x128xf32, #tpu.memory_space<vmem>>, vector<1x16xf32>,
          %parallel_loop3A_419 = arith.index_cast %parallel_loop3A_374 : i32 to index
          %parallel_loop3A_420 = arith.constant 64 : index
          %parallel_loop3A_421 = tpu.vector_load %arg11[%parallel_loop3A_419, %parallel_loop3A_420] {strides = array<i32>} : memref<128x128xf32, #tpu.memory_space<vmem>>, vector<1x16xf32>,
          %parallel_loop3A_422 = vector.shape_cast %parallel_loop3A_421 : vector<1x16xf32> to vector<16xf32>
          %parallel_loop3A_423 = vector.broadcast %parallel_loop3A_370 : f32 to vector<16xf32>
          %parallel_loop3A_424 = arith.mulf %parallel_loop3A_422, %parallel_loop3A_423 : vector<16xf32>
          %parallel_loop3A_425 = arith.index_cast %parallel_loop3A_374 : i32 to index
          %parallel_loop3A_426 = arith.constant 64 : index
          %parallel_loop3A_427 = tpu.vector_load %arg11[%parallel_loop3A_425, %parallel_loop3A_426] {strides = array<i32>} : memref<128x128xf32, #tpu.memory_space<vmem>>, vector<1x16xf32>,
          %parallel_loop3A_428 = vector.shape_cast %parallel_loop3A_427 : vector<1x16xf32> to vector<16xf32>
          %parallel_loop3A_429 = vector.shape_cast %parallel_loop3A_424 : vector<16xf32> to vector<1x16xf32>
          tpu.vector_store %arg11[%parallel_loop3A_425, %parallel_loop3A_426], %parallel_loop3A_429 {strides = array<i32>} : memref<128x128xf32, #tpu.memory_space<vmem>>, vector<1x16xf32>,
          %parallel_loop3A_430 = arith.index_cast %parallel_loop3A_374 : i32 to index
          %parallel_loop3A_431 = arith.constant 80 : index
          %parallel_loop3A_432 = tpu.vector_load %arg11[%parallel_loop3A_430, %parallel_loop3A_431] {strides = array<i32>} : memref<128x128xf32, #tpu.memory_space<vmem>>, vector<1x16xf32>,
          %parallel_loop3A_433 = vector.shape_cast %parallel_loop3A_432 : vector<1x16xf32> to vector<16xf32>
          %parallel_loop3A_434 = vector.broadcast %parallel_loop3A_370 : f32 to vector<16xf32>
          %parallel_loop3A_435 = arith.mulf %parallel_loop3A_433, %parallel_loop3A_434 : vector<16xf32>
          %parallel_loop3A_436 = arith.index_cast %parallel_loop3A_374 : i32 to index
          %parallel_loop3A_437 = arith.constant 80 : index
          %parallel_loop3A_438 = tpu.vector_load %arg11[%parallel_loop3A_436, %parallel_loop3A_437] {strides = array<i32>} : memref<128x128xf32, #tpu.memory_space<vmem>>, vector<1x16xf32>,
          %parallel_loop3A_439 = vector.shape_cast %parallel_loop3A_438 : vector<1x16xf32> to vector<16xf32>
          %parallel_loop3A_440 = vector.shape_cast %parallel_loop3A_435 : vector<16xf32> to vector<1x16xf32>
          tpu.vector_store %arg11[%parallel_loop3A_436, %parallel_loop3A_437], %parallel_loop3A_440 {strides = array<i32>} : memref<128x128xf32, #tpu.memory_space<vmem>>, vector<1x16xf32>,
          %parallel_loop3A_441 = arith.index_cast %parallel_loop3A_374 : i32 to index
          %parallel_loop3A_442 = arith.constant 96 : index
          %parallel_loop3A_443 = tpu.vector_load %arg11[%parallel_loop3A_441, %parallel_loop3A_442] {strides = array<i32>} : memref<128x128xf32, #tpu.memory_space<vmem>>, vector<1x16xf32>,
          %parallel_loop3A_444 = vector.shape_cast %parallel_loop3A_443 : vector<1x16xf32> to vector<16xf32>
          %parallel_loop3A_445 = vector.broadcast %parallel_loop3A_370 : f32 to vector<16xf32>
          %parallel_loop3A_446 = arith.mulf %parallel_loop3A_444, %parallel_loop3A_445 : vector<16xf32>
          %parallel_loop3A_447 = arith.index_cast %parallel_loop3A_374 : i32 to index
          %parallel_loop3A_448 = arith.constant 96 : index
          %parallel_loop3A_449 = tpu.vector_load %arg11[%parallel_loop3A_447, %parallel_loop3A_448] {strides = array<i32>} : memref<128x128xf32, #tpu.memory_space<vmem>>, vector<1x16xf32>,
          %parallel_loop3A_450 = vector.shape_cast %parallel_loop3A_449 : vector<1x16xf32> to vector<16xf32>
          %parallel_loop3A_451 = vector.shape_cast %parallel_loop3A_446 : vector<16xf32> to vector<1x16xf32>
          tpu.vector_store %arg11[%parallel_loop3A_447, %parallel_loop3A_448], %parallel_loop3A_451 {strides = array<i32>} : memref<128x128xf32, #tpu.memory_space<vmem>>, vector<1x16xf32>,
          %parallel_loop3A_452 = arith.index_cast %parallel_loop3A_374 : i32 to index
          %parallel_loop3A_453 = arith.constant 112 : index
          %parallel_loop3A_454 = tpu.vector_load %arg11[%parallel_loop3A_452, %parallel_loop3A_453] {strides = array<i32>} : memref<128x128xf32, #tpu.memory_space<vmem>>, vector<1x16xf32>,
          %parallel_loop3A_455 = vector.shape_cast %parallel_loop3A_454 : vector<1x16xf32> to vector<16xf32>
          %parallel_loop3A_456 = vector.broadcast %parallel_loop3A_370 : f32 to vector<16xf32>
          %parallel_loop3A_457 = arith.mulf %parallel_loop3A_455, %parallel_loop3A_456 : vector<16xf32>
          %parallel_loop3A_458 = arith.index_cast %parallel_loop3A_374 : i32 to index
          %parallel_loop3A_459 = arith.constant 112 : index
          %parallel_loop3A_460 = tpu.vector_load %arg11[%parallel_loop3A_458, %parallel_loop3A_459] {strides = array<i32>} : memref<128x128xf32, #tpu.memory_space<vmem>>, vector<1x16xf32>,
          %parallel_loop3A_461 = vector.shape_cast %parallel_loop3A_460 : vector<1x16xf32> to vector<16xf32>
          %parallel_loop3A_462 = vector.shape_cast %parallel_loop3A_457 : vector<16xf32> to vector<1x16xf32>
          tpu.vector_store %arg11[%parallel_loop3A_458, %parallel_loop3A_459], %parallel_loop3A_462 {strides = array<i32>} : memref<128x128xf32, #tpu.memory_space<vmem>>, vector<1x16xf32>,
          %parallel_loop3A_463 = vector.extract_strided_slice %parallel_loop3A_180 {offsets = [3], sizes = [1], strides = [1]} : vector<16xf32> to vector<1xf32>
          %parallel_loop3A_464 = vector.extract %parallel_loop3A_463[0] : f32 from vector<1xf32>
          %parallel_loop3A_465 = arith.constant 16 : i32
          %parallel_loop3A_466 = arith.muli %parallel_loop3A_174, %parallel_loop3A_465 : i32
          %parallel_loop3A_467 = arith.constant 3 : i32
          %parallel_loop3A_468 = arith.addi %parallel_loop3A_466, %parallel_loop3A_467 : i32
          %parallel_loop3A_469 = arith.index_cast %parallel_loop3A_468 : i32 to index
          %parallel_loop3A_470 = arith.constant 0 : index
          %parallel_loop3A_471 = tpu.vector_load %arg11[%parallel_loop3A_469, %parallel_loop3A_470] {strides = array<i32>} : memref<128x128xf32, #tpu.memory_space<vmem>>, vector<1x16xf32>,
          %parallel_loop3A_472 = vector.shape_cast %parallel_loop3A_471 : vector<1x16xf32> to vector<16xf32>
          %parallel_loop3A_473 = vector.broadcast %parallel_loop3A_464 : f32 to vector<16xf32>
          %parallel_loop3A_474 = arith.mulf %parallel_loop3A_472, %parallel_loop3A_473 : vector<16xf32>
          %parallel_loop3A_475 = arith.index_cast %parallel_loop3A_468 : i32 to index
          %parallel_loop3A_476 = arith.constant 0 : index
          %parallel_loop3A_477 = tpu.vector_load %arg11[%parallel_loop3A_475, %parallel_loop3A_476] {strides = array<i32>} : memref<128x128xf32, #tpu.memory_space<vmem>>, vector<1x16xf32>,
          %parallel_loop3A_478 = vector.shape_cast %parallel_loop3A_477 : vector<1x16xf32> to vector<16xf32>
          %parallel_loop3A_479 = vector.shape_cast %parallel_loop3A_474 : vector<16xf32> to vector<1x16xf32>
          tpu.vector_store %arg11[%parallel_loop3A_475, %parallel_loop3A_476], %parallel_loop3A_479 {strides = array<i32>} : memref<128x128xf32, #tpu.memory_space<vmem>>, vector<1x16xf32>,
          %parallel_loop3A_480 = arith.index_cast %parallel_loop3A_468 : i32 to index
          %parallel_loop3A_481 = arith.constant 16 : index
          %parallel_loop3A_482 = tpu.vector_load %arg11[%parallel_loop3A_480, %parallel_loop3A_481] {strides = array<i32>} : memref<128x128xf32, #tpu.memory_space<vmem>>, vector<1x16xf32>,
          %parallel_loop3A_483 = vector.shape_cast %parallel_loop3A_482 : vector<1x16xf32> to vector<16xf32>
          %parallel_loop3A_484 = vector.broadcast %parallel_loop3A_464 : f32 to vector<16xf32>
          %parallel_loop3A_485 = arith.mulf %parallel_loop3A_483, %parallel_loop3A_484 : vector<16xf32>
          %parallel_loop3A_486 = arith.index_cast %parallel_loop3A_468 : i32 to index
          %parallel_loop3A_487 = arith.constant 16 : index
          %parallel_loop3A_488 = tpu.vector_load %arg11[%parallel_loop3A_486, %parallel_loop3A_487] {strides = array<i32>} : memref<128x128xf32, #tpu.memory_space<vmem>>, vector<1x16xf32>,
          %parallel_loop3A_489 = vector.shape_cast %parallel_loop3A_488 : vector<1x16xf32> to vector<16xf32>
          %parallel_loop3A_490 = vector.shape_cast %parallel_loop3A_485 : vector<16xf32> to vector<1x16xf32>
          tpu.vector_store %arg11[%parallel_loop3A_486, %parallel_loop3A_487], %parallel_loop3A_490 {strides = array<i32>} : memref<128x128xf32, #tpu.memory_space<vmem>>, vector<1x16xf32>,
          %parallel_loop3A_491 = arith.index_cast %parallel_loop3A_468 : i32 to index
          %parallel_loop3A_492 = arith.constant 32 : index
          %parallel_loop3A_493 = tpu.vector_load %arg11[%parallel_loop3A_491, %parallel_loop3A_492] {strides = array<i32>} : memref<128x128xf32, #tpu.memory_space<vmem>>, vector<1x16xf32>,
          %parallel_loop3A_494 = vector.shape_cast %parallel_loop3A_493 : vector<1x16xf32> to vector<16xf32>
          %parallel_loop3A_495 = vector.broadcast %parallel_loop3A_464 : f32 to vector<16xf32>
          %parallel_loop3A_496 = arith.mulf %parallel_loop3A_494, %parallel_loop3A_495 : vector<16xf32>
          %parallel_loop3A_497 = arith.index_cast %parallel_loop3A_468 : i32 to index
          %parallel_loop3A_498 = arith.constant 32 : index
          %parallel_loop3A_499 = tpu.vector_load %arg11[%parallel_loop3A_497, %parallel_loop3A_498] {strides = array<i32>} : memref<128x128xf32, #tpu.memory_space<vmem>>, vector<1x16xf32>,
          %parallel_loop3A_500 = vector.shape_cast %parallel_loop3A_499 : vector<1x16xf32> to vector<16xf32>
          %parallel_loop3A_501 = vector.shape_cast %parallel_loop3A_496 : vector<16xf32> to vector<1x16xf32>
          tpu.vector_store %arg11[%parallel_loop3A_497, %parallel_loop3A_498], %parallel_loop3A_501 {strides = array<i32>} : memref<128x128xf32, #tpu.memory_space<vmem>>, vector<1x16xf32>,
          %parallel_loop3A_502 = arith.index_cast %parallel_loop3A_468 : i32 to index
          %parallel_loop3A_503 = arith.constant 48 : index
          %parallel_loop3A_504 = tpu.vector_load %arg11[%parallel_loop3A_502, %parallel_loop3A_503] {strides = array<i32>} : memref<128x128xf32, #tpu.memory_space<vmem>>, vector<1x16xf32>,
          %parallel_loop3A_505 = vector.shape_cast %parallel_loop3A_504 : vector<1x16xf32> to vector<16xf32>
          %parallel_loop3A_506 = vector.broadcast %parallel_loop3A_464 : f32 to vector<16xf32>
          %parallel_loop3A_507 = arith.mulf %parallel_loop3A_505, %parallel_loop3A_506 : vector<16xf32>
          %parallel_loop3A_508 = arith.index_cast %parallel_loop3A_468 : i32 to index
          %parallel_loop3A_509 = arith.constant 48 : index
          %parallel_loop3A_510 = tpu.vector_load %arg11[%parallel_loop3A_508, %parallel_loop3A_509] {strides = array<i32>} : memref<128x128xf32, #tpu.memory_space<vmem>>, vector<1x16xf32>,
          %parallel_loop3A_511 = vector.shape_cast %parallel_loop3A_510 : vector<1x16xf32> to vector<16xf32>
          %parallel_loop3A_512 = vector.shape_cast %parallel_loop3A_507 : vector<16xf32> to vector<1x16xf32>
          tpu.vector_store %arg11[%parallel_loop3A_508, %parallel_loop3A_509], %parallel_loop3A_512 {strides = array<i32>} : memref<128x128xf32, #tpu.memory_space<vmem>>, vector<1x16xf32>,
          %parallel_loop3A_513 = arith.index_cast %parallel_loop3A_468 : i32 to index
          %parallel_loop3A_514 = arith.constant 64 : index
          %parallel_loop3A_515 = tpu.vector_load %arg11[%parallel_loop3A_513, %parallel_loop3A_514] {strides = array<i32>} : memref<128x128xf32, #tpu.memory_space<vmem>>, vector<1x16xf32>,
          %parallel_loop3A_516 = vector.shape_cast %parallel_loop3A_515 : vector<1x16xf32> to vector<16xf32>
          %parallel_loop3A_517 = vector.broadcast %parallel_loop3A_464 : f32 to vector<16xf32>
          %parallel_loop3A_518 = arith.mulf %parallel_loop3A_516, %parallel_loop3A_517 : vector<16xf32>
          %parallel_loop3A_519 = arith.index_cast %parallel_loop3A_468 : i32 to index
          %parallel_loop3A_520 = arith.constant 64 : index
          %parallel_loop3A_521 = tpu.vector_load %arg11[%parallel_loop3A_519, %parallel_loop3A_520] {strides = array<i32>} : memref<128x128xf32, #tpu.memory_space<vmem>>, vector<1x16xf32>,
          %parallel_loop3A_522 = vector.shape_cast %parallel_loop3A_521 : vector<1x16xf32> to vector<16xf32>
          %parallel_loop3A_523 = vector.shape_cast %parallel_loop3A_518 : vector<16xf32> to vector<1x16xf32>
          tpu.vector_store %arg11[%parallel_loop3A_519, %parallel_loop3A_520], %parallel_loop3A_523 {strides = array<i32>} : memref<128x128xf32, #tpu.memory_space<vmem>>, vector<1x16xf32>,
          %parallel_loop3A_524 = arith.index_cast %parallel_loop3A_468 : i32 to index
          %parallel_loop3A_525 = arith.constant 80 : index
          %parallel_loop3A_526 = tpu.vector_load %arg11[%parallel_loop3A_524, %parallel_loop3A_525] {strides = array<i32>} : memref<128x128xf32, #tpu.memory_space<vmem>>, vector<1x16xf32>,
          %parallel_loop3A_527 = vector.shape_cast %parallel_loop3A_526 : vector<1x16xf32> to vector<16xf32>
          %parallel_loop3A_528 = vector.broadcast %parallel_loop3A_464 : f32 to vector<16xf32>
          %parallel_loop3A_529 = arith.mulf %parallel_loop3A_527, %parallel_loop3A_528 : vector<16xf32>
          %parallel_loop3A_530 = arith.index_cast %parallel_loop3A_468 : i32 to index
          %parallel_loop3A_531 = arith.constant 80 : index
          %parallel_loop3A_532 = tpu.vector_load %arg11[%parallel_loop3A_530, %parallel_loop3A_531] {strides = array<i32>} : memref<128x128xf32, #tpu.memory_space<vmem>>, vector<1x16xf32>,
          %parallel_loop3A_533 = vector.shape_cast %parallel_loop3A_532 : vector<1x16xf32> to vector<16xf32>
          %parallel_loop3A_534 = vector.shape_cast %parallel_loop3A_529 : vector<16xf32> to vector<1x16xf32>
          tpu.vector_store %arg11[%parallel_loop3A_530, %parallel_loop3A_531], %parallel_loop3A_534 {strides = array<i32>} : memref<128x128xf32, #tpu.memory_space<vmem>>, vector<1x16xf32>,
          %parallel_loop3A_535 = arith.index_cast %parallel_loop3A_468 : i32 to index
          %parallel_loop3A_536 = arith.constant 96 : index
          %parallel_loop3A_537 = tpu.vector_load %arg11[%parallel_loop3A_535, %parallel_loop3A_536] {strides = array<i32>} : memref<128x128xf32, #tpu.memory_space<vmem>>, vector<1x16xf32>,
          %parallel_loop3A_538 = vector.shape_cast %parallel_loop3A_537 : vector<1x16xf32> to vector<16xf32>
          %parallel_loop3A_539 = vector.broadcast %parallel_loop3A_464 : f32 to vector<16xf32>
          %parallel_loop3A_540 = arith.mulf %parallel_loop3A_538, %parallel_loop3A_539 : vector<16xf32>
          %parallel_loop3A_541 = arith.index_cast %parallel_loop3A_468 : i32 to index
          %parallel_loop3A_542 = arith.constant 96 : index
          %parallel_loop3A_543 = tpu.vector_load %arg11[%parallel_loop3A_541, %parallel_loop3A_542] {strides = array<i32>} : memref<128x128xf32, #tpu.memory_space<vmem>>, vector<1x16xf32>,
          %parallel_loop3A_544 = vector.shape_cast %parallel_loop3A_543 : vector<1x16xf32> to vector<16xf32>
          %parallel_loop3A_545 = vector.shape_cast %parallel_loop3A_540 : vector<16xf32> to vector<1x16xf32>
          tpu.vector_store %arg11[%parallel_loop3A_541, %parallel_loop3A_542], %parallel_loop3A_545 {strides = array<i32>} : memref<128x128xf32, #tpu.memory_space<vmem>>, vector<1x16xf32>,
          %parallel_loop3A_546 = arith.index_cast %parallel_loop3A_468 : i32 to index
          %parallel_loop3A_547 = arith.constant 112 : index
          %parallel_loop3A_548 = tpu.vector_load %arg11[%parallel_loop3A_546, %parallel_loop3A_547] {strides = array<i32>} : memref<128x128xf32, #tpu.memory_space<vmem>>, vector<1x16xf32>,
          %parallel_loop3A_549 = vector.shape_cast %parallel_loop3A_548 : vector<1x16xf32> to vector<16xf32>
          %parallel_loop3A_550 = vector.broadcast %parallel_loop3A_464 : f32 to vector<16xf32>
          %parallel_loop3A_551 = arith.mulf %parallel_loop3A_549, %parallel_loop3A_550 : vector<16xf32>
          %parallel_loop3A_552 = arith.index_cast %parallel_loop3A_468 : i32 to index
          %parallel_loop3A_553 = arith.constant 112 : index
          %parallel_loop3A_554 = tpu.vector_load %arg11[%parallel_loop3A_552, %parallel_loop3A_553] {strides = array<i32>} : memref<128x128xf32, #tpu.memory_space<vmem>>, vector<1x16xf32>,
          %parallel_loop3A_555 = vector.shape_cast %parallel_loop3A_554 : vector<1x16xf32> to vector<16xf32>
          %parallel_loop3A_556 = vector.shape_cast %parallel_loop3A_551 : vector<16xf32> to vector<1x16xf32>
          tpu.vector_store %arg11[%parallel_loop3A_552, %parallel_loop3A_553], %parallel_loop3A_556 {strides = array<i32>} : memref<128x128xf32, #tpu.memory_space<vmem>>, vector<1x16xf32>,
          %parallel_loop3A_557 = vector.extract_strided_slice %parallel_loop3A_180 {offsets = [4], sizes = [1], strides = [1]} : vector<16xf32> to vector<1xf32>
          %parallel_loop3A_558 = vector.extract %parallel_loop3A_557[0] : f32 from vector<1xf32>
          %parallel_loop3A_559 = arith.constant 16 : i32
          %parallel_loop3A_560 = arith.muli %parallel_loop3A_174, %parallel_loop3A_559 : i32
          %parallel_loop3A_561 = arith.constant 4 : i32
          %parallel_loop3A_562 = arith.addi %parallel_loop3A_560, %parallel_loop3A_561 : i32
          %parallel_loop3A_563 = arith.index_cast %parallel_loop3A_562 : i32 to index
          %parallel_loop3A_564 = arith.constant 0 : index
          %parallel_loop3A_565 = tpu.vector_load %arg11[%parallel_loop3A_563, %parallel_loop3A_564] {strides = array<i32>} : memref<128x128xf32, #tpu.memory_space<vmem>>, vector<1x16xf32>,
          %parallel_loop3A_566 = vector.shape_cast %parallel_loop3A_565 : vector<1x16xf32> to vector<16xf32>
          %parallel_loop3A_567 = vector.broadcast %parallel_loop3A_558 : f32 to vector<16xf32>
          %parallel_loop3A_568 = arith.mulf %parallel_loop3A_566, %parallel_loop3A_567 : vector<16xf32>
          %parallel_loop3A_569 = arith.index_cast %parallel_loop3A_562 : i32 to index
          %parallel_loop3A_570 = arith.constant 0 : index
          %parallel_loop3A_571 = tpu.vector_load %arg11[%parallel_loop3A_569, %parallel_loop3A_570] {strides = array<i32>} : memref<128x128xf32, #tpu.memory_space<vmem>>, vector<1x16xf32>,
          %parallel_loop3A_572 = vector.shape_cast %parallel_loop3A_571 : vector<1x16xf32> to vector<16xf32>
          %parallel_loop3A_573 = vector.shape_cast %parallel_loop3A_568 : vector<16xf32> to vector<1x16xf32>
          tpu.vector_store %arg11[%parallel_loop3A_569, %parallel_loop3A_570], %parallel_loop3A_573 {strides = array<i32>} : memref<128x128xf32, #tpu.memory_space<vmem>>, vector<1x16xf32>,
          %parallel_loop3A_574 = arith.index_cast %parallel_loop3A_562 : i32 to index
          %parallel_loop3A_575 = arith.constant 16 : index
          %parallel_loop3A_576 = tpu.vector_load %arg11[%parallel_loop3A_574, %parallel_loop3A_575] {strides = array<i32>} : memref<128x128xf32, #tpu.memory_space<vmem>>, vector<1x16xf32>,
          %parallel_loop3A_577 = vector.shape_cast %parallel_loop3A_576 : vector<1x16xf32> to vector<16xf32>
          %parallel_loop3A_578 = vector.broadcast %parallel_loop3A_558 : f32 to vector<16xf32>
          %parallel_loop3A_579 = arith.mulf %parallel_loop3A_577, %parallel_loop3A_578 : vector<16xf32>
          %parallel_loop3A_580 = arith.index_cast %parallel_loop3A_562 : i32 to index
          %parallel_loop3A_581 = arith.constant 16 : index
          %parallel_loop3A_582 = tpu.vector_load %arg11[%parallel_loop3A_580, %parallel_loop3A_581] {strides = array<i32>} : memref<128x128xf32, #tpu.memory_space<vmem>>, vector<1x16xf32>,
          %parallel_loop3A_583 = vector.shape_cast %parallel_loop3A_582 : vector<1x16xf32> to vector<16xf32>
          %parallel_loop3A_584 = vector.shape_cast %parallel_loop3A_579 : vector<16xf32> to vector<1x16xf32>
          tpu.vector_store %arg11[%parallel_loop3A_580, %parallel_loop3A_581], %parallel_loop3A_584 {strides = array<i32>} : memref<128x128xf32, #tpu.memory_space<vmem>>, vector<1x16xf32>,
          %parallel_loop3A_585 = arith.index_cast %parallel_loop3A_562 : i32 to index
          %parallel_loop3A_586 = arith.constant 32 : index
          %parallel_loop3A_587 = tpu.vector_load %arg11[%parallel_loop3A_585, %parallel_loop3A_586] {strides = array<i32>} : memref<128x128xf32, #tpu.memory_space<vmem>>, vector<1x16xf32>,
          %parallel_loop3A_588 = vector.shape_cast %parallel_loop3A_587 : vector<1x16xf32> to vector<16xf32>
          %parallel_loop3A_589 = vector.broadcast %parallel_loop3A_558 : f32 to vector<16xf32>
          %parallel_loop3A_590 = arith.mulf %parallel_loop3A_588, %parallel_loop3A_589 : vector<16xf32>
          %parallel_loop3A_591 = arith.index_cast %parallel_loop3A_562 : i32 to index
          %parallel_loop3A_592 = arith.constant 32 : index
          %parallel_loop3A_593 = tpu.vector_load %arg11[%parallel_loop3A_591, %parallel_loop3A_592] {strides = array<i32>} : memref<128x128xf32, #tpu.memory_space<vmem>>, vector<1x16xf32>,
          %parallel_loop3A_594 = vector.shape_cast %parallel_loop3A_593 : vector<1x16xf32> to vector<16xf32>
          %parallel_loop3A_595 = vector.shape_cast %parallel_loop3A_590 : vector<16xf32> to vector<1x16xf32>
          tpu.vector_store %arg11[%parallel_loop3A_591, %parallel_loop3A_592], %parallel_loop3A_595 {strides = array<i32>} : memref<128x128xf32, #tpu.memory_space<vmem>>, vector<1x16xf32>,
          %parallel_loop3A_596 = arith.index_cast %parallel_loop3A_562 : i32 to index
          %parallel_loop3A_597 = arith.constant 48 : index
          %parallel_loop3A_598 = tpu.vector_load %arg11[%parallel_loop3A_596, %parallel_loop3A_597] {strides = array<i32>} : memref<128x128xf32, #tpu.memory_space<vmem>>, vector<1x16xf32>,
          %parallel_loop3A_599 = vector.shape_cast %parallel_loop3A_598 : vector<1x16xf32> to vector<16xf32>
          %parallel_loop3A_600 = vector.broadcast %parallel_loop3A_558 : f32 to vector<16xf32>
          %parallel_loop3A_601 = arith.mulf %parallel_loop3A_599, %parallel_loop3A_600 : vector<16xf32>
          %parallel_loop3A_602 = arith.index_cast %parallel_loop3A_562 : i32 to index
          %parallel_loop3A_603 = arith.constant 48 : index
          %parallel_loop3A_604 = tpu.vector_load %arg11[%parallel_loop3A_602, %parallel_loop3A_603] {strides = array<i32>} : memref<128x128xf32, #tpu.memory_space<vmem>>, vector<1x16xf32>,
          %parallel_loop3A_605 = vector.shape_cast %parallel_loop3A_604 : vector<1x16xf32> to vector<16xf32>
          %parallel_loop3A_606 = vector.shape_cast %parallel_loop3A_601 : vector<16xf32> to vector<1x16xf32>
          tpu.vector_store %arg11[%parallel_loop3A_602, %parallel_loop3A_603], %parallel_loop3A_606 {strides = array<i32>} : memref<128x128xf32, #tpu.memory_space<vmem>>, vector<1x16xf32>,
          %parallel_loop3A_607 = arith.index_cast %parallel_loop3A_562 : i32 to index
          %parallel_loop3A_608 = arith.constant 64 : index
          %parallel_loop3A_609 = tpu.vector_load %arg11[%parallel_loop3A_607, %parallel_loop3A_608] {strides = array<i32>} : memref<128x128xf32, #tpu.memory_space<vmem>>, vector<1x16xf32>,
          %parallel_loop3A_610 = vector.shape_cast %parallel_loop3A_609 : vector<1x16xf32> to vector<16xf32>
          %parallel_loop3A_611 = vector.broadcast %parallel_loop3A_558 : f32 to vector<16xf32>
          %parallel_loop3A_612 = arith.mulf %parallel_loop3A_610, %parallel_loop3A_611 : vector<16xf32>
          %parallel_loop3A_613 = arith.index_cast %parallel_loop3A_562 : i32 to index
          %parallel_loop3A_614 = arith.constant 64 : index
          %parallel_loop3A_615 = tpu.vector_load %arg11[%parallel_loop3A_613, %parallel_loop3A_614] {strides = array<i32>} : memref<128x128xf32, #tpu.memory_space<vmem>>, vector<1x16xf32>,
          %parallel_loop3A_616 = vector.shape_cast %parallel_loop3A_615 : vector<1x16xf32> to vector<16xf32>
          %parallel_loop3A_617 = vector.shape_cast %parallel_loop3A_612 : vector<16xf32> to vector<1x16xf32>
          tpu.vector_store %arg11[%parallel_loop3A_613, %parallel_loop3A_614], %parallel_loop3A_617 {strides = array<i32>} : memref<128x128xf32, #tpu.memory_space<vmem>>, vector<1x16xf32>,
          %parallel_loop3A_618 = arith.index_cast %parallel_loop3A_562 : i32 to index
          %parallel_loop3A_619 = arith.constant 80 : index
          %parallel_loop3A_620 = tpu.vector_load %arg11[%parallel_loop3A_618, %parallel_loop3A_619] {strides = array<i32>} : memref<128x128xf32, #tpu.memory_space<vmem>>, vector<1x16xf32>,
          %parallel_loop3A_621 = vector.shape_cast %parallel_loop3A_620 : vector<1x16xf32> to vector<16xf32>
          %parallel_loop3A_622 = vector.broadcast %parallel_loop3A_558 : f32 to vector<16xf32>
          %parallel_loop3A_623 = arith.mulf %parallel_loop3A_621, %parallel_loop3A_622 : vector<16xf32>
          %parallel_loop3A_624 = arith.index_cast %parallel_loop3A_562 : i32 to index
          %parallel_loop3A_625 = arith.constant 80 : index
          %parallel_loop3A_626 = tpu.vector_load %arg11[%parallel_loop3A_624, %parallel_loop3A_625] {strides = array<i32>} : memref<128x128xf32, #tpu.memory_space<vmem>>, vector<1x16xf32>,
          %parallel_loop3A_627 = vector.shape_cast %parallel_loop3A_626 : vector<1x16xf32> to vector<16xf32>
          %parallel_loop3A_628 = vector.shape_cast %parallel_loop3A_623 : vector<16xf32> to vector<1x16xf32>
          tpu.vector_store %arg11[%parallel_loop3A_624, %parallel_loop3A_625], %parallel_loop3A_628 {strides = array<i32>} : memref<128x128xf32, #tpu.memory_space<vmem>>, vector<1x16xf32>,
          %parallel_loop3A_629 = arith.index_cast %parallel_loop3A_562 : i32 to index
          %parallel_loop3A_630 = arith.constant 96 : index
          %parallel_loop3A_631 = tpu.vector_load %arg11[%parallel_loop3A_629, %parallel_loop3A_630] {strides = array<i32>} : memref<128x128xf32, #tpu.memory_space<vmem>>, vector<1x16xf32>,
          %parallel_loop3A_632 = vector.shape_cast %parallel_loop3A_631 : vector<1x16xf32> to vector<16xf32>
          %parallel_loop3A_633 = vector.broadcast %parallel_loop3A_558 : f32 to vector<16xf32>
          %parallel_loop3A_634 = arith.mulf %parallel_loop3A_632, %parallel_loop3A_633 : vector<16xf32>
          %parallel_loop3A_635 = arith.index_cast %parallel_loop3A_562 : i32 to index
          %parallel_loop3A_636 = arith.constant 96 : index
          %parallel_loop3A_637 = tpu.vector_load %arg11[%parallel_loop3A_635, %parallel_loop3A_636] {strides = array<i32>} : memref<128x128xf32, #tpu.memory_space<vmem>>, vector<1x16xf32>,
          %parallel_loop3A_638 = vector.shape_cast %parallel_loop3A_637 : vector<1x16xf32> to vector<16xf32>
          %parallel_loop3A_639 = vector.shape_cast %parallel_loop3A_634 : vector<16xf32> to vector<1x16xf32>
          tpu.vector_store %arg11[%parallel_loop3A_635, %parallel_loop3A_636], %parallel_loop3A_639 {strides = array<i32>} : memref<128x128xf32, #tpu.memory_space<vmem>>, vector<1x16xf32>,
          %parallel_loop3A_640 = arith.index_cast %parallel_loop3A_562 : i32 to index
          %parallel_loop3A_641 = arith.constant 112 : index
          %parallel_loop3A_642 = tpu.vector_load %arg11[%parallel_loop3A_640, %parallel_loop3A_641] {strides = array<i32>} : memref<128x128xf32, #tpu.memory_space<vmem>>, vector<1x16xf32>,
          %parallel_loop3A_643 = vector.shape_cast %parallel_loop3A_642 : vector<1x16xf32> to vector<16xf32>
          %parallel_loop3A_644 = vector.broadcast %parallel_loop3A_558 : f32 to vector<16xf32>
          %parallel_loop3A_645 = arith.mulf %parallel_loop3A_643, %parallel_loop3A_644 : vector<16xf32>
          %parallel_loop3A_646 = arith.index_cast %parallel_loop3A_562 : i32 to index
          %parallel_loop3A_647 = arith.constant 112 : index
          %parallel_loop3A_648 = tpu.vector_load %arg11[%parallel_loop3A_646, %parallel_loop3A_647] {strides = array<i32>} : memref<128x128xf32, #tpu.memory_space<vmem>>, vector<1x16xf32>,
          %parallel_loop3A_649 = vector.shape_cast %parallel_loop3A_648 : vector<1x16xf32> to vector<16xf32>
          %parallel_loop3A_650 = vector.shape_cast %parallel_loop3A_645 : vector<16xf32> to vector<1x16xf32>
          tpu.vector_store %arg11[%parallel_loop3A_646, %parallel_loop3A_647], %parallel_loop3A_650 {strides = array<i32>} : memref<128x128xf32, #tpu.memory_space<vmem>>, vector<1x16xf32>,
          %parallel_loop3A_651 = vector.extract_strided_slice %parallel_loop3A_180 {offsets = [5], sizes = [1], strides = [1]} : vector<16xf32> to vector<1xf32>
          %parallel_loop3A_652 = vector.extract %parallel_loop3A_651[0] : f32 from vector<1xf32>
          %parallel_loop3A_653 = arith.constant 16 : i32
          %parallel_loop3A_654 = arith.muli %parallel_loop3A_174, %parallel_loop3A_653 : i32
          %parallel_loop3A_655 = arith.constant 5 : i32
          %parallel_loop3A_656 = arith.addi %parallel_loop3A_654, %parallel_loop3A_655 : i32
          %parallel_loop3A_657 = arith.index_cast %parallel_loop3A_656 : i32 to index
          %parallel_loop3A_658 = arith.constant 0 : index
          %parallel_loop3A_659 = tpu.vector_load %arg11[%parallel_loop3A_657, %parallel_loop3A_658] {strides = array<i32>} : memref<128x128xf32, #tpu.memory_space<vmem>>, vector<1x16xf32>,
          %parallel_loop3A_660 = vector.shape_cast %parallel_loop3A_659 : vector<1x16xf32> to vector<16xf32>
          %parallel_loop3A_661 = vector.broadcast %parallel_loop3A_652 : f32 to vector<16xf32>
          %parallel_loop3A_662 = arith.mulf %parallel_loop3A_660, %parallel_loop3A_661 : vector<16xf32>
          %parallel_loop3A_663 = arith.index_cast %parallel_loop3A_656 : i32 to index
          %parallel_loop3A_664 = arith.constant 0 : index
          %parallel_loop3A_665 = tpu.vector_load %arg11[%parallel_loop3A_663, %parallel_loop3A_664] {strides = array<i32>} : memref<128x128xf32, #tpu.memory_space<vmem>>, vector<1x16xf32>,
          %parallel_loop3A_666 = vector.shape_cast %parallel_loop3A_665 : vector<1x16xf32> to vector<16xf32>
          %parallel_loop3A_667 = vector.shape_cast %parallel_loop3A_662 : vector<16xf32> to vector<1x16xf32>
          tpu.vector_store %arg11[%parallel_loop3A_663, %parallel_loop3A_664], %parallel_loop3A_667 {strides = array<i32>} : memref<128x128xf32, #tpu.memory_space<vmem>>, vector<1x16xf32>,
          %parallel_loop3A_668 = arith.index_cast %parallel_loop3A_656 : i32 to index
          %parallel_loop3A_669 = arith.constant 16 : index
          %parallel_loop3A_670 = tpu.vector_load %arg11[%parallel_loop3A_668, %parallel_loop3A_669] {strides = array<i32>} : memref<128x128xf32, #tpu.memory_space<vmem>>, vector<1x16xf32>,
          %parallel_loop3A_671 = vector.shape_cast %parallel_loop3A_670 : vector<1x16xf32> to vector<16xf32>
          %parallel_loop3A_672 = vector.broadcast %parallel_loop3A_652 : f32 to vector<16xf32>
          %parallel_loop3A_673 = arith.mulf %parallel_loop3A_671, %parallel_loop3A_672 : vector<16xf32>
          %parallel_loop3A_674 = arith.index_cast %parallel_loop3A_656 : i32 to index
          %parallel_loop3A_675 = arith.constant 16 : index
          %parallel_loop3A_676 = tpu.vector_load %arg11[%parallel_loop3A_674, %parallel_loop3A_675] {strides = array<i32>} : memref<128x128xf32, #tpu.memory_space<vmem>>, vector<1x16xf32>,
          %parallel_loop3A_677 = vector.shape_cast %parallel_loop3A_676 : vector<1x16xf32> to vector<16xf32>
          %parallel_loop3A_678 = vector.shape_cast %parallel_loop3A_673 : vector<16xf32> to vector<1x16xf32>
          tpu.vector_store %arg11[%parallel_loop3A_674, %parallel_loop3A_675], %parallel_loop3A_678 {strides = array<i32>} : memref<128x128xf32, #tpu.memory_space<vmem>>, vector<1x16xf32>,
          %parallel_loop3A_679 = arith.index_cast %parallel_loop3A_656 : i32 to index
          %parallel_loop3A_680 = arith.constant 32 : index
          %parallel_loop3A_681 = tpu.vector_load %arg11[%parallel_loop3A_679, %parallel_loop3A_680] {strides = array<i32>} : memref<128x128xf32, #tpu.memory_space<vmem>>, vector<1x16xf32>,
          %parallel_loop3A_682 = vector.shape_cast %parallel_loop3A_681 : vector<1x16xf32> to vector<16xf32>
          %parallel_loop3A_683 = vector.broadcast %parallel_loop3A_652 : f32 to vector<16xf32>
          %parallel_loop3A_684 = arith.mulf %parallel_loop3A_682, %parallel_loop3A_683 : vector<16xf32>
          %parallel_loop3A_685 = arith.index_cast %parallel_loop3A_656 : i32 to index
          %parallel_loop3A_686 = arith.constant 32 : index
          %parallel_loop3A_687 = tpu.vector_load %arg11[%parallel_loop3A_685, %parallel_loop3A_686] {strides = array<i32>} : memref<128x128xf32, #tpu.memory_space<vmem>>, vector<1x16xf32>,
          %parallel_loop3A_688 = vector.shape_cast %parallel_loop3A_687 : vector<1x16xf32> to vector<16xf32>
          %parallel_loop3A_689 = vector.shape_cast %parallel_loop3A_684 : vector<16xf32> to vector<1x16xf32>
          tpu.vector_store %arg11[%parallel_loop3A_685, %parallel_loop3A_686], %parallel_loop3A_689 {strides = array<i32>} : memref<128x128xf32, #tpu.memory_space<vmem>>, vector<1x16xf32>,
          %parallel_loop3A_690 = arith.index_cast %parallel_loop3A_656 : i32 to index
          %parallel_loop3A_691 = arith.constant 48 : index
          %parallel_loop3A_692 = tpu.vector_load %arg11[%parallel_loop3A_690, %parallel_loop3A_691] {strides = array<i32>} : memref<128x128xf32, #tpu.memory_space<vmem>>, vector<1x16xf32>,
          %parallel_loop3A_693 = vector.shape_cast %parallel_loop3A_692 : vector<1x16xf32> to vector<16xf32>
          %parallel_loop3A_694 = vector.broadcast %parallel_loop3A_652 : f32 to vector<16xf32>
          %parallel_loop3A_695 = arith.mulf %parallel_loop3A_693, %parallel_loop3A_694 : vector<16xf32>
          %parallel_loop3A_696 = arith.index_cast %parallel_loop3A_656 : i32 to index
          %parallel_loop3A_697 = arith.constant 48 : index
          %parallel_loop3A_698 = tpu.vector_load %arg11[%parallel_loop3A_696, %parallel_loop3A_697] {strides = array<i32>} : memref<128x128xf32, #tpu.memory_space<vmem>>, vector<1x16xf32>,
          %parallel_loop3A_699 = vector.shape_cast %parallel_loop3A_698 : vector<1x16xf32> to vector<16xf32>
          %parallel_loop3A_700 = vector.shape_cast %parallel_loop3A_695 : vector<16xf32> to vector<1x16xf32>
          tpu.vector_store %arg11[%parallel_loop3A_696, %parallel_loop3A_697], %parallel_loop3A_700 {strides = array<i32>} : memref<128x128xf32, #tpu.memory_space<vmem>>, vector<1x16xf32>,
          %parallel_loop3A_701 = arith.index_cast %parallel_loop3A_656 : i32 to index
          %parallel_loop3A_702 = arith.constant 64 : index
          %parallel_loop3A_703 = tpu.vector_load %arg11[%parallel_loop3A_701, %parallel_loop3A_702] {strides = array<i32>} : memref<128x128xf32, #tpu.memory_space<vmem>>, vector<1x16xf32>,
          %parallel_loop3A_704 = vector.shape_cast %parallel_loop3A_703 : vector<1x16xf32> to vector<16xf32>
          %parallel_loop3A_705 = vector.broadcast %parallel_loop3A_652 : f32 to vector<16xf32>
          %parallel_loop3A_706 = arith.mulf %parallel_loop3A_704, %parallel_loop3A_705 : vector<16xf32>
          %parallel_loop3A_707 = arith.index_cast %parallel_loop3A_656 : i32 to index
          %parallel_loop3A_708 = arith.constant 64 : index
          %parallel_loop3A_709 = tpu.vector_load %arg11[%parallel_loop3A_707, %parallel_loop3A_708] {strides = array<i32>} : memref<128x128xf32, #tpu.memory_space<vmem>>, vector<1x16xf32>,
          %parallel_loop3A_710 = vector.shape_cast %parallel_loop3A_709 : vector<1x16xf32> to vector<16xf32>
          %parallel_loop3A_711 = vector.shape_cast %parallel_loop3A_706 : vector<16xf32> to vector<1x16xf32>
          tpu.vector_store %arg11[%parallel_loop3A_707, %parallel_loop3A_708], %parallel_loop3A_711 {strides = array<i32>} : memref<128x128xf32, #tpu.memory_space<vmem>>, vector<1x16xf32>,
          %parallel_loop3A_712 = arith.index_cast %parallel_loop3A_656 : i32 to index
          %parallel_loop3A_713 = arith.constant 80 : index
          %parallel_loop3A_714 = tpu.vector_load %arg11[%parallel_loop3A_712, %parallel_loop3A_713] {strides = array<i32>} : memref<128x128xf32, #tpu.memory_space<vmem>>, vector<1x16xf32>,
          %parallel_loop3A_715 = vector.shape_cast %parallel_loop3A_714 : vector<1x16xf32> to vector<16xf32>
          %parallel_loop3A_716 = vector.broadcast %parallel_loop3A_652 : f32 to vector<16xf32>
          %parallel_loop3A_717 = arith.mulf %parallel_loop3A_715, %parallel_loop3A_716 : vector<16xf32>
          %parallel_loop3A_718 = arith.index_cast %parallel_loop3A_656 : i32 to index
          %parallel_loop3A_719 = arith.constant 80 : index
          %parallel_loop3A_720 = tpu.vector_load %arg11[%parallel_loop3A_718, %parallel_loop3A_719] {strides = array<i32>} : memref<128x128xf32, #tpu.memory_space<vmem>>, vector<1x16xf32>,
          %parallel_loop3A_721 = vector.shape_cast %parallel_loop3A_720 : vector<1x16xf32> to vector<16xf32>
          %parallel_loop3A_722 = vector.shape_cast %parallel_loop3A_717 : vector<16xf32> to vector<1x16xf32>
          tpu.vector_store %arg11[%parallel_loop3A_718, %parallel_loop3A_719], %parallel_loop3A_722 {strides = array<i32>} : memref<128x128xf32, #tpu.memory_space<vmem>>, vector<1x16xf32>,
          %parallel_loop3A_723 = arith.index_cast %parallel_loop3A_656 : i32 to index
          %parallel_loop3A_724 = arith.constant 96 : index
          %parallel_loop3A_725 = tpu.vector_load %arg11[%parallel_loop3A_723, %parallel_loop3A_724] {strides = array<i32>} : memref<128x128xf32, #tpu.memory_space<vmem>>, vector<1x16xf32>,
          %parallel_loop3A_726 = vector.shape_cast %parallel_loop3A_725 : vector<1x16xf32> to vector<16xf32>
          %parallel_loop3A_727 = vector.broadcast %parallel_loop3A_652 : f32 to vector<16xf32>
          %parallel_loop3A_728 = arith.mulf %parallel_loop3A_726, %parallel_loop3A_727 : vector<16xf32>
          %parallel_loop3A_729 = arith.index_cast %parallel_loop3A_656 : i32 to index
          %parallel_loop3A_730 = arith.constant 96 : index
          %parallel_loop3A_731 = tpu.vector_load %arg11[%parallel_loop3A_729, %parallel_loop3A_730] {strides = array<i32>} : memref<128x128xf32, #tpu.memory_space<vmem>>, vector<1x16xf32>,
          %parallel_loop3A_732 = vector.shape_cast %parallel_loop3A_731 : vector<1x16xf32> to vector<16xf32>
          %parallel_loop3A_733 = vector.shape_cast %parallel_loop3A_728 : vector<16xf32> to vector<1x16xf32>
          tpu.vector_store %arg11[%parallel_loop3A_729, %parallel_loop3A_730], %parallel_loop3A_733 {strides = array<i32>} : memref<128x128xf32, #tpu.memory_space<vmem>>, vector<1x16xf32>,
          %parallel_loop3A_734 = arith.index_cast %parallel_loop3A_656 : i32 to index
          %parallel_loop3A_735 = arith.constant 112 : index
          %parallel_loop3A_736 = tpu.vector_load %arg11[%parallel_loop3A_734, %parallel_loop3A_735] {strides = array<i32>} : memref<128x128xf32, #tpu.memory_space<vmem>>, vector<1x16xf32>,
          %parallel_loop3A_737 = vector.shape_cast %parallel_loop3A_736 : vector<1x16xf32> to vector<16xf32>
          %parallel_loop3A_738 = vector.broadcast %parallel_loop3A_652 : f32 to vector<16xf32>
          %parallel_loop3A_739 = arith.mulf %parallel_loop3A_737, %parallel_loop3A_738 : vector<16xf32>
          %parallel_loop3A_740 = arith.index_cast %parallel_loop3A_656 : i32 to index
          %parallel_loop3A_741 = arith.constant 112 : index
          %parallel_loop3A_742 = tpu.vector_load %arg11[%parallel_loop3A_740, %parallel_loop3A_741] {strides = array<i32>} : memref<128x128xf32, #tpu.memory_space<vmem>>, vector<1x16xf32>,
          %parallel_loop3A_743 = vector.shape_cast %parallel_loop3A_742 : vector<1x16xf32> to vector<16xf32>
          %parallel_loop3A_744 = vector.shape_cast %parallel_loop3A_739 : vector<16xf32> to vector<1x16xf32>
          tpu.vector_store %arg11[%parallel_loop3A_740, %parallel_loop3A_741], %parallel_loop3A_744 {strides = array<i32>} : memref<128x128xf32, #tpu.memory_space<vmem>>, vector<1x16xf32>,
          %parallel_loop3A_745 = vector.extract_strided_slice %parallel_loop3A_180 {offsets = [6], sizes = [1], strides = [1]} : vector<16xf32> to vector<1xf32>
          %parallel_loop3A_746 = vector.extract %parallel_loop3A_745[0] : f32 from vector<1xf32>
          %parallel_loop3A_747 = arith.constant 16 : i32
          %parallel_loop3A_748 = arith.muli %parallel_loop3A_174, %parallel_loop3A_747 : i32
          %parallel_loop3A_749 = arith.constant 6 : i32
          %parallel_loop3A_750 = arith.addi %parallel_loop3A_748, %parallel_loop3A_749 : i32
          %parallel_loop3A_751 = arith.index_cast %parallel_loop3A_750 : i32 to index
          %parallel_loop3A_752 = arith.constant 0 : index
          %parallel_loop3A_753 = tpu.vector_load %arg11[%parallel_loop3A_751, %parallel_loop3A_752] {strides = array<i32>} : memref<128x128xf32, #tpu.memory_space<vmem>>, vector<1x16xf32>,
          %parallel_loop3A_754 = vector.shape_cast %parallel_loop3A_753 : vector<1x16xf32> to vector<16xf32>
          %parallel_loop3A_755 = vector.broadcast %parallel_loop3A_746 : f32 to vector<16xf32>
          %parallel_loop3A_756 = arith.mulf %parallel_loop3A_754, %parallel_loop3A_755 : vector<16xf32>
          %parallel_loop3A_757 = arith.index_cast %parallel_loop3A_750 : i32 to index
          %parallel_loop3A_758 = arith.constant 0 : index
          %parallel_loop3A_759 = tpu.vector_load %arg11[%parallel_loop3A_757, %parallel_loop3A_758] {strides = array<i32>} : memref<128x128xf32, #tpu.memory_space<vmem>>, vector<1x16xf32>,
          %parallel_loop3A_760 = vector.shape_cast %parallel_loop3A_759 : vector<1x16xf32> to vector<16xf32>
          %parallel_loop3A_761 = vector.shape_cast %parallel_loop3A_756 : vector<16xf32> to vector<1x16xf32>
          tpu.vector_store %arg11[%parallel_loop3A_757, %parallel_loop3A_758], %parallel_loop3A_761 {strides = array<i32>} : memref<128x128xf32, #tpu.memory_space<vmem>>, vector<1x16xf32>,
          %parallel_loop3A_762 = arith.index_cast %parallel_loop3A_750 : i32 to index
          %parallel_loop3A_763 = arith.constant 16 : index
          %parallel_loop3A_764 = tpu.vector_load %arg11[%parallel_loop3A_762, %parallel_loop3A_763] {strides = array<i32>} : memref<128x128xf32, #tpu.memory_space<vmem>>, vector<1x16xf32>,
          %parallel_loop3A_765 = vector.shape_cast %parallel_loop3A_764 : vector<1x16xf32> to vector<16xf32>
          %parallel_loop3A_766 = vector.broadcast %parallel_loop3A_746 : f32 to vector<16xf32>
          %parallel_loop3A_767 = arith.mulf %parallel_loop3A_765, %parallel_loop3A_766 : vector<16xf32>
          %parallel_loop3A_768 = arith.index_cast %parallel_loop3A_750 : i32 to index
          %parallel_loop3A_769 = arith.constant 16 : index
          %parallel_loop3A_770 = tpu.vector_load %arg11[%parallel_loop3A_768, %parallel_loop3A_769] {strides = array<i32>} : memref<128x128xf32, #tpu.memory_space<vmem>>, vector<1x16xf32>,
          %parallel_loop3A_771 = vector.shape_cast %parallel_loop3A_770 : vector<1x16xf32> to vector<16xf32>
          %parallel_loop3A_772 = vector.shape_cast %parallel_loop3A_767 : vector<16xf32> to vector<1x16xf32>
          tpu.vector_store %arg11[%parallel_loop3A_768, %parallel_loop3A_769], %parallel_loop3A_772 {strides = array<i32>} : memref<128x128xf32, #tpu.memory_space<vmem>>, vector<1x16xf32>,
          %parallel_loop3A_773 = arith.index_cast %parallel_loop3A_750 : i32 to index
          %parallel_loop3A_774 = arith.constant 32 : index
          %parallel_loop3A_775 = tpu.vector_load %arg11[%parallel_loop3A_773, %parallel_loop3A_774] {strides = array<i32>} : memref<128x128xf32, #tpu.memory_space<vmem>>, vector<1x16xf32>,
          %parallel_loop3A_776 = vector.shape_cast %parallel_loop3A_775 : vector<1x16xf32> to vector<16xf32>
          %parallel_loop3A_777 = vector.broadcast %parallel_loop3A_746 : f32 to vector<16xf32>
          %parallel_loop3A_778 = arith.mulf %parallel_loop3A_776, %parallel_loop3A_777 : vector<16xf32>
          %parallel_loop3A_779 = arith.index_cast %parallel_loop3A_750 : i32 to index
          %parallel_loop3A_780 = arith.constant 32 : index
          %parallel_loop3A_781 = tpu.vector_load %arg11[%parallel_loop3A_779, %parallel_loop3A_780] {strides = array<i32>} : memref<128x128xf32, #tpu.memory_space<vmem>>, vector<1x16xf32>,
          %parallel_loop3A_782 = vector.shape_cast %parallel_loop3A_781 : vector<1x16xf32> to vector<16xf32>
          %parallel_loop3A_783 = vector.shape_cast %parallel_loop3A_778 : vector<16xf32> to vector<1x16xf32>
          tpu.vector_store %arg11[%parallel_loop3A_779, %parallel_loop3A_780], %parallel_loop3A_783 {strides = array<i32>} : memref<128x128xf32, #tpu.memory_space<vmem>>, vector<1x16xf32>,
          %parallel_loop3A_784 = arith.index_cast %parallel_loop3A_750 : i32 to index
          %parallel_loop3A_785 = arith.constant 48 : index
          %parallel_loop3A_786 = tpu.vector_load %arg11[%parallel_loop3A_784, %parallel_loop3A_785] {strides = array<i32>} : memref<128x128xf32, #tpu.memory_space<vmem>>, vector<1x16xf32>,
          %parallel_loop3A_787 = vector.shape_cast %parallel_loop3A_786 : vector<1x16xf32> to vector<16xf32>
          %parallel_loop3A_788 = vector.broadcast %parallel_loop3A_746 : f32 to vector<16xf32>
          %parallel_loop3A_789 = arith.mulf %parallel_loop3A_787, %parallel_loop3A_788 : vector<16xf32>
          %parallel_loop3A_790 = arith.index_cast %parallel_loop3A_750 : i32 to index
          %parallel_loop3A_791 = arith.constant 48 : index
          %parallel_loop3A_792 = tpu.vector_load %arg11[%parallel_loop3A_790, %parallel_loop3A_791] {strides = array<i32>} : memref<128x128xf32, #tpu.memory_space<vmem>>, vector<1x16xf32>,
          %parallel_loop3A_793 = vector.shape_cast %parallel_loop3A_792 : vector<1x16xf32> to vector<16xf32>
          %parallel_loop3A_794 = vector.shape_cast %parallel_loop3A_789 : vector<16xf32> to vector<1x16xf32>
          tpu.vector_store %arg11[%parallel_loop3A_790, %parallel_loop3A_791], %parallel_loop3A_794 {strides = array<i32>} : memref<128x128xf32, #tpu.memory_space<vmem>>, vector<1x16xf32>,
          %parallel_loop3A_795 = arith.index_cast %parallel_loop3A_750 : i32 to index
          %parallel_loop3A_796 = arith.constant 64 : index
          %parallel_loop3A_797 = tpu.vector_load %arg11[%parallel_loop3A_795, %parallel_loop3A_796] {strides = array<i32>} : memref<128x128xf32, #tpu.memory_space<vmem>>, vector<1x16xf32>,
          %parallel_loop3A_798 = vector.shape_cast %parallel_loop3A_797 : vector<1x16xf32> to vector<16xf32>
          %parallel_loop3A_799 = vector.broadcast %parallel_loop3A_746 : f32 to vector<16xf32>
          %parallel_loop3A_800 = arith.mulf %parallel_loop3A_798, %parallel_loop3A_799 : vector<16xf32>
          %parallel_loop3A_801 = arith.index_cast %parallel_loop3A_750 : i32 to index
          %parallel_loop3A_802 = arith.constant 64 : index
          %parallel_loop3A_803 = tpu.vector_load %arg11[%parallel_loop3A_801, %parallel_loop3A_802] {strides = array<i32>} : memref<128x128xf32, #tpu.memory_space<vmem>>, vector<1x16xf32>,
          %parallel_loop3A_804 = vector.shape_cast %parallel_loop3A_803 : vector<1x16xf32> to vector<16xf32>
          %parallel_loop3A_805 = vector.shape_cast %parallel_loop3A_800 : vector<16xf32> to vector<1x16xf32>
          tpu.vector_store %arg11[%parallel_loop3A_801, %parallel_loop3A_802], %parallel_loop3A_805 {strides = array<i32>} : memref<128x128xf32, #tpu.memory_space<vmem>>, vector<1x16xf32>,
          %parallel_loop3A_806 = arith.index_cast %parallel_loop3A_750 : i32 to index
          %parallel_loop3A_807 = arith.constant 80 : index
          %parallel_loop3A_808 = tpu.vector_load %arg11[%parallel_loop3A_806, %parallel_loop3A_807] {strides = array<i32>} : memref<128x128xf32, #tpu.memory_space<vmem>>, vector<1x16xf32>,
          %parallel_loop3A_809 = vector.shape_cast %parallel_loop3A_808 : vector<1x16xf32> to vector<16xf32>
          %parallel_loop3A_810 = vector.broadcast %parallel_loop3A_746 : f32 to vector<16xf32>
          %parallel_loop3A_811 = arith.mulf %parallel_loop3A_809, %parallel_loop3A_810 : vector<16xf32>
          %parallel_loop3A_812 = arith.index_cast %parallel_loop3A_750 : i32 to index
          %parallel_loop3A_813 = arith.constant 80 : index
          %parallel_loop3A_814 = tpu.vector_load %arg11[%parallel_loop3A_812, %parallel_loop3A_813] {strides = array<i32>} : memref<128x128xf32, #tpu.memory_space<vmem>>, vector<1x16xf32>,
          %parallel_loop3A_815 = vector.shape_cast %parallel_loop3A_814 : vector<1x16xf32> to vector<16xf32>
          %parallel_loop3A_816 = vector.shape_cast %parallel_loop3A_811 : vector<16xf32> to vector<1x16xf32>
          tpu.vector_store %arg11[%parallel_loop3A_812, %parallel_loop3A_813], %parallel_loop3A_816 {strides = array<i32>} : memref<128x128xf32, #tpu.memory_space<vmem>>, vector<1x16xf32>,
          %parallel_loop3A_817 = arith.index_cast %parallel_loop3A_750 : i32 to index
          %parallel_loop3A_818 = arith.constant 96 : index
          %parallel_loop3A_819 = tpu.vector_load %arg11[%parallel_loop3A_817, %parallel_loop3A_818] {strides = array<i32>} : memref<128x128xf32, #tpu.memory_space<vmem>>, vector<1x16xf32>,
          %parallel_loop3A_820 = vector.shape_cast %parallel_loop3A_819 : vector<1x16xf32> to vector<16xf32>
          %parallel_loop3A_821 = vector.broadcast %parallel_loop3A_746 : f32 to vector<16xf32>
          %parallel_loop3A_822 = arith.mulf %parallel_loop3A_820, %parallel_loop3A_821 : vector<16xf32>
          %parallel_loop3A_823 = arith.index_cast %parallel_loop3A_750 : i32 to index
          %parallel_loop3A_824 = arith.constant 96 : index
          %parallel_loop3A_825 = tpu.vector_load %arg11[%parallel_loop3A_823, %parallel_loop3A_824] {strides = array<i32>} : memref<128x128xf32, #tpu.memory_space<vmem>>, vector<1x16xf32>,
          %parallel_loop3A_826 = vector.shape_cast %parallel_loop3A_825 : vector<1x16xf32> to vector<16xf32>
          %parallel_loop3A_827 = vector.shape_cast %parallel_loop3A_822 : vector<16xf32> to vector<1x16xf32>
          tpu.vector_store %arg11[%parallel_loop3A_823, %parallel_loop3A_824], %parallel_loop3A_827 {strides = array<i32>} : memref<128x128xf32, #tpu.memory_space<vmem>>, vector<1x16xf32>,
          %parallel_loop3A_828 = arith.index_cast %parallel_loop3A_750 : i32 to index
          %parallel_loop3A_829 = arith.constant 112 : index
          %parallel_loop3A_830 = tpu.vector_load %arg11[%parallel_loop3A_828, %parallel_loop3A_829] {strides = array<i32>} : memref<128x128xf32, #tpu.memory_space<vmem>>, vector<1x16xf32>,
          %parallel_loop3A_831 = vector.shape_cast %parallel_loop3A_830 : vector<1x16xf32> to vector<16xf32>
          %parallel_loop3A_832 = vector.broadcast %parallel_loop3A_746 : f32 to vector<16xf32>
          %parallel_loop3A_833 = arith.mulf %parallel_loop3A_831, %parallel_loop3A_832 : vector<16xf32>
          %parallel_loop3A_834 = arith.index_cast %parallel_loop3A_750 : i32 to index
          %parallel_loop3A_835 = arith.constant 112 : index
          %parallel_loop3A_836 = tpu.vector_load %arg11[%parallel_loop3A_834, %parallel_loop3A_835] {strides = array<i32>} : memref<128x128xf32, #tpu.memory_space<vmem>>, vector<1x16xf32>,
          %parallel_loop3A_837 = vector.shape_cast %parallel_loop3A_836 : vector<1x16xf32> to vector<16xf32>
          %parallel_loop3A_838 = vector.shape_cast %parallel_loop3A_833 : vector<16xf32> to vector<1x16xf32>
          tpu.vector_store %arg11[%parallel_loop3A_834, %parallel_loop3A_835], %parallel_loop3A_838 {strides = array<i32>} : memref<128x128xf32, #tpu.memory_space<vmem>>, vector<1x16xf32>,
          %parallel_loop3A_839 = vector.extract_strided_slice %parallel_loop3A_180 {offsets = [7], sizes = [1], strides = [1]} : vector<16xf32> to vector<1xf32>
          %parallel_loop3A_840 = vector.extract %parallel_loop3A_839[0] : f32 from vector<1xf32>
          %parallel_loop3A_841 = arith.constant 16 : i32
          %parallel_loop3A_842 = arith.muli %parallel_loop3A_174, %parallel_loop3A_841 : i32
          %parallel_loop3A_843 = arith.constant 7 : i32
          %parallel_loop3A_844 = arith.addi %parallel_loop3A_842, %parallel_loop3A_843 : i32
          %parallel_loop3A_845 = arith.index_cast %parallel_loop3A_844 : i32 to index
          %parallel_loop3A_846 = arith.constant 0 : index
          %parallel_loop3A_847 = tpu.vector_load %arg11[%parallel_loop3A_845, %parallel_loop3A_846] {strides = array<i32>} : memref<128x128xf32, #tpu.memory_space<vmem>>, vector<1x16xf32>,
          %parallel_loop3A_848 = vector.shape_cast %parallel_loop3A_847 : vector<1x16xf32> to vector<16xf32>
          %parallel_loop3A_849 = vector.broadcast %parallel_loop3A_840 : f32 to vector<16xf32>
          %parallel_loop3A_850 = arith.mulf %parallel_loop3A_848, %parallel_loop3A_849 : vector<16xf32>
          %parallel_loop3A_851 = arith.index_cast %parallel_loop3A_844 : i32 to index
          %parallel_loop3A_852 = arith.constant 0 : index
          %parallel_loop3A_853 = tpu.vector_load %arg11[%parallel_loop3A_851, %parallel_loop3A_852] {strides = array<i32>} : memref<128x128xf32, #tpu.memory_space<vmem>>, vector<1x16xf32>,
          %parallel_loop3A_854 = vector.shape_cast %parallel_loop3A_853 : vector<1x16xf32> to vector<16xf32>
          %parallel_loop3A_855 = vector.shape_cast %parallel_loop3A_850 : vector<16xf32> to vector<1x16xf32>
          tpu.vector_store %arg11[%parallel_loop3A_851, %parallel_loop3A_852], %parallel_loop3A_855 {strides = array<i32>} : memref<128x128xf32, #tpu.memory_space<vmem>>, vector<1x16xf32>,
          %parallel_loop3A_856 = arith.index_cast %parallel_loop3A_844 : i32 to index
          %parallel_loop3A_857 = arith.constant 16 : index
          %parallel_loop3A_858 = tpu.vector_load %arg11[%parallel_loop3A_856, %parallel_loop3A_857] {strides = array<i32>} : memref<128x128xf32, #tpu.memory_space<vmem>>, vector<1x16xf32>,
          %parallel_loop3A_859 = vector.shape_cast %parallel_loop3A_858 : vector<1x16xf32> to vector<16xf32>
          %parallel_loop3A_860 = vector.broadcast %parallel_loop3A_840 : f32 to vector<16xf32>
          %parallel_loop3A_861 = arith.mulf %parallel_loop3A_859, %parallel_loop3A_860 : vector<16xf32>
          %parallel_loop3A_862 = arith.index_cast %parallel_loop3A_844 : i32 to index
          %parallel_loop3A_863 = arith.constant 16 : index
          %parallel_loop3A_864 = tpu.vector_load %arg11[%parallel_loop3A_862, %parallel_loop3A_863] {strides = array<i32>} : memref<128x128xf32, #tpu.memory_space<vmem>>, vector<1x16xf32>,
          %parallel_loop3A_865 = vector.shape_cast %parallel_loop3A_864 : vector<1x16xf32> to vector<16xf32>
          %parallel_loop3A_866 = vector.shape_cast %parallel_loop3A_861 : vector<16xf32> to vector<1x16xf32>
          tpu.vector_store %arg11[%parallel_loop3A_862, %parallel_loop3A_863], %parallel_loop3A_866 {strides = array<i32>} : memref<128x128xf32, #tpu.memory_space<vmem>>, vector<1x16xf32>,
          %parallel_loop3A_867 = arith.index_cast %parallel_loop3A_844 : i32 to index
          %parallel_loop3A_868 = arith.constant 32 : index
          %parallel_loop3A_869 = tpu.vector_load %arg11[%parallel_loop3A_867, %parallel_loop3A_868] {strides = array<i32>} : memref<128x128xf32, #tpu.memory_space<vmem>>, vector<1x16xf32>,
          %parallel_loop3A_870 = vector.shape_cast %parallel_loop3A_869 : vector<1x16xf32> to vector<16xf32>
          %parallel_loop3A_871 = vector.broadcast %parallel_loop3A_840 : f32 to vector<16xf32>
          %parallel_loop3A_872 = arith.mulf %parallel_loop3A_870, %parallel_loop3A_871 : vector<16xf32>
          %parallel_loop3A_873 = arith.index_cast %parallel_loop3A_844 : i32 to index
          %parallel_loop3A_874 = arith.constant 32 : index
          %parallel_loop3A_875 = tpu.vector_load %arg11[%parallel_loop3A_873, %parallel_loop3A_874] {strides = array<i32>} : memref<128x128xf32, #tpu.memory_space<vmem>>, vector<1x16xf32>,
          %parallel_loop3A_876 = vector.shape_cast %parallel_loop3A_875 : vector<1x16xf32> to vector<16xf32>
          %parallel_loop3A_877 = vector.shape_cast %parallel_loop3A_872 : vector<16xf32> to vector<1x16xf32>
          tpu.vector_store %arg11[%parallel_loop3A_873, %parallel_loop3A_874], %parallel_loop3A_877 {strides = array<i32>} : memref<128x128xf32, #tpu.memory_space<vmem>>, vector<1x16xf32>,
          %parallel_loop3A_878 = arith.index_cast %parallel_loop3A_844 : i32 to index
          %parallel_loop3A_879 = arith.constant 48 : index
          %parallel_loop3A_880 = tpu.vector_load %arg11[%parallel_loop3A_878, %parallel_loop3A_879] {strides = array<i32>} : memref<128x128xf32, #tpu.memory_space<vmem>>, vector<1x16xf32>,
          %parallel_loop3A_881 = vector.shape_cast %parallel_loop3A_880 : vector<1x16xf32> to vector<16xf32>
          %parallel_loop3A_882 = vector.broadcast %parallel_loop3A_840 : f32 to vector<16xf32>
          %parallel_loop3A_883 = arith.mulf %parallel_loop3A_881, %parallel_loop3A_882 : vector<16xf32>
          %parallel_loop3A_884 = arith.index_cast %parallel_loop3A_844 : i32 to index
          %parallel_loop3A_885 = arith.constant 48 : index
          %parallel_loop3A_886 = tpu.vector_load %arg11[%parallel_loop3A_884, %parallel_loop3A_885] {strides = array<i32>} : memref<128x128xf32, #tpu.memory_space<vmem>>, vector<1x16xf32>,
          %parallel_loop3A_887 = vector.shape_cast %parallel_loop3A_886 : vector<1x16xf32> to vector<16xf32>
          %parallel_loop3A_888 = vector.shape_cast %parallel_loop3A_883 : vector<16xf32> to vector<1x16xf32>
          tpu.vector_store %arg11[%parallel_loop3A_884, %parallel_loop3A_885], %parallel_loop3A_888 {strides = array<i32>} : memref<128x128xf32, #tpu.memory_space<vmem>>, vector<1x16xf32>,
          %parallel_loop3A_889 = arith.index_cast %parallel_loop3A_844 : i32 to index
          %parallel_loop3A_890 = arith.constant 64 : index
          %parallel_loop3A_891 = tpu.vector_load %arg11[%parallel_loop3A_889, %parallel_loop3A_890] {strides = array<i32>} : memref<128x128xf32, #tpu.memory_space<vmem>>, vector<1x16xf32>,
          %parallel_loop3A_892 = vector.shape_cast %parallel_loop3A_891 : vector<1x16xf32> to vector<16xf32>
          %parallel_loop3A_893 = vector.broadcast %parallel_loop3A_840 : f32 to vector<16xf32>
          %parallel_loop3A_894 = arith.mulf %parallel_loop3A_892, %parallel_loop3A_893 : vector<16xf32>
          %parallel_loop3A_895 = arith.index_cast %parallel_loop3A_844 : i32 to index
          %parallel_loop3A_896 = arith.constant 64 : index
          %parallel_loop3A_897 = tpu.vector_load %arg11[%parallel_loop3A_895, %parallel_loop3A_896] {strides = array<i32>} : memref<128x128xf32, #tpu.memory_space<vmem>>, vector<1x16xf32>,
          %parallel_loop3A_898 = vector.shape_cast %parallel_loop3A_897 : vector<1x16xf32> to vector<16xf32>
          %parallel_loop3A_899 = vector.shape_cast %parallel_loop3A_894 : vector<16xf32> to vector<1x16xf32>
          tpu.vector_store %arg11[%parallel_loop3A_895, %parallel_loop3A_896], %parallel_loop3A_899 {strides = array<i32>} : memref<128x128xf32, #tpu.memory_space<vmem>>, vector<1x16xf32>,
          %parallel_loop3A_900 = arith.index_cast %parallel_loop3A_844 : i32 to index
          %parallel_loop3A_901 = arith.constant 80 : index
          %parallel_loop3A_902 = tpu.vector_load %arg11[%parallel_loop3A_900, %parallel_loop3A_901] {strides = array<i32>} : memref<128x128xf32, #tpu.memory_space<vmem>>, vector<1x16xf32>,
          %parallel_loop3A_903 = vector.shape_cast %parallel_loop3A_902 : vector<1x16xf32> to vector<16xf32>
          %parallel_loop3A_904 = vector.broadcast %parallel_loop3A_840 : f32 to vector<16xf32>
          %parallel_loop3A_905 = arith.mulf %parallel_loop3A_903, %parallel_loop3A_904 : vector<16xf32>
          %parallel_loop3A_906 = arith.index_cast %parallel_loop3A_844 : i32 to index
          %parallel_loop3A_907 = arith.constant 80 : index
          %parallel_loop3A_908 = tpu.vector_load %arg11[%parallel_loop3A_906, %parallel_loop3A_907] {strides = array<i32>} : memref<128x128xf32, #tpu.memory_space<vmem>>, vector<1x16xf32>,
          %parallel_loop3A_909 = vector.shape_cast %parallel_loop3A_908 : vector<1x16xf32> to vector<16xf32>
          %parallel_loop3A_910 = vector.shape_cast %parallel_loop3A_905 : vector<16xf32> to vector<1x16xf32>
          tpu.vector_store %arg11[%parallel_loop3A_906, %parallel_loop3A_907], %parallel_loop3A_910 {strides = array<i32>} : memref<128x128xf32, #tpu.memory_space<vmem>>, vector<1x16xf32>,
          %parallel_loop3A_911 = arith.index_cast %parallel_loop3A_844 : i32 to index
          %parallel_loop3A_912 = arith.constant 96 : index
          %parallel_loop3A_913 = tpu.vector_load %arg11[%parallel_loop3A_911, %parallel_loop3A_912] {strides = array<i32>} : memref<128x128xf32, #tpu.memory_space<vmem>>, vector<1x16xf32>,
          %parallel_loop3A_914 = vector.shape_cast %parallel_loop3A_913 : vector<1x16xf32> to vector<16xf32>
          %parallel_loop3A_915 = vector.broadcast %parallel_loop3A_840 : f32 to vector<16xf32>
          %parallel_loop3A_916 = arith.mulf %parallel_loop3A_914, %parallel_loop3A_915 : vector<16xf32>
          %parallel_loop3A_917 = arith.index_cast %parallel_loop3A_844 : i32 to index
          %parallel_loop3A_918 = arith.constant 96 : index
          %parallel_loop3A_919 = tpu.vector_load %arg11[%parallel_loop3A_917, %parallel_loop3A_918] {strides = array<i32>} : memref<128x128xf32, #tpu.memory_space<vmem>>, vector<1x16xf32>,
          %parallel_loop3A_920 = vector.shape_cast %parallel_loop3A_919 : vector<1x16xf32> to vector<16xf32>
          %parallel_loop3A_921 = vector.shape_cast %parallel_loop3A_916 : vector<16xf32> to vector<1x16xf32>
          tpu.vector_store %arg11[%parallel_loop3A_917, %parallel_loop3A_918], %parallel_loop3A_921 {strides = array<i32>} : memref<128x128xf32, #tpu.memory_space<vmem>>, vector<1x16xf32>,
          %parallel_loop3A_922 = arith.index_cast %parallel_loop3A_844 : i32 to index
          %parallel_loop3A_923 = arith.constant 112 : index
          %parallel_loop3A_924 = tpu.vector_load %arg11[%parallel_loop3A_922, %parallel_loop3A_923] {strides = array<i32>} : memref<128x128xf32, #tpu.memory_space<vmem>>, vector<1x16xf32>,
          %parallel_loop3A_925 = vector.shape_cast %parallel_loop3A_924 : vector<1x16xf32> to vector<16xf32>
          %parallel_loop3A_926 = vector.broadcast %parallel_loop3A_840 : f32 to vector<16xf32>
          %parallel_loop3A_927 = arith.mulf %parallel_loop3A_925, %parallel_loop3A_926 : vector<16xf32>
          %parallel_loop3A_928 = arith.index_cast %parallel_loop3A_844 : i32 to index
          %parallel_loop3A_929 = arith.constant 112 : index
          %parallel_loop3A_930 = tpu.vector_load %arg11[%parallel_loop3A_928, %parallel_loop3A_929] {strides = array<i32>} : memref<128x128xf32, #tpu.memory_space<vmem>>, vector<1x16xf32>,
          %parallel_loop3A_931 = vector.shape_cast %parallel_loop3A_930 : vector<1x16xf32> to vector<16xf32>
          %parallel_loop3A_932 = vector.shape_cast %parallel_loop3A_927 : vector<16xf32> to vector<1x16xf32>
          tpu.vector_store %arg11[%parallel_loop3A_928, %parallel_loop3A_929], %parallel_loop3A_932 {strides = array<i32>} : memref<128x128xf32, #tpu.memory_space<vmem>>, vector<1x16xf32>,
          %parallel_loop3A_933 = vector.extract_strided_slice %parallel_loop3A_180 {offsets = [8], sizes = [1], strides = [1]} : vector<16xf32> to vector<1xf32>
          %parallel_loop3A_934 = vector.extract %parallel_loop3A_933[0] : f32 from vector<1xf32>
          %parallel_loop3A_935 = arith.constant 16 : i32
          %parallel_loop3A_936 = arith.muli %parallel_loop3A_174, %parallel_loop3A_935 : i32
          %parallel_loop3A_937 = arith.constant 8 : i32
          %parallel_loop3A_938 = arith.addi %parallel_loop3A_936, %parallel_loop3A_937 : i32
          %parallel_loop3A_939 = arith.index_cast %parallel_loop3A_938 : i32 to index
          %parallel_loop3A_940 = arith.constant 0 : index
          %parallel_loop3A_941 = tpu.vector_load %arg11[%parallel_loop3A_939, %parallel_loop3A_940] {strides = array<i32>} : memref<128x128xf32, #tpu.memory_space<vmem>>, vector<1x16xf32>,
          %parallel_loop3A_942 = vector.shape_cast %parallel_loop3A_941 : vector<1x16xf32> to vector<16xf32>
          %parallel_loop3A_943 = vector.broadcast %parallel_loop3A_934 : f32 to vector<16xf32>
          %parallel_loop3A_944 = arith.mulf %parallel_loop3A_942, %parallel_loop3A_943 : vector<16xf32>
          %parallel_loop3A_945 = arith.index_cast %parallel_loop3A_938 : i32 to index
          %parallel_loop3A_946 = arith.constant 0 : index
          %parallel_loop3A_947 = tpu.vector_load %arg11[%parallel_loop3A_945, %parallel_loop3A_946] {strides = array<i32>} : memref<128x128xf32, #tpu.memory_space<vmem>>, vector<1x16xf32>,
          %parallel_loop3A_948 = vector.shape_cast %parallel_loop3A_947 : vector<1x16xf32> to vector<16xf32>
          %parallel_loop3A_949 = vector.shape_cast %parallel_loop3A_944 : vector<16xf32> to vector<1x16xf32>
          tpu.vector_store %arg11[%parallel_loop3A_945, %parallel_loop3A_946], %parallel_loop3A_949 {strides = array<i32>} : memref<128x128xf32, #tpu.memory_space<vmem>>, vector<1x16xf32>,
          %parallel_loop3A_950 = arith.index_cast %parallel_loop3A_938 : i32 to index
          %parallel_loop3A_951 = arith.constant 16 : index
          %parallel_loop3A_952 = tpu.vector_load %arg11[%parallel_loop3A_950, %parallel_loop3A_951] {strides = array<i32>} : memref<128x128xf32, #tpu.memory_space<vmem>>, vector<1x16xf32>,
          %parallel_loop3A_953 = vector.shape_cast %parallel_loop3A_952 : vector<1x16xf32> to vector<16xf32>
          %parallel_loop3A_954 = vector.broadcast %parallel_loop3A_934 : f32 to vector<16xf32>
          %parallel_loop3A_955 = arith.mulf %parallel_loop3A_953, %parallel_loop3A_954 : vector<16xf32>
          %parallel_loop3A_956 = arith.index_cast %parallel_loop3A_938 : i32 to index
          %parallel_loop3A_957 = arith.constant 16 : index
          %parallel_loop3A_958 = tpu.vector_load %arg11[%parallel_loop3A_956, %parallel_loop3A_957] {strides = array<i32>} : memref<128x128xf32, #tpu.memory_space<vmem>>, vector<1x16xf32>,
          %parallel_loop3A_959 = vector.shape_cast %parallel_loop3A_958 : vector<1x16xf32> to vector<16xf32>
          %parallel_loop3A_960 = vector.shape_cast %parallel_loop3A_955 : vector<16xf32> to vector<1x16xf32>
          tpu.vector_store %arg11[%parallel_loop3A_956, %parallel_loop3A_957], %parallel_loop3A_960 {strides = array<i32>} : memref<128x128xf32, #tpu.memory_space<vmem>>, vector<1x16xf32>,
          %parallel_loop3A_961 = arith.index_cast %parallel_loop3A_938 : i32 to index
          %parallel_loop3A_962 = arith.constant 32 : index
          %parallel_loop3A_963 = tpu.vector_load %arg11[%parallel_loop3A_961, %parallel_loop3A_962] {strides = array<i32>} : memref<128x128xf32, #tpu.memory_space<vmem>>, vector<1x16xf32>,
          %parallel_loop3A_964 = vector.shape_cast %parallel_loop3A_963 : vector<1x16xf32> to vector<16xf32>
          %parallel_loop3A_965 = vector.broadcast %parallel_loop3A_934 : f32 to vector<16xf32>
          %parallel_loop3A_966 = arith.mulf %parallel_loop3A_964, %parallel_loop3A_965 : vector<16xf32>
          %parallel_loop3A_967 = arith.index_cast %parallel_loop3A_938 : i32 to index
          %parallel_loop3A_968 = arith.constant 32 : index
          %parallel_loop3A_969 = tpu.vector_load %arg11[%parallel_loop3A_967, %parallel_loop3A_968] {strides = array<i32>} : memref<128x128xf32, #tpu.memory_space<vmem>>, vector<1x16xf32>,
          %parallel_loop3A_970 = vector.shape_cast %parallel_loop3A_969 : vector<1x16xf32> to vector<16xf32>
          %parallel_loop3A_971 = vector.shape_cast %parallel_loop3A_966 : vector<16xf32> to vector<1x16xf32>
          tpu.vector_store %arg11[%parallel_loop3A_967, %parallel_loop3A_968], %parallel_loop3A_971 {strides = array<i32>} : memref<128x128xf32, #tpu.memory_space<vmem>>, vector<1x16xf32>,
          %parallel_loop3A_972 = arith.index_cast %parallel_loop3A_938 : i32 to index
          %parallel_loop3A_973 = arith.constant 48 : index
          %parallel_loop3A_974 = tpu.vector_load %arg11[%parallel_loop3A_972, %parallel_loop3A_973] {strides = array<i32>} : memref<128x128xf32, #tpu.memory_space<vmem>>, vector<1x16xf32>,
          %parallel_loop3A_975 = vector.shape_cast %parallel_loop3A_974 : vector<1x16xf32> to vector<16xf32>
          %parallel_loop3A_976 = vector.broadcast %parallel_loop3A_934 : f32 to vector<16xf32>
          %parallel_loop3A_977 = arith.mulf %parallel_loop3A_975, %parallel_loop3A_976 : vector<16xf32>
          %parallel_loop3A_978 = arith.index_cast %parallel_loop3A_938 : i32 to index
          %parallel_loop3A_979 = arith.constant 48 : index
          %parallel_loop3A_980 = tpu.vector_load %arg11[%parallel_loop3A_978, %parallel_loop3A_979] {strides = array<i32>} : memref<128x128xf32, #tpu.memory_space<vmem>>, vector<1x16xf32>,
          %parallel_loop3A_981 = vector.shape_cast %parallel_loop3A_980 : vector<1x16xf32> to vector<16xf32>
          %parallel_loop3A_982 = vector.shape_cast %parallel_loop3A_977 : vector<16xf32> to vector<1x16xf32>
          tpu.vector_store %arg11[%parallel_loop3A_978, %parallel_loop3A_979], %parallel_loop3A_982 {strides = array<i32>} : memref<128x128xf32, #tpu.memory_space<vmem>>, vector<1x16xf32>,
          %parallel_loop3A_983 = arith.index_cast %parallel_loop3A_938 : i32 to index
          %parallel_loop3A_984 = arith.constant 64 : index
          %parallel_loop3A_985 = tpu.vector_load %arg11[%parallel_loop3A_983, %parallel_loop3A_984] {strides = array<i32>} : memref<128x128xf32, #tpu.memory_space<vmem>>, vector<1x16xf32>,
          %parallel_loop3A_986 = vector.shape_cast %parallel_loop3A_985 : vector<1x16xf32> to vector<16xf32>
          %parallel_loop3A_987 = vector.broadcast %parallel_loop3A_934 : f32 to vector<16xf32>
          %parallel_loop3A_988 = arith.mulf %parallel_loop3A_986, %parallel_loop3A_987 : vector<16xf32>
          %parallel_loop3A_989 = arith.index_cast %parallel_loop3A_938 : i32 to index
          %parallel_loop3A_990 = arith.constant 64 : index
          %parallel_loop3A_991 = tpu.vector_load %arg11[%parallel_loop3A_989, %parallel_loop3A_990] {strides = array<i32>} : memref<128x128xf32, #tpu.memory_space<vmem>>, vector<1x16xf32>,
          %parallel_loop3A_992 = vector.shape_cast %parallel_loop3A_991 : vector<1x16xf32> to vector<16xf32>
          %parallel_loop3A_993 = vector.shape_cast %parallel_loop3A_988 : vector<16xf32> to vector<1x16xf32>
          tpu.vector_store %arg11[%parallel_loop3A_989, %parallel_loop3A_990], %parallel_loop3A_993 {strides = array<i32>} : memref<128x128xf32, #tpu.memory_space<vmem>>, vector<1x16xf32>,
          %parallel_loop3A_994 = arith.index_cast %parallel_loop3A_938 : i32 to index
          %parallel_loop3A_995 = arith.constant 80 : index
          %parallel_loop3A_996 = tpu.vector_load %arg11[%parallel_loop3A_994, %parallel_loop3A_995] {strides = array<i32>} : memref<128x128xf32, #tpu.memory_space<vmem>>, vector<1x16xf32>,
          %parallel_loop3A_997 = vector.shape_cast %parallel_loop3A_996 : vector<1x16xf32> to vector<16xf32>
          %parallel_loop3A_998 = vector.broadcast %parallel_loop3A_934 : f32 to vector<16xf32>
          %parallel_loop3A_999 = arith.mulf %parallel_loop3A_997, %parallel_loop3A_998 : vector<16xf32>
          %parallel_loop3A_1000 = arith.index_cast %parallel_loop3A_938 : i32 to index
          %parallel_loop3A_1001 = arith.constant 80 : index
          %parallel_loop3A_1002 = tpu.vector_load %arg11[%parallel_loop3A_1000, %parallel_loop3A_1001] {strides = array<i32>} : memref<128x128xf32, #tpu.memory_space<vmem>>, vector<1x16xf32>,
          %parallel_loop3A_1003 = vector.shape_cast %parallel_loop3A_1002 : vector<1x16xf32> to vector<16xf32>
          %parallel_loop3A_1004 = vector.shape_cast %parallel_loop3A_999 : vector<16xf32> to vector<1x16xf32>
          tpu.vector_store %arg11[%parallel_loop3A_1000, %parallel_loop3A_1001], %parallel_loop3A_1004 {strides = array<i32>} : memref<128x128xf32, #tpu.memory_space<vmem>>, vector<1x16xf32>,
          %parallel_loop3A_1005 = arith.index_cast %parallel_loop3A_938 : i32 to index
          %parallel_loop3A_1006 = arith.constant 96 : index
          %parallel_loop3A_1007 = tpu.vector_load %arg11[%parallel_loop3A_1005, %parallel_loop3A_1006] {strides = array<i32>} : memref<128x128xf32, #tpu.memory_space<vmem>>, vector<1x16xf32>,
          %parallel_loop3A_1008 = vector.shape_cast %parallel_loop3A_1007 : vector<1x16xf32> to vector<16xf32>
          %parallel_loop3A_1009 = vector.broadcast %parallel_loop3A_934 : f32 to vector<16xf32>
          %parallel_loop3A_1010 = arith.mulf %parallel_loop3A_1008, %parallel_loop3A_1009 : vector<16xf32>
          %parallel_loop3A_1011 = arith.index_cast %parallel_loop3A_938 : i32 to index
          %parallel_loop3A_1012 = arith.constant 96 : index
          %parallel_loop3A_1013 = tpu.vector_load %arg11[%parallel_loop3A_1011, %parallel_loop3A_1012] {strides = array<i32>} : memref<128x128xf32, #tpu.memory_space<vmem>>, vector<1x16xf32>,
          %parallel_loop3A_1014 = vector.shape_cast %parallel_loop3A_1013 : vector<1x16xf32> to vector<16xf32>
          %parallel_loop3A_1015 = vector.shape_cast %parallel_loop3A_1010 : vector<16xf32> to vector<1x16xf32>
          tpu.vector_store %arg11[%parallel_loop3A_1011, %parallel_loop3A_1012], %parallel_loop3A_1015 {strides = array<i32>} : memref<128x128xf32, #tpu.memory_space<vmem>>, vector<1x16xf32>,
          %parallel_loop3A_1016 = arith.index_cast %parallel_loop3A_938 : i32 to index
          %parallel_loop3A_1017 = arith.constant 112 : index
          %parallel_loop3A_1018 = tpu.vector_load %arg11[%parallel_loop3A_1016, %parallel_loop3A_1017] {strides = array<i32>} : memref<128x128xf32, #tpu.memory_space<vmem>>, vector<1x16xf32>,
          %parallel_loop3A_1019 = vector.shape_cast %parallel_loop3A_1018 : vector<1x16xf32> to vector<16xf32>
          %parallel_loop3A_1020 = vector.broadcast %parallel_loop3A_934 : f32 to vector<16xf32>
          %parallel_loop3A_1021 = arith.mulf %parallel_loop3A_1019, %parallel_loop3A_1020 : vector<16xf32>
          %parallel_loop3A_1022 = arith.index_cast %parallel_loop3A_938 : i32 to index
          %parallel_loop3A_1023 = arith.constant 112 : index
          %parallel_loop3A_1024 = tpu.vector_load %arg11[%parallel_loop3A_1022, %parallel_loop3A_1023] {strides = array<i32>} : memref<128x128xf32, #tpu.memory_space<vmem>>, vector<1x16xf32>,
          %parallel_loop3A_1025 = vector.shape_cast %parallel_loop3A_1024 : vector<1x16xf32> to vector<16xf32>
          %parallel_loop3A_1026 = vector.shape_cast %parallel_loop3A_1021 : vector<16xf32> to vector<1x16xf32>
          tpu.vector_store %arg11[%parallel_loop3A_1022, %parallel_loop3A_1023], %parallel_loop3A_1026 {strides = array<i32>} : memref<128x128xf32, #tpu.memory_space<vmem>>, vector<1x16xf32>,
          %parallel_loop3A_1027 = vector.extract_strided_slice %parallel_loop3A_180 {offsets = [9], sizes = [1], strides = [1]} : vector<16xf32> to vector<1xf32>
          %parallel_loop3A_1028 = vector.extract %parallel_loop3A_1027[0] : f32 from vector<1xf32>
          %parallel_loop3A_1029 = arith.constant 16 : i32
          %parallel_loop3A_1030 = arith.muli %parallel_loop3A_174, %parallel_loop3A_1029 : i32
          %parallel_loop3A_1031 = arith.constant 9 : i32
          %parallel_loop3A_1032 = arith.addi %parallel_loop3A_1030, %parallel_loop3A_1031 : i32
          %parallel_loop3A_1033 = arith.index_cast %parallel_loop3A_1032 : i32 to index
          %parallel_loop3A_1034 = arith.constant 0 : index
          %parallel_loop3A_1035 = tpu.vector_load %arg11[%parallel_loop3A_1033, %parallel_loop3A_1034] {strides = array<i32>} : memref<128x128xf32, #tpu.memory_space<vmem>>, vector<1x16xf32>,
          %parallel_loop3A_1036 = vector.shape_cast %parallel_loop3A_1035 : vector<1x16xf32> to vector<16xf32>
          %parallel_loop3A_1037 = vector.broadcast %parallel_loop3A_1028 : f32 to vector<16xf32>
          %parallel_loop3A_1038 = arith.mulf %parallel_loop3A_1036, %parallel_loop3A_1037 : vector<16xf32>
          %parallel_loop3A_1039 = arith.index_cast %parallel_loop3A_1032 : i32 to index
          %parallel_loop3A_1040 = arith.constant 0 : index
          %parallel_loop3A_1041 = tpu.vector_load %arg11[%parallel_loop3A_1039, %parallel_loop3A_1040] {strides = array<i32>} : memref<128x128xf32, #tpu.memory_space<vmem>>, vector<1x16xf32>,
          %parallel_loop3A_1042 = vector.shape_cast %parallel_loop3A_1041 : vector<1x16xf32> to vector<16xf32>
          %parallel_loop3A_1043 = vector.shape_cast %parallel_loop3A_1038 : vector<16xf32> to vector<1x16xf32>
          tpu.vector_store %arg11[%parallel_loop3A_1039, %parallel_loop3A_1040], %parallel_loop3A_1043 {strides = array<i32>} : memref<128x128xf32, #tpu.memory_space<vmem>>, vector<1x16xf32>,
          %parallel_loop3A_1044 = arith.index_cast %parallel_loop3A_1032 : i32 to index
          %parallel_loop3A_1045 = arith.constant 16 : index
          %parallel_loop3A_1046 = tpu.vector_load %arg11[%parallel_loop3A_1044, %parallel_loop3A_1045] {strides = array<i32>} : memref<128x128xf32, #tpu.memory_space<vmem>>, vector<1x16xf32>,
          %parallel_loop3A_1047 = vector.shape_cast %parallel_loop3A_1046 : vector<1x16xf32> to vector<16xf32>
          %parallel_loop3A_1048 = vector.broadcast %parallel_loop3A_1028 : f32 to vector<16xf32>
          %parallel_loop3A_1049 = arith.mulf %parallel_loop3A_1047, %parallel_loop3A_1048 : vector<16xf32>
          %parallel_loop3A_1050 = arith.index_cast %parallel_loop3A_1032 : i32 to index
          %parallel_loop3A_1051 = arith.constant 16 : index
          %parallel_loop3A_1052 = tpu.vector_load %arg11[%parallel_loop3A_1050, %parallel_loop3A_1051] {strides = array<i32>} : memref<128x128xf32, #tpu.memory_space<vmem>>, vector<1x16xf32>,
          %parallel_loop3A_1053 = vector.shape_cast %parallel_loop3A_1052 : vector<1x16xf32> to vector<16xf32>
          %parallel_loop3A_1054 = vector.shape_cast %parallel_loop3A_1049 : vector<16xf32> to vector<1x16xf32>
          tpu.vector_store %arg11[%parallel_loop3A_1050, %parallel_loop3A_1051], %parallel_loop3A_1054 {strides = array<i32>} : memref<128x128xf32, #tpu.memory_space<vmem>>, vector<1x16xf32>,
          %parallel_loop3A_1055 = arith.index_cast %parallel_loop3A_1032 : i32 to index
          %parallel_loop3A_1056 = arith.constant 32 : index
          %parallel_loop3A_1057 = tpu.vector_load %arg11[%parallel_loop3A_1055, %parallel_loop3A_1056] {strides = array<i32>} : memref<128x128xf32, #tpu.memory_space<vmem>>, vector<1x16xf32>,
          %parallel_loop3A_1058 = vector.shape_cast %parallel_loop3A_1057 : vector<1x16xf32> to vector<16xf32>
          %parallel_loop3A_1059 = vector.broadcast %parallel_loop3A_1028 : f32 to vector<16xf32>
          %parallel_loop3A_1060 = arith.mulf %parallel_loop3A_1058, %parallel_loop3A_1059 : vector<16xf32>
          %parallel_loop3A_1061 = arith.index_cast %parallel_loop3A_1032 : i32 to index
          %parallel_loop3A_1062 = arith.constant 32 : index
          %parallel_loop3A_1063 = tpu.vector_load %arg11[%parallel_loop3A_1061, %parallel_loop3A_1062] {strides = array<i32>} : memref<128x128xf32, #tpu.memory_space<vmem>>, vector<1x16xf32>,
          %parallel_loop3A_1064 = vector.shape_cast %parallel_loop3A_1063 : vector<1x16xf32> to vector<16xf32>
          %parallel_loop3A_1065 = vector.shape_cast %parallel_loop3A_1060 : vector<16xf32> to vector<1x16xf32>
          tpu.vector_store %arg11[%parallel_loop3A_1061, %parallel_loop3A_1062], %parallel_loop3A_1065 {strides = array<i32>} : memref<128x128xf32, #tpu.memory_space<vmem>>, vector<1x16xf32>,
          %parallel_loop3A_1066 = arith.index_cast %parallel_loop3A_1032 : i32 to index
          %parallel_loop3A_1067 = arith.constant 48 : index
          %parallel_loop3A_1068 = tpu.vector_load %arg11[%parallel_loop3A_1066, %parallel_loop3A_1067] {strides = array<i32>} : memref<128x128xf32, #tpu.memory_space<vmem>>, vector<1x16xf32>,
          %parallel_loop3A_1069 = vector.shape_cast %parallel_loop3A_1068 : vector<1x16xf32> to vector<16xf32>
          %parallel_loop3A_1070 = vector.broadcast %parallel_loop3A_1028 : f32 to vector<16xf32>
          %parallel_loop3A_1071 = arith.mulf %parallel_loop3A_1069, %parallel_loop3A_1070 : vector<16xf32>
          %parallel_loop3A_1072 = arith.index_cast %parallel_loop3A_1032 : i32 to index
          %parallel_loop3A_1073 = arith.constant 48 : index
          %parallel_loop3A_1074 = tpu.vector_load %arg11[%parallel_loop3A_1072, %parallel_loop3A_1073] {strides = array<i32>} : memref<128x128xf32, #tpu.memory_space<vmem>>, vector<1x16xf32>,
          %parallel_loop3A_1075 = vector.shape_cast %parallel_loop3A_1074 : vector<1x16xf32> to vector<16xf32>
          %parallel_loop3A_1076 = vector.shape_cast %parallel_loop3A_1071 : vector<16xf32> to vector<1x16xf32>
          tpu.vector_store %arg11[%parallel_loop3A_1072, %parallel_loop3A_1073], %parallel_loop3A_1076 {strides = array<i32>} : memref<128x128xf32, #tpu.memory_space<vmem>>, vector<1x16xf32>,
          %parallel_loop3A_1077 = arith.index_cast %parallel_loop3A_1032 : i32 to index
          %parallel_loop3A_1078 = arith.constant 64 : index
          %parallel_loop3A_1079 = tpu.vector_load %arg11[%parallel_loop3A_1077, %parallel_loop3A_1078] {strides = array<i32>} : memref<128x128xf32, #tpu.memory_space<vmem>>, vector<1x16xf32>,
          %parallel_loop3A_1080 = vector.shape_cast %parallel_loop3A_1079 : vector<1x16xf32> to vector<16xf32>
          %parallel_loop3A_1081 = vector.broadcast %parallel_loop3A_1028 : f32 to vector<16xf32>
          %parallel_loop3A_1082 = arith.mulf %parallel_loop3A_1080, %parallel_loop3A_1081 : vector<16xf32>
          %parallel_loop3A_1083 = arith.index_cast %parallel_loop3A_1032 : i32 to index
          %parallel_loop3A_1084 = arith.constant 64 : index
          %parallel_loop3A_1085 = tpu.vector_load %arg11[%parallel_loop3A_1083, %parallel_loop3A_1084] {strides = array<i32>} : memref<128x128xf32, #tpu.memory_space<vmem>>, vector<1x16xf32>,
          %parallel_loop3A_1086 = vector.shape_cast %parallel_loop3A_1085 : vector<1x16xf32> to vector<16xf32>
          %parallel_loop3A_1087 = vector.shape_cast %parallel_loop3A_1082 : vector<16xf32> to vector<1x16xf32>
          tpu.vector_store %arg11[%parallel_loop3A_1083, %parallel_loop3A_1084], %parallel_loop3A_1087 {strides = array<i32>} : memref<128x128xf32, #tpu.memory_space<vmem>>, vector<1x16xf32>,
          %parallel_loop3A_1088 = arith.index_cast %parallel_loop3A_1032 : i32 to index
          %parallel_loop3A_1089 = arith.constant 80 : index
          %parallel_loop3A_1090 = tpu.vector_load %arg11[%parallel_loop3A_1088, %parallel_loop3A_1089] {strides = array<i32>} : memref<128x128xf32, #tpu.memory_space<vmem>>, vector<1x16xf32>,
          %parallel_loop3A_1091 = vector.shape_cast %parallel_loop3A_1090 : vector<1x16xf32> to vector<16xf32>
          %parallel_loop3A_1092 = vector.broadcast %parallel_loop3A_1028 : f32 to vector<16xf32>
          %parallel_loop3A_1093 = arith.mulf %parallel_loop3A_1091, %parallel_loop3A_1092 : vector<16xf32>
          %parallel_loop3A_1094 = arith.index_cast %parallel_loop3A_1032 : i32 to index
          %parallel_loop3A_1095 = arith.constant 80 : index
          %parallel_loop3A_1096 = tpu.vector_load %arg11[%parallel_loop3A_1094, %parallel_loop3A_1095] {strides = array<i32>} : memref<128x128xf32, #tpu.memory_space<vmem>>, vector<1x16xf32>,
          %parallel_loop3A_1097 = vector.shape_cast %parallel_loop3A_1096 : vector<1x16xf32> to vector<16xf32>
          %parallel_loop3A_1098 = vector.shape_cast %parallel_loop3A_1093 : vector<16xf32> to vector<1x16xf32>
          tpu.vector_store %arg11[%parallel_loop3A_1094, %parallel_loop3A_1095], %parallel_loop3A_1098 {strides = array<i32>} : memref<128x128xf32, #tpu.memory_space<vmem>>, vector<1x16xf32>,
          %parallel_loop3A_1099 = arith.index_cast %parallel_loop3A_1032 : i32 to index
          %parallel_loop3A_1100 = arith.constant 96 : index
          %parallel_loop3A_1101 = tpu.vector_load %arg11[%parallel_loop3A_1099, %parallel_loop3A_1100] {strides = array<i32>} : memref<128x128xf32, #tpu.memory_space<vmem>>, vector<1x16xf32>,
          %parallel_loop3A_1102 = vector.shape_cast %parallel_loop3A_1101 : vector<1x16xf32> to vector<16xf32>
          %parallel_loop3A_1103 = vector.broadcast %parallel_loop3A_1028 : f32 to vector<16xf32>
          %parallel_loop3A_1104 = arith.mulf %parallel_loop3A_1102, %parallel_loop3A_1103 : vector<16xf32>
          %parallel_loop3A_1105 = arith.index_cast %parallel_loop3A_1032 : i32 to index
          %parallel_loop3A_1106 = arith.constant 96 : index
          %parallel_loop3A_1107 = tpu.vector_load %arg11[%parallel_loop3A_1105, %parallel_loop3A_1106] {strides = array<i32>} : memref<128x128xf32, #tpu.memory_space<vmem>>, vector<1x16xf32>,
          %parallel_loop3A_1108 = vector.shape_cast %parallel_loop3A_1107 : vector<1x16xf32> to vector<16xf32>
          %parallel_loop3A_1109 = vector.shape_cast %parallel_loop3A_1104 : vector<16xf32> to vector<1x16xf32>
          tpu.vector_store %arg11[%parallel_loop3A_1105, %parallel_loop3A_1106], %parallel_loop3A_1109 {strides = array<i32>} : memref<128x128xf32, #tpu.memory_space<vmem>>, vector<1x16xf32>,
          %parallel_loop3A_1110 = arith.index_cast %parallel_loop3A_1032 : i32 to index
          %parallel_loop3A_1111 = arith.constant 112 : index
          %parallel_loop3A_1112 = tpu.vector_load %arg11[%parallel_loop3A_1110, %parallel_loop3A_1111] {strides = array<i32>} : memref<128x128xf32, #tpu.memory_space<vmem>>, vector<1x16xf32>,
          %parallel_loop3A_1113 = vector.shape_cast %parallel_loop3A_1112 : vector<1x16xf32> to vector<16xf32>
          %parallel_loop3A_1114 = vector.broadcast %parallel_loop3A_1028 : f32 to vector<16xf32>
          %parallel_loop3A_1115 = arith.mulf %parallel_loop3A_1113, %parallel_loop3A_1114 : vector<16xf32>
          %parallel_loop3A_1116 = arith.index_cast %parallel_loop3A_1032 : i32 to index
          %parallel_loop3A_1117 = arith.constant 112 : index
          %parallel_loop3A_1118 = tpu.vector_load %arg11[%parallel_loop3A_1116, %parallel_loop3A_1117] {strides = array<i32>} : memref<128x128xf32, #tpu.memory_space<vmem>>, vector<1x16xf32>,
          %parallel_loop3A_1119 = vector.shape_cast %parallel_loop3A_1118 : vector<1x16xf32> to vector<16xf32>
          %parallel_loop3A_1120 = vector.shape_cast %parallel_loop3A_1115 : vector<16xf32> to vector<1x16xf32>
          tpu.vector_store %arg11[%parallel_loop3A_1116, %parallel_loop3A_1117], %parallel_loop3A_1120 {strides = array<i32>} : memref<128x128xf32, #tpu.memory_space<vmem>>, vector<1x16xf32>,
          %parallel_loop3A_1121 = vector.extract_strided_slice %parallel_loop3A_180 {offsets = [10], sizes = [1], strides = [1]} : vector<16xf32> to vector<1xf32>
          %parallel_loop3A_1122 = vector.extract %parallel_loop3A_1121[0] : f32 from vector<1xf32>
          %parallel_loop3A_1123 = arith.constant 16 : i32
          %parallel_loop3A_1124 = arith.muli %parallel_loop3A_174, %parallel_loop3A_1123 : i32
          %parallel_loop3A_1125 = arith.constant 10 : i32
          %parallel_loop3A_1126 = arith.addi %parallel_loop3A_1124, %parallel_loop3A_1125 : i32
          %parallel_loop3A_1127 = arith.index_cast %parallel_loop3A_1126 : i32 to index
          %parallel_loop3A_1128 = arith.constant 0 : index
          %parallel_loop3A_1129 = tpu.vector_load %arg11[%parallel_loop3A_1127, %parallel_loop3A_1128] {strides = array<i32>} : memref<128x128xf32, #tpu.memory_space<vmem>>, vector<1x16xf32>,
          %parallel_loop3A_1130 = vector.shape_cast %parallel_loop3A_1129 : vector<1x16xf32> to vector<16xf32>
          %parallel_loop3A_1131 = vector.broadcast %parallel_loop3A_1122 : f32 to vector<16xf32>
          %parallel_loop3A_1132 = arith.mulf %parallel_loop3A_1130, %parallel_loop3A_1131 : vector<16xf32>
          %parallel_loop3A_1133 = arith.index_cast %parallel_loop3A_1126 : i32 to index
          %parallel_loop3A_1134 = arith.constant 0 : index
          %parallel_loop3A_1135 = tpu.vector_load %arg11[%parallel_loop3A_1133, %parallel_loop3A_1134] {strides = array<i32>} : memref<128x128xf32, #tpu.memory_space<vmem>>, vector<1x16xf32>,
          %parallel_loop3A_1136 = vector.shape_cast %parallel_loop3A_1135 : vector<1x16xf32> to vector<16xf32>
          %parallel_loop3A_1137 = vector.shape_cast %parallel_loop3A_1132 : vector<16xf32> to vector<1x16xf32>
          tpu.vector_store %arg11[%parallel_loop3A_1133, %parallel_loop3A_1134], %parallel_loop3A_1137 {strides = array<i32>} : memref<128x128xf32, #tpu.memory_space<vmem>>, vector<1x16xf32>,
          %parallel_loop3A_1138 = arith.index_cast %parallel_loop3A_1126 : i32 to index
          %parallel_loop3A_1139 = arith.constant 16 : index
          %parallel_loop3A_1140 = tpu.vector_load %arg11[%parallel_loop3A_1138, %parallel_loop3A_1139] {strides = array<i32>} : memref<128x128xf32, #tpu.memory_space<vmem>>, vector<1x16xf32>,
          %parallel_loop3A_1141 = vector.shape_cast %parallel_loop3A_1140 : vector<1x16xf32> to vector<16xf32>
          %parallel_loop3A_1142 = vector.broadcast %parallel_loop3A_1122 : f32 to vector<16xf32>
          %parallel_loop3A_1143 = arith.mulf %parallel_loop3A_1141, %parallel_loop3A_1142 : vector<16xf32>
          %parallel_loop3A_1144 = arith.index_cast %parallel_loop3A_1126 : i32 to index
          %parallel_loop3A_1145 = arith.constant 16 : index
          %parallel_loop3A_1146 = tpu.vector_load %arg11[%parallel_loop3A_1144, %parallel_loop3A_1145] {strides = array<i32>} : memref<128x128xf32, #tpu.memory_space<vmem>>, vector<1x16xf32>,
          %parallel_loop3A_1147 = vector.shape_cast %parallel_loop3A_1146 : vector<1x16xf32> to vector<16xf32>
          %parallel_loop3A_1148 = vector.shape_cast %parallel_loop3A_1143 : vector<16xf32> to vector<1x16xf32>
          tpu.vector_store %arg11[%parallel_loop3A_1144, %parallel_loop3A_1145], %parallel_loop3A_1148 {strides = array<i32>} : memref<128x128xf32, #tpu.memory_space<vmem>>, vector<1x16xf32>,
          %parallel_loop3A_1149 = arith.index_cast %parallel_loop3A_1126 : i32 to index
          %parallel_loop3A_1150 = arith.constant 32 : index
          %parallel_loop3A_1151 = tpu.vector_load %arg11[%parallel_loop3A_1149, %parallel_loop3A_1150] {strides = array<i32>} : memref<128x128xf32, #tpu.memory_space<vmem>>, vector<1x16xf32>,
          %parallel_loop3A_1152 = vector.shape_cast %parallel_loop3A_1151 : vector<1x16xf32> to vector<16xf32>
          %parallel_loop3A_1153 = vector.broadcast %parallel_loop3A_1122 : f32 to vector<16xf32>
          %parallel_loop3A_1154 = arith.mulf %parallel_loop3A_1152, %parallel_loop3A_1153 : vector<16xf32>
          %parallel_loop3A_1155 = arith.index_cast %parallel_loop3A_1126 : i32 to index
          %parallel_loop3A_1156 = arith.constant 32 : index
          %parallel_loop3A_1157 = tpu.vector_load %arg11[%parallel_loop3A_1155, %parallel_loop3A_1156] {strides = array<i32>} : memref<128x128xf32, #tpu.memory_space<vmem>>, vector<1x16xf32>,
          %parallel_loop3A_1158 = vector.shape_cast %parallel_loop3A_1157 : vector<1x16xf32> to vector<16xf32>
          %parallel_loop3A_1159 = vector.shape_cast %parallel_loop3A_1154 : vector<16xf32> to vector<1x16xf32>
          tpu.vector_store %arg11[%parallel_loop3A_1155, %parallel_loop3A_1156], %parallel_loop3A_1159 {strides = array<i32>} : memref<128x128xf32, #tpu.memory_space<vmem>>, vector<1x16xf32>,
          %parallel_loop3A_1160 = arith.index_cast %parallel_loop3A_1126 : i32 to index
          %parallel_loop3A_1161 = arith.constant 48 : index
          %parallel_loop3A_1162 = tpu.vector_load %arg11[%parallel_loop3A_1160, %parallel_loop3A_1161] {strides = array<i32>} : memref<128x128xf32, #tpu.memory_space<vmem>>, vector<1x16xf32>,
          %parallel_loop3A_1163 = vector.shape_cast %parallel_loop3A_1162 : vector<1x16xf32> to vector<16xf32>
          %parallel_loop3A_1164 = vector.broadcast %parallel_loop3A_1122 : f32 to vector<16xf32>
          %parallel_loop3A_1165 = arith.mulf %parallel_loop3A_1163, %parallel_loop3A_1164 : vector<16xf32>
          %parallel_loop3A_1166 = arith.index_cast %parallel_loop3A_1126 : i32 to index
          %parallel_loop3A_1167 = arith.constant 48 : index
          %parallel_loop3A_1168 = tpu.vector_load %arg11[%parallel_loop3A_1166, %parallel_loop3A_1167] {strides = array<i32>} : memref<128x128xf32, #tpu.memory_space<vmem>>, vector<1x16xf32>,
          %parallel_loop3A_1169 = vector.shape_cast %parallel_loop3A_1168 : vector<1x16xf32> to vector<16xf32>
          %parallel_loop3A_1170 = vector.shape_cast %parallel_loop3A_1165 : vector<16xf32> to vector<1x16xf32>
          tpu.vector_store %arg11[%parallel_loop3A_1166, %parallel_loop3A_1167], %parallel_loop3A_1170 {strides = array<i32>} : memref<128x128xf32, #tpu.memory_space<vmem>>, vector<1x16xf32>,
          %parallel_loop3A_1171 = arith.index_cast %parallel_loop3A_1126 : i32 to index
          %parallel_loop3A_1172 = arith.constant 64 : index
          %parallel_loop3A_1173 = tpu.vector_load %arg11[%parallel_loop3A_1171, %parallel_loop3A_1172] {strides = array<i32>} : memref<128x128xf32, #tpu.memory_space<vmem>>, vector<1x16xf32>,
          %parallel_loop3A_1174 = vector.shape_cast %parallel_loop3A_1173 : vector<1x16xf32> to vector<16xf32>
          %parallel_loop3A_1175 = vector.broadcast %parallel_loop3A_1122 : f32 to vector<16xf32>
          %parallel_loop3A_1176 = arith.mulf %parallel_loop3A_1174, %parallel_loop3A_1175 : vector<16xf32>
          %parallel_loop3A_1177 = arith.index_cast %parallel_loop3A_1126 : i32 to index
          %parallel_loop3A_1178 = arith.constant 64 : index
          %parallel_loop3A_1179 = tpu.vector_load %arg11[%parallel_loop3A_1177, %parallel_loop3A_1178] {strides = array<i32>} : memref<128x128xf32, #tpu.memory_space<vmem>>, vector<1x16xf32>,
          %parallel_loop3A_1180 = vector.shape_cast %parallel_loop3A_1179 : vector<1x16xf32> to vector<16xf32>
          %parallel_loop3A_1181 = vector.shape_cast %parallel_loop3A_1176 : vector<16xf32> to vector<1x16xf32>
          tpu.vector_store %arg11[%parallel_loop3A_1177, %parallel_loop3A_1178], %parallel_loop3A_1181 {strides = array<i32>} : memref<128x128xf32, #tpu.memory_space<vmem>>, vector<1x16xf32>,
          %parallel_loop3A_1182 = arith.index_cast %parallel_loop3A_1126 : i32 to index
          %parallel_loop3A_1183 = arith.constant 80 : index
          %parallel_loop3A_1184 = tpu.vector_load %arg11[%parallel_loop3A_1182, %parallel_loop3A_1183] {strides = array<i32>} : memref<128x128xf32, #tpu.memory_space<vmem>>, vector<1x16xf32>,
          %parallel_loop3A_1185 = vector.shape_cast %parallel_loop3A_1184 : vector<1x16xf32> to vector<16xf32>
          %parallel_loop3A_1186 = vector.broadcast %parallel_loop3A_1122 : f32 to vector<16xf32>
          %parallel_loop3A_1187 = arith.mulf %parallel_loop3A_1185, %parallel_loop3A_1186 : vector<16xf32>
          %parallel_loop3A_1188 = arith.index_cast %parallel_loop3A_1126 : i32 to index
          %parallel_loop3A_1189 = arith.constant 80 : index
          %parallel_loop3A_1190 = tpu.vector_load %arg11[%parallel_loop3A_1188, %parallel_loop3A_1189] {strides = array<i32>} : memref<128x128xf32, #tpu.memory_space<vmem>>, vector<1x16xf32>,
          %parallel_loop3A_1191 = vector.shape_cast %parallel_loop3A_1190 : vector<1x16xf32> to vector<16xf32>
          %parallel_loop3A_1192 = vector.shape_cast %parallel_loop3A_1187 : vector<16xf32> to vector<1x16xf32>
          tpu.vector_store %arg11[%parallel_loop3A_1188, %parallel_loop3A_1189], %parallel_loop3A_1192 {strides = array<i32>} : memref<128x128xf32, #tpu.memory_space<vmem>>, vector<1x16xf32>,
          %parallel_loop3A_1193 = arith.index_cast %parallel_loop3A_1126 : i32 to index
          %parallel_loop3A_1194 = arith.constant 96 : index
          %parallel_loop3A_1195 = tpu.vector_load %arg11[%parallel_loop3A_1193, %parallel_loop3A_1194] {strides = array<i32>} : memref<128x128xf32, #tpu.memory_space<vmem>>, vector<1x16xf32>,
          %parallel_loop3A_1196 = vector.shape_cast %parallel_loop3A_1195 : vector<1x16xf32> to vector<16xf32>
          %parallel_loop3A_1197 = vector.broadcast %parallel_loop3A_1122 : f32 to vector<16xf32>
          %parallel_loop3A_1198 = arith.mulf %parallel_loop3A_1196, %parallel_loop3A_1197 : vector<16xf32>
          %parallel_loop3A_1199 = arith.index_cast %parallel_loop3A_1126 : i32 to index
          %parallel_loop3A_1200 = arith.constant 96 : index
          %parallel_loop3A_1201 = tpu.vector_load %arg11[%parallel_loop3A_1199, %parallel_loop3A_1200] {strides = array<i32>} : memref<128x128xf32, #tpu.memory_space<vmem>>, vector<1x16xf32>,
          %parallel_loop3A_1202 = vector.shape_cast %parallel_loop3A_1201 : vector<1x16xf32> to vector<16xf32>
          %parallel_loop3A_1203 = vector.shape_cast %parallel_loop3A_1198 : vector<16xf32> to vector<1x16xf32>
          tpu.vector_store %arg11[%parallel_loop3A_1199, %parallel_loop3A_1200], %parallel_loop3A_1203 {strides = array<i32>} : memref<128x128xf32, #tpu.memory_space<vmem>>, vector<1x16xf32>,
          %parallel_loop3A_1204 = arith.index_cast %parallel_loop3A_1126 : i32 to index
          %parallel_loop3A_1205 = arith.constant 112 : index
          %parallel_loop3A_1206 = tpu.vector_load %arg11[%parallel_loop3A_1204, %parallel_loop3A_1205] {strides = array<i32>} : memref<128x128xf32, #tpu.memory_space<vmem>>, vector<1x16xf32>,
          %parallel_loop3A_1207 = vector.shape_cast %parallel_loop3A_1206 : vector<1x16xf32> to vector<16xf32>
          %parallel_loop3A_1208 = vector.broadcast %parallel_loop3A_1122 : f32 to vector<16xf32>
          %parallel_loop3A_1209 = arith.mulf %parallel_loop3A_1207, %parallel_loop3A_1208 : vector<16xf32>
          %parallel_loop3A_1210 = arith.index_cast %parallel_loop3A_1126 : i32 to index
          %parallel_loop3A_1211 = arith.constant 112 : index
          %parallel_loop3A_1212 = tpu.vector_load %arg11[%parallel_loop3A_1210, %parallel_loop3A_1211] {strides = array<i32>} : memref<128x128xf32, #tpu.memory_space<vmem>>, vector<1x16xf32>,
          %parallel_loop3A_1213 = vector.shape_cast %parallel_loop3A_1212 : vector<1x16xf32> to vector<16xf32>
          %parallel_loop3A_1214 = vector.shape_cast %parallel_loop3A_1209 : vector<16xf32> to vector<1x16xf32>
          tpu.vector_store %arg11[%parallel_loop3A_1210, %parallel_loop3A_1211], %parallel_loop3A_1214 {strides = array<i32>} : memref<128x128xf32, #tpu.memory_space<vmem>>, vector<1x16xf32>,
          %parallel_loop3A_1215 = vector.extract_strided_slice %parallel_loop3A_180 {offsets = [11], sizes = [1], strides = [1]} : vector<16xf32> to vector<1xf32>
          %parallel_loop3A_1216 = vector.extract %parallel_loop3A_1215[0] : f32 from vector<1xf32>
          %parallel_loop3A_1217 = arith.constant 16 : i32
          %parallel_loop3A_1218 = arith.muli %parallel_loop3A_174, %parallel_loop3A_1217 : i32
          %parallel_loop3A_1219 = arith.constant 11 : i32
          %parallel_loop3A_1220 = arith.addi %parallel_loop3A_1218, %parallel_loop3A_1219 : i32
          %parallel_loop3A_1221 = arith.index_cast %parallel_loop3A_1220 : i32 to index
          %parallel_loop3A_1222 = arith.constant 0 : index
          %parallel_loop3A_1223 = tpu.vector_load %arg11[%parallel_loop3A_1221, %parallel_loop3A_1222] {strides = array<i32>} : memref<128x128xf32, #tpu.memory_space<vmem>>, vector<1x16xf32>,
          %parallel_loop3A_1224 = vector.shape_cast %parallel_loop3A_1223 : vector<1x16xf32> to vector<16xf32>
          %parallel_loop3A_1225 = vector.broadcast %parallel_loop3A_1216 : f32 to vector<16xf32>
          %parallel_loop3A_1226 = arith.mulf %parallel_loop3A_1224, %parallel_loop3A_1225 : vector<16xf32>
          %parallel_loop3A_1227 = arith.index_cast %parallel_loop3A_1220 : i32 to index
          %parallel_loop3A_1228 = arith.constant 0 : index
          %parallel_loop3A_1229 = tpu.vector_load %arg11[%parallel_loop3A_1227, %parallel_loop3A_1228] {strides = array<i32>} : memref<128x128xf32, #tpu.memory_space<vmem>>, vector<1x16xf32>,
          %parallel_loop3A_1230 = vector.shape_cast %parallel_loop3A_1229 : vector<1x16xf32> to vector<16xf32>
          %parallel_loop3A_1231 = vector.shape_cast %parallel_loop3A_1226 : vector<16xf32> to vector<1x16xf32>
          tpu.vector_store %arg11[%parallel_loop3A_1227, %parallel_loop3A_1228], %parallel_loop3A_1231 {strides = array<i32>} : memref<128x128xf32, #tpu.memory_space<vmem>>, vector<1x16xf32>,
          %parallel_loop3A_1232 = arith.index_cast %parallel_loop3A_1220 : i32 to index
          %parallel_loop3A_1233 = arith.constant 16 : index
          %parallel_loop3A_1234 = tpu.vector_load %arg11[%parallel_loop3A_1232, %parallel_loop3A_1233] {strides = array<i32>} : memref<128x128xf32, #tpu.memory_space<vmem>>, vector<1x16xf32>,
          %parallel_loop3A_1235 = vector.shape_cast %parallel_loop3A_1234 : vector<1x16xf32> to vector<16xf32>
          %parallel_loop3A_1236 = vector.broadcast %parallel_loop3A_1216 : f32 to vector<16xf32>
          %parallel_loop3A_1237 = arith.mulf %parallel_loop3A_1235, %parallel_loop3A_1236 : vector<16xf32>
          %parallel_loop3A_1238 = arith.index_cast %parallel_loop3A_1220 : i32 to index
          %parallel_loop3A_1239 = arith.constant 16 : index
          %parallel_loop3A_1240 = tpu.vector_load %arg11[%parallel_loop3A_1238, %parallel_loop3A_1239] {strides = array<i32>} : memref<128x128xf32, #tpu.memory_space<vmem>>, vector<1x16xf32>,
          %parallel_loop3A_1241 = vector.shape_cast %parallel_loop3A_1240 : vector<1x16xf32> to vector<16xf32>
          %parallel_loop3A_1242 = vector.shape_cast %parallel_loop3A_1237 : vector<16xf32> to vector<1x16xf32>
          tpu.vector_store %arg11[%parallel_loop3A_1238, %parallel_loop3A_1239], %parallel_loop3A_1242 {strides = array<i32>} : memref<128x128xf32, #tpu.memory_space<vmem>>, vector<1x16xf32>,
          %parallel_loop3A_1243 = arith.index_cast %parallel_loop3A_1220 : i32 to index
          %parallel_loop3A_1244 = arith.constant 32 : index
          %parallel_loop3A_1245 = tpu.vector_load %arg11[%parallel_loop3A_1243, %parallel_loop3A_1244] {strides = array<i32>} : memref<128x128xf32, #tpu.memory_space<vmem>>, vector<1x16xf32>,
          %parallel_loop3A_1246 = vector.shape_cast %parallel_loop3A_1245 : vector<1x16xf32> to vector<16xf32>
          %parallel_loop3A_1247 = vector.broadcast %parallel_loop3A_1216 : f32 to vector<16xf32>
          %parallel_loop3A_1248 = arith.mulf %parallel_loop3A_1246, %parallel_loop3A_1247 : vector<16xf32>
          %parallel_loop3A_1249 = arith.index_cast %parallel_loop3A_1220 : i32 to index
          %parallel_loop3A_1250 = arith.constant 32 : index
          %parallel_loop3A_1251 = tpu.vector_load %arg11[%parallel_loop3A_1249, %parallel_loop3A_1250] {strides = array<i32>} : memref<128x128xf32, #tpu.memory_space<vmem>>, vector<1x16xf32>,
          %parallel_loop3A_1252 = vector.shape_cast %parallel_loop3A_1251 : vector<1x16xf32> to vector<16xf32>
          %parallel_loop3A_1253 = vector.shape_cast %parallel_loop3A_1248 : vector<16xf32> to vector<1x16xf32>
          tpu.vector_store %arg11[%parallel_loop3A_1249, %parallel_loop3A_1250], %parallel_loop3A_1253 {strides = array<i32>} : memref<128x128xf32, #tpu.memory_space<vmem>>, vector<1x16xf32>,
          %parallel_loop3A_1254 = arith.index_cast %parallel_loop3A_1220 : i32 to index
          %parallel_loop3A_1255 = arith.constant 48 : index
          %parallel_loop3A_1256 = tpu.vector_load %arg11[%parallel_loop3A_1254, %parallel_loop3A_1255] {strides = array<i32>} : memref<128x128xf32, #tpu.memory_space<vmem>>, vector<1x16xf32>,
          %parallel_loop3A_1257 = vector.shape_cast %parallel_loop3A_1256 : vector<1x16xf32> to vector<16xf32>
          %parallel_loop3A_1258 = vector.broadcast %parallel_loop3A_1216 : f32 to vector<16xf32>
          %parallel_loop3A_1259 = arith.mulf %parallel_loop3A_1257, %parallel_loop3A_1258 : vector<16xf32>
          %parallel_loop3A_1260 = arith.index_cast %parallel_loop3A_1220 : i32 to index
          %parallel_loop3A_1261 = arith.constant 48 : index
          %parallel_loop3A_1262 = tpu.vector_load %arg11[%parallel_loop3A_1260, %parallel_loop3A_1261] {strides = array<i32>} : memref<128x128xf32, #tpu.memory_space<vmem>>, vector<1x16xf32>,
          %parallel_loop3A_1263 = vector.shape_cast %parallel_loop3A_1262 : vector<1x16xf32> to vector<16xf32>
          %parallel_loop3A_1264 = vector.shape_cast %parallel_loop3A_1259 : vector<16xf32> to vector<1x16xf32>
          tpu.vector_store %arg11[%parallel_loop3A_1260, %parallel_loop3A_1261], %parallel_loop3A_1264 {strides = array<i32>} : memref<128x128xf32, #tpu.memory_space<vmem>>, vector<1x16xf32>,
          %parallel_loop3A_1265 = arith.index_cast %parallel_loop3A_1220 : i32 to index
          %parallel_loop3A_1266 = arith.constant 64 : index
          %parallel_loop3A_1267 = tpu.vector_load %arg11[%parallel_loop3A_1265, %parallel_loop3A_1266] {strides = array<i32>} : memref<128x128xf32, #tpu.memory_space<vmem>>, vector<1x16xf32>,
          %parallel_loop3A_1268 = vector.shape_cast %parallel_loop3A_1267 : vector<1x16xf32> to vector<16xf32>
          %parallel_loop3A_1269 = vector.broadcast %parallel_loop3A_1216 : f32 to vector<16xf32>
          %parallel_loop3A_1270 = arith.mulf %parallel_loop3A_1268, %parallel_loop3A_1269 : vector<16xf32>
          %parallel_loop3A_1271 = arith.index_cast %parallel_loop3A_1220 : i32 to index
          %parallel_loop3A_1272 = arith.constant 64 : index
          %parallel_loop3A_1273 = tpu.vector_load %arg11[%parallel_loop3A_1271, %parallel_loop3A_1272] {strides = array<i32>} : memref<128x128xf32, #tpu.memory_space<vmem>>, vector<1x16xf32>,
          %parallel_loop3A_1274 = vector.shape_cast %parallel_loop3A_1273 : vector<1x16xf32> to vector<16xf32>
          %parallel_loop3A_1275 = vector.shape_cast %parallel_loop3A_1270 : vector<16xf32> to vector<1x16xf32>
          tpu.vector_store %arg11[%parallel_loop3A_1271, %parallel_loop3A_1272], %parallel_loop3A_1275 {strides = array<i32>} : memref<128x128xf32, #tpu.memory_space<vmem>>, vector<1x16xf32>,
          %parallel_loop3A_1276 = arith.index_cast %parallel_loop3A_1220 : i32 to index
          %parallel_loop3A_1277 = arith.constant 80 : index
          %parallel_loop3A_1278 = tpu.vector_load %arg11[%parallel_loop3A_1276, %parallel_loop3A_1277] {strides = array<i32>} : memref<128x128xf32, #tpu.memory_space<vmem>>, vector<1x16xf32>,
          %parallel_loop3A_1279 = vector.shape_cast %parallel_loop3A_1278 : vector<1x16xf32> to vector<16xf32>
          %parallel_loop3A_1280 = vector.broadcast %parallel_loop3A_1216 : f32 to vector<16xf32>
          %parallel_loop3A_1281 = arith.mulf %parallel_loop3A_1279, %parallel_loop3A_1280 : vector<16xf32>
          %parallel_loop3A_1282 = arith.index_cast %parallel_loop3A_1220 : i32 to index
          %parallel_loop3A_1283 = arith.constant 80 : index
          %parallel_loop3A_1284 = tpu.vector_load %arg11[%parallel_loop3A_1282, %parallel_loop3A_1283] {strides = array<i32>} : memref<128x128xf32, #tpu.memory_space<vmem>>, vector<1x16xf32>,
          %parallel_loop3A_1285 = vector.shape_cast %parallel_loop3A_1284 : vector<1x16xf32> to vector<16xf32>
          %parallel_loop3A_1286 = vector.shape_cast %parallel_loop3A_1281 : vector<16xf32> to vector<1x16xf32>
          tpu.vector_store %arg11[%parallel_loop3A_1282, %parallel_loop3A_1283], %parallel_loop3A_1286 {strides = array<i32>} : memref<128x128xf32, #tpu.memory_space<vmem>>, vector<1x16xf32>,
          %parallel_loop3A_1287 = arith.index_cast %parallel_loop3A_1220 : i32 to index
          %parallel_loop3A_1288 = arith.constant 96 : index
          %parallel_loop3A_1289 = tpu.vector_load %arg11[%parallel_loop3A_1287, %parallel_loop3A_1288] {strides = array<i32>} : memref<128x128xf32, #tpu.memory_space<vmem>>, vector<1x16xf32>,
          %parallel_loop3A_1290 = vector.shape_cast %parallel_loop3A_1289 : vector<1x16xf32> to vector<16xf32>
          %parallel_loop3A_1291 = vector.broadcast %parallel_loop3A_1216 : f32 to vector<16xf32>
          %parallel_loop3A_1292 = arith.mulf %parallel_loop3A_1290, %parallel_loop3A_1291 : vector<16xf32>
          %parallel_loop3A_1293 = arith.index_cast %parallel_loop3A_1220 : i32 to index
          %parallel_loop3A_1294 = arith.constant 96 : index
          %parallel_loop3A_1295 = tpu.vector_load %arg11[%parallel_loop3A_1293, %parallel_loop3A_1294] {strides = array<i32>} : memref<128x128xf32, #tpu.memory_space<vmem>>, vector<1x16xf32>,
          %parallel_loop3A_1296 = vector.shape_cast %parallel_loop3A_1295 : vector<1x16xf32> to vector<16xf32>
          %parallel_loop3A_1297 = vector.shape_cast %parallel_loop3A_1292 : vector<16xf32> to vector<1x16xf32>
          tpu.vector_store %arg11[%parallel_loop3A_1293, %parallel_loop3A_1294], %parallel_loop3A_1297 {strides = array<i32>} : memref<128x128xf32, #tpu.memory_space<vmem>>, vector<1x16xf32>,
          %parallel_loop3A_1298 = arith.index_cast %parallel_loop3A_1220 : i32 to index
          %parallel_loop3A_1299 = arith.constant 112 : index
          %parallel_loop3A_1300 = tpu.vector_load %arg11[%parallel_loop3A_1298, %parallel_loop3A_1299] {strides = array<i32>} : memref<128x128xf32, #tpu.memory_space<vmem>>, vector<1x16xf32>,
          %parallel_loop3A_1301 = vector.shape_cast %parallel_loop3A_1300 : vector<1x16xf32> to vector<16xf32>
          %parallel_loop3A_1302 = vector.broadcast %parallel_loop3A_1216 : f32 to vector<16xf32>
          %parallel_loop3A_1303 = arith.mulf %parallel_loop3A_1301, %parallel_loop3A_1302 : vector<16xf32>
          %parallel_loop3A_1304 = arith.index_cast %parallel_loop3A_1220 : i32 to index
          %parallel_loop3A_1305 = arith.constant 112 : index
          %parallel_loop3A_1306 = tpu.vector_load %arg11[%parallel_loop3A_1304, %parallel_loop3A_1305] {strides = array<i32>} : memref<128x128xf32, #tpu.memory_space<vmem>>, vector<1x16xf32>,
          %parallel_loop3A_1307 = vector.shape_cast %parallel_loop3A_1306 : vector<1x16xf32> to vector<16xf32>
          %parallel_loop3A_1308 = vector.shape_cast %parallel_loop3A_1303 : vector<16xf32> to vector<1x16xf32>
          tpu.vector_store %arg11[%parallel_loop3A_1304, %parallel_loop3A_1305], %parallel_loop3A_1308 {strides = array<i32>} : memref<128x128xf32, #tpu.memory_space<vmem>>, vector<1x16xf32>,
          %parallel_loop3A_1309 = vector.extract_strided_slice %parallel_loop3A_180 {offsets = [12], sizes = [1], strides = [1]} : vector<16xf32> to vector<1xf32>
          %parallel_loop3A_1310 = vector.extract %parallel_loop3A_1309[0] : f32 from vector<1xf32>
          %parallel_loop3A_1311 = arith.constant 16 : i32
          %parallel_loop3A_1312 = arith.muli %parallel_loop3A_174, %parallel_loop3A_1311 : i32
          %parallel_loop3A_1313 = arith.constant 12 : i32
          %parallel_loop3A_1314 = arith.addi %parallel_loop3A_1312, %parallel_loop3A_1313 : i32
          %parallel_loop3A_1315 = arith.index_cast %parallel_loop3A_1314 : i32 to index
          %parallel_loop3A_1316 = arith.constant 0 : index
          %parallel_loop3A_1317 = tpu.vector_load %arg11[%parallel_loop3A_1315, %parallel_loop3A_1316] {strides = array<i32>} : memref<128x128xf32, #tpu.memory_space<vmem>>, vector<1x16xf32>,
          %parallel_loop3A_1318 = vector.shape_cast %parallel_loop3A_1317 : vector<1x16xf32> to vector<16xf32>
          %parallel_loop3A_1319 = vector.broadcast %parallel_loop3A_1310 : f32 to vector<16xf32>
          %parallel_loop3A_1320 = arith.mulf %parallel_loop3A_1318, %parallel_loop3A_1319 : vector<16xf32>
          %parallel_loop3A_1321 = arith.index_cast %parallel_loop3A_1314 : i32 to index
          %parallel_loop3A_1322 = arith.constant 0 : index
          %parallel_loop3A_1323 = tpu.vector_load %arg11[%parallel_loop3A_1321, %parallel_loop3A_1322] {strides = array<i32>} : memref<128x128xf32, #tpu.memory_space<vmem>>, vector<1x16xf32>,
          %parallel_loop3A_1324 = vector.shape_cast %parallel_loop3A_1323 : vector<1x16xf32> to vector<16xf32>
          %parallel_loop3A_1325 = vector.shape_cast %parallel_loop3A_1320 : vector<16xf32> to vector<1x16xf32>
          tpu.vector_store %arg11[%parallel_loop3A_1321, %parallel_loop3A_1322], %parallel_loop3A_1325 {strides = array<i32>} : memref<128x128xf32, #tpu.memory_space<vmem>>, vector<1x16xf32>,
          %parallel_loop3A_1326 = arith.index_cast %parallel_loop3A_1314 : i32 to index
          %parallel_loop3A_1327 = arith.constant 16 : index
          %parallel_loop3A_1328 = tpu.vector_load %arg11[%parallel_loop3A_1326, %parallel_loop3A_1327] {strides = array<i32>} : memref<128x128xf32, #tpu.memory_space<vmem>>, vector<1x16xf32>,
          %parallel_loop3A_1329 = vector.shape_cast %parallel_loop3A_1328 : vector<1x16xf32> to vector<16xf32>
          %parallel_loop3A_1330 = vector.broadcast %parallel_loop3A_1310 : f32 to vector<16xf32>
          %parallel_loop3A_1331 = arith.mulf %parallel_loop3A_1329, %parallel_loop3A_1330 : vector<16xf32>
          %parallel_loop3A_1332 = arith.index_cast %parallel_loop3A_1314 : i32 to index
          %parallel_loop3A_1333 = arith.constant 16 : index
          %parallel_loop3A_1334 = tpu.vector_load %arg11[%parallel_loop3A_1332, %parallel_loop3A_1333] {strides = array<i32>} : memref<128x128xf32, #tpu.memory_space<vmem>>, vector<1x16xf32>,
          %parallel_loop3A_1335 = vector.shape_cast %parallel_loop3A_1334 : vector<1x16xf32> to vector<16xf32>
          %parallel_loop3A_1336 = vector.shape_cast %parallel_loop3A_1331 : vector<16xf32> to vector<1x16xf32>
          tpu.vector_store %arg11[%parallel_loop3A_1332, %parallel_loop3A_1333], %parallel_loop3A_1336 {strides = array<i32>} : memref<128x128xf32, #tpu.memory_space<vmem>>, vector<1x16xf32>,
          %parallel_loop3A_1337 = arith.index_cast %parallel_loop3A_1314 : i32 to index
          %parallel_loop3A_1338 = arith.constant 32 : index
          %parallel_loop3A_1339 = tpu.vector_load %arg11[%parallel_loop3A_1337, %parallel_loop3A_1338] {strides = array<i32>} : memref<128x128xf32, #tpu.memory_space<vmem>>, vector<1x16xf32>,
          %parallel_loop3A_1340 = vector.shape_cast %parallel_loop3A_1339 : vector<1x16xf32> to vector<16xf32>
          %parallel_loop3A_1341 = vector.broadcast %parallel_loop3A_1310 : f32 to vector<16xf32>
          %parallel_loop3A_1342 = arith.mulf %parallel_loop3A_1340, %parallel_loop3A_1341 : vector<16xf32>
          %parallel_loop3A_1343 = arith.index_cast %parallel_loop3A_1314 : i32 to index
          %parallel_loop3A_1344 = arith.constant 32 : index
          %parallel_loop3A_1345 = tpu.vector_load %arg11[%parallel_loop3A_1343, %parallel_loop3A_1344] {strides = array<i32>} : memref<128x128xf32, #tpu.memory_space<vmem>>, vector<1x16xf32>,
          %parallel_loop3A_1346 = vector.shape_cast %parallel_loop3A_1345 : vector<1x16xf32> to vector<16xf32>
          %parallel_loop3A_1347 = vector.shape_cast %parallel_loop3A_1342 : vector<16xf32> to vector<1x16xf32>
          tpu.vector_store %arg11[%parallel_loop3A_1343, %parallel_loop3A_1344], %parallel_loop3A_1347 {strides = array<i32>} : memref<128x128xf32, #tpu.memory_space<vmem>>, vector<1x16xf32>,
          %parallel_loop3A_1348 = arith.index_cast %parallel_loop3A_1314 : i32 to index
          %parallel_loop3A_1349 = arith.constant 48 : index
          %parallel_loop3A_1350 = tpu.vector_load %arg11[%parallel_loop3A_1348, %parallel_loop3A_1349] {strides = array<i32>} : memref<128x128xf32, #tpu.memory_space<vmem>>, vector<1x16xf32>,
          %parallel_loop3A_1351 = vector.shape_cast %parallel_loop3A_1350 : vector<1x16xf32> to vector<16xf32>
          %parallel_loop3A_1352 = vector.broadcast %parallel_loop3A_1310 : f32 to vector<16xf32>
          %parallel_loop3A_1353 = arith.mulf %parallel_loop3A_1351, %parallel_loop3A_1352 : vector<16xf32>
          %parallel_loop3A_1354 = arith.index_cast %parallel_loop3A_1314 : i32 to index
          %parallel_loop3A_1355 = arith.constant 48 : index
          %parallel_loop3A_1356 = tpu.vector_load %arg11[%parallel_loop3A_1354, %parallel_loop3A_1355] {strides = array<i32>} : memref<128x128xf32, #tpu.memory_space<vmem>>, vector<1x16xf32>,
          %parallel_loop3A_1357 = vector.shape_cast %parallel_loop3A_1356 : vector<1x16xf32> to vector<16xf32>
          %parallel_loop3A_1358 = vector.shape_cast %parallel_loop3A_1353 : vector<16xf32> to vector<1x16xf32>
          tpu.vector_store %arg11[%parallel_loop3A_1354, %parallel_loop3A_1355], %parallel_loop3A_1358 {strides = array<i32>} : memref<128x128xf32, #tpu.memory_space<vmem>>, vector<1x16xf32>,
          %parallel_loop3A_1359 = arith.index_cast %parallel_loop3A_1314 : i32 to index
          %parallel_loop3A_1360 = arith.constant 64 : index
          %parallel_loop3A_1361 = tpu.vector_load %arg11[%parallel_loop3A_1359, %parallel_loop3A_1360] {strides = array<i32>} : memref<128x128xf32, #tpu.memory_space<vmem>>, vector<1x16xf32>,
          %parallel_loop3A_1362 = vector.shape_cast %parallel_loop3A_1361 : vector<1x16xf32> to vector<16xf32>
          %parallel_loop3A_1363 = vector.broadcast %parallel_loop3A_1310 : f32 to vector<16xf32>
          %parallel_loop3A_1364 = arith.mulf %parallel_loop3A_1362, %parallel_loop3A_1363 : vector<16xf32>
          %parallel_loop3A_1365 = arith.index_cast %parallel_loop3A_1314 : i32 to index
          %parallel_loop3A_1366 = arith.constant 64 : index
          %parallel_loop3A_1367 = tpu.vector_load %arg11[%parallel_loop3A_1365, %parallel_loop3A_1366] {strides = array<i32>} : memref<128x128xf32, #tpu.memory_space<vmem>>, vector<1x16xf32>,
          %parallel_loop3A_1368 = vector.shape_cast %parallel_loop3A_1367 : vector<1x16xf32> to vector<16xf32>
          %parallel_loop3A_1369 = vector.shape_cast %parallel_loop3A_1364 : vector<16xf32> to vector<1x16xf32>
          tpu.vector_store %arg11[%parallel_loop3A_1365, %parallel_loop3A_1366], %parallel_loop3A_1369 {strides = array<i32>} : memref<128x128xf32, #tpu.memory_space<vmem>>, vector<1x16xf32>,
          %parallel_loop3A_1370 = arith.index_cast %parallel_loop3A_1314 : i32 to index
          %parallel_loop3A_1371 = arith.constant 80 : index
          %parallel_loop3A_1372 = tpu.vector_load %arg11[%parallel_loop3A_1370, %parallel_loop3A_1371] {strides = array<i32>} : memref<128x128xf32, #tpu.memory_space<vmem>>, vector<1x16xf32>,
          %parallel_loop3A_1373 = vector.shape_cast %parallel_loop3A_1372 : vector<1x16xf32> to vector<16xf32>
          %parallel_loop3A_1374 = vector.broadcast %parallel_loop3A_1310 : f32 to vector<16xf32>
          %parallel_loop3A_1375 = arith.mulf %parallel_loop3A_1373, %parallel_loop3A_1374 : vector<16xf32>
          %parallel_loop3A_1376 = arith.index_cast %parallel_loop3A_1314 : i32 to index
          %parallel_loop3A_1377 = arith.constant 80 : index
          %parallel_loop3A_1378 = tpu.vector_load %arg11[%parallel_loop3A_1376, %parallel_loop3A_1377] {strides = array<i32>} : memref<128x128xf32, #tpu.memory_space<vmem>>, vector<1x16xf32>,
          %parallel_loop3A_1379 = vector.shape_cast %parallel_loop3A_1378 : vector<1x16xf32> to vector<16xf32>
          %parallel_loop3A_1380 = vector.shape_cast %parallel_loop3A_1375 : vector<16xf32> to vector<1x16xf32>
          tpu.vector_store %arg11[%parallel_loop3A_1376, %parallel_loop3A_1377], %parallel_loop3A_1380 {strides = array<i32>} : memref<128x128xf32, #tpu.memory_space<vmem>>, vector<1x16xf32>,
          %parallel_loop3A_1381 = arith.index_cast %parallel_loop3A_1314 : i32 to index
          %parallel_loop3A_1382 = arith.constant 96 : index
          %parallel_loop3A_1383 = tpu.vector_load %arg11[%parallel_loop3A_1381, %parallel_loop3A_1382] {strides = array<i32>} : memref<128x128xf32, #tpu.memory_space<vmem>>, vector<1x16xf32>,
          %parallel_loop3A_1384 = vector.shape_cast %parallel_loop3A_1383 : vector<1x16xf32> to vector<16xf32>
          %parallel_loop3A_1385 = vector.broadcast %parallel_loop3A_1310 : f32 to vector<16xf32>
          %parallel_loop3A_1386 = arith.mulf %parallel_loop3A_1384, %parallel_loop3A_1385 : vector<16xf32>
          %parallel_loop3A_1387 = arith.index_cast %parallel_loop3A_1314 : i32 to index
          %parallel_loop3A_1388 = arith.constant 96 : index
          %parallel_loop3A_1389 = tpu.vector_load %arg11[%parallel_loop3A_1387, %parallel_loop3A_1388] {strides = array<i32>} : memref<128x128xf32, #tpu.memory_space<vmem>>, vector<1x16xf32>,
          %parallel_loop3A_1390 = vector.shape_cast %parallel_loop3A_1389 : vector<1x16xf32> to vector<16xf32>
          %parallel_loop3A_1391 = vector.shape_cast %parallel_loop3A_1386 : vector<16xf32> to vector<1x16xf32>
          tpu.vector_store %arg11[%parallel_loop3A_1387, %parallel_loop3A_1388], %parallel_loop3A_1391 {strides = array<i32>} : memref<128x128xf32, #tpu.memory_space<vmem>>, vector<1x16xf32>,
          %parallel_loop3A_1392 = arith.index_cast %parallel_loop3A_1314 : i32 to index
          %parallel_loop3A_1393 = arith.constant 112 : index
          %parallel_loop3A_1394 = tpu.vector_load %arg11[%parallel_loop3A_1392, %parallel_loop3A_1393] {strides = array<i32>} : memref<128x128xf32, #tpu.memory_space<vmem>>, vector<1x16xf32>,
          %parallel_loop3A_1395 = vector.shape_cast %parallel_loop3A_1394 : vector<1x16xf32> to vector<16xf32>
          %parallel_loop3A_1396 = vector.broadcast %parallel_loop3A_1310 : f32 to vector<16xf32>
          %parallel_loop3A_1397 = arith.mulf %parallel_loop3A_1395, %parallel_loop3A_1396 : vector<16xf32>
          %parallel_loop3A_1398 = arith.index_cast %parallel_loop3A_1314 : i32 to index
          %parallel_loop3A_1399 = arith.constant 112 : index
          %parallel_loop3A_1400 = tpu.vector_load %arg11[%parallel_loop3A_1398, %parallel_loop3A_1399] {strides = array<i32>} : memref<128x128xf32, #tpu.memory_space<vmem>>, vector<1x16xf32>,
          %parallel_loop3A_1401 = vector.shape_cast %parallel_loop3A_1400 : vector<1x16xf32> to vector<16xf32>
          %parallel_loop3A_1402 = vector.shape_cast %parallel_loop3A_1397 : vector<16xf32> to vector<1x16xf32>
          tpu.vector_store %arg11[%parallel_loop3A_1398, %parallel_loop3A_1399], %parallel_loop3A_1402 {strides = array<i32>} : memref<128x128xf32, #tpu.memory_space<vmem>>, vector<1x16xf32>,
          %parallel_loop3A_1403 = vector.extract_strided_slice %parallel_loop3A_180 {offsets = [13], sizes = [1], strides = [1]} : vector<16xf32> to vector<1xf32>
          %parallel_loop3A_1404 = vector.extract %parallel_loop3A_1403[0] : f32 from vector<1xf32>
          %parallel_loop3A_1405 = arith.constant 16 : i32
          %parallel_loop3A_1406 = arith.muli %parallel_loop3A_174, %parallel_loop3A_1405 : i32
          %parallel_loop3A_1407 = arith.constant 13 : i32
          %parallel_loop3A_1408 = arith.addi %parallel_loop3A_1406, %parallel_loop3A_1407 : i32
          %parallel_loop3A_1409 = arith.index_cast %parallel_loop3A_1408 : i32 to index
          %parallel_loop3A_1410 = arith.constant 0 : index
          %parallel_loop3A_1411 = tpu.vector_load %arg11[%parallel_loop3A_1409, %parallel_loop3A_1410] {strides = array<i32>} : memref<128x128xf32, #tpu.memory_space<vmem>>, vector<1x16xf32>,
          %parallel_loop3A_1412 = vector.shape_cast %parallel_loop3A_1411 : vector<1x16xf32> to vector<16xf32>
          %parallel_loop3A_1413 = vector.broadcast %parallel_loop3A_1404 : f32 to vector<16xf32>
          %parallel_loop3A_1414 = arith.mulf %parallel_loop3A_1412, %parallel_loop3A_1413 : vector<16xf32>
          %parallel_loop3A_1415 = arith.index_cast %parallel_loop3A_1408 : i32 to index
          %parallel_loop3A_1416 = arith.constant 0 : index
          %parallel_loop3A_1417 = tpu.vector_load %arg11[%parallel_loop3A_1415, %parallel_loop3A_1416] {strides = array<i32>} : memref<128x128xf32, #tpu.memory_space<vmem>>, vector<1x16xf32>,
          %parallel_loop3A_1418 = vector.shape_cast %parallel_loop3A_1417 : vector<1x16xf32> to vector<16xf32>
          %parallel_loop3A_1419 = vector.shape_cast %parallel_loop3A_1414 : vector<16xf32> to vector<1x16xf32>
          tpu.vector_store %arg11[%parallel_loop3A_1415, %parallel_loop3A_1416], %parallel_loop3A_1419 {strides = array<i32>} : memref<128x128xf32, #tpu.memory_space<vmem>>, vector<1x16xf32>,
          %parallel_loop3A_1420 = arith.index_cast %parallel_loop3A_1408 : i32 to index
          %parallel_loop3A_1421 = arith.constant 16 : index
          %parallel_loop3A_1422 = tpu.vector_load %arg11[%parallel_loop3A_1420, %parallel_loop3A_1421] {strides = array<i32>} : memref<128x128xf32, #tpu.memory_space<vmem>>, vector<1x16xf32>,
          %parallel_loop3A_1423 = vector.shape_cast %parallel_loop3A_1422 : vector<1x16xf32> to vector<16xf32>
          %parallel_loop3A_1424 = vector.broadcast %parallel_loop3A_1404 : f32 to vector<16xf32>
          %parallel_loop3A_1425 = arith.mulf %parallel_loop3A_1423, %parallel_loop3A_1424 : vector<16xf32>
          %parallel_loop3A_1426 = arith.index_cast %parallel_loop3A_1408 : i32 to index
          %parallel_loop3A_1427 = arith.constant 16 : index
          %parallel_loop3A_1428 = tpu.vector_load %arg11[%parallel_loop3A_1426, %parallel_loop3A_1427] {strides = array<i32>} : memref<128x128xf32, #tpu.memory_space<vmem>>, vector<1x16xf32>,
          %parallel_loop3A_1429 = vector.shape_cast %parallel_loop3A_1428 : vector<1x16xf32> to vector<16xf32>
          %parallel_loop3A_1430 = vector.shape_cast %parallel_loop3A_1425 : vector<16xf32> to vector<1x16xf32>
          tpu.vector_store %arg11[%parallel_loop3A_1426, %parallel_loop3A_1427], %parallel_loop3A_1430 {strides = array<i32>} : memref<128x128xf32, #tpu.memory_space<vmem>>, vector<1x16xf32>,
          %parallel_loop3A_1431 = arith.index_cast %parallel_loop3A_1408 : i32 to index
          %parallel_loop3A_1432 = arith.constant 32 : index
          %parallel_loop3A_1433 = tpu.vector_load %arg11[%parallel_loop3A_1431, %parallel_loop3A_1432] {strides = array<i32>} : memref<128x128xf32, #tpu.memory_space<vmem>>, vector<1x16xf32>,
          %parallel_loop3A_1434 = vector.shape_cast %parallel_loop3A_1433 : vector<1x16xf32> to vector<16xf32>
          %parallel_loop3A_1435 = vector.broadcast %parallel_loop3A_1404 : f32 to vector<16xf32>
          %parallel_loop3A_1436 = arith.mulf %parallel_loop3A_1434, %parallel_loop3A_1435 : vector<16xf32>
          %parallel_loop3A_1437 = arith.index_cast %parallel_loop3A_1408 : i32 to index
          %parallel_loop3A_1438 = arith.constant 32 : index
          %parallel_loop3A_1439 = tpu.vector_load %arg11[%parallel_loop3A_1437, %parallel_loop3A_1438] {strides = array<i32>} : memref<128x128xf32, #tpu.memory_space<vmem>>, vector<1x16xf32>,
          %parallel_loop3A_1440 = vector.shape_cast %parallel_loop3A_1439 : vector<1x16xf32> to vector<16xf32>
          %parallel_loop3A_1441 = vector.shape_cast %parallel_loop3A_1436 : vector<16xf32> to vector<1x16xf32>
          tpu.vector_store %arg11[%parallel_loop3A_1437, %parallel_loop3A_1438], %parallel_loop3A_1441 {strides = array<i32>} : memref<128x128xf32, #tpu.memory_space<vmem>>, vector<1x16xf32>,
          %parallel_loop3A_1442 = arith.index_cast %parallel_loop3A_1408 : i32 to index
          %parallel_loop3A_1443 = arith.constant 48 : index
          %parallel_loop3A_1444 = tpu.vector_load %arg11[%parallel_loop3A_1442, %parallel_loop3A_1443] {strides = array<i32>} : memref<128x128xf32, #tpu.memory_space<vmem>>, vector<1x16xf32>,
          %parallel_loop3A_1445 = vector.shape_cast %parallel_loop3A_1444 : vector<1x16xf32> to vector<16xf32>
          %parallel_loop3A_1446 = vector.broadcast %parallel_loop3A_1404 : f32 to vector<16xf32>
          %parallel_loop3A_1447 = arith.mulf %parallel_loop3A_1445, %parallel_loop3A_1446 : vector<16xf32>
          %parallel_loop3A_1448 = arith.index_cast %parallel_loop3A_1408 : i32 to index
          %parallel_loop3A_1449 = arith.constant 48 : index
          %parallel_loop3A_1450 = tpu.vector_load %arg11[%parallel_loop3A_1448, %parallel_loop3A_1449] {strides = array<i32>} : memref<128x128xf32, #tpu.memory_space<vmem>>, vector<1x16xf32>,
          %parallel_loop3A_1451 = vector.shape_cast %parallel_loop3A_1450 : vector<1x16xf32> to vector<16xf32>
          %parallel_loop3A_1452 = vector.shape_cast %parallel_loop3A_1447 : vector<16xf32> to vector<1x16xf32>
          tpu.vector_store %arg11[%parallel_loop3A_1448, %parallel_loop3A_1449], %parallel_loop3A_1452 {strides = array<i32>} : memref<128x128xf32, #tpu.memory_space<vmem>>, vector<1x16xf32>,
          %parallel_loop3A_1453 = arith.index_cast %parallel_loop3A_1408 : i32 to index
          %parallel_loop3A_1454 = arith.constant 64 : index
          %parallel_loop3A_1455 = tpu.vector_load %arg11[%parallel_loop3A_1453, %parallel_loop3A_1454] {strides = array<i32>} : memref<128x128xf32, #tpu.memory_space<vmem>>, vector<1x16xf32>,
          %parallel_loop3A_1456 = vector.shape_cast %parallel_loop3A_1455 : vector<1x16xf32> to vector<16xf32>
          %parallel_loop3A_1457 = vector.broadcast %parallel_loop3A_1404 : f32 to vector<16xf32>
          %parallel_loop3A_1458 = arith.mulf %parallel_loop3A_1456, %parallel_loop3A_1457 : vector<16xf32>
          %parallel_loop3A_1459 = arith.index_cast %parallel_loop3A_1408 : i32 to index
          %parallel_loop3A_1460 = arith.constant 64 : index
          %parallel_loop3A_1461 = tpu.vector_load %arg11[%parallel_loop3A_1459, %parallel_loop3A_1460] {strides = array<i32>} : memref<128x128xf32, #tpu.memory_space<vmem>>, vector<1x16xf32>,
          %parallel_loop3A_1462 = vector.shape_cast %parallel_loop3A_1461 : vector<1x16xf32> to vector<16xf32>
          %parallel_loop3A_1463 = vector.shape_cast %parallel_loop3A_1458 : vector<16xf32> to vector<1x16xf32>
          tpu.vector_store %arg11[%parallel_loop3A_1459, %parallel_loop3A_1460], %parallel_loop3A_1463 {strides = array<i32>} : memref<128x128xf32, #tpu.memory_space<vmem>>, vector<1x16xf32>,
          %parallel_loop3A_1464 = arith.index_cast %parallel_loop3A_1408 : i32 to index
          %parallel_loop3A_1465 = arith.constant 80 : index
          %parallel_loop3A_1466 = tpu.vector_load %arg11[%parallel_loop3A_1464, %parallel_loop3A_1465] {strides = array<i32>} : memref<128x128xf32, #tpu.memory_space<vmem>>, vector<1x16xf32>,
          %parallel_loop3A_1467 = vector.shape_cast %parallel_loop3A_1466 : vector<1x16xf32> to vector<16xf32>
          %parallel_loop3A_1468 = vector.broadcast %parallel_loop3A_1404 : f32 to vector<16xf32>
          %parallel_loop3A_1469 = arith.mulf %parallel_loop3A_1467, %parallel_loop3A_1468 : vector<16xf32>
          %parallel_loop3A_1470 = arith.index_cast %parallel_loop3A_1408 : i32 to index
          %parallel_loop3A_1471 = arith.constant 80 : index
          %parallel_loop3A_1472 = tpu.vector_load %arg11[%parallel_loop3A_1470, %parallel_loop3A_1471] {strides = array<i32>} : memref<128x128xf32, #tpu.memory_space<vmem>>, vector<1x16xf32>,
          %parallel_loop3A_1473 = vector.shape_cast %parallel_loop3A_1472 : vector<1x16xf32> to vector<16xf32>
          %parallel_loop3A_1474 = vector.shape_cast %parallel_loop3A_1469 : vector<16xf32> to vector<1x16xf32>
          tpu.vector_store %arg11[%parallel_loop3A_1470, %parallel_loop3A_1471], %parallel_loop3A_1474 {strides = array<i32>} : memref<128x128xf32, #tpu.memory_space<vmem>>, vector<1x16xf32>,
          %parallel_loop3A_1475 = arith.index_cast %parallel_loop3A_1408 : i32 to index
          %parallel_loop3A_1476 = arith.constant 96 : index
          %parallel_loop3A_1477 = tpu.vector_load %arg11[%parallel_loop3A_1475, %parallel_loop3A_1476] {strides = array<i32>} : memref<128x128xf32, #tpu.memory_space<vmem>>, vector<1x16xf32>,
          %parallel_loop3A_1478 = vector.shape_cast %parallel_loop3A_1477 : vector<1x16xf32> to vector<16xf32>
          %parallel_loop3A_1479 = vector.broadcast %parallel_loop3A_1404 : f32 to vector<16xf32>
          %parallel_loop3A_1480 = arith.mulf %parallel_loop3A_1478, %parallel_loop3A_1479 : vector<16xf32>
          %parallel_loop3A_1481 = arith.index_cast %parallel_loop3A_1408 : i32 to index
          %parallel_loop3A_1482 = arith.constant 96 : index
          %parallel_loop3A_1483 = tpu.vector_load %arg11[%parallel_loop3A_1481, %parallel_loop3A_1482] {strides = array<i32>} : memref<128x128xf32, #tpu.memory_space<vmem>>, vector<1x16xf32>,
          %parallel_loop3A_1484 = vector.shape_cast %parallel_loop3A_1483 : vector<1x16xf32> to vector<16xf32>
          %parallel_loop3A_1485 = vector.shape_cast %parallel_loop3A_1480 : vector<16xf32> to vector<1x16xf32>
          tpu.vector_store %arg11[%parallel_loop3A_1481, %parallel_loop3A_1482], %parallel_loop3A_1485 {strides = array<i32>} : memref<128x128xf32, #tpu.memory_space<vmem>>, vector<1x16xf32>,
          %parallel_loop3A_1486 = arith.index_cast %parallel_loop3A_1408 : i32 to index
          %parallel_loop3A_1487 = arith.constant 112 : index
          %parallel_loop3A_1488 = tpu.vector_load %arg11[%parallel_loop3A_1486, %parallel_loop3A_1487] {strides = array<i32>} : memref<128x128xf32, #tpu.memory_space<vmem>>, vector<1x16xf32>,
          %parallel_loop3A_1489 = vector.shape_cast %parallel_loop3A_1488 : vector<1x16xf32> to vector<16xf32>
          %parallel_loop3A_1490 = vector.broadcast %parallel_loop3A_1404 : f32 to vector<16xf32>
          %parallel_loop3A_1491 = arith.mulf %parallel_loop3A_1489, %parallel_loop3A_1490 : vector<16xf32>
          %parallel_loop3A_1492 = arith.index_cast %parallel_loop3A_1408 : i32 to index
          %parallel_loop3A_1493 = arith.constant 112 : index
          %parallel_loop3A_1494 = tpu.vector_load %arg11[%parallel_loop3A_1492, %parallel_loop3A_1493] {strides = array<i32>} : memref<128x128xf32, #tpu.memory_space<vmem>>, vector<1x16xf32>,
          %parallel_loop3A_1495 = vector.shape_cast %parallel_loop3A_1494 : vector<1x16xf32> to vector<16xf32>
          %parallel_loop3A_1496 = vector.shape_cast %parallel_loop3A_1491 : vector<16xf32> to vector<1x16xf32>
          tpu.vector_store %arg11[%parallel_loop3A_1492, %parallel_loop3A_1493], %parallel_loop3A_1496 {strides = array<i32>} : memref<128x128xf32, #tpu.memory_space<vmem>>, vector<1x16xf32>,
          %parallel_loop3A_1497 = vector.extract_strided_slice %parallel_loop3A_180 {offsets = [14], sizes = [1], strides = [1]} : vector<16xf32> to vector<1xf32>
          %parallel_loop3A_1498 = vector.extract %parallel_loop3A_1497[0] : f32 from vector<1xf32>
          %parallel_loop3A_1499 = arith.constant 16 : i32
          %parallel_loop3A_1500 = arith.muli %parallel_loop3A_174, %parallel_loop3A_1499 : i32
          %parallel_loop3A_1501 = arith.constant 14 : i32
          %parallel_loop3A_1502 = arith.addi %parallel_loop3A_1500, %parallel_loop3A_1501 : i32
          %parallel_loop3A_1503 = arith.index_cast %parallel_loop3A_1502 : i32 to index
          %parallel_loop3A_1504 = arith.constant 0 : index
          %parallel_loop3A_1505 = tpu.vector_load %arg11[%parallel_loop3A_1503, %parallel_loop3A_1504] {strides = array<i32>} : memref<128x128xf32, #tpu.memory_space<vmem>>, vector<1x16xf32>,
          %parallel_loop3A_1506 = vector.shape_cast %parallel_loop3A_1505 : vector<1x16xf32> to vector<16xf32>
          %parallel_loop3A_1507 = vector.broadcast %parallel_loop3A_1498 : f32 to vector<16xf32>
          %parallel_loop3A_1508 = arith.mulf %parallel_loop3A_1506, %parallel_loop3A_1507 : vector<16xf32>
          %parallel_loop3A_1509 = arith.index_cast %parallel_loop3A_1502 : i32 to index
          %parallel_loop3A_1510 = arith.constant 0 : index
          %parallel_loop3A_1511 = tpu.vector_load %arg11[%parallel_loop3A_1509, %parallel_loop3A_1510] {strides = array<i32>} : memref<128x128xf32, #tpu.memory_space<vmem>>, vector<1x16xf32>,
          %parallel_loop3A_1512 = vector.shape_cast %parallel_loop3A_1511 : vector<1x16xf32> to vector<16xf32>
          %parallel_loop3A_1513 = vector.shape_cast %parallel_loop3A_1508 : vector<16xf32> to vector<1x16xf32>
          tpu.vector_store %arg11[%parallel_loop3A_1509, %parallel_loop3A_1510], %parallel_loop3A_1513 {strides = array<i32>} : memref<128x128xf32, #tpu.memory_space<vmem>>, vector<1x16xf32>,
          %parallel_loop3A_1514 = arith.index_cast %parallel_loop3A_1502 : i32 to index
          %parallel_loop3A_1515 = arith.constant 16 : index
          %parallel_loop3A_1516 = tpu.vector_load %arg11[%parallel_loop3A_1514, %parallel_loop3A_1515] {strides = array<i32>} : memref<128x128xf32, #tpu.memory_space<vmem>>, vector<1x16xf32>,
          %parallel_loop3A_1517 = vector.shape_cast %parallel_loop3A_1516 : vector<1x16xf32> to vector<16xf32>
          %parallel_loop3A_1518 = vector.broadcast %parallel_loop3A_1498 : f32 to vector<16xf32>
          %parallel_loop3A_1519 = arith.mulf %parallel_loop3A_1517, %parallel_loop3A_1518 : vector<16xf32>
          %parallel_loop3A_1520 = arith.index_cast %parallel_loop3A_1502 : i32 to index
          %parallel_loop3A_1521 = arith.constant 16 : index
          %parallel_loop3A_1522 = tpu.vector_load %arg11[%parallel_loop3A_1520, %parallel_loop3A_1521] {strides = array<i32>} : memref<128x128xf32, #tpu.memory_space<vmem>>, vector<1x16xf32>,
          %parallel_loop3A_1523 = vector.shape_cast %parallel_loop3A_1522 : vector<1x16xf32> to vector<16xf32>
          %parallel_loop3A_1524 = vector.shape_cast %parallel_loop3A_1519 : vector<16xf32> to vector<1x16xf32>
          tpu.vector_store %arg11[%parallel_loop3A_1520, %parallel_loop3A_1521], %parallel_loop3A_1524 {strides = array<i32>} : memref<128x128xf32, #tpu.memory_space<vmem>>, vector<1x16xf32>,
          %parallel_loop3A_1525 = arith.index_cast %parallel_loop3A_1502 : i32 to index
          %parallel_loop3A_1526 = arith.constant 32 : index
          %parallel_loop3A_1527 = tpu.vector_load %arg11[%parallel_loop3A_1525, %parallel_loop3A_1526] {strides = array<i32>} : memref<128x128xf32, #tpu.memory_space<vmem>>, vector<1x16xf32>,
          %parallel_loop3A_1528 = vector.shape_cast %parallel_loop3A_1527 : vector<1x16xf32> to vector<16xf32>
          %parallel_loop3A_1529 = vector.broadcast %parallel_loop3A_1498 : f32 to vector<16xf32>
          %parallel_loop3A_1530 = arith.mulf %parallel_loop3A_1528, %parallel_loop3A_1529 : vector<16xf32>
          %parallel_loop3A_1531 = arith.index_cast %parallel_loop3A_1502 : i32 to index
          %parallel_loop3A_1532 = arith.constant 32 : index
          %parallel_loop3A_1533 = tpu.vector_load %arg11[%parallel_loop3A_1531, %parallel_loop3A_1532] {strides = array<i32>} : memref<128x128xf32, #tpu.memory_space<vmem>>, vector<1x16xf32>,
          %parallel_loop3A_1534 = vector.shape_cast %parallel_loop3A_1533 : vector<1x16xf32> to vector<16xf32>
          %parallel_loop3A_1535 = vector.shape_cast %parallel_loop3A_1530 : vector<16xf32> to vector<1x16xf32>
          tpu.vector_store %arg11[%parallel_loop3A_1531, %parallel_loop3A_1532], %parallel_loop3A_1535 {strides = array<i32>} : memref<128x128xf32, #tpu.memory_space<vmem>>, vector<1x16xf32>,
          %parallel_loop3A_1536 = arith.index_cast %parallel_loop3A_1502 : i32 to index
          %parallel_loop3A_1537 = arith.constant 48 : index
          %parallel_loop3A_1538 = tpu.vector_load %arg11[%parallel_loop3A_1536, %parallel_loop3A_1537] {strides = array<i32>} : memref<128x128xf32, #tpu.memory_space<vmem>>, vector<1x16xf32>,
          %parallel_loop3A_1539 = vector.shape_cast %parallel_loop3A_1538 : vector<1x16xf32> to vector<16xf32>
          %parallel_loop3A_1540 = vector.broadcast %parallel_loop3A_1498 : f32 to vector<16xf32>
          %parallel_loop3A_1541 = arith.mulf %parallel_loop3A_1539, %parallel_loop3A_1540 : vector<16xf32>
          %parallel_loop3A_1542 = arith.index_cast %parallel_loop3A_1502 : i32 to index
          %parallel_loop3A_1543 = arith.constant 48 : index
          %parallel_loop3A_1544 = tpu.vector_load %arg11[%parallel_loop3A_1542, %parallel_loop3A_1543] {strides = array<i32>} : memref<128x128xf32, #tpu.memory_space<vmem>>, vector<1x16xf32>,
          %parallel_loop3A_1545 = vector.shape_cast %parallel_loop3A_1544 : vector<1x16xf32> to vector<16xf32>
          %parallel_loop3A_1546 = vector.shape_cast %parallel_loop3A_1541 : vector<16xf32> to vector<1x16xf32>
          tpu.vector_store %arg11[%parallel_loop3A_1542, %parallel_loop3A_1543], %parallel_loop3A_1546 {strides = array<i32>} : memref<128x128xf32, #tpu.memory_space<vmem>>, vector<1x16xf32>,
          %parallel_loop3A_1547 = arith.index_cast %parallel_loop3A_1502 : i32 to index
          %parallel_loop3A_1548 = arith.constant 64 : index
          %parallel_loop3A_1549 = tpu.vector_load %arg11[%parallel_loop3A_1547, %parallel_loop3A_1548] {strides = array<i32>} : memref<128x128xf32, #tpu.memory_space<vmem>>, vector<1x16xf32>,
          %parallel_loop3A_1550 = vector.shape_cast %parallel_loop3A_1549 : vector<1x16xf32> to vector<16xf32>
          %parallel_loop3A_1551 = vector.broadcast %parallel_loop3A_1498 : f32 to vector<16xf32>
          %parallel_loop3A_1552 = arith.mulf %parallel_loop3A_1550, %parallel_loop3A_1551 : vector<16xf32>
          %parallel_loop3A_1553 = arith.index_cast %parallel_loop3A_1502 : i32 to index
          %parallel_loop3A_1554 = arith.constant 64 : index
          %parallel_loop3A_1555 = tpu.vector_load %arg11[%parallel_loop3A_1553, %parallel_loop3A_1554] {strides = array<i32>} : memref<128x128xf32, #tpu.memory_space<vmem>>, vector<1x16xf32>,
          %parallel_loop3A_1556 = vector.shape_cast %parallel_loop3A_1555 : vector<1x16xf32> to vector<16xf32>
          %parallel_loop3A_1557 = vector.shape_cast %parallel_loop3A_1552 : vector<16xf32> to vector<1x16xf32>
          tpu.vector_store %arg11[%parallel_loop3A_1553, %parallel_loop3A_1554], %parallel_loop3A_1557 {strides = array<i32>} : memref<128x128xf32, #tpu.memory_space<vmem>>, vector<1x16xf32>,
          %parallel_loop3A_1558 = arith.index_cast %parallel_loop3A_1502 : i32 to index
          %parallel_loop3A_1559 = arith.constant 80 : index
          %parallel_loop3A_1560 = tpu.vector_load %arg11[%parallel_loop3A_1558, %parallel_loop3A_1559] {strides = array<i32>} : memref<128x128xf32, #tpu.memory_space<vmem>>, vector<1x16xf32>,
          %parallel_loop3A_1561 = vector.shape_cast %parallel_loop3A_1560 : vector<1x16xf32> to vector<16xf32>
          %parallel_loop3A_1562 = vector.broadcast %parallel_loop3A_1498 : f32 to vector<16xf32>
          %parallel_loop3A_1563 = arith.mulf %parallel_loop3A_1561, %parallel_loop3A_1562 : vector<16xf32>
          %parallel_loop3A_1564 = arith.index_cast %parallel_loop3A_1502 : i32 to index
          %parallel_loop3A_1565 = arith.constant 80 : index
          %parallel_loop3A_1566 = tpu.vector_load %arg11[%parallel_loop3A_1564, %parallel_loop3A_1565] {strides = array<i32>} : memref<128x128xf32, #tpu.memory_space<vmem>>, vector<1x16xf32>,
          %parallel_loop3A_1567 = vector.shape_cast %parallel_loop3A_1566 : vector<1x16xf32> to vector<16xf32>
          %parallel_loop3A_1568 = vector.shape_cast %parallel_loop3A_1563 : vector<16xf32> to vector<1x16xf32>
          tpu.vector_store %arg11[%parallel_loop3A_1564, %parallel_loop3A_1565], %parallel_loop3A_1568 {strides = array<i32>} : memref<128x128xf32, #tpu.memory_space<vmem>>, vector<1x16xf32>,
          %parallel_loop3A_1569 = arith.index_cast %parallel_loop3A_1502 : i32 to index
          %parallel_loop3A_1570 = arith.constant 96 : index
          %parallel_loop3A_1571 = tpu.vector_load %arg11[%parallel_loop3A_1569, %parallel_loop3A_1570] {strides = array<i32>} : memref<128x128xf32, #tpu.memory_space<vmem>>, vector<1x16xf32>,
          %parallel_loop3A_1572 = vector.shape_cast %parallel_loop3A_1571 : vector<1x16xf32> to vector<16xf32>
          %parallel_loop3A_1573 = vector.broadcast %parallel_loop3A_1498 : f32 to vector<16xf32>
          %parallel_loop3A_1574 = arith.mulf %parallel_loop3A_1572, %parallel_loop3A_1573 : vector<16xf32>
          %parallel_loop3A_1575 = arith.index_cast %parallel_loop3A_1502 : i32 to index
          %parallel_loop3A_1576 = arith.constant 96 : index
          %parallel_loop3A_1577 = tpu.vector_load %arg11[%parallel_loop3A_1575, %parallel_loop3A_1576] {strides = array<i32>} : memref<128x128xf32, #tpu.memory_space<vmem>>, vector<1x16xf32>,
          %parallel_loop3A_1578 = vector.shape_cast %parallel_loop3A_1577 : vector<1x16xf32> to vector<16xf32>
          %parallel_loop3A_1579 = vector.shape_cast %parallel_loop3A_1574 : vector<16xf32> to vector<1x16xf32>
          tpu.vector_store %arg11[%parallel_loop3A_1575, %parallel_loop3A_1576], %parallel_loop3A_1579 {strides = array<i32>} : memref<128x128xf32, #tpu.memory_space<vmem>>, vector<1x16xf32>,
          %parallel_loop3A_1580 = arith.index_cast %parallel_loop3A_1502 : i32 to index
          %parallel_loop3A_1581 = arith.constant 112 : index
          %parallel_loop3A_1582 = tpu.vector_load %arg11[%parallel_loop3A_1580, %parallel_loop3A_1581] {strides = array<i32>} : memref<128x128xf32, #tpu.memory_space<vmem>>, vector<1x16xf32>,
          %parallel_loop3A_1583 = vector.shape_cast %parallel_loop3A_1582 : vector<1x16xf32> to vector<16xf32>
          %parallel_loop3A_1584 = vector.broadcast %parallel_loop3A_1498 : f32 to vector<16xf32>
          %parallel_loop3A_1585 = arith.mulf %parallel_loop3A_1583, %parallel_loop3A_1584 : vector<16xf32>
          %parallel_loop3A_1586 = arith.index_cast %parallel_loop3A_1502 : i32 to index
          %parallel_loop3A_1587 = arith.constant 112 : index
          %parallel_loop3A_1588 = tpu.vector_load %arg11[%parallel_loop3A_1586, %parallel_loop3A_1587] {strides = array<i32>} : memref<128x128xf32, #tpu.memory_space<vmem>>, vector<1x16xf32>,
          %parallel_loop3A_1589 = vector.shape_cast %parallel_loop3A_1588 : vector<1x16xf32> to vector<16xf32>
          %parallel_loop3A_1590 = vector.shape_cast %parallel_loop3A_1585 : vector<16xf32> to vector<1x16xf32>
          tpu.vector_store %arg11[%parallel_loop3A_1586, %parallel_loop3A_1587], %parallel_loop3A_1590 {strides = array<i32>} : memref<128x128xf32, #tpu.memory_space<vmem>>, vector<1x16xf32>,
          %parallel_loop3A_1591 = vector.extract_strided_slice %parallel_loop3A_180 {offsets = [15], sizes = [1], strides = [1]} : vector<16xf32> to vector<1xf32>
          %parallel_loop3A_1592 = vector.extract %parallel_loop3A_1591[0] : f32 from vector<1xf32>
          %parallel_loop3A_1593 = arith.constant 16 : i32
          %parallel_loop3A_1594 = arith.muli %parallel_loop3A_174, %parallel_loop3A_1593 : i32
          %parallel_loop3A_1595 = arith.constant 15 : i32
          %parallel_loop3A_1596 = arith.addi %parallel_loop3A_1594, %parallel_loop3A_1595 : i32
          %parallel_loop3A_1597 = arith.index_cast %parallel_loop3A_1596 : i32 to index
          %parallel_loop3A_1598 = arith.constant 0 : index
          %parallel_loop3A_1599 = tpu.vector_load %arg11[%parallel_loop3A_1597, %parallel_loop3A_1598] {strides = array<i32>} : memref<128x128xf32, #tpu.memory_space<vmem>>, vector<1x16xf32>,
          %parallel_loop3A_1600 = vector.shape_cast %parallel_loop3A_1599 : vector<1x16xf32> to vector<16xf32>
          %parallel_loop3A_1601 = vector.broadcast %parallel_loop3A_1592 : f32 to vector<16xf32>
          %parallel_loop3A_1602 = arith.mulf %parallel_loop3A_1600, %parallel_loop3A_1601 : vector<16xf32>
          %parallel_loop3A_1603 = arith.index_cast %parallel_loop3A_1596 : i32 to index
          %parallel_loop3A_1604 = arith.constant 0 : index
          %parallel_loop3A_1605 = tpu.vector_load %arg11[%parallel_loop3A_1603, %parallel_loop3A_1604] {strides = array<i32>} : memref<128x128xf32, #tpu.memory_space<vmem>>, vector<1x16xf32>,
          %parallel_loop3A_1606 = vector.shape_cast %parallel_loop3A_1605 : vector<1x16xf32> to vector<16xf32>
          %parallel_loop3A_1607 = vector.shape_cast %parallel_loop3A_1602 : vector<16xf32> to vector<1x16xf32>
          tpu.vector_store %arg11[%parallel_loop3A_1603, %parallel_loop3A_1604], %parallel_loop3A_1607 {strides = array<i32>} : memref<128x128xf32, #tpu.memory_space<vmem>>, vector<1x16xf32>,
          %parallel_loop3A_1608 = arith.index_cast %parallel_loop3A_1596 : i32 to index
          %parallel_loop3A_1609 = arith.constant 16 : index
          %parallel_loop3A_1610 = tpu.vector_load %arg11[%parallel_loop3A_1608, %parallel_loop3A_1609] {strides = array<i32>} : memref<128x128xf32, #tpu.memory_space<vmem>>, vector<1x16xf32>,
          %parallel_loop3A_1611 = vector.shape_cast %parallel_loop3A_1610 : vector<1x16xf32> to vector<16xf32>
          %parallel_loop3A_1612 = vector.broadcast %parallel_loop3A_1592 : f32 to vector<16xf32>
          %parallel_loop3A_1613 = arith.mulf %parallel_loop3A_1611, %parallel_loop3A_1612 : vector<16xf32>
          %parallel_loop3A_1614 = arith.index_cast %parallel_loop3A_1596 : i32 to index
          %parallel_loop3A_1615 = arith.constant 16 : index
          %parallel_loop3A_1616 = tpu.vector_load %arg11[%parallel_loop3A_1614, %parallel_loop3A_1615] {strides = array<i32>} : memref<128x128xf32, #tpu.memory_space<vmem>>, vector<1x16xf32>,
          %parallel_loop3A_1617 = vector.shape_cast %parallel_loop3A_1616 : vector<1x16xf32> to vector<16xf32>
          %parallel_loop3A_1618 = vector.shape_cast %parallel_loop3A_1613 : vector<16xf32> to vector<1x16xf32>
          tpu.vector_store %arg11[%parallel_loop3A_1614, %parallel_loop3A_1615], %parallel_loop3A_1618 {strides = array<i32>} : memref<128x128xf32, #tpu.memory_space<vmem>>, vector<1x16xf32>,
          %parallel_loop3A_1619 = arith.index_cast %parallel_loop3A_1596 : i32 to index
          %parallel_loop3A_1620 = arith.constant 32 : index
          %parallel_loop3A_1621 = tpu.vector_load %arg11[%parallel_loop3A_1619, %parallel_loop3A_1620] {strides = array<i32>} : memref<128x128xf32, #tpu.memory_space<vmem>>, vector<1x16xf32>,
          %parallel_loop3A_1622 = vector.shape_cast %parallel_loop3A_1621 : vector<1x16xf32> to vector<16xf32>
          %parallel_loop3A_1623 = vector.broadcast %parallel_loop3A_1592 : f32 to vector<16xf32>
          %parallel_loop3A_1624 = arith.mulf %parallel_loop3A_1622, %parallel_loop3A_1623 : vector<16xf32>
          %parallel_loop3A_1625 = arith.index_cast %parallel_loop3A_1596 : i32 to index
          %parallel_loop3A_1626 = arith.constant 32 : index
          %parallel_loop3A_1627 = tpu.vector_load %arg11[%parallel_loop3A_1625, %parallel_loop3A_1626] {strides = array<i32>} : memref<128x128xf32, #tpu.memory_space<vmem>>, vector<1x16xf32>,
          %parallel_loop3A_1628 = vector.shape_cast %parallel_loop3A_1627 : vector<1x16xf32> to vector<16xf32>
          %parallel_loop3A_1629 = vector.shape_cast %parallel_loop3A_1624 : vector<16xf32> to vector<1x16xf32>
          tpu.vector_store %arg11[%parallel_loop3A_1625, %parallel_loop3A_1626], %parallel_loop3A_1629 {strides = array<i32>} : memref<128x128xf32, #tpu.memory_space<vmem>>, vector<1x16xf32>,
          %parallel_loop3A_1630 = arith.index_cast %parallel_loop3A_1596 : i32 to index
          %parallel_loop3A_1631 = arith.constant 48 : index
          %parallel_loop3A_1632 = tpu.vector_load %arg11[%parallel_loop3A_1630, %parallel_loop3A_1631] {strides = array<i32>} : memref<128x128xf32, #tpu.memory_space<vmem>>, vector<1x16xf32>,
          %parallel_loop3A_1633 = vector.shape_cast %parallel_loop3A_1632 : vector<1x16xf32> to vector<16xf32>
          %parallel_loop3A_1634 = vector.broadcast %parallel_loop3A_1592 : f32 to vector<16xf32>
          %parallel_loop3A_1635 = arith.mulf %parallel_loop3A_1633, %parallel_loop3A_1634 : vector<16xf32>
          %parallel_loop3A_1636 = arith.index_cast %parallel_loop3A_1596 : i32 to index
          %parallel_loop3A_1637 = arith.constant 48 : index
          %parallel_loop3A_1638 = tpu.vector_load %arg11[%parallel_loop3A_1636, %parallel_loop3A_1637] {strides = array<i32>} : memref<128x128xf32, #tpu.memory_space<vmem>>, vector<1x16xf32>,
          %parallel_loop3A_1639 = vector.shape_cast %parallel_loop3A_1638 : vector<1x16xf32> to vector<16xf32>
          %parallel_loop3A_1640 = vector.shape_cast %parallel_loop3A_1635 : vector<16xf32> to vector<1x16xf32>
          tpu.vector_store %arg11[%parallel_loop3A_1636, %parallel_loop3A_1637], %parallel_loop3A_1640 {strides = array<i32>} : memref<128x128xf32, #tpu.memory_space<vmem>>, vector<1x16xf32>,
          %parallel_loop3A_1641 = arith.index_cast %parallel_loop3A_1596 : i32 to index
          %parallel_loop3A_1642 = arith.constant 64 : index
          %parallel_loop3A_1643 = tpu.vector_load %arg11[%parallel_loop3A_1641, %parallel_loop3A_1642] {strides = array<i32>} : memref<128x128xf32, #tpu.memory_space<vmem>>, vector<1x16xf32>,
          %parallel_loop3A_1644 = vector.shape_cast %parallel_loop3A_1643 : vector<1x16xf32> to vector<16xf32>
          %parallel_loop3A_1645 = vector.broadcast %parallel_loop3A_1592 : f32 to vector<16xf32>
          %parallel_loop3A_1646 = arith.mulf %parallel_loop3A_1644, %parallel_loop3A_1645 : vector<16xf32>
          %parallel_loop3A_1647 = arith.index_cast %parallel_loop3A_1596 : i32 to index
          %parallel_loop3A_1648 = arith.constant 64 : index
          %parallel_loop3A_1649 = tpu.vector_load %arg11[%parallel_loop3A_1647, %parallel_loop3A_1648] {strides = array<i32>} : memref<128x128xf32, #tpu.memory_space<vmem>>, vector<1x16xf32>,
          %parallel_loop3A_1650 = vector.shape_cast %parallel_loop3A_1649 : vector<1x16xf32> to vector<16xf32>
          %parallel_loop3A_1651 = vector.shape_cast %parallel_loop3A_1646 : vector<16xf32> to vector<1x16xf32>
          tpu.vector_store %arg11[%parallel_loop3A_1647, %parallel_loop3A_1648], %parallel_loop3A_1651 {strides = array<i32>} : memref<128x128xf32, #tpu.memory_space<vmem>>, vector<1x16xf32>,
          %parallel_loop3A_1652 = arith.index_cast %parallel_loop3A_1596 : i32 to index
          %parallel_loop3A_1653 = arith.constant 80 : index
          %parallel_loop3A_1654 = tpu.vector_load %arg11[%parallel_loop3A_1652, %parallel_loop3A_1653] {strides = array<i32>} : memref<128x128xf32, #tpu.memory_space<vmem>>, vector<1x16xf32>,
          %parallel_loop3A_1655 = vector.shape_cast %parallel_loop3A_1654 : vector<1x16xf32> to vector<16xf32>
          %parallel_loop3A_1656 = vector.broadcast %parallel_loop3A_1592 : f32 to vector<16xf32>
          %parallel_loop3A_1657 = arith.mulf %parallel_loop3A_1655, %parallel_loop3A_1656 : vector<16xf32>
          %parallel_loop3A_1658 = arith.index_cast %parallel_loop3A_1596 : i32 to index
          %parallel_loop3A_1659 = arith.constant 80 : index
          %parallel_loop3A_1660 = tpu.vector_load %arg11[%parallel_loop3A_1658, %parallel_loop3A_1659] {strides = array<i32>} : memref<128x128xf32, #tpu.memory_space<vmem>>, vector<1x16xf32>,
          %parallel_loop3A_1661 = vector.shape_cast %parallel_loop3A_1660 : vector<1x16xf32> to vector<16xf32>
          %parallel_loop3A_1662 = vector.shape_cast %parallel_loop3A_1657 : vector<16xf32> to vector<1x16xf32>
          tpu.vector_store %arg11[%parallel_loop3A_1658, %parallel_loop3A_1659], %parallel_loop3A_1662 {strides = array<i32>} : memref<128x128xf32, #tpu.memory_space<vmem>>, vector<1x16xf32>,
          %parallel_loop3A_1663 = arith.index_cast %parallel_loop3A_1596 : i32 to index
          %parallel_loop3A_1664 = arith.constant 96 : index
          %parallel_loop3A_1665 = tpu.vector_load %arg11[%parallel_loop3A_1663, %parallel_loop3A_1664] {strides = array<i32>} : memref<128x128xf32, #tpu.memory_space<vmem>>, vector<1x16xf32>,
          %parallel_loop3A_1666 = vector.shape_cast %parallel_loop3A_1665 : vector<1x16xf32> to vector<16xf32>
          %parallel_loop3A_1667 = vector.broadcast %parallel_loop3A_1592 : f32 to vector<16xf32>
          %parallel_loop3A_1668 = arith.mulf %parallel_loop3A_1666, %parallel_loop3A_1667 : vector<16xf32>
          %parallel_loop3A_1669 = arith.index_cast %parallel_loop3A_1596 : i32 to index
          %parallel_loop3A_1670 = arith.constant 96 : index
          %parallel_loop3A_1671 = tpu.vector_load %arg11[%parallel_loop3A_1669, %parallel_loop3A_1670] {strides = array<i32>} : memref<128x128xf32, #tpu.memory_space<vmem>>, vector<1x16xf32>,
          %parallel_loop3A_1672 = vector.shape_cast %parallel_loop3A_1671 : vector<1x16xf32> to vector<16xf32>
          %parallel_loop3A_1673 = vector.shape_cast %parallel_loop3A_1668 : vector<16xf32> to vector<1x16xf32>
          tpu.vector_store %arg11[%parallel_loop3A_1669, %parallel_loop3A_1670], %parallel_loop3A_1673 {strides = array<i32>} : memref<128x128xf32, #tpu.memory_space<vmem>>, vector<1x16xf32>,
          %parallel_loop3A_1674 = arith.index_cast %parallel_loop3A_1596 : i32 to index
          %parallel_loop3A_1675 = arith.constant 112 : index
          %parallel_loop3A_1676 = tpu.vector_load %arg11[%parallel_loop3A_1674, %parallel_loop3A_1675] {strides = array<i32>} : memref<128x128xf32, #tpu.memory_space<vmem>>, vector<1x16xf32>,
          %parallel_loop3A_1677 = vector.shape_cast %parallel_loop3A_1676 : vector<1x16xf32> to vector<16xf32>
          %parallel_loop3A_1678 = vector.broadcast %parallel_loop3A_1592 : f32 to vector<16xf32>
          %parallel_loop3A_1679 = arith.mulf %parallel_loop3A_1677, %parallel_loop3A_1678 : vector<16xf32>
          %parallel_loop3A_1680 = arith.index_cast %parallel_loop3A_1596 : i32 to index
          %parallel_loop3A_1681 = arith.constant 112 : index
          %parallel_loop3A_1682 = tpu.vector_load %arg11[%parallel_loop3A_1680, %parallel_loop3A_1681] {strides = array<i32>} : memref<128x128xf32, #tpu.memory_space<vmem>>, vector<1x16xf32>,
          %parallel_loop3A_1683 = vector.shape_cast %parallel_loop3A_1682 : vector<1x16xf32> to vector<16xf32>
          %parallel_loop3A_1684 = vector.shape_cast %parallel_loop3A_1679 : vector<16xf32> to vector<1x16xf32>
          tpu.vector_store %arg11[%parallel_loop3A_1680, %parallel_loop3A_1681], %parallel_loop3A_1684 {strides = array<i32>} : memref<128x128xf32, #tpu.memory_space<vmem>>, vector<1x16xf32>,
        } {sc.loop_unroll_factor = 2 : i64, sc.parallel_access}
        "tpu.trace_stop"() : () -> ()
        %add3A_161 = arith.constant 2 : i32
        %add3A_162 = arith.addi %mul3A_129, %add3A_161 : i32
        %lt3A_163 = arith.constant 16 : i32
        %lt3A_164 = arith.cmpi slt, %add3A_162, %lt3A_163 : i32
        %convert_element_type3A_165 = arith.extui %lt3A_164 : i1 to i32
        %cond3A_166 = arith.constant 0 : i32
        %cond3A_167 = arith.cmpi ne, %convert_element_type3A_165, %cond3A_166 : i32
        scf.if %cond3A_167 {
          "tpu.trace_start"() <{level = 10 : i32, message = "swait"}> : () -> ()
          %dma_wait3A_174 = arith.constant 0 : i32
          %dma_wait3A_175 = tpu.memref_slice %arg8[%mul3A_129, %dma_wait3A_174] : memref<16x128xi32, #tpu.memory_space<vmem>> -> memref<1x128xi32, #tpu.memory_space<vmem>>
          %dma_wait3A_176 = tpu.memref_squeeze %dma_wait3A_175 : memref<1x128xi32, #tpu.memory_space<vmem>> -> memref<128xi32, #tpu.memory_space<vmem>>
          %dma_wait3A_177 = arith.constant 0 : i32
          %dma_wait3A_178 = arith.constant 0 : i32
          %dma_wait3A_179 = tpu.memref_slice %arg12[%dma_wait3A_177, %dma_wait3A_178] : memref<10000x128xf32, #tpu.memory_space<vmem_shared>> -> memref<10000x128xf32, #tpu.memory_space<vmem_shared>>
          tpu.wait_indirect_dma semaphore(%arg15 : memref<!tpu.dma_semaphore, #tpu.memory_space<semaphore_mem>>) src(%arg10 : memref<128x128xf32, #tpu.memory_space<vmem>>) dst(%dma_wait3A_179 : memref<10000x128xf32, #tpu.memory_space<vmem_shared>>)
          "tpu.trace_stop"() : () -> ()
          %add3A_180 = arith.constant 2 : i32
          %add3A_181 = arith.addi %mul3A_129, %add3A_180 : i32
          %dma_start3A_182 = arith.constant 0 : i32
          %dma_start3A_183 = tpu.memref_slice %arg7[%add3A_181, %dma_start3A_182] : memref<16x128xi32, #tpu.memory_space<vmem>> -> memref<1x128xi32, #tpu.memory_space<vmem>>
          %dma_start3A_184 = tpu.memref_squeeze %dma_start3A_183 : memref<1x128xi32, #tpu.memory_space<vmem>> -> memref<128xi32, #tpu.memory_space<vmem>>
          %dma_start3A_185 = arith.constant 0 : i32
          %dma_start3A_186 = arith.constant 0 : i32
          %dma_start3A_187 = tpu.memref_slice %arg2[%dma_start3A_185, %dma_start3A_186] : memref<10000x128xf32, #tpu.memory_space<hbm>> -> memref<10000x128xf32, #tpu.memory_space<hbm>>
          tpu.enqueue_indirect_dma source(%dma_start3A_187 : memref<10000x128xf32, #tpu.memory_space<hbm>>) target(%arg10 : memref<128x128xf32, #tpu.memory_space<vmem>>) offsets(%dma_start3A_184 : memref<128xi32, #tpu.memory_space<vmem>>) semaphore(%arg13 : memref<!tpu.dma_semaphore, #tpu.memory_space<semaphore_mem>>)
        } else {
        }
        "tpu.trace_start"() <{level = 10 : i32, message = "scatter"}> : () -> ()
        %dma_start3A_168 = arith.constant 0 : i32
        %dma_start3A_169 = tpu.memref_slice %arg8[%add3A_133, %dma_start3A_168] : memref<16x128xi32, #tpu.memory_space<vmem>> -> memref<1x128xi32, #tpu.memory_space<vmem>>
        %dma_start3A_170 = tpu.memref_squeeze %dma_start3A_169 : memref<1x128xi32, #tpu.memory_space<vmem>> -> memref<128xi32, #tpu.memory_space<vmem>>
        %dma_start3A_171 = arith.constant 0 : i32
        %dma_start3A_172 = arith.constant 0 : i32
        %dma_start3A_173 = tpu.memref_slice %arg12[%dma_start3A_171, %dma_start3A_172] : memref<10000x128xf32, #tpu.memory_space<vmem_shared>> -> memref<10000x128xf32, #tpu.memory_space<vmem_shared>>
        tpu.enqueue_indirect_dma source(%arg11 : memref<128x128xf32, #tpu.memory_space<vmem>>) target(%dma_start3A_173 : memref<10000x128xf32, #tpu.memory_space<vmem_shared>>) offsets(%dma_start3A_170 : memref<128xi32, #tpu.memory_space<vmem>>) semaphore(%arg16 : memref<!tpu.dma_semaphore, #tpu.memory_space<semaphore_mem>>) {add = true}
        "tpu.trace_stop"() : () -> ()
      }
      %scan3A_112 = arith.constant 8 : i32
      %dma_wait3A_113 = arith.constant 14 : i32
      %dma_wait3A_114 = arith.constant 0 : i32
      %dma_wait3A_115 = tpu.memref_slice %arg8[%dma_wait3A_113, %dma_wait3A_114] : memref<16x128xi32, #tpu.memory_space<vmem>> -> memref<1x128xi32, #tpu.memory_space<vmem>>
      %dma_wait3A_116 = tpu.memref_squeeze %dma_wait3A_115 : memref<1x128xi32, #tpu.memory_space<vmem>> -> memref<128xi32, #tpu.memory_space<vmem>>
      %dma_wait3A_117 = arith.constant 0 : i32
      %dma_wait3A_118 = arith.constant 0 : i32
      %dma_wait3A_119 = tpu.memref_slice %arg12[%dma_wait3A_117, %dma_wait3A_118] : memref<10000x128xf32, #tpu.memory_space<vmem_shared>> -> memref<10000x128xf32, #tpu.memory_space<vmem_shared>>
      tpu.wait_indirect_dma semaphore(%arg15 : memref<!tpu.dma_semaphore, #tpu.memory_space<semaphore_mem>>) src(%arg10 : memref<128x128xf32, #tpu.memory_space<vmem>>) dst(%dma_wait3A_119 : memref<10000x128xf32, #tpu.memory_space<vmem_shared>>)
      %dma_wait3A_120 = arith.constant 15 : i32
      %dma_wait3A_121 = arith.constant 0 : i32
      %dma_wait3A_122 = tpu.memref_slice %arg8[%dma_wait3A_120, %dma_wait3A_121] : memref<16x128xi32, #tpu.memory_space<vmem>> -> memref<1x128xi32, #tpu.memory_space<vmem>>
      %dma_wait3A_123 = tpu.memref_squeeze %dma_wait3A_122 : memref<1x128xi32, #tpu.memory_space<vmem>> -> memref<128xi32, #tpu.memory_space<vmem>>
      %dma_wait3A_124 = arith.constant 0 : i32
      %dma_wait3A_125 = arith.constant 0 : i32
      %dma_wait3A_126 = tpu.memref_slice %arg12[%dma_wait3A_124, %dma_wait3A_125] : memref<10000x128xf32, #tpu.memory_space<vmem_shared>> -> memref<10000x128xf32, #tpu.memory_space<vmem_shared>>
      tpu.wait_indirect_dma semaphore(%arg16 : memref<!tpu.dma_semaphore, #tpu.memory_space<semaphore_mem>>) src(%arg11 : memref<128x128xf32, #tpu.memory_space<vmem>>) dst(%dma_wait3A_126 : memref<10000x128xf32, #tpu.memory_space<vmem_shared>>)
    }
    %scan3A_13 = arith.constant 5 : i32
    %barrier3A_14 = arith.constant 0 : index
    tpu.barrier barrier_id(%barrier3A_14)
    %lt3A_15 = arith.constant 10 : i32
    "tpu.trace_start"() <{level = 10 : i32, message = "drain"}> : () -> ()
    %lt3A_16 = arith.cmpi slt, %arg1, %lt3A_15 : i32
    %convert_element_type3A_17 = arith.extui %lt3A_16 : i1 to i32
    %cond3A_18 = arith.constant 0 : i32
    %cond3A_19 = arith.cmpi ne, %convert_element_type3A_17, %cond3A_18 : i32
    scf.if %cond3A_19 {
      %mul3A_20 = arith.constant 1000 : i32
      %mul3A_21 = arith.muli %arg1, %mul3A_20 : i32
      %add3A_22 = arith.constant 0 : i32
      %add3A_23 = arith.addi %mul3A_21, %add3A_22 : i32
      "tpu.region"() ({
        %run_scoped3A = tpu.sem_alloc : memref<!tpu.dma_semaphore, #tpu.memory_space<semaphore_mem>>
        %dma_start3A = arith.constant 0 : i32
        %dma_start3A_40 = arith.constant 0 : i32
        %dma_start3A_41 = tpu.memref_slice %arg6[%arg0, %dma_start3A, %dma_start3A_40] : memref<2x10000x128xf32, #tpu.memory_space<hbm>> -> memref<1x10000x128xf32, #tpu.memory_space<hbm>>
        %dma_start3A_42 = tpu.memref_squeeze %dma_start3A_41 : memref<1x10000x128xf32, #tpu.memory_space<hbm>> -> memref<10000x128xf32, #tpu.memory_space<hbm>>
        %dma_start3A_43 = arith.constant 0 : i32
        %dma_start3A_44 = tpu.memref_slice %dma_start3A_42[%add3A_23, %dma_start3A_43] : memref<10000x128xf32, #tpu.memory_space<hbm>> -> memref<200x128xf32, #tpu.memory_space<hbm>>
        %dma_start3A_45 = arith.constant 0 : i32
        %dma_start3A_46 = tpu.memref_slice %arg12[%add3A_23, %dma_start3A_45] : memref<10000x128xf32, #tpu.memory_space<vmem_shared>> -> memref<200x128xf32, #tpu.memory_space<vmem_shared>>
        tpu.enqueue_dma source(%dma_start3A_46 : memref<200x128xf32, #tpu.memory_space<vmem_shared>>) target(%dma_start3A_44 : memref<200x128xf32, #tpu.memory_space<hbm>>) target_semaphore(%run_scoped3A : memref<!tpu.dma_semaphore, #tpu.memory_space<semaphore_mem>>)
        %dma_wait3A = arith.constant 0 : i32
        %dma_wait3A_47 = arith.constant 0 : i32
        %dma_wait3A_48 = tpu.memref_slice %arg6[%arg0, %dma_wait3A, %dma_wait3A_47] : memref<2x10000x128xf32, #tpu.memory_space<hbm>> -> memref<1x10000x128xf32, #tpu.memory_space<hbm>>
        %dma_wait3A_49 = tpu.memref_squeeze %dma_wait3A_48 : memref<1x10000x128xf32, #tpu.memory_space<hbm>> -> memref<10000x128xf32, #tpu.memory_space<hbm>>
        %dma_wait3A_50 = arith.constant 0 : i32
        %dma_wait3A_51 = tpu.memref_slice %dma_wait3A_49[%add3A_23, %dma_wait3A_50] : memref<10000x128xf32, #tpu.memory_space<hbm>> -> memref<200x128xf32, #tpu.memory_space<hbm>>
        %dma_wait3A_52 = arith.constant 0 : i32
        %dma_wait3A_53 = tpu.memref_slice %arg12[%add3A_23, %dma_wait3A_52] : memref<10000x128xf32, #tpu.memory_space<vmem_shared>> -> memref<200x128xf32, #tpu.memory_space<vmem_shared>>
        tpu.wait_dma2 semaphore(%run_scoped3A : memref<!tpu.dma_semaphore, #tpu.memory_space<semaphore_mem>>) src(%dma_wait3A_53 : memref<200x128xf32, #tpu.memory_space<vmem_shared>>) dst(%dma_wait3A_51 : memref<200x128xf32, #tpu.memory_space<hbm>>)
        tpu.yield
      }) : () -> ()
      %mul3A_24 = arith.constant 1000 : i32
      %mul3A_25 = arith.muli %arg1, %mul3A_24 : i32
      %add3A_26 = arith.constant 200 : i32
      %add3A_27 = arith.addi %mul3A_25, %add3A_26 : i32
      "tpu.region"() ({
        %run_scoped3A = tpu.sem_alloc : memref<!tpu.dma_semaphore, #tpu.memory_space<semaphore_mem>>
        %dma_start3A = arith.constant 0 : i32
        %dma_start3A_40 = arith.constant 0 : i32
        %dma_start3A_41 = tpu.memref_slice %arg6[%arg0, %dma_start3A, %dma_start3A_40] : memref<2x10000x128xf32, #tpu.memory_space<hbm>> -> memref<1x10000x128xf32, #tpu.memory_space<hbm>>
        %dma_start3A_42 = tpu.memref_squeeze %dma_start3A_41 : memref<1x10000x128xf32, #tpu.memory_space<hbm>> -> memref<10000x128xf32, #tpu.memory_space<hbm>>
        %dma_start3A_43 = arith.constant 0 : i32
        %dma_start3A_44 = tpu.memref_slice %dma_start3A_42[%add3A_27, %dma_start3A_43] : memref<10000x128xf32, #tpu.memory_space<hbm>> -> memref<200x128xf32, #tpu.memory_space<hbm>>
        %dma_start3A_45 = arith.constant 0 : i32
        %dma_start3A_46 = tpu.memref_slice %arg12[%add3A_27, %dma_start3A_45] : memref<10000x128xf32, #tpu.memory_space<vmem_shared>> -> memref<200x128xf32, #tpu.memory_space<vmem_shared>>
        tpu.enqueue_dma source(%dma_start3A_46 : memref<200x128xf32, #tpu.memory_space<vmem_shared>>) target(%dma_start3A_44 : memref<200x128xf32, #tpu.memory_space<hbm>>) target_semaphore(%run_scoped3A : memref<!tpu.dma_semaphore, #tpu.memory_space<semaphore_mem>>)
        %dma_wait3A = arith.constant 0 : i32
        %dma_wait3A_47 = arith.constant 0 : i32
        %dma_wait3A_48 = tpu.memref_slice %arg6[%arg0, %dma_wait3A, %dma_wait3A_47] : memref<2x10000x128xf32, #tpu.memory_space<hbm>> -> memref<1x10000x128xf32, #tpu.memory_space<hbm>>
        %dma_wait3A_49 = tpu.memref_squeeze %dma_wait3A_48 : memref<1x10000x128xf32, #tpu.memory_space<hbm>> -> memref<10000x128xf32, #tpu.memory_space<hbm>>
        %dma_wait3A_50 = arith.constant 0 : i32
        %dma_wait3A_51 = tpu.memref_slice %dma_wait3A_49[%add3A_27, %dma_wait3A_50] : memref<10000x128xf32, #tpu.memory_space<hbm>> -> memref<200x128xf32, #tpu.memory_space<hbm>>
        %dma_wait3A_52 = arith.constant 0 : i32
        %dma_wait3A_53 = tpu.memref_slice %arg12[%add3A_27, %dma_wait3A_52] : memref<10000x128xf32, #tpu.memory_space<vmem_shared>> -> memref<200x128xf32, #tpu.memory_space<vmem_shared>>
        tpu.wait_dma2 semaphore(%run_scoped3A : memref<!tpu.dma_semaphore, #tpu.memory_space<semaphore_mem>>) src(%dma_wait3A_53 : memref<200x128xf32, #tpu.memory_space<vmem_shared>>) dst(%dma_wait3A_51 : memref<200x128xf32, #tpu.memory_space<hbm>>)
        tpu.yield
      }) : () -> ()
      %mul3A_28 = arith.constant 1000 : i32
      %mul3A_29 = arith.muli %arg1, %mul3A_28 : i32
      %add3A_30 = arith.constant 400 : i32
      %add3A_31 = arith.addi %mul3A_29, %add3A_30 : i32
      "tpu.region"() ({
        %run_scoped3A = tpu.sem_alloc : memref<!tpu.dma_semaphore, #tpu.memory_space<semaphore_mem>>
        %dma_start3A = arith.constant 0 : i32
        %dma_start3A_40 = arith.constant 0 : i32
        %dma_start3A_41 = tpu.memref_slice %arg6[%arg0, %dma_start3A, %dma_start3A_40] : memref<2x10000x128xf32, #tpu.memory_space<hbm>> -> memref<1x10000x128xf32, #tpu.memory_space<hbm>>
        %dma_start3A_42 = tpu.memref_squeeze %dma_start3A_41 : memref<1x10000x128xf32, #tpu.memory_space<hbm>> -> memref<10000x128xf32, #tpu.memory_space<hbm>>
        %dma_start3A_43 = arith.constant 0 : i32
        %dma_start3A_44 = tpu.memref_slice %dma_start3A_42[%add3A_31, %dma_start3A_43] : memref<10000x128xf32, #tpu.memory_space<hbm>> -> memref<200x128xf32, #tpu.memory_space<hbm>>
        %dma_start3A_45 = arith.constant 0 : i32
        %dma_start3A_46 = tpu.memref_slice %arg12[%add3A_31, %dma_start3A_45] : memref<10000x128xf32, #tpu.memory_space<vmem_shared>> -> memref<200x128xf32, #tpu.memory_space<vmem_shared>>
        tpu.enqueue_dma source(%dma_start3A_46 : memref<200x128xf32, #tpu.memory_space<vmem_shared>>) target(%dma_start3A_44 : memref<200x128xf32, #tpu.memory_space<hbm>>) target_semaphore(%run_scoped3A : memref<!tpu.dma_semaphore, #tpu.memory_space<semaphore_mem>>)
        %dma_wait3A = arith.constant 0 : i32
        %dma_wait3A_47 = arith.constant 0 : i32
        %dma_wait3A_48 = tpu.memref_slice %arg6[%arg0, %dma_wait3A, %dma_wait3A_47] : memref<2x10000x128xf32, #tpu.memory_space<hbm>> -> memref<1x10000x128xf32, #tpu.memory_space<hbm>>
        %dma_wait3A_49 = tpu.memref_squeeze %dma_wait3A_48 : memref<1x10000x128xf32, #tpu.memory_space<hbm>> -> memref<10000x128xf32, #tpu.memory_space<hbm>>
        %dma_wait3A_50 = arith.constant 0 : i32
        %dma_wait3A_51 = tpu.memref_slice %dma_wait3A_49[%add3A_31, %dma_wait3A_50] : memref<10000x128xf32, #tpu.memory_space<hbm>> -> memref<200x128xf32, #tpu.memory_space<hbm>>
        %dma_wait3A_52 = arith.constant 0 : i32
        %dma_wait3A_53 = tpu.memref_slice %arg12[%add3A_31, %dma_wait3A_52] : memref<10000x128xf32, #tpu.memory_space<vmem_shared>> -> memref<200x128xf32, #tpu.memory_space<vmem_shared>>
        tpu.wait_dma2 semaphore(%run_scoped3A : memref<!tpu.dma_semaphore, #tpu.memory_space<semaphore_mem>>) src(%dma_wait3A_53 : memref<200x128xf32, #tpu.memory_space<vmem_shared>>) dst(%dma_wait3A_51 : memref<200x128xf32, #tpu.memory_space<hbm>>)
        tpu.yield
      }) : () -> ()
      %mul3A_32 = arith.constant 1000 : i32
      %mul3A_33 = arith.muli %arg1, %mul3A_32 : i32
      %add3A_34 = arith.constant 600 : i32
      %add3A_35 = arith.addi %mul3A_33, %add3A_34 : i32
      "tpu.region"() ({
        %run_scoped3A = tpu.sem_alloc : memref<!tpu.dma_semaphore, #tpu.memory_space<semaphore_mem>>
        %dma_start3A = arith.constant 0 : i32
        %dma_start3A_40 = arith.constant 0 : i32
        %dma_start3A_41 = tpu.memref_slice %arg6[%arg0, %dma_start3A, %dma_start3A_40] : memref<2x10000x128xf32, #tpu.memory_space<hbm>> -> memref<1x10000x128xf32, #tpu.memory_space<hbm>>
        %dma_start3A_42 = tpu.memref_squeeze %dma_start3A_41 : memref<1x10000x128xf32, #tpu.memory_space<hbm>> -> memref<10000x128xf32, #tpu.memory_space<hbm>>
        %dma_start3A_43 = arith.constant 0 : i32
        %dma_start3A_44 = tpu.memref_slice %dma_start3A_42[%add3A_35, %dma_start3A_43] : memref<10000x128xf32, #tpu.memory_space<hbm>> -> memref<200x128xf32, #tpu.memory_space<hbm>>
        %dma_start3A_45 = arith.constant 0 : i32
        %dma_start3A_46 = tpu.memref_slice %arg12[%add3A_35, %dma_start3A_45] : memref<10000x128xf32, #tpu.memory_space<vmem_shared>> -> memref<200x128xf32, #tpu.memory_space<vmem_shared>>
        tpu.enqueue_dma source(%dma_start3A_46 : memref<200x128xf32, #tpu.memory_space<vmem_shared>>) target(%dma_start3A_44 : memref<200x128xf32, #tpu.memory_space<hbm>>) target_semaphore(%run_scoped3A : memref<!tpu.dma_semaphore, #tpu.memory_space<semaphore_mem>>)
        %dma_wait3A = arith.constant 0 : i32
        %dma_wait3A_47 = arith.constant 0 : i32
        %dma_wait3A_48 = tpu.memref_slice %arg6[%arg0, %dma_wait3A, %dma_wait3A_47] : memref<2x10000x128xf32, #tpu.memory_space<hbm>> -> memref<1x10000x128xf32, #tpu.memory_space<hbm>>
        %dma_wait3A_49 = tpu.memref_squeeze %dma_wait3A_48 : memref<1x10000x128xf32, #tpu.memory_space<hbm>> -> memref<10000x128xf32, #tpu.memory_space<hbm>>
        %dma_wait3A_50 = arith.constant 0 : i32
        %dma_wait3A_51 = tpu.memref_slice %dma_wait3A_49[%add3A_35, %dma_wait3A_50] : memref<10000x128xf32, #tpu.memory_space<hbm>> -> memref<200x128xf32, #tpu.memory_space<hbm>>
        %dma_wait3A_52 = arith.constant 0 : i32
        %dma_wait3A_53 = tpu.memref_slice %arg12[%add3A_35, %dma_wait3A_52] : memref<10000x128xf32, #tpu.memory_space<vmem_shared>> -> memref<200x128xf32, #tpu.memory_space<vmem_shared>>
        tpu.wait_dma2 semaphore(%run_scoped3A : memref<!tpu.dma_semaphore, #tpu.memory_space<semaphore_mem>>) src(%dma_wait3A_53 : memref<200x128xf32, #tpu.memory_space<vmem_shared>>) dst(%dma_wait3A_51 : memref<200x128xf32, #tpu.memory_space<hbm>>)
        tpu.yield
      }) : () -> ()
      %mul3A_36 = arith.constant 1000 : i32
      %mul3A_37 = arith.muli %arg1, %mul3A_36 : i32
      %add3A_38 = arith.constant 800 : i32
      %add3A_39 = arith.addi %mul3A_37, %add3A_38 : i32
      "tpu.region"() ({
        %run_scoped3A = tpu.sem_alloc : memref<!tpu.dma_semaphore, #tpu.memory_space<semaphore_mem>>
        %dma_start3A = arith.constant 0 : i32
        %dma_start3A_40 = arith.constant 0 : i32
        %dma_start3A_41 = tpu.memref_slice %arg6[%arg0, %dma_start3A, %dma_start3A_40] : memref<2x10000x128xf32, #tpu.memory_space<hbm>> -> memref<1x10000x128xf32, #tpu.memory_space<hbm>>
        %dma_start3A_42 = tpu.memref_squeeze %dma_start3A_41 : memref<1x10000x128xf32, #tpu.memory_space<hbm>> -> memref<10000x128xf32, #tpu.memory_space<hbm>>
        %dma_start3A_43 = arith.constant 0 : i32
        %dma_start3A_44 = tpu.memref_slice %dma_start3A_42[%add3A_39, %dma_start3A_43] : memref<10000x128xf32, #tpu.memory_space<hbm>> -> memref<200x128xf32, #tpu.memory_space<hbm>>
        %dma_start3A_45 = arith.constant 0 : i32
        %dma_start3A_46 = tpu.memref_slice %arg12[%add3A_39, %dma_start3A_45] : memref<10000x128xf32, #tpu.memory_space<vmem_shared>> -> memref<200x128xf32, #tpu.memory_space<vmem_shared>>
        tpu.enqueue_dma source(%dma_start3A_46 : memref<200x128xf32, #tpu.memory_space<vmem_shared>>) target(%dma_start3A_44 : memref<200x128xf32, #tpu.memory_space<hbm>>) target_semaphore(%run_scoped3A : memref<!tpu.dma_semaphore, #tpu.memory_space<semaphore_mem>>)
        %dma_wait3A = arith.constant 0 : i32
        %dma_wait3A_47 = arith.constant 0 : i32
        %dma_wait3A_48 = tpu.memref_slice %arg6[%arg0, %dma_wait3A, %dma_wait3A_47] : memref<2x10000x128xf32, #tpu.memory_space<hbm>> -> memref<1x10000x128xf32, #tpu.memory_space<hbm>>
        %dma_wait3A_49 = tpu.memref_squeeze %dma_wait3A_48 : memref<1x10000x128xf32, #tpu.memory_space<hbm>> -> memref<10000x128xf32, #tpu.memory_space<hbm>>
        %dma_wait3A_50 = arith.constant 0 : i32
        %dma_wait3A_51 = tpu.memref_slice %dma_wait3A_49[%add3A_39, %dma_wait3A_50] : memref<10000x128xf32, #tpu.memory_space<hbm>> -> memref<200x128xf32, #tpu.memory_space<hbm>>
        %dma_wait3A_52 = arith.constant 0 : i32
        %dma_wait3A_53 = tpu.memref_slice %arg12[%add3A_39, %dma_wait3A_52] : memref<10000x128xf32, #tpu.memory_space<vmem_shared>> -> memref<200x128xf32, #tpu.memory_space<vmem_shared>>
        tpu.wait_dma2 semaphore(%run_scoped3A : memref<!tpu.dma_semaphore, #tpu.memory_space<semaphore_mem>>) src(%dma_wait3A_53 : memref<200x128xf32, #tpu.memory_space<vmem_shared>>) dst(%dma_wait3A_51 : memref<200x128xf32, #tpu.memory_space<hbm>>)
        tpu.yield
      }) : () -> ()
    } else {
    }
    "tpu.trace_stop"() : () -> ()
    return
  }
}

#map = affine_map<(d0, d1) -> (0, 0, 0)>
module attributes {stable_mosaic.version = 14 : i64} {
  func.func @_deg_call(%arg0: i32, %arg1: i32, %arg2: memref<32x80x128xi32, #tpu.memory_space<hbm>>, %arg3: memref<32x80x128xf32, #tpu.memory_space<hbm>>, %arg4: memref<2x10x1024xf32, #tpu.memory_space<hbm>>, %arg5: memref<80x128xi32, #tpu.memory_space<vmem>>, %arg6: memref<80x128xf32, #tpu.memory_space<vmem>>, %arg7: memref<1024xf32, #tpu.memory_space<vmem>>, %arg8: memref<10240xf32, #tpu.memory_space<vmem_shared>>, %arg9: memref<!tpu.dma_semaphore, #tpu.memory_space<semaphore_mem>>) attributes {dimension_semantics = [#tpu.dimension_semantics<core_parallel>, #tpu.dimension_semantics<subcore_parallel>], iteration_bounds = array<i64: 2, 16>, scalar_prefetch = 0 : i64, scratch_operands = 5 : i64, tpu.core_type = #tpu.core_type<sc_vector_subcore>, window_params = [{transform_indices = #map}, {transform_indices = #map}, {transform_indices = #map}]} {
    %mul3A = arith.constant 16 : i32
    %mul3A_0 = arith.muli %arg0, %mul3A : i32
    %add3A = arith.addi %mul3A_0, %arg1 : i32
    "tpu.region"() ({
      %run_scoped3A = tpu.sem_alloc : memref<!tpu.dma_semaphore, #tpu.memory_space<semaphore_mem>>
      %dma_start3A = arith.constant 0 : i32
      %dma_start3A_20 = arith.constant 0 : i32
      %dma_start3A_21 = tpu.memref_slice %arg2[%add3A, %dma_start3A, %dma_start3A_20] : memref<32x80x128xi32, #tpu.memory_space<hbm>> -> memref<1x80x128xi32, #tpu.memory_space<hbm>>
      %dma_start3A_22 = tpu.memref_squeeze %dma_start3A_21 : memref<1x80x128xi32, #tpu.memory_space<hbm>> -> memref<80x128xi32, #tpu.memory_space<hbm>>
      %dma_start3A_23 = arith.constant 0 : i32
      %dma_start3A_24 = arith.constant 0 : i32
      %dma_start3A_25 = tpu.memref_slice %arg2[%add3A, %dma_start3A_23, %dma_start3A_24] : memref<32x80x128xi32, #tpu.memory_space<hbm>> -> memref<1x80x128xi32, #tpu.memory_space<hbm>>
      %dma_start3A_26 = tpu.memref_squeeze %dma_start3A_25 : memref<1x80x128xi32, #tpu.memory_space<hbm>> -> memref<80x128xi32, #tpu.memory_space<hbm>>
      tpu.enqueue_dma source(%dma_start3A_26 : memref<80x128xi32, #tpu.memory_space<hbm>>) target(%arg5 : memref<80x128xi32, #tpu.memory_space<vmem>>) target_semaphore(%run_scoped3A : memref<!tpu.dma_semaphore, #tpu.memory_space<semaphore_mem>>)
      %dma_wait3A = arith.constant 0 : i32
      %dma_wait3A_27 = arith.constant 0 : i32
      %dma_wait3A_28 = tpu.memref_slice %arg2[%add3A, %dma_wait3A, %dma_wait3A_27] : memref<32x80x128xi32, #tpu.memory_space<hbm>> -> memref<1x80x128xi32, #tpu.memory_space<hbm>>
      %dma_wait3A_29 = tpu.memref_squeeze %dma_wait3A_28 : memref<1x80x128xi32, #tpu.memory_space<hbm>> -> memref<80x128xi32, #tpu.memory_space<hbm>>
      %dma_wait3A_30 = arith.constant 0 : i32
      %dma_wait3A_31 = arith.constant 0 : i32
      %dma_wait3A_32 = tpu.memref_slice %arg2[%add3A, %dma_wait3A_30, %dma_wait3A_31] : memref<32x80x128xi32, #tpu.memory_space<hbm>> -> memref<1x80x128xi32, #tpu.memory_space<hbm>>
      %dma_wait3A_33 = tpu.memref_squeeze %dma_wait3A_32 : memref<1x80x128xi32, #tpu.memory_space<hbm>> -> memref<80x128xi32, #tpu.memory_space<hbm>>
      tpu.wait_dma2 semaphore(%run_scoped3A : memref<!tpu.dma_semaphore, #tpu.memory_space<semaphore_mem>>) src(%dma_wait3A_33 : memref<80x128xi32, #tpu.memory_space<hbm>>) dst(%arg5 : memref<80x128xi32, #tpu.memory_space<vmem>>)
      tpu.yield
    }) : () -> ()
    "tpu.region"() ({
      %run_scoped3A = tpu.sem_alloc : memref<!tpu.dma_semaphore, #tpu.memory_space<semaphore_mem>>
      %dma_start3A = arith.constant 0 : i32
      %dma_start3A_20 = arith.constant 0 : i32
      %dma_start3A_21 = tpu.memref_slice %arg3[%add3A, %dma_start3A, %dma_start3A_20] : memref<32x80x128xf32, #tpu.memory_space<hbm>> -> memref<1x80x128xf32, #tpu.memory_space<hbm>>
      %dma_start3A_22 = tpu.memref_squeeze %dma_start3A_21 : memref<1x80x128xf32, #tpu.memory_space<hbm>> -> memref<80x128xf32, #tpu.memory_space<hbm>>
      %dma_start3A_23 = arith.constant 0 : i32
      %dma_start3A_24 = arith.constant 0 : i32
      %dma_start3A_25 = tpu.memref_slice %arg3[%add3A, %dma_start3A_23, %dma_start3A_24] : memref<32x80x128xf32, #tpu.memory_space<hbm>> -> memref<1x80x128xf32, #tpu.memory_space<hbm>>
      %dma_start3A_26 = tpu.memref_squeeze %dma_start3A_25 : memref<1x80x128xf32, #tpu.memory_space<hbm>> -> memref<80x128xf32, #tpu.memory_space<hbm>>
      tpu.enqueue_dma source(%dma_start3A_26 : memref<80x128xf32, #tpu.memory_space<hbm>>) target(%arg6 : memref<80x128xf32, #tpu.memory_space<vmem>>) target_semaphore(%run_scoped3A : memref<!tpu.dma_semaphore, #tpu.memory_space<semaphore_mem>>)
      %dma_wait3A = arith.constant 0 : i32
      %dma_wait3A_27 = arith.constant 0 : i32
      %dma_wait3A_28 = tpu.memref_slice %arg3[%add3A, %dma_wait3A, %dma_wait3A_27] : memref<32x80x128xf32, #tpu.memory_space<hbm>> -> memref<1x80x128xf32, #tpu.memory_space<hbm>>
      %dma_wait3A_29 = tpu.memref_squeeze %dma_wait3A_28 : memref<1x80x128xf32, #tpu.memory_space<hbm>> -> memref<80x128xf32, #tpu.memory_space<hbm>>
      %dma_wait3A_30 = arith.constant 0 : i32
      %dma_wait3A_31 = arith.constant 0 : i32
      %dma_wait3A_32 = tpu.memref_slice %arg3[%add3A, %dma_wait3A_30, %dma_wait3A_31] : memref<32x80x128xf32, #tpu.memory_space<hbm>> -> memref<1x80x128xf32, #tpu.memory_space<hbm>>
      %dma_wait3A_33 = tpu.memref_squeeze %dma_wait3A_32 : memref<1x80x128xf32, #tpu.memory_space<hbm>> -> memref<80x128xf32, #tpu.memory_space<hbm>>
      tpu.wait_dma2 semaphore(%run_scoped3A : memref<!tpu.dma_semaphore, #tpu.memory_space<semaphore_mem>>) src(%dma_wait3A_33 : memref<80x128xf32, #tpu.memory_space<hbm>>) dst(%arg6 : memref<80x128xf32, #tpu.memory_space<vmem>>)
      tpu.yield
    }) : () -> ()
    %scan3A = arith.constant 0 : i32
    %scan3A_1 = arith.constant 0 : i32
    %scan3A_2 = arith.constant 64 : i32
    %scan3A_3 = arith.addi %scan3A_1, %scan3A_2 : i32
    %scan3A_4 = arith.constant 1 : i32
    scf.for %scan3A_20 = %scan3A_1 to %scan3A_3 step %scan3A_4  : i32 {
      %broadcast_in_dim3A = arith.constant 0.000000e+00 : f32
      %broadcast_in_dim3A_21 = vector.broadcast %broadcast_in_dim3A : f32 to vector<16xf32>
      %mul3A_22 = arith.constant 16 : i32
      %mul3A_23 = arith.muli %scan3A_20, %mul3A_22 : i32
      %swap3A = arith.index_cast %mul3A_23 : i32 to index
      %swap3A_24 = tpu.vector_load %arg7[%swap3A] {strides = array<i32>} : memref<1024xf32, #tpu.memory_space<vmem>>, vector<16xf32>,
      %swap3A_25 = vector.shape_cast %swap3A_24 : vector<16xf32> to vector<16xf32>
      %swap3A_26 = vector.shape_cast %broadcast_in_dim3A_21 : vector<16xf32> to vector<16xf32>
      tpu.vector_store %arg7[%swap3A], %swap3A_26 {strides = array<i32>} : memref<1024xf32, #tpu.memory_space<vmem>>, vector<16xf32>,
    }
    %scan3A_5 = arith.constant 64 : i32
    %lt3A = arith.constant 10 : i32
    %lt3A_6 = arith.cmpi slt, %arg1, %lt3A : i32
    %convert_element_type3A = arith.extui %lt3A_6 : i1 to i32
    %cond3A = arith.constant 0 : i32
    %cond3A_7 = arith.cmpi ne, %convert_element_type3A, %cond3A : i32
    scf.if %cond3A_7 {
      %mul3A_20 = arith.constant 1024 : i32
      %mul3A_21 = arith.muli %arg1, %mul3A_20 : i32
      "tpu.region"() ({
        %run_scoped3A = tpu.sem_alloc : memref<!tpu.dma_semaphore, #tpu.memory_space<semaphore_mem>>
        %dma_start3A = tpu.memref_slice %arg8[%mul3A_21] : memref<10240xf32, #tpu.memory_space<vmem_shared>> -> memref<1024xf32, #tpu.memory_space<vmem_shared>>
        %dma_start3A_22 = tpu.memref_slice %arg8[%mul3A_21] : memref<10240xf32, #tpu.memory_space<vmem_shared>> -> memref<1024xf32, #tpu.memory_space<vmem_shared>>
        tpu.enqueue_dma source(%arg7 : memref<1024xf32, #tpu.memory_space<vmem>>) target(%dma_start3A_22 : memref<1024xf32, #tpu.memory_space<vmem_shared>>) target_semaphore(%run_scoped3A : memref<!tpu.dma_semaphore, #tpu.memory_space<semaphore_mem>>)
        %dma_wait3A = tpu.memref_slice %arg8[%mul3A_21] : memref<10240xf32, #tpu.memory_space<vmem_shared>> -> memref<1024xf32, #tpu.memory_space<vmem_shared>>
        %dma_wait3A_23 = tpu.memref_slice %arg8[%mul3A_21] : memref<10240xf32, #tpu.memory_space<vmem_shared>> -> memref<1024xf32, #tpu.memory_space<vmem_shared>>
        tpu.wait_dma2 semaphore(%run_scoped3A : memref<!tpu.dma_semaphore, #tpu.memory_space<semaphore_mem>>) src(%arg7 : memref<1024xf32, #tpu.memory_space<vmem>>) dst(%dma_wait3A_23 : memref<1024xf32, #tpu.memory_space<vmem_shared>>)
        tpu.yield
      }) : () -> ()
    } else {
    }
    %barrier3A = arith.constant 0 : index
    tpu.barrier barrier_id(%barrier3A)
    %scan3A_8 = arith.constant 0 : i32
    %scan3A_9 = arith.constant 0 : i32
    %scan3A_10 = arith.constant 80 : i32
    %scan3A_11 = arith.addi %scan3A_9, %scan3A_10 : i32
    %scan3A_12 = arith.constant 1 : i32
    scf.for %scan3A_20 = %scan3A_9 to %scan3A_11 step %scan3A_12  : i32 {
      "tpu.region"() ({
        %run_scoped3A = tpu.sem_alloc : memref<!tpu.dma_semaphore, #tpu.memory_space<semaphore_mem>>
        %dma_start3A = arith.constant 0 : i32
        %dma_start3A_21 = tpu.memref_slice %arg6[%scan3A_20, %dma_start3A] : memref<80x128xf32, #tpu.memory_space<vmem>> -> memref<1x128xf32, #tpu.memory_space<vmem>>
        %dma_start3A_22 = tpu.memref_squeeze %dma_start3A_21 : memref<1x128xf32, #tpu.memory_space<vmem>> -> memref<128xf32, #tpu.memory_space<vmem>>
        %dma_start3A_23 = arith.constant 0 : i32
        %dma_start3A_24 = tpu.memref_slice %arg5[%scan3A_20, %dma_start3A_23] : memref<80x128xi32, #tpu.memory_space<vmem>> -> memref<1x128xi32, #tpu.memory_space<vmem>>
        %dma_start3A_25 = tpu.memref_squeeze %dma_start3A_24 : memref<1x128xi32, #tpu.memory_space<vmem>> -> memref<128xi32, #tpu.memory_space<vmem>>
        %dma_start3A_26 = arith.constant 0 : i32
        %dma_start3A_27 = tpu.memref_slice %arg8[%dma_start3A_26] : memref<10240xf32, #tpu.memory_space<vmem_shared>> -> memref<10240xf32, #tpu.memory_space<vmem_shared>>
        tpu.enqueue_indirect_dma source(%dma_start3A_22 : memref<128xf32, #tpu.memory_space<vmem>>) target(%dma_start3A_27 : memref<10240xf32, #tpu.memory_space<vmem_shared>>) offsets(%dma_start3A_25 : memref<128xi32, #tpu.memory_space<vmem>>) semaphore(%run_scoped3A : memref<!tpu.dma_semaphore, #tpu.memory_space<semaphore_mem>>) {add = true}
        %dma_wait3A = arith.constant 0 : i32
        %dma_wait3A_28 = tpu.memref_slice %arg6[%scan3A_20, %dma_wait3A] : memref<80x128xf32, #tpu.memory_space<vmem>> -> memref<1x128xf32, #tpu.memory_space<vmem>>
        %dma_wait3A_29 = tpu.memref_squeeze %dma_wait3A_28 : memref<1x128xf32, #tpu.memory_space<vmem>> -> memref<128xf32, #tpu.memory_space<vmem>>
        %dma_wait3A_30 = arith.constant 0 : i32
        %dma_wait3A_31 = tpu.memref_slice %arg5[%scan3A_20, %dma_wait3A_30] : memref<80x128xi32, #tpu.memory_space<vmem>> -> memref<1x128xi32, #tpu.memory_space<vmem>>
        %dma_wait3A_32 = tpu.memref_squeeze %dma_wait3A_31 : memref<1x128xi32, #tpu.memory_space<vmem>> -> memref<128xi32, #tpu.memory_space<vmem>>
        %dma_wait3A_33 = arith.constant 0 : i32
        %dma_wait3A_34 = tpu.memref_slice %arg8[%dma_wait3A_33] : memref<10240xf32, #tpu.memory_space<vmem_shared>> -> memref<10240xf32, #tpu.memory_space<vmem_shared>>
        tpu.wait_indirect_dma semaphore(%run_scoped3A : memref<!tpu.dma_semaphore, #tpu.memory_space<semaphore_mem>>) src(%dma_wait3A_29 : memref<128xf32, #tpu.memory_space<vmem>>) dst(%dma_wait3A_34 : memref<10240xf32, #tpu.memory_space<vmem_shared>>)
        tpu.yield
      }) : () -> ()
    }
    %scan3A_13 = arith.constant 80 : i32
    %barrier3A_14 = arith.constant 0 : index
    tpu.barrier barrier_id(%barrier3A_14)
    %lt3A_15 = arith.constant 10 : i32
    %lt3A_16 = arith.cmpi slt, %arg1, %lt3A_15 : i32
    %convert_element_type3A_17 = arith.extui %lt3A_16 : i1 to i32
    %cond3A_18 = arith.constant 0 : i32
    %cond3A_19 = arith.cmpi ne, %convert_element_type3A_17, %cond3A_18 : i32
    scf.if %cond3A_19 {
      %mul3A_20 = arith.constant 1024 : i32
      %mul3A_21 = arith.muli %arg1, %mul3A_20 : i32
      "tpu.region"() ({
        %run_scoped3A = tpu.sem_alloc : memref<!tpu.dma_semaphore, #tpu.memory_space<semaphore_mem>>
        %dma_start3A = arith.constant 0 : i32
        %dma_start3A_22 = arith.constant 0 : i32
        %dma_start3A_23 = tpu.memref_slice %arg4[%arg0, %dma_start3A, %dma_start3A_22] : memref<2x10x1024xf32, #tpu.memory_space<hbm>> -> memref<1x10x1024xf32, #tpu.memory_space<hbm>>
        %dma_start3A_24 = tpu.memref_squeeze %dma_start3A_23 : memref<1x10x1024xf32, #tpu.memory_space<hbm>> -> memref<10x1024xf32, #tpu.memory_space<hbm>>
        %dma_start3A_25 = arith.constant 0 : i32
        %dma_start3A_26 = tpu.memref_slice %dma_start3A_24[%arg1, %dma_start3A_25] : memref<10x1024xf32, #tpu.memory_space<hbm>> -> memref<1x1024xf32, #tpu.memory_space<hbm>>
        %dma_start3A_27 = tpu.memref_squeeze %dma_start3A_26 : memref<1x1024xf32, #tpu.memory_space<hbm>> -> memref<1024xf32, #tpu.memory_space<hbm>>
        %dma_start3A_28 = tpu.memref_slice %arg8[%mul3A_21] : memref<10240xf32, #tpu.memory_space<vmem_shared>> -> memref<1024xf32, #tpu.memory_space<vmem_shared>>
        tpu.enqueue_dma source(%dma_start3A_28 : memref<1024xf32, #tpu.memory_space<vmem_shared>>) target(%dma_start3A_27 : memref<1024xf32, #tpu.memory_space<hbm>>) target_semaphore(%run_scoped3A : memref<!tpu.dma_semaphore, #tpu.memory_space<semaphore_mem>>)
        %dma_wait3A = arith.constant 0 : i32
        %dma_wait3A_29 = arith.constant 0 : i32
        %dma_wait3A_30 = tpu.memref_slice %arg4[%arg0, %dma_wait3A, %dma_wait3A_29] : memref<2x10x1024xf32, #tpu.memory_space<hbm>> -> memref<1x10x1024xf32, #tpu.memory_space<hbm>>
        %dma_wait3A_31 = tpu.memref_squeeze %dma_wait3A_30 : memref<1x10x1024xf32, #tpu.memory_space<hbm>> -> memref<10x1024xf32, #tpu.memory_space<hbm>>
        %dma_wait3A_32 = arith.constant 0 : i32
        %dma_wait3A_33 = tpu.memref_slice %dma_wait3A_31[%arg1, %dma_wait3A_32] : memref<10x1024xf32, #tpu.memory_space<hbm>> -> memref<1x1024xf32, #tpu.memory_space<hbm>>
        %dma_wait3A_34 = tpu.memref_squeeze %dma_wait3A_33 : memref<1x1024xf32, #tpu.memory_space<hbm>> -> memref<1024xf32, #tpu.memory_space<hbm>>
        %dma_wait3A_35 = tpu.memref_slice %arg8[%mul3A_21] : memref<10240xf32, #tpu.memory_space<vmem_shared>> -> memref<1024xf32, #tpu.memory_space<vmem_shared>>
        tpu.wait_dma2 semaphore(%run_scoped3A : memref<!tpu.dma_semaphore, #tpu.memory_space<semaphore_mem>>) src(%dma_wait3A_35 : memref<1024xf32, #tpu.memory_space<vmem_shared>>) dst(%dma_wait3A_34 : memref<1024xf32, #tpu.memory_space<hbm>>)
        tpu.yield
      }) : () -> ()
    } else {
    }
    return
  }
}

module attributes {stable_mosaic.version = 14 : i64} {
  func.func @_lin_body(%arg0: i32, %arg1: memref<1000x128xf32, #tpu.memory_space<vmem>>, %arg2: memref<128x128xf32, #tpu.memory_space<vmem>>, %arg3: memref<1000x1xf32, #tpu.memory_space<vmem>>, %arg4: memref<1000x1xf32, #tpu.memory_space<vmem>>, %arg5: memref<1000x128xf32, #tpu.memory_space<vmem>>, %arg6: memref<1000x1xf32, #tpu.memory_space<vmem>>) attributes {dimension_semantics = [#tpu.dimension_semantics<arbitrary>], iteration_bounds = array<i64: 10>, scalar_prefetch = 0 : i64, scratch_operands = 0 : i64, tpu.core_type = #tpu.core_type<tc>, window_params = [{transform_indices = @transform_0, window_bounds = array<i64: 1000, 128>}, {pipeline_mode = #tpu.pipeline_mode<synchronous>, transform_indices = @transform_1, window_bounds = array<i64: 128, 128>}, {transform_indices = @transform_2, window_bounds = array<i64: 1000, 1>}, {transform_indices = @transform_3, window_bounds = array<i64: 1000, 1>}, {transform_indices = @transform_4, window_bounds = array<i64: 1000, 128>}, {transform_indices = @transform_5, window_bounds = array<i64: 1000, 1>}]} {
    %get3A = arith.constant 0 : index
    %get3A_0 = arith.constant 0 : index
    %get3A_1 = vector.load %arg3[%get3A, %get3A_0] : memref<1000x1xf32, #tpu.memory_space<vmem>>, vector<1000x1xf32>
    %add3A = arith.constant 1.000000e+00 : f32
    %add3A_2 = vector.broadcast %add3A : f32 to vector<1000x1xf32>
    %add3A_3 = arith.addf %add3A_2, %get3A_1 : vector<1000x1xf32>
    %get3A_4 = arith.constant 0 : index
    %get3A_5 = arith.constant 0 : index
    %get3A_6 = vector.load %arg4[%get3A_4, %get3A_5] : memref<1000x1xf32, #tpu.memory_space<vmem>>, vector<1000x1xf32>
    %add3A_7 = arith.addf %add3A_3, %get3A_6 : vector<1000x1xf32>
    %rsqrt3A = math.rsqrt %add3A_7 : vector<1000x1xf32>
    %get3A_8 = arith.constant 0 : index
    %get3A_9 = arith.constant 0 : index
    %get3A_10 = vector.load %arg1[%get3A_8, %get3A_9] : memref<1000x128xf32, #tpu.memory_space<vmem>>, vector<1000x128xf32>
    %get3A_11 = arith.constant 0 : index
    %get3A_12 = arith.constant 0 : index
    %get3A_13 = vector.load %arg2[%get3A_11, %get3A_12] : memref<128x128xf32, #tpu.memory_space<vmem>>, vector<128x128xf32>
    %dot_general3A = arith.constant dense<0.000000e+00> : vector<1000x128xf32>
    %dot_general3A_14 = tpu.matmul %get3A_10, %get3A_13, %dot_general3A {dimension_numbers = #tpu.dot_dimension_numbers<[1], [0], [0], [1], [0, 0, 1, 1], [], []>, transpose_lhs_hint = false} : vector<1000x128xf32>, vector<128x128xf32>, vector<1000x128xf32> -> vector<1000x128xf32>
    %mul3A = vector.broadcast %rsqrt3A : vector<1000x1xf32> to vector<1000x128xf32>
    %mul3A_15 = arith.mulf %dot_general3A_14, %mul3A : vector<1000x128xf32>
    %swap3A = arith.constant 0 : index
    %swap3A_16 = arith.constant 0 : index
    %swap3A_17 = vector.load %arg5[%swap3A, %swap3A_16] : memref<1000x128xf32, #tpu.memory_space<vmem>>, vector<1000x128xf32>
    tpu.vector_store %arg5[%swap3A, %swap3A_16], %mul3A_15 {strides = array<i32>} : memref<1000x128xf32, #tpu.memory_space<vmem>>, vector<1000x128xf32>,
    %swap3A_18 = arith.constant 0 : index
    %swap3A_19 = arith.constant 0 : index
    %swap3A_20 = vector.load %arg6[%swap3A_18, %swap3A_19] : memref<1000x1xf32, #tpu.memory_space<vmem>>, vector<1000x1xf32>
    tpu.vector_store %arg6[%swap3A_18, %swap3A_19], %rsqrt3A {strides = array<i32>} : memref<1000x1xf32, #tpu.memory_space<vmem>>, vector<1000x1xf32>,
    return
  }
  func.func @transform_0(%arg0: i32) -> (i32, i32) {
    %c0_i32 = arith.constant 0 : i32
    %c0_i32_0 = arith.constant 0 : i32
    return %arg0, %c0_i32 : i32, i32
  }
  func.func @transform_1(%arg0: i32) -> (i32, i32) {
    %c0_i32 = arith.constant 0 : i32
    %c0_i32_0 = arith.constant 0 : i32
    %c0_i32_1 = arith.constant 0 : i32
    return %c0_i32, %c0_i32_0 : i32, i32
  }
  func.func @transform_2(%arg0: i32) -> (i32, i32) {
    %c0_i32 = arith.constant 0 : i32
    %c0_i32_0 = arith.constant 0 : i32
    return %arg0, %c0_i32 : i32, i32
  }
  func.func @transform_3(%arg0: i32) -> (i32, i32) {
    %c0_i32 = arith.constant 0 : i32
    %c0_i32_0 = arith.constant 0 : i32
    return %arg0, %c0_i32 : i32, i32
  }
  func.func @transform_4(%arg0: i32) -> (i32, i32) {
    %c0_i32 = arith.constant 0 : i32
    %c0_i32_0 = arith.constant 0 : i32
    return %arg0, %c0_i32 : i32, i32
  }
  func.func @transform_5(%arg0: i32) -> (i32, i32) {
    %c0_i32 = arith.constant 0 : i32
    %c0_i32_0 = arith.constant 0 : i32
    return %arg0, %c0_i32 : i32, i32
  }
}

module attributes {stable_mosaic.version = 14 : i64} {
  func.func @_fin_body(%arg0: i32, %arg1: memref<1000x128xf32, #tpu.memory_space<vmem>>, %arg2: memref<1000x128xf32, #tpu.memory_space<vmem>>, %arg3: memref<1000x128xf32, #tpu.memory_space<vmem>>, %arg4: memref<1000x1xf32, #tpu.memory_space<vmem>>, %arg5: memref<1x128xf32, #tpu.memory_space<vmem>>, %arg6: memref<1000x128xf32, #tpu.memory_space<vmem>>) attributes {dimension_semantics = [#tpu.dimension_semantics<arbitrary>], iteration_bounds = array<i64: 10>, scalar_prefetch = 0 : i64, scratch_operands = 0 : i64, tpu.core_type = #tpu.core_type<tc>, window_params = [{transform_indices = @transform_0, window_bounds = array<i64: 1000, 128>}, {transform_indices = @transform_1, window_bounds = array<i64: 1000, 128>}, {transform_indices = @transform_2, window_bounds = array<i64: 1000, 128>}, {transform_indices = @transform_3, window_bounds = array<i64: 1000, 1>}, {pipeline_mode = #tpu.pipeline_mode<synchronous>, transform_indices = @transform_4, window_bounds = array<i64: 1, 128>}, {transform_indices = @transform_5, window_bounds = array<i64: 1000, 128>}]} {
    %get3A = arith.constant 0 : index
    %get3A_0 = arith.constant 0 : index
    %get3A_1 = vector.load %arg1[%get3A, %get3A_0] : memref<1000x128xf32, #tpu.memory_space<vmem>>, vector<1000x128xf32>
    %get3A_2 = arith.constant 0 : index
    %get3A_3 = arith.constant 0 : index
    %get3A_4 = vector.load %arg2[%get3A_2, %get3A_3] : memref<1000x128xf32, #tpu.memory_space<vmem>>, vector<1000x128xf32>
    %add3A = arith.addf %get3A_1, %get3A_4 : vector<1000x128xf32>
    %get3A_5 = arith.constant 0 : index
    %get3A_6 = arith.constant 0 : index
    %get3A_7 = vector.load %arg3[%get3A_5, %get3A_6] : memref<1000x128xf32, #tpu.memory_space<vmem>>, vector<1000x128xf32>
    %add3A_8 = arith.addf %add3A, %get3A_7 : vector<1000x128xf32>
    %get3A_9 = arith.constant 0 : index
    %get3A_10 = arith.constant 0 : index
    %get3A_11 = vector.load %arg4[%get3A_9, %get3A_10] : memref<1000x1xf32, #tpu.memory_space<vmem>>, vector<1000x1xf32>
    %mul3A = vector.broadcast %get3A_11 : vector<1000x1xf32> to vector<1000x128xf32>
    %mul3A_12 = arith.mulf %add3A_8, %mul3A : vector<1000x128xf32>
    %get3A_13 = arith.constant 0 : index
    %get3A_14 = arith.constant 0 : index
    %get3A_15 = vector.load %arg5[%get3A_13, %get3A_14] : memref<1x128xf32, #tpu.memory_space<vmem>>, vector<1x128xf32>
    %add3A_16 = vector.broadcast %get3A_15 : vector<1x128xf32> to vector<1000x128xf32>
    %add3A_17 = arith.addf %mul3A_12, %add3A_16 : vector<1000x128xf32>
    %max3A = arith.constant 0.000000e+00 : f32
    %max3A_18 = vector.broadcast %max3A : f32 to vector<1000x128xf32>
    %max3A_19 = arith.maximumf %add3A_17, %max3A_18 : vector<1000x128xf32>
    %swap3A = arith.constant 0 : index
    %swap3A_20 = arith.constant 0 : index
    %swap3A_21 = vector.load %arg6[%swap3A, %swap3A_20] : memref<1000x128xf32, #tpu.memory_space<vmem>>, vector<1000x128xf32>
    tpu.vector_store %arg6[%swap3A, %swap3A_20], %max3A_19 {strides = array<i32>} : memref<1000x128xf32, #tpu.memory_space<vmem>>, vector<1000x128xf32>,
    return
  }
  func.func @transform_0(%arg0: i32) -> (i32, i32) {
    %c0_i32 = arith.constant 0 : i32
    %c0_i32_0 = arith.constant 0 : i32
    return %arg0, %c0_i32 : i32, i32
  }
  func.func @transform_1(%arg0: i32) -> (i32, i32) {
    %c0_i32 = arith.constant 0 : i32
    %c0_i32_0 = arith.constant 0 : i32
    return %arg0, %c0_i32 : i32, i32
  }
  func.func @transform_2(%arg0: i32) -> (i32, i32) {
    %c0_i32 = arith.constant 0 : i32
    %c0_i32_0 = arith.constant 0 : i32
    return %arg0, %c0_i32 : i32, i32
  }
  func.func @transform_3(%arg0: i32) -> (i32, i32) {
    %c0_i32 = arith.constant 0 : i32
    %c0_i32_0 = arith.constant 0 : i32
    return %arg0, %c0_i32 : i32, i32
  }
  func.func @transform_4(%arg0: i32) -> (i32, i32) {
    %c0_i32 = arith.constant 0 : i32
    %c0_i32_0 = arith.constant 0 : i32
    %c0_i32_1 = arith.constant 0 : i32
    return %c0_i32, %c0_i32_0 : i32, i32
  }
  func.func @transform_5(%arg0: i32) -> (i32, i32) {
    %c0_i32 = arith.constant 0 : i32
    %c0_i32_0 = arith.constant 0 : i32
    return %arg0, %c0_i32 : i32, i32
  }
}

</mosaic_0001>

<sc_bundles>
// kernel: kernel.6.cloned.1.call-start
scs
__scs_entry_jumppad:
0x0: {  	(pc) =	sbr.rel $0x88, $3  }
0x1: {  	(tag) =	ssettag $0x0;
	lr =	simm.s32 $0x1  }
0x2: {  	[smem:$0x3F9C] =	sst lr;
	_ =	strace $0xD0000000  }
0x3: {  	_ = 	snop  }
0x4: {  	_ = 	snop  }
0x5: {  	_ = 	snop  }
0x6: {  	_ = 	snop  }
0x7: {  	_ = 	snop  }
__scs_overlays_trampoline_lowered:
0x8: {  	[smem:$0x3FAB] =	sst s0  }
0x9: {  	[smem:$0x3FAC] =	sst s1  }
0xa: {  	[smem:$0x3FAD] =	sst s2  }
0xb: {  	[smem:$0x3FAE] =	sst s3  }
0xc: {  	[smem:$0x3FAF] =	sst s4  }
0xd: {  	[smem:$0x3FB0] =	sst s5  }
0xe: {  	[smem:$0x3FB1] =	sst s6  }
0xf: {  	[smem:$0x3FB2] =	sst s7  }
0x10: {  	[smem:$0x3FB3] =	sst s8  }
0x11: {  	[smem:$0x3FB4] =	sst s9;
	s0 =	simm.s32 @!p0 $0x0  }
0x12: {  	s1 =	sld [smem:$0x3F9A];
	s0 =	simm.s32 @p0 $0x1  }
0x13: {  	[smem:$0x3FB5] =	sst s0;
	s0 =	simm.s32 @!p1 $0x0  }
0x14: {  	s2 =	sld [smem:$0x3F99];
	s0 =	simm.s32 @p1 $0x1  }
0x15: {  	[smem:$0x3FB6] =	sst s0;
	s0 =	simm.s32 @!p2 $0x0  }
0x16: {  	s3 =	sld [smem:$0x3FDB];
	s0 =	simm.s32 @p2 $0x1  }
0x17: {  	s4 =	simm.s32 $0x1BF5;
	[smem:$0x3FB8] =	sst s0  }
0x18: {  	s0 =	sld [smem:$0x3F9B];
	_ =	swait.ge [sflag:s4], $0x0  }
0x19: {  	s7 =	sld [smem:$0x3F9C]  }
0x1a: {  	s8 =	sadd.s32 $0xFFFFE003, lr  }
0x1b: {  	s9 =	sadd.s32 $0xFFFFFEF7, lr;
	s5 =	simm.s32 $0xFFFFFFFF;
	p2 =	slt.u32 s8, $0xFFFFF086  }
0x1c: {  	p1 =	slt.u32 s9, $0xF7A;
	s5 =	simm.s32 @!p2 $0x0  }
0x1d: {  	s5 =	simm.s32 @p1 $0x1;
	p0 =	seq.s32 s7, s2  }
0x1e: {  	s7 =	smul.u32 @!p0 $0xF7A, s2;
	p2 =	seq.s32 @!p0 s5, $0x0  }
0x1f: {  	s9 =	smul.u32 $0xF7A, s1;
	s8 =	simm.s32 @!p0 $0x1BF5;
	p2 =	por !p2, p0  }
0x20: {  	[sflag:s8] =	ssyncset.s32 @!p0 $0xFFFFF086;
	s6 =	sadd.s32 @!p0 s3, s7;
	s7 =	simm.s32 @!p0 $0x108  }
0x21: {  	s3 =	sadd.s32 s3, s9;
	s6 =	sadd.s32 @!p0 $0x88, s6;
	s7 =	simm.s32 @p2 $0x1082  }
0x22: {  	[simem:s7], [sflag:s8] =	dma.local @!p0 [hbm:s6], $0xF7A  }
0x23: {  	s9 =	sor.u32 $0xD0000000, s2;
	s6 =	simm.s32 $0x108;
	_ =	swait.ge @!p0 [sflag:s8], $0x0  }
0x24: {  	s3 =	sadd.s32 $0x88, s3;
	s6 =	simm.s32 @!p1 $0x1082;
	[sflag:s4] =	ssyncset.s32 $0xFFFFF086  }
0x25: {  	[simem:s6], [sflag:s4] =	dma.local [hbm:s3], $0xF7A  }
0x26: {  	[smem:$0x3F9C] =	sst s1;
	(tag) =	ssettag s2;
	_ =	strace s9  }
0x27: {  	s1 =	sld [smem:$0x3FAC]  }
0x28: {  	s2 =	sld [smem:$0x3FAD]  }
0x29: {  	s4 =	sld [smem:$0x3FAF]  }
0x2a: {  	p0 =	seq.s32 s5, $0x0;
	s5 =	sld [smem:$0x3FB0]  }
0x2b: {  	s6 =	sld [smem:$0x3FB1]  }
0x2c: {  	s7 =	sld [smem:$0x3FB2]  }
0x2d: {  	s3 =	simm.s32 $0x108;
	s8 =	sld [smem:$0x3FB3]  }
0x2e: {  	s3 =	simm.s32 @!p0 $0x1082;
	s9 =	sld [smem:$0x3FB4]  }
0x2f: {  	lr =	sadd.s32 s0, s3;
	s0 =	sld [smem:$0x3FAB]  }
0x30: {  	s3 =	sld [smem:$0x3FAE]  }
0x31: {  	[smem:$0x3FB7] =	sst s10  }
0x32: {  	s10 =	sld [smem:$0x3FB5];
	_ =	sdelay $0x3  }
0x33: {  	p0 =	seq.s32 s10, $0x1;
	s10 =	sld [smem:$0x3FB7];
	_ =	sdelay $0x3  }
0x34: {  	[smem:$0x3FB7] =	sst s10  }
0x35: {  	s10 =	sld [smem:$0x3FB6];
	_ =	sdelay $0x3  }
0x36: {  	p1 =	seq.s32 s10, $0x1;
	s10 =	sld [smem:$0x3FB7];
	_ =	sdelay $0x3  }
0x37: {  	[smem:$0x3FB7] =	sst s10  }
0x38: {  	s10 =	sld [smem:$0x3FB8]  }
0x39: {  	_ = 	snop;
	(pc) =	sbr.ind lr, $3  }
0x3a: {  	_ = 	snop  }
0x3b: {  	_ = 	snop  }
0x3c: {  	p2 =	seq.s32 s10, $0x1;
	s10 =	sld [smem:$0x3FB7]  }
0x3d: {  	_ =	shalt  }
0x3e: {  	_ =	shalt  }
0x3f: {  	_ =	shalt  }
0x40: {  	_ =	shalt  }
0x41: {  	_ =	shalt  }
0x42: {  	_ =	shalt  }
0x43: {  	_ =	shalt  }
0x44: {  	_ =	shalt  }
0x45: {  	_ =	shalt  }
0x46: {  	_ =	shalt  }
0x47: {  	_ =	shalt  }
0x48: {  	_ =	shalt  }
0x49: {  	_ =	shalt  }
0x4a: {  	_ =	shalt  }
0x4b: {  	_ =	shalt  }
0x4c: {  	_ =	shalt  }
0x4d: {  	_ =	shalt  }
0x4e: {  	_ =	shalt  }
0x4f: {  	_ =	shalt  }
0x50: {  	_ =	shalt  }
0x51: {  	_ =	shalt  }
0x52: {  	_ =	shalt  }
0x53: {  	_ =	shalt  }
0x54: {  	_ =	shalt  }
0x55: {  	_ =	shalt  }
0x56: {  	_ =	shalt  }
0x57: {  	_ =	shalt  }
0x58: {  	_ =	shalt  }
0x59: {  	_ =	shalt  }
0x5a: {  	_ =	shalt  }
0x5b: {  	_ =	shalt  }
0x5c: {  	_ =	shalt  }
0x5d: {  	_ =	shalt  }
0x5e: {  	_ =	shalt  }
0x5f: {  	_ =	shalt  }
0x60: {  	_ =	shalt  }
0x61: {  	_ =	shalt  }
0x62: {  	_ =	shalt  }
0x63: {  	_ =	shalt  }
0x64: {  	_ =	shalt  }
0x65: {  	_ =	shalt  }
0x66: {  	_ =	shalt  }
0x67: {  	_ =	shalt  }
0x68: {  	_ =	shalt  }
0x69: {  	_ =	shalt  }
0x6a: {  	_ =	shalt  }
0x6b: {  	_ =	shalt  }
0x6c: {  	_ =	shalt  }
0x6d: {  	_ =	shalt  }
0x6e: {  	_ =	shalt  }
0x6f: {  	_ =	shalt  }
0x70: {  	_ =	shalt  }
0x71: {  	_ =	shalt  }
0x72: {  	_ =	shalt  }
0x73: {  	_ =	shalt  }
0x74: {  	_ =	shalt  }
0x75: {  	_ =	shalt  }
0x76: {  	_ =	shalt  }
0x77: {  	_ =	shalt  }
0x78: {  	_ =	shalt  }
0x79: {  	_ =	shalt  }
0x7a: {  	_ =	shalt  }
0x7b: {  	_ =	shalt  }
0x7c: {  	_ =	shalt  }
0x7d: {  	_ =	shalt  }
0x7e: {  	_ =	shalt  }
0x7f: {  	_ =	shalt  }
0x80: {  	_ =	shalt  }
0x81: {  	_ =	shalt  }
0x82: {  	_ =	shalt  }
0x83: {  	_ =	shalt  }
0x84: {  	_ =	shalt  }
0x85: {  	_ =	shalt  }
0x86: {  	_ =	shalt  }
0x87: {  	_ =	shalt  }
.Lfunc_end0:
.L_simem_size_0:
called_computation_lowered:
.L_overlay_start_0:
0x88: {  	s2 =	sld [smem:$0x3FD9]  }
0x89: {  	s3 =	sld [smem:$0x3FFE];
	_ =	sdelay $0x1  }
0x8a: {  	s1 =	srdreg.scid  }
0x8b: {  	s0 =	sand.u32 $0x1, s1  }
0x8c: {  	s17 =	sshll.u32 s0, $0xA;
	s2 =	sadd.s32 s3, s2  }
0x8d: {  	s2 =	sadd.s32 s2, s17  }
0x8e: {  	[smem:$0x3FC3] =	sst s2  }
0x8f: {  	_ = 	snop  }
0x90: {  	s2 =	sld [smem:$0x3FD0];
	(tm) =	ssettm $0x1  }
0x91: {  	s18 =	sld [smem:$0x3FFB];
	_ =	sdelay $0x3  }
0x92: {  	_ =	strace s18  }
0x93: {  	s3 =	sld [smem:$0x3FFC];
	_ =	sdelay $0x3  }
0x94: {  	_ =	strace s3  }
0x95: {  	s3 =	sld [smem:$0x3FFD];
	_ =	sdelay $0x3  }
0x96: {  	_ =	strace s3  }
0x97: {  	_ =	strace $0x8FFFFFFF  }
0x98: {  	s19 =	sld [smem:$0x3FDB];
	_ =	sdelay $0x1  }
0x99: {  	s4 =	simm.s32 $_scs_section_size  }
0x9a: {  	s5 =	simm.s32 $_size__tile_overlayer_lowered;
	s6 =	simm.s32 $_tile_overlayer_lowered  }
0x9b: {  	s22 =	simm.s32 $0x1BFF;
	s21 =	sshll.u32 s6, $0x1;
	s3 =	sadd.s32 s4, s19  }
0x9c: {  	s7 =	simm.s32 $0x0;
	s20 =	sshll.u32 s5, $0x1;
	s5 =	sadd.s32 s21, s3  }
0x9d: {  	[timem:s7], [sflag:s22] =	dma.local [hbm:s5], s20  }
0x9e: {  	_ =	swait.ge [sflag:s22], s20  }
0x9f: {  	s4 =	ssub.s32 $0x0, s20;
	[sflag:s22] =	ssyncset.done $0x0  }
0xa0: {  	[sflag:s22] =	ssyncadd.s32 s4;
	_ =	sdelay $0x1  }
0xa1: {  	s23 =	simm.s32 $0x1B8B  }
0xa2: {  	_ =	swait.ge [sflag:s23], $0x1  }
0xa3: {  	[sflag:s23] =	ssyncset.done $0x0  }
0xa4: {  	s25 =	simm.s32 $0x1B8E;
	s24 =	sld [smem:$0x3FFE];
	[sflag:s23] =	ssyncadd.s32 $0xFFFFFFFF  }
0xa5: {  	s26 =	simm.s32 $execute0_lowered;
	[smem:$0x3FD2] =	sst s25  }
0xa6: {  	s5 =	sshll.u32 s26, $0x1;
	_ =	strace $0x80000046;
	[dreg:$0x1] =	wrdreg $0xFFFFFFFF  }
0xa7: {  	s28 =	simm.s32 $_size_execute0_lowered;
	s3 =	sadd.s32 s3, s5;
	[dreg:$0x0] =	wrdreg $0x0  }
0xa8: {  	s5 =	sshll.u32 s28, $0x1;
	[dreg:$0x2] =	wrdreg s3  }
0xa9: {  	[dreg:$0x3] =	wrdreg s5  }
0xaa: {  	[dreg:$0x4] =	wrdreg $0xC0  }
0xab: {  	_ =	task [dreg:s7], $0x5FFFF  }
0xac: {  	[dreg:$0x1] =	wrdreg $0xFFFFFFFF  }
0xad: {  	[dreg:$0x0] =	wrdreg $0x60  }
0xae: {  	[dreg:$0x2] =	wrdreg s24  }
0xaf: {  	[dreg:$0x3] =	wrdreg s2  }
0xb0: {  	[dreg:$0x4] =	wrdreg $0x54000  }
0xb1: {  	[dreg:$0x5] =	wrdreg $0x9  }
0xb2: {  	_ =	task.clear_ibuf [dreg:s7], $0x6FFFF;
	_ =	strace $0x90000046  }
0xb3: {  	s29 =	simm.s32 $0x9;
	_ =	strace $0x80000048  }
0xb4: {  	_ =	swait.ge [sflag:s29], $0x1  }
0xb5: {  	[sflag:s29] =	ssyncadd.s32 $0xFFFFFFFF  }
0xb6: {  	_ =	strace $0x90000048  }
0xb7: {  	_ =	sfence  }
0xb8: {  	s30 =	sld [smem:$0x0];
	_ =	sdelay $0x2  }
0xb9: {  	s31 =	sshll.u32 s1, $0xD;
	s1 =	sshrl.u32 s1, $0x2  }
0xba: {  	s3 =	sand.u32 $0x4000, s31;
	s1 =	sadd.s32 s1, s30  }
0xbb: {  	s0 =	sor.u32 s3, s0;
	s1 =	sshll.u32 s1, $0x11  }
0xbc: {  	s0 =	sor.u32 s1, s0  }
0xbd: {  	s0 =	sadd.s32 $0x8F2B, s0  }
0xbe: {  	[sflag:s0] =	ssyncadd.remote.s32 $0x1  }
0xbf: {  	_ =	sfence.sel $0xFFFF  }
0xc0: {  	[dreg:$0x0] =	wrdreg $0xFFFFFFFF;
	(pc) =	sbr.abs _section_cstart, $3  }
0xc1: {  	[dreg:$0x1] =	wrdreg $0xFFFFFFFF  }
0xc2: {  	_ =	task.clear_ibuf [dreg:s7], $0x2FFFF;
	_ =	strace $0x9FFFFFFF  }
0xc3: {  	(tm) =	ssettm $0x7FFFFFFF  }
tec
execute0_lowered:
.L_overlay_start_1:
0x0: {  	(tag) =	ssettag $0x1  }
0x1: {  	s4 =	rddreg [dreg:$0x0]  }
0x2: {  	s8 =	rddreg [dreg:$0x1]  }
0x3: {  	s0 =	srdreg.scid;
	s2 =	rddreg [dreg:$0x2]  }
0x4: {  	s3 =	simm.s32 $0x0;
	s14 =	simm.s32 $0x0;
	s7 =	sand.u32 $0x1, s0  }
0x5: {  	s0 =	stileid.u32;
	[smem:$0x7FF] =	sst s3;
	s1 =	sshll.u32 s7, $0x4  }
0x6: {  	s6 =	ssub.s32 $0x2, s7;
	s31 =	sshll.u32 s0, $0xA;
	s10 =	sshll.u32 s0, $0x7  }
0x7: {  	s11 =	sshll.u32 s0, $0x4;
	s7 =	sshll.u32 s7, $0xB;
	p0 =	sgt.u32 s0, $0x9  }
0x8: {  	s5 =	sor.u32 s0, s1;
	s1 =	rddreg [dreg:$0x3];
	_ =	strace $0x80000047  }
0x9: {  	s30 =	sshrl.u32 s6, $0x1;
	s10 =	sor.u32 s11, s10;
	s11 =	sadd.s32 s8, s7  }
0xa: {  	s8 =	simm.s32 $0x1;
	s5 =	smul.u32 $0x500, s5;
	s9 =	ssub.s32 s6, s30  }
0xb: {  	s6 =	sadd.s32 s31, s2;
	s12 =	sand.u32 $0x470, s10;
	s10 =	simm.s32 $0x80  }
0xc: {  	s7 =	smax.u32 s9, $0x1;
	s9 =	simm.s32 $0x2800;
	s11 =	sadd.s32 @!p0 s11, s12  }
0xd: {  	s12 =	sshll.u32 @!p0 s0, $0x6;
	s13 =	sshrl.u32 @!p0 s6, $0x3;
	s5 =	sadd.s32 s5, s4  }
0xe: {  	v0 =	vimm.f32 $0.0e+00;
	s12 =	sor.u32 @!p0 $0x1C01, s12;
	s4 =	sadd.s32 $0x16000, s5;
	s5 =	sadd.s32 $0x2000, s5  }
.LBB2_1:
0xf: {  	[tilespmem:s3], [sflag:$0x1] =	stream.linear.gather [hbm4b:s4+s3], $0x2800, $0x38;
	[tilespmem:$0x5680] =	vst v63  }
0x10: {  	_ =	swait.ge [sflag:s8], $0x2800  }
0x11: {  	[sflag:s8] =	ssyncset.done $0x0  }
0x12: {  	[sflag:s8] =	ssyncadd.s32 $0xFFFFD800  }
0x13: {  	[tilespmem:s9], [sflag:$0x1] =	stream.linear.gather [hbm4b:s5+s3], $0x2800, $0x38;
	[tilespmem:$0x5680] =	vst v63  }
0x14: {  	_ =	swait.ge [sflag:s8], $0x2800  }
0x15: {  	[sflag:s8] =	ssyncset.done $0x0  }
0x16: {  	s15 =	simm.s32 $0x40;
	s16 =	simm.s32 $0x0;
	[sflag:s8] =	ssyncadd.s32 $0xFFFFD800  }
.LBB2_2:
0x17: {  	p1 =	sne.s32 s15, $0xFC0;
	[tilespmem:s16+$0x5000] =	vst v0;
	s16 =	smov.u32 s15;
	s15 =	sadd.s32 $0x40, s15  }
.Ltmp0:
0x18: {  	(pc) =	sbr.rel @p1 .LBB2_2-.Ltmp0, $2  }
0x19: {  	_ =	sdelay $0x2  }
0x1a: {  	s16 =	sshra.s32 s16, $0x2  }
0x1b: {  	[tilespmem:s16+$0x5000] =	vst v0;
	s15 =	simm.s32 @!p0 $0x5000  }
0x1c: {  	[spmem:s6] =	stream.linear.scatter @!p0 [tilespmem:s15], [sflag:$0x1], $0x400, $0x38;
	[tilespmem:$0x5680] =	vst v63  }
0x1d: {  	s15 =	simm.s32 @!p0 $0x1  }
0x1e: {  	_ =	swait.ge @!p0 [sflag:s15], $0x400  }
0x1f: {  	[sflag:s15] =	ssyncset.done @!p0 $0x0  }
0x20: {  	[sflag:s15] =	ssyncadd.s32 @!p0 $0xFFFFFC00  }
0x21: {  	s30 =	simm.s32 $0x0;
	s31 =	simm.s32 $0x2800;
	[bflag:$0x0] =	sbarrier.arrive $0xFFFF  }
0x22: {  	[spmem:s2] =	stream.indirect.scatter.add.f32 [tilespmem:s31], [sflag:$0x1], $0x1, s30, s10, $0xb8;
	[tilespmem:$0x5680] =	vst v63  }
0x23: {  	s15 =	simm.s32 $0x200;
	_ =	swait.ge [sflag:s8], $0x80  }
.LBB2_4:
0x24: {  	s16 =	sshra.s32 s15, $0x2;
	[sflag:s8] =	ssyncset.done $0x0;
	p1 =	sne.s32 s15, $0x9E00  }
.Ltmp1:
0x25: {  	s17 =	sadd.s32 $0x2800, s16;
	[sflag:s8] =	ssyncadd.s32 $0xFFFFFF80;
	(pc) =	sbr.rel @p1 .LBB2_4-.Ltmp1, $3  }
0x26: {  	[spmem:s2] =	stream.indirect.scatter.add.f32 [tilespmem:s17], [sflag:$0x1], $0x1, s16, s10, $0xb8;
	[tilespmem:$0x5680] =	vst v63  }
0x27: {  	s15 =	sadd.s32 $0x200, s15;
	_ =	sdelay $0x1  }
0x28: {  	_ =	swait.ge [sflag:s8], $0x80  }
0x29: {  	[sflag:s8] =	ssyncset.done $0x0;
	s15 =	simm.s32 @!p0 $0x1;
	s14 =	sadd.s32 $0x1, s14  }
0x2a: {  	s16 =	simm.s32 @!p0 $0x80;
	[sflag:s8] =	ssyncadd.s32 $0xFFFFFF80;
	p1 =	sne.s32 s14, s7  }
.Ltmp2:
0x2b: {  	s17 =	simm.s32 @!p0 $0x10;
	[bflag:$0x0] =	sbarrier.arrive $0xFFFF;
	(pc) =	sbr.rel @p1 .LBB2_1-.Ltmp2, $4  }
0x2c: {  	[hbm:s11@s16], [sflag:s12] =	dma.strided @!p0 [spmem:s13@s17], $0x80, s15, $0x10   }
0x2d: {  	_ =	swait.ge @!p0 [sflag:s15], $0x80  }
0x2e: {  	[sflag:s15] =	ssyncset.done @!p0 $0x0  }
0x2f: {  	[sflag:s15] =	ssyncadd.s32 @!p0 $0xFFFFFF80  }
0x30: {  	_ =	sfence.sel $0x180000  }
0x31: {  	[bflag:$0x0] =	sbarrier.arrive $0xFFFF  }
0x32: {  	p0 =	sne.s32 s0, $0x0;
	_ =	strace $0x90000047  }
0x33: {  	s0 =	sadd.s32 @!p0 $0x100000, s1;
	[bflag:$0x2] =	sbarrier.arrive $0xFFFF  }
0x34: {  	[sflag:s0] =	ssyncadd.tile.s32 @!p0 $0x1;
	_ =	shalt  }
.Lfunc_end2:
_tile_overlayer_lowered:
.L_overlay_start_2:
0x35: {  	(tag) =	ssettag $0x2  }
0x36: {  	s0 =	rddreg [dreg:$0x0];
	s2 =	stileid.u32  }
0x37: {  	s1 =	rddreg [dreg:$0x1];
	p0 =	sne.s32 s2, $0x0  }
0x38: {  	s3 =	rddreg [dreg:$0x2];
	[bflag:$0x3] =	sbarrier.arrive $0xFFFF;
	s2 =	simm.s32 @!p0 $0x1C01  }
0x39: {  	[timem:s3], [sflag:s2] =	dma.local @!p0 [hbm:s0], s1  }
0x3a: {  	s0 =	simm.s32 @!p0 $0x1  }
0x3b: {  	_ =	swait.ge @!p0 [sflag:s0], s1  }
0x3c: {  	s1 =	ssub.s32 @!p0 $0x0, s1;
	[sflag:s0] =	ssyncset.done @!p0 $0x0  }
0x3d: {  	[sflag:s0] =	ssyncadd.s32 @!p0 s1  }
0x3e: {  	[bflag:$0x3] =	sbarrier.arrive $0xFFFF  }
0x3f: {  	_ =	shalt  }

// kernel: kernel.9.cloned.1.call-start
scs
__scs_entry_jumppad:
0x0: {  	(pc) =	sbr.rel $0x88, $3  }
0x1: {  	(tag) =	ssettag $0x0;
	lr =	simm.s32 $0x1  }
0x2: {  	[smem:$0x3F9C] =	sst lr;
	_ =	strace $0xD0000000  }
0x3: {  	_ = 	snop  }
0x4: {  	_ = 	snop  }
0x5: {  	_ = 	snop  }
0x6: {  	_ = 	snop  }
0x7: {  	_ = 	snop  }
__scs_overlays_trampoline_lowered:
0x8: {  	[smem:$0x3FAB] =	sst s0  }
0x9: {  	[smem:$0x3FAC] =	sst s1  }
0xa: {  	[smem:$0x3FAD] =	sst s2  }
0xb: {  	[smem:$0x3FAE] =	sst s3  }
0xc: {  	[smem:$0x3FAF] =	sst s4  }
0xd: {  	[smem:$0x3FB0] =	sst s5  }
0xe: {  	[smem:$0x3FB1] =	sst s6  }
0xf: {  	[smem:$0x3FB2] =	sst s7  }
0x10: {  	[smem:$0x3FB3] =	sst s8  }
0x11: {  	[smem:$0x3FB4] =	sst s9;
	s0 =	simm.s32 @!p0 $0x0  }
0x12: {  	s1 =	sld [smem:$0x3F9A];
	s0 =	simm.s32 @p0 $0x1  }
0x13: {  	[smem:$0x3FB5] =	sst s0;
	s0 =	simm.s32 @!p1 $0x0  }
0x14: {  	s2 =	sld [smem:$0x3F99];
	s0 =	simm.s32 @p1 $0x1  }
0x15: {  	[smem:$0x3FB6] =	sst s0;
	s0 =	simm.s32 @!p2 $0x0  }
0x16: {  	s3 =	sld [smem:$0x3FDB];
	s0 =	simm.s32 @p2 $0x1  }
0x17: {  	s4 =	simm.s32 $0x1BF5;
	[smem:$0x3FB8] =	sst s0  }
0x18: {  	s0 =	sld [smem:$0x3F9B];
	_ =	swait.ge [sflag:s4], $0x0  }
0x19: {  	s7 =	sld [smem:$0x3F9C]  }
0x1a: {  	s8 =	sadd.s32 $0xFFFFE003, lr  }
0x1b: {  	s9 =	sadd.s32 $0xFFFFFEF7, lr;
	s5 =	simm.s32 $0xFFFFFFFF;
	p2 =	slt.u32 s8, $0xFFFFF086  }
0x1c: {  	p1 =	slt.u32 s9, $0xF7A;
	s5 =	simm.s32 @!p2 $0x0  }
0x1d: {  	s5 =	simm.s32 @p1 $0x1;
	p0 =	seq.s32 s7, s2  }
0x1e: {  	s7 =	smul.u32 @!p0 $0xF7A, s2;
	p2 =	seq.s32 @!p0 s5, $0x0  }
0x1f: {  	s9 =	smul.u32 $0xF7A, s1;
	s8 =	simm.s32 @!p0 $0x1BF5;
	p2 =	por !p2, p0  }
0x20: {  	[sflag:s8] =	ssyncset.s32 @!p0 $0xFFFFF086;
	s6 =	sadd.s32 @!p0 s3, s7;
	s7 =	simm.s32 @!p0 $0x108  }
0x21: {  	s3 =	sadd.s32 s3, s9;
	s6 =	sadd.s32 @!p0 $0x88, s6;
	s7 =	simm.s32 @p2 $0x1082  }
0x22: {  	[simem:s7], [sflag:s8] =	dma.local @!p0 [hbm:s6], $0xF7A  }
0x23: {  	s9 =	sor.u32 $0xD0000000, s2;
	s6 =	simm.s32 $0x108;
	_ =	swait.ge @!p0 [sflag:s8], $0x0  }
0x24: {  	s3 =	sadd.s32 $0x88, s3;
	s6 =	simm.s32 @!p1 $0x1082;
	[sflag:s4] =	ssyncset.s32 $0xFFFFF086  }
0x25: {  	[simem:s6], [sflag:s4] =	dma.local [hbm:s3], $0xF7A  }
0x26: {  	[smem:$0x3F9C] =	sst s1;
	(tag) =	ssettag s2;
	_ =	strace s9  }
0x27: {  	s1 =	sld [smem:$0x3FAC]  }
0x28: {  	s2 =	sld [smem:$0x3FAD]  }
0x29: {  	s4 =	sld [smem:$0x3FAF]  }
0x2a: {  	p0 =	seq.s32 s5, $0x0;
	s5 =	sld [smem:$0x3FB0]  }
0x2b: {  	s6 =	sld [smem:$0x3FB1]  }
0x2c: {  	s7 =	sld [smem:$0x3FB2]  }
0x2d: {  	s3 =	simm.s32 $0x108;
	s8 =	sld [smem:$0x3FB3]  }
0x2e: {  	s3 =	simm.s32 @!p0 $0x1082;
	s9 =	sld [smem:$0x3FB4]  }
0x2f: {  	lr =	sadd.s32 s0, s3;
	s0 =	sld [smem:$0x3FAB]  }
0x30: {  	s3 =	sld [smem:$0x3FAE]  }
0x31: {  	[smem:$0x3FB7] =	sst s10  }
0x32: {  	s10 =	sld [smem:$0x3FB5];
	_ =	sdelay $0x3  }
0x33: {  	p0 =	seq.s32 s10, $0x1;
	s10 =	sld [smem:$0x3FB7];
	_ =	sdelay $0x3  }
0x34: {  	[smem:$0x3FB7] =	sst s10  }
0x35: {  	s10 =	sld [smem:$0x3FB6];
	_ =	sdelay $0x3  }
0x36: {  	p1 =	seq.s32 s10, $0x1;
	s10 =	sld [smem:$0x3FB7];
	_ =	sdelay $0x3  }
0x37: {  	[smem:$0x3FB7] =	sst s10  }
0x38: {  	s10 =	sld [smem:$0x3FB8]  }
0x39: {  	_ = 	snop;
	(pc) =	sbr.ind lr, $3  }
0x3a: {  	_ = 	snop  }
0x3b: {  	_ = 	snop  }
0x3c: {  	p2 =	seq.s32 s10, $0x1;
	s10 =	sld [smem:$0x3FB7]  }
0x3d: {  	_ =	shalt  }
0x3e: {  	_ =	shalt  }
0x3f: {  	_ =	shalt  }
0x40: {  	_ =	shalt  }
0x41: {  	_ =	shalt  }
0x42: {  	_ =	shalt  }
0x43: {  	_ =	shalt  }
0x44: {  	_ =	shalt  }
0x45: {  	_ =	shalt  }
0x46: {  	_ =	shalt  }
0x47: {  	_ =	shalt  }
0x48: {  	_ =	shalt  }
0x49: {  	_ =	shalt  }
0x4a: {  	_ =	shalt  }
0x4b: {  	_ =	shalt  }
0x4c: {  	_ =	shalt  }
0x4d: {  	_ =	shalt  }
0x4e: {  	_ =	shalt  }
0x4f: {  	_ =	shalt  }
0x50: {  	_ =	shalt  }
0x51: {  	_ =	shalt  }
0x52: {  	_ =	shalt  }
0x53: {  	_ =	shalt  }
0x54: {  	_ =	shalt  }
0x55: {  	_ =	shalt  }
0x56: {  	_ =	shalt  }
0x57: {  	_ =	shalt  }
0x58: {  	_ =	shalt  }
0x59: {  	_ =	shalt  }
0x5a: {  	_ =	shalt  }
0x5b: {  	_ =	shalt  }
0x5c: {  	_ =	shalt  }
0x5d: {  	_ =	shalt  }
0x5e: {  	_ =	shalt  }
0x5f: {  	_ =	shalt  }
0x60: {  	_ =	shalt  }
0x61: {  	_ =	shalt  }
0x62: {  	_ =	shalt  }
0x63: {  	_ =	shalt  }
0x64: {  	_ =	shalt  }
0x65: {  	_ =	shalt  }
0x66: {  	_ =	shalt  }
0x67: {  	_ =	shalt  }
0x68: {  	_ =	shalt  }
0x69: {  	_ =	shalt  }
0x6a: {  	_ =	shalt  }
0x6b: {  	_ =	shalt  }
0x6c: {  	_ =	shalt  }
0x6d: {  	_ =	shalt  }
0x6e: {  	_ =	shalt  }
0x6f: {  	_ =	shalt  }
0x70: {  	_ =	shalt  }
0x71: {  	_ =	shalt  }
0x72: {  	_ =	shalt  }
0x73: {  	_ =	shalt  }
0x74: {  	_ =	shalt  }
0x75: {  	_ =	shalt  }
0x76: {  	_ =	shalt  }
0x77: {  	_ =	shalt  }
0x78: {  	_ =	shalt  }
0x79: {  	_ =	shalt  }
0x7a: {  	_ =	shalt  }
0x7b: {  	_ =	shalt  }
0x7c: {  	_ =	shalt  }
0x7d: {  	_ =	shalt  }
0x7e: {  	_ =	shalt  }
0x7f: {  	_ =	shalt  }
0x80: {  	_ =	shalt  }
0x81: {  	_ =	shalt  }
0x82: {  	_ =	shalt  }
0x83: {  	_ =	shalt  }
0x84: {  	_ =	shalt  }
0x85: {  	_ =	shalt  }
0x86: {  	_ =	shalt  }
0x87: {  	_ =	shalt  }
.Lfunc_end0:
.L_simem_size_0:
called_computation.1_lowered:
.L_overlay_start_0:
0x88: {  	s2 =	sld [smem:$0x3FD9]  }
0x89: {  	s3 =	sld [smem:$0x3FFE];
	_ =	sdelay $0x1  }
0x8a: {  	s1 =	srdreg.scid  }
0x8b: {  	s0 =	sand.u32 $0x1, s1  }
0x8c: {  	s17 =	sshll.u32 s0, $0xA;
	s2 =	sadd.s32 s3, s2  }
0x8d: {  	s2 =	sadd.s32 s2, s17  }
0x8e: {  	[smem:$0x3FC3] =	sst s2  }
0x8f: {  	_ = 	snop  }
0x90: {  	s2 =	sld [smem:$0x3FD0];
	(tm) =	ssettm $0x1  }
0x91: {  	s18 =	sld [smem:$0x3FFB];
	_ =	sdelay $0x3  }
0x92: {  	_ =	strace s18  }
0x93: {  	s3 =	sld [smem:$0x3FFC];
	_ =	sdelay $0x3  }
0x94: {  	_ =	strace s3  }
0x95: {  	s3 =	sld [smem:$0x3FFD];
	_ =	sdelay $0x3  }
0x96: {  	_ =	strace s3  }
0x97: {  	_ =	strace $0x8FFFFFFF  }
0x98: {  	s19 =	sld [smem:$0x3FDB];
	_ =	sdelay $0x1  }
0x99: {  	s4 =	simm.s32 $_scs_section_size  }
0x9a: {  	s5 =	simm.s32 $_size__tile_overlayer_lowered;
	s6 =	simm.s32 $_tile_overlayer_lowered  }
0x9b: {  	s22 =	simm.s32 $0x1BFF;
	s21 =	sshll.u32 s6, $0x1;
	s3 =	sadd.s32 s4, s19  }
0x9c: {  	s7 =	simm.s32 $0x0;
	s20 =	sshll.u32 s5, $0x1;
	s5 =	sadd.s32 s21, s3  }
0x9d: {  	[timem:s7], [sflag:s22] =	dma.local [hbm:s5], s20  }
0x9e: {  	_ =	swait.ge [sflag:s22], s20  }
0x9f: {  	s4 =	ssub.s32 $0x0, s20;
	[sflag:s22] =	ssyncset.done $0x0  }
0xa0: {  	[sflag:s22] =	ssyncadd.s32 s4;
	_ =	sdelay $0x1  }
0xa1: {  	s23 =	simm.s32 $0x1B8B  }
0xa2: {  	_ =	swait.ge [sflag:s23], $0x1  }
0xa3: {  	[sflag:s23] =	ssyncset.done $0x0  }
0xa4: {  	s25 =	simm.s32 $0x1B8E;
	s24 =	sld [smem:$0x3FFE];
	[sflag:s23] =	ssyncadd.s32 $0xFFFFFFFF  }
0xa5: {  	s26 =	simm.s32 $execute0_lowered;
	[smem:$0x3FD2] =	sst s25  }
0xa6: {  	s5 =	sshll.u32 s26, $0x1;
	_ =	strace $0x80000049;
	[dreg:$0x1] =	wrdreg $0xFFFFFFFF  }
0xa7: {  	s28 =	simm.s32 $_size_execute0_lowered;
	s3 =	sadd.s32 s3, s5;
	[dreg:$0x0] =	wrdreg $0x0  }
0xa8: {  	s5 =	sshll.u32 s28, $0x1;
	[dreg:$0x2] =	wrdreg s3  }
0xa9: {  	[dreg:$0x3] =	wrdreg s5  }
0xaa: {  	[dreg:$0x4] =	wrdreg $0xC0  }
0xab: {  	_ =	task [dreg:s7], $0x5FFFF  }
0xac: {  	[dreg:$0x1] =	wrdreg $0xFFFFFFFF  }
0xad: {  	[dreg:$0x0] =	wrdreg $0x60  }
0xae: {  	[dreg:$0x2] =	wrdreg s2  }
0xaf: {  	[dreg:$0x3] =	wrdreg s24  }
0xb0: {  	[dreg:$0x4] =	wrdreg $0x98000  }
0xb1: {  	[dreg:$0x5] =	wrdreg $0x9  }
0xb2: {  	_ =	task.clear_ibuf [dreg:s7], $0x6FFFF;
	_ =	strace $0x90000049  }
0xb3: {  	s29 =	simm.s32 $0x9;
	_ =	strace $0x80000055  }
0xb4: {  	_ =	swait.ge [sflag:s29], $0x1  }
0xb5: {  	[sflag:s29] =	ssyncadd.s32 $0xFFFFFFFF  }
0xb6: {  	_ =	strace $0x90000055  }
0xb7: {  	_ =	sfence  }
0xb8: {  	s30 =	sld [smem:$0x0];
	_ =	sdelay $0x2  }
0xb9: {  	s31 =	sshll.u32 s1, $0xD;
	s1 =	sshrl.u32 s1, $0x2  }
0xba: {  	s3 =	sand.u32 $0x4000, s31;
	s1 =	sadd.s32 s1, s30  }
0xbb: {  	s0 =	sor.u32 s3, s0;
	s1 =	sshll.u32 s1, $0x11  }
0xbc: {  	s0 =	sor.u32 s1, s0  }
0xbd: {  	s0 =	sadd.s32 $0x8F2B, s0  }
0xbe: {  	[sflag:s0] =	ssyncadd.remote.s32 $0x1  }
0xbf: {  	_ =	sfence.sel $0xFFFF  }
0xc0: {  	[dreg:$0x0] =	wrdreg $0xFFFFFFFF;
	(pc) =	sbr.abs _section_cstart, $3  }
0xc1: {  	[dreg:$0x1] =	wrdreg $0xFFFFFFFF  }
0xc2: {  	_ =	task.clear_ibuf [dreg:s7], $0x2FFFF;
	_ =	strace $0x9FFFFFFF  }
0xc3: {  	(tm) =	ssettm $0x7FFFFFFF  }
tec
execute0_lowered:
.L_overlay_start_1:
0x0: {  	(tag) =	ssettag $0x1  }
0x1: {  	s1 =	rddreg [dreg:$0x0]  }
0x2: {  	s0 =	srdreg.scid;
	s2 =	rddreg [dreg:$0x1]  }
0x3: {  	s16 =	stileid.u32;
	s3 =	rddreg [dreg:$0x2]  }
0x4: {  	s28 =	simm.s32 $0x1000;
	s29 =	simm.s32 $0x5;
	s6 =	smul.u32 $0x7D000, s16  }
0x5: {  	s30 =	simm.s32 $0x80;
	s31 =	simm.s32 $0x1800;
	s20 =	smul.u32 $0x3E8, s16  }
0x6: {  	s0 =	sand.u32 $0x1, s0;
	s9 =	smul.u32 $0x3E80, s16;
	p0 =	sgt.u32 s16, $0x9  }
0x7: {  	s4 =	sshll.u32 s0, $0x4;
	s7 =	smul.u32 $0x27100, s0;
	s0 =	ssub.s32 $0x2, s0  }
0x8: {  	s5 =	sor.u32 s16, s4;
	s4 =	simm.s32 $0x0;
	s13 =	sshrl.u32 s6, $0x2  }
0x9: {  	s14 =	sshrl.u32 s0, $0x1;
	s24 =	sadd.s32 $0xC8, s20;
	s11 =	sadd.s32 $0x190, s20  }
0xa: {  	s6 =	sadd.s32 $0x320, s20;
	s5 =	smul.u32 $0x500, s5;
	[smem:$0x7FF] =	sst s4  }
0xb: {  	s0 =	ssub.s32 s0, s14;
	s10 =	sshll.u32 s24, $0x7;
	s12 =	sshll.u32 s11, $0x4  }
0xc: {  	s14 =	sadd.s32 $0x258, s20;
	s16 =	sshll.u32 s6, $0x4;
	s25 =	sshll.u32 s11, $0x7  }
0xd: {  	s6 =	sshll.u32 s6, $0x7;
	s8 =	sadd.s32 s5, s2;
	s5 =	sadd.s32 s13, s3  }
0xe: {  	_ =	strace $0x8000004A;
	s26 =	sshll.u32 s14, $0x7;
	s15 =	sadd.s32 $0x4000, s5  }
0xf: {  	s6 =	sadd.s32 s6, s3;
	s17 =	sadd.s32 $0x8000, s5;
	[dreg:$0x4] =	wrdreg s15  }
0x10: {  	s2 =	sadd.s32 s7, s2;
	s18 =	sadd.s32 $0xC000, s5;
	[dreg:$0x5] =	wrdreg s17  }
0x11: {  	s7 =	sshll.u32 s24, $0x4;
	s19 =	sadd.s32 $0x10000, s5;
	[dreg:$0x6] =	wrdreg s18  }
0x12: {  	s21 =	sadd.s32 $0x14000, s5;
	s22 =	sadd.s32 $0x18000, s5;
	[dreg:$0x7] =	wrdreg s19  }
0x13: {  	s23 =	sadd.s32 $0x1C000, s5;
	s13 =	sadd.s32 $0xC000, s8;
	[dreg:$0x8] =	wrdreg s21  }
0x14: {  	s2 =	sadd.s32 $0x20000, s2;
	s20 =	sadd.s32 $0x2000, s8;
	[dreg:$0x9] =	wrdreg s22  }
0x15: {  	[dreg:$0xa] =	wrdreg s23;
	s15 =	sshll.u32 s14, $0x4;
	s9 =	sadd.s32 @!p0 s9, s2  }
0x16: {  	s7 =	sadd.s32 @!p0 s7, s2;
	s19 =	sadd.s32 $0x16000, s8;
	s8 =	sadd.s32 s26, s3  }
0x17: {  	s21 =	smax.u32 s0, $0x1;
	s26 =	simm.s32 $0x800;
	[dreg:$0xb] =	wrdreg s9  }
0x18: {  	s0 =	simm.s32 $0x1;
	[dreg:$0xc] =	wrdreg s7;
	s7 =	sadd.s32 @!p0 s12, s2  }
0x19: {  	s24 =	sshrl.u32 @!p0 s8, $0x3;
	[dreg:$0xd] =	wrdreg s7;
	s7 =	sadd.s32 @!p0 s15, s2  }
0x1a: {  	s8 =	simm.s32 $0x4;
	s2 =	sadd.s32 @!p0 s16, s2;
	[dreg:$0xe] =	wrdreg s7  }
0x1b: {  	[dreg:$0xf] =	wrdreg s2;
	s2 =	sadd.s32 s10, s3;
	s7 =	sadd.s32 s25, s3  }
0x1c: {  	s25 =	sshrl.u32 @!p0 s6, $0x3;
	s6 =	simm.s32 $0x2;
	s22 =	sshrl.u32 @!p0 s2, $0x3  }
0x1d: {  	v0 =	vimm.f32 $0.0e+00;
	s23 =	sshrl.u32 @!p0 s7, $0x3;
	s2 =	simm.s32 $0x5800;
	s7 =	simm.s32 $0x3  }
.LBB2_1:
0x1e: {  	s9 =	simm.s32 $0x0;
	s10 =	simm.s32 $0x200  }
.LBB2_2:
0x1f: {  	p1 =	sne.s32 s10, $0xFE00;
	[tilespmem:s9+$0x1870] =	vst v0  }
0x20: {  	[tilespmem:s9+$0x1800] =	vst v0  }
0x21: {  	[tilespmem:s9+$0x1810] =	vst v0  }
.Ltmp0:
0x22: {  	[tilespmem:s9+$0x1820] =	vst v0;
	(pc) =	sbr.rel @p1 .LBB2_2-.Ltmp0, $4  }
0x23: {  	[tilespmem:s9+$0x1830] =	vst v0  }
0x24: {  	[tilespmem:s9+$0x1840] =	vst v0  }
0x25: {  	[tilespmem:s9+$0x1850] =	vst v0  }
0x26: {  	[tilespmem:s9+$0x1860] =	vst v0;
	s9 =	sshra.s32 s10, $0x2;
	s10 =	sadd.s32 $0x200, s10  }
0x27: {  	[tilespmem:s9+$0x1870] =	vst v0  }
0x28: {  	[tilespmem:s9+$0x1800] =	vst v0  }
0x29: {  	[tilespmem:s9+$0x1810] =	vst v0  }
0x2a: {  	[tilespmem:s9+$0x1820] =	vst v0  }
0x2b: {  	[tilespmem:s9+$0x1830] =	vst v0  }
0x2c: {  	[tilespmem:s9+$0x1840] =	vst v0  }
0x2d: {  	[tilespmem:s9+$0x1850] =	vst v0  }
0x2e: {  	[tilespmem:s9+$0x1860] =	vst v0;
	s9 =	simm.s32 @!p0 $0x1800;
	s10 =	simm.s32 @!p0 $0x6  }
0x2f: {  	[spmem:s5] =	stream.linear.scatter @!p0 [tilespmem:s9], [sflag:$0x6], $0x4000, $0x38;
	[tilespmem:$0x1D080] =	vst v63  }
0x30: {  	_ =	swait.ge @!p0 [sflag:s10], $0x4000  }
0x31: {  	[sflag:s10] =	ssyncset.done @!p0 $0x0  }
0x32: {  	s11 =	rddreg [dreg:$0x4];
	[sflag:s10] =	ssyncadd.s32 @!p0 $0xFFFFC000  }
0x33: {  	[spmem:s11] =	stream.linear.scatter @!p0 [tilespmem:s9], [sflag:$0x6], $0x4000, $0x38;
	[tilespmem:$0x1D080] =	vst v63  }
0x34: {  	_ =	swait.ge @!p0 [sflag:s10], $0x4000  }
0x35: {  	[sflag:s10] =	ssyncset.done @!p0 $0x0  }
0x36: {  	s11 =	rddreg [dreg:$0x5];
	[sflag:s10] =	ssyncadd.s32 @!p0 $0xFFFFC000  }
0x37: {  	[spmem:s11] =	stream.linear.scatter @!p0 [tilespmem:s9], [sflag:$0x6], $0x4000, $0x38;
	[tilespmem:$0x1D080] =	vst v63  }
0x38: {  	_ =	swait.ge @!p0 [sflag:s10], $0x4000  }
0x39: {  	[sflag:s10] =	ssyncset.done @!p0 $0x0  }
0x3a: {  	s11 =	rddreg [dreg:$0x6];
	[sflag:s10] =	ssyncadd.s32 @!p0 $0xFFFFC000  }
0x3b: {  	[spmem:s11] =	stream.linear.scatter @!p0 [tilespmem:s9], [sflag:$0x6], $0x4000, $0x38;
	[tilespmem:$0x1D080] =	vst v63  }
0x3c: {  	_ =	swait.ge @!p0 [sflag:s10], $0x4000  }
0x3d: {  	[sflag:s10] =	ssyncset.done @!p0 $0x0  }
0x3e: {  	s11 =	rddreg [dreg:$0x7];
	[sflag:s10] =	ssyncadd.s32 @!p0 $0xFFFFC000  }
0x3f: {  	[spmem:s11] =	stream.linear.scatter @!p0 [tilespmem:s9], [sflag:$0x6], $0x4000, $0x38;
	[tilespmem:$0x1D080] =	vst v63  }
0x40: {  	_ =	swait.ge @!p0 [sflag:s10], $0x4000  }
0x41: {  	[sflag:s10] =	ssyncset.done @!p0 $0x0  }
0x42: {  	s11 =	rddreg [dreg:$0x8];
	[sflag:s10] =	ssyncadd.s32 @!p0 $0xFFFFC000  }
0x43: {  	[spmem:s11] =	stream.linear.scatter @!p0 [tilespmem:s9], [sflag:$0x6], $0x4000, $0x38;
	[tilespmem:$0x1D080] =	vst v63  }
0x44: {  	_ =	swait.ge @!p0 [sflag:s10], $0x4000  }
0x45: {  	[sflag:s10] =	ssyncset.done @!p0 $0x0  }
0x46: {  	s11 =	rddreg [dreg:$0x9];
	[sflag:s10] =	ssyncadd.s32 @!p0 $0xFFFFC000  }
0x47: {  	[spmem:s11] =	stream.linear.scatter @!p0 [tilespmem:s9], [sflag:$0x6], $0x4000, $0x38;
	[tilespmem:$0x1D080] =	vst v63  }
0x48: {  	_ =	swait.ge @!p0 [sflag:s10], $0x4000  }
0x49: {  	[sflag:s10] =	ssyncset.done @!p0 $0x0  }
0x4a: {  	s11 =	rddreg [dreg:$0xa];
	[sflag:s10] =	ssyncadd.s32 @!p0 $0xFFFFC000  }
0x4b: {  	[spmem:s11] =	stream.linear.scatter @!p0 [tilespmem:s9], [sflag:$0x6], $0x3400, $0x38;
	[tilespmem:$0x1D080] =	vst v63  }
0x4c: {  	_ =	swait.ge @!p0 [sflag:s10], $0x3400  }
0x4d: {  	[sflag:s10] =	ssyncset.done @!p0 $0x0  }
0x4e: {  	[sflag:s10] =	ssyncadd.s32 @!p0 $0xFFFFCC00  }
0x4f: {  	s9 =	simm.s32 $0x0;
	s10 =	simm.s32 $0x0;
	[bflag:$0x0] =	sbarrier.arrive $0xFFFF  }
.LBB2_4:
0x50: {  	s11 =	sshll.u32 s10, $0x8  }
0x51: {  	_ =	strace $0x8000004B;
	s12 =	sadd.s32 s11, s13  }
0x52: {  	[tilespmem:s9], [sflag:$0x5] =	stream.linear.gather [hbm4b:s12+s9], $0x800, $0x200038;
	[tilespmem:$0x1D080] =	vst v63  }
0x53: {  	s18 =	sadd.s32 s11, s19  }
0x54: {  	[tilespmem:s26], [sflag:$0x5] =	stream.linear.gather [hbm4b:s18+s9], $0x800, $0x200038;
	[tilespmem:$0x1D080] =	vst v63  }
0x55: {  	s11 =	sadd.s32 s11, s20  }
0x56: {  	[tilespmem:s28], [sflag:$0x5] =	stream.linear.gather [hbm4b:s11+s9], $0x800, $0x200038;
	[tilespmem:$0x1D080] =	vst v63  }
0x57: {  	_ =	swait.ge [sflag:s29], $0x800  }
0x58: {  	[sflag:s29] =	ssyncset.done $0x0  }
0x59: {  	[sflag:s29] =	ssyncadd.s32 $0xFFFFF800  }
0x5a: {  	_ =	swait.ge [sflag:s29], $0x800  }
0x5b: {  	[sflag:s29] =	ssyncset.done $0x0  }
0x5c: {  	[sflag:s29] =	ssyncadd.s32 $0xFFFFF800  }
0x5d: {  	_ =	swait.ge [sflag:s29], $0x800  }
0x5e: {  	[sflag:s29] =	ssyncset.done $0x0  }
0x5f: {  	[sflag:s29] =	ssyncadd.s32 $0xFFFFF800  }
0x60: {  	_ =	strace $0x9000004B  }
0x61: {  	[tilespmem:s31], [sflag:$0x1] =	stream.indirect.gather [hbm4b:s1+s30], $0x80, s9, s30, $0xb8;
	[tilespmem:$0x1D080] =	vst v63  }
0x62: {  	s11 =	simm.s32 $0x0  }
0x63: {  	[tilespmem:s2], [sflag:$0x2] =	stream.indirect.gather [hbm4b:s1+s30], $0x80, s30, s30, $0xb8;
	[tilespmem:$0x1D080] =	vst v63  }
.LBB2_5:
0x64: {  	_ =	strace $0x8000004C;
	s12 =	sshll.u32 s11, $0xA  }
0x65: {  	_ =	swait.ge [sflag:s0], $0x4000;
	s14 =	sshrl.u32 s12, $0x2  }
0x66: {  	[sflag:s0] =	ssyncset.done $0x0;
	s16 =	sadd.s32 $0x1000, s14  }
0x67: {  	[sflag:s0] =	ssyncadd.s32 $0xFFFFC000;
	v1 =	vmov s16  }
0x68: {  	_ =	strace $0x9000004C  }
0x69: {  	s15 =	simm.s32 $0x0;
	_ =	strace $0x8000004D  }
.LBB2_6:
0x6a: {  	s17 =	sshll.u32 s15, $0x4  }
0x6b: {  	s16 =	sand.u32 $0x3FFFFFF0, s17  }
0x6c: {  	s18 =	sshll.u32 s15, $0xB;
	v3 =	vld.idx.msk [tilespmem:v1+s16+$0x0 ss:$0x1], $0xffff  }
0x6d: {  	s16 =	sand.u32 $0x3FFFF800, s18  }
0x6e: {  	v2 =	vld [tilespmem:s16+$0x1800]  }
0x6f: {  	v4 =	vld [tilespmem:s16+$0x1810]  }
0x70: {  	v5 =	vld [tilespmem:s16+$0x1820]  }
0x71: {  	v7 =	vld [tilespmem:s16+$0x1830];
	v6 =	vbroadcast v3, $0x0  }
0x72: {  	v8 =	vld [tilespmem:s16+$0x1840]  }
0x73: {  	v9 =	vld [tilespmem:s16+$0x1850];
	v2 =	vmul.f32 v6, v2  }
0x74: {  	v10 =	vld [tilespmem:s16+$0x1860];
	v4 =	vmul.f32 v4, v6  }
0x75: {  	[tilespmem:s16+$0x1800] =	vst v2;
	v2 =	vmul.f32 v5, v6  }
0x76: {  	v20 =	vmul.f32 v7, v6;
	[tilespmem:s16+$0x1810] =	vst v4  }
0x77: {  	[tilespmem:s16+$0x1820] =	vst v2;
	v2 =	vmul.f32 v8, v6  }
0x78: {  	v21 =	vmul.f32 v9, v6;
	[tilespmem:s16+$0x1830] =	vst v20  }
0x79: {  	[tilespmem:s16+$0x1840] =	vst v2;
	v2 =	vmul.f32 v10, v6  }
0x7a: {  	[tilespmem:s16+$0x1850] =	vst v21  }
0x7b: {  	[tilespmem:s16+$0x1860] =	vst v2  }
0x7c: {  	v2 =	vld [tilespmem:s16+$0x1870]  }
0x7d: {  	v22 =	vld [tilespmem:s16+$0x1880]  }
0x7e: {  	v23 =	vld [tilespmem:s16+$0x1890]  }
0x7f: {  	v24 =	vld [tilespmem:s16+$0x18A0]  }
0x80: {  	v25 =	vld [tilespmem:s16+$0x18B0]  }
0x81: {  	v26 =	vbroadcast v3, $0x1;
	v27 =	vld [tilespmem:s16+$0x18C0]  }
0x82: {  	v28 =	vld [tilespmem:s16+$0x18D0];
	v2 =	vmul.f32 v2, v6  }
0x83: {  	v11 =	vld [tilespmem:s16+$0x18E0];
	v4 =	vmul.f32 v22, v26  }
0x84: {  	v29 =	vld [tilespmem:s16+$0x18F0];
	v30 =	vmul.f32 v24, v26;
	[tilespmem:s16+$0x1870] =	vst v2  }
0x85: {  	v31 =	vld [tilespmem:s16+$0x1900];
	v2 =	vmul.f32 v23, v26;
	[tilespmem:s16+$0x1880] =	vst v4  }
0x86: {  	v32 =	vld [tilespmem:s16+$0x1910];
	v33 =	vmul.f32 v27, v26;
	[tilespmem:s16+$0x18A0] =	vst v30  }
0x87: {  	v34 =	vld [tilespmem:s16+$0x1920];
	[tilespmem:s16+$0x1890] =	vst v2;
	v2 =	vmul.f32 v25, v26  }
0x88: {  	v37 =	vbroadcast v3, $0x2;
	v35 =	vld [tilespmem:s16+$0x1930];
	v36 =	vmul.f32 v11, v26;
	[tilespmem:s16+$0x18C0] =	vst v33  }
0x89: {  	v12 =	vld [tilespmem:s16+$0x1940];
	[tilespmem:s16+$0x18B0] =	vst v2;
	v2 =	vmul.f32 v28, v26  }
0x8a: {  	v38 =	vld [tilespmem:s16+$0x1950];
	v39 =	vmul.f32 v31, v37;
	[tilespmem:s16+$0x18E0] =	vst v36  }
0x8b: {  	v40 =	vld [tilespmem:s16+$0x1960];
	[tilespmem:s16+$0x18D0] =	vst v2;
	v2 =	vmul.f32 v29, v26  }
0x8c: {  	v41 =	vld [tilespmem:s16+$0x1970];
	v42 =	vmul.f32 v34, v37;
	[tilespmem:s16+$0x1900] =	vst v39  }
0x8d: {  	v43 =	vld [tilespmem:s16+$0x1980];
	[tilespmem:s16+$0x18F0] =	vst v2;
	v2 =	vmul.f32 v32, v37  }
0x8e: {  	v44 =	vld [tilespmem:s16+$0x1990];
	v45 =	vmul.f32 v12, v37;
	[tilespmem:s16+$0x1920] =	vst v42  }
0x8f: {  	v46 =	vld [tilespmem:s16+$0x19A0];
	[tilespmem:s16+$0x1910] =	vst v2;
	v2 =	vmul.f32 v35, v37  }
0x90: {  	v49 =	vbroadcast v3, $0x3;
	v47 =	vld [tilespmem:s16+$0x19B0];
	v48 =	vmul.f32 v40, v37;
	[tilespmem:s16+$0x1940] =	vst v45  }
0x91: {  	v50 =	vld [tilespmem:s16+$0x19C0];
	[tilespmem:s16+$0x1930] =	vst v2;
	v2 =	vmul.f32 v38, v37  }
0x92: {  	v51 =	vld [tilespmem:s16+$0x19D0];
	v52 =	vmul.f32 v43, v49;
	[tilespmem:s16+$0x1960] =	vst v48  }
0x93: {  	v53 =	vld [tilespmem:s16+$0x19E0];
	[tilespmem:s16+$0x1950] =	vst v2;
	v2 =	vmul.f32 v41, v37  }
0x94: {  	v54 =	vld [tilespmem:s16+$0x19F0];
	v55 =	vmul.f32 v46, v49;
	[tilespmem:s16+$0x1980] =	vst v52  }
0x95: {  	v56 =	vld [tilespmem:s16+$0x1A00];
	[tilespmem:s16+$0x1970] =	vst v2;
	v2 =	vmul.f32 v44, v49  }
0x96: {  	v57 =	vld [tilespmem:s16+$0x1A10];
	v58 =	vmul.f32 v50, v49;
	[tilespmem:s16+$0x19A0] =	vst v55  }
0x97: {  	v59 =	vld [tilespmem:s16+$0x1A20];
	[tilespmem:s16+$0x1990] =	vst v2;
	v2 =	vmul.f32 v47, v49  }
0x98: {  	v62 =	vbroadcast v3, $0x4;
	v60 =	vld [tilespmem:s16+$0x1A30];
	v61 =	vmul.f32 v53, v49;
	[tilespmem:s16+$0x19C0] =	vst v58  }
0x99: {  	v63 =	vld [tilespmem:s16+$0x1A40];
	[tilespmem:s16+$0x19B0] =	vst v2;
	v2 =	vmul.f32 v51, v49  }
0x9a: {  	v14 =	vld [tilespmem:s16+$0x1A50];
	v15 =	vmul.f32 v56, v62;
	[tilespmem:s16+$0x19E0] =	vst v61  }
0x9b: {  	v16 =	vld [tilespmem:s16+$0x1A60];
	[tilespmem:s16+$0x19D0] =	vst v2;
	v2 =	vmul.f32 v54, v49  }
0x9c: {  	v17 =	vld [tilespmem:s16+$0x1A70];
	v18 =	vmul.f32 v59, v62;
	[tilespmem:s16+$0x1A00] =	vst v15  }
0x9d: {  	v19 =	vld [tilespmem:s16+$0x1A80];
	[tilespmem:s16+$0x19F0] =	vst v2;
	v2 =	vmul.f32 v57, v62  }
0x9e: {  	v20 =	vld [tilespmem:s16+$0x1A90];
	v21 =	vmul.f32 v63, v62;
	[tilespmem:s16+$0x1A20] =	vst v18  }
0x9f: {  	v22 =	vld [tilespmem:s16+$0x1AA0];
	[tilespmem:s16+$0x1A10] =	vst v2;
	v2 =	vmul.f32 v60, v62  }
0xa0: {  	v24 =	vmul.f32 v16, v62;
	v27 =	vld [tilespmem:s16+$0x1AD0];
	[tilespmem:s16+$0x1A40] =	vst v21;
	v25 =	vbroadcast v3, $0x5  }
0xa1: {  	v58 =	vld [tilespmem:s16+$0x1C00];
	[tilespmem:s16+$0x1A30] =	vst v2;
	v2 =	vmul.f32 v14, v62  }
0xa2: {  	v23 =	vld [tilespmem:s16+$0x1AB0];
	[tilespmem:s16+$0x1A60] =	vst v24;
	v28 =	vmul.f32 v19, v25  }
0xa3: {  	v61 =	vld [tilespmem:s16+$0x1C20];
	[tilespmem:s16+$0x1A50] =	vst v2;
	v2 =	vmul.f32 v17, v62  }
0xa4: {  	v40 =	vld [tilespmem:s16+$0x1B50];
	v16 =	vbroadcast v3, $0x8;
	v31 =	vmul.f32 v22, v25;
	[tilespmem:s16+$0x1A80] =	vst v28  }
0xa5: {  	v26 =	vld [tilespmem:s16+$0x1AC0];
	[tilespmem:s16+$0x1A70] =	vst v2;
	v2 =	vmul.f32 v20, v25  }
0xa6: {  	v30 =	vld [tilespmem:s16+$0x1AF0];
	v19 =	vmul.f32 v58, v16;
	[tilespmem:s16+$0x1AA0] =	vst v31  }
0xa7: {  	v29 =	vld [tilespmem:s16+$0x1AE0];
	[tilespmem:s16+$0x1A90] =	vst v2;
	v2 =	vmul.f32 v23, v25  }
0xa8: {  	v33 =	vld [tilespmem:s16+$0x1B10];
	v22 =	vmul.f32 v61, v16;
	[tilespmem:s16+$0x1C00] =	vst v19  }
0xa9: {  	v32 =	vld [tilespmem:s16+$0x1B00];
	[tilespmem:s16+$0x1AB0] =	vst v2;
	v2 =	vmul.f32 v27, v25  }
0xaa: {  	v36 =	vld [tilespmem:s16+$0x1B30];
	[tilespmem:s16+$0x1C20] =	vst v22;
	v34 =	vmul.f32 v26, v25  }
0xab: {  	v42 =	vld [tilespmem:s16+$0x1B60];
	v38 =	vbroadcast v3, $0x6;
	[tilespmem:s16+$0x1AD0] =	vst v2;
	v2 =	vmul.f32 v30, v25  }
0xac: {  	v43 =	vld [tilespmem:s16+$0x1B70];
	[tilespmem:s16+$0x1AC0] =	vst v34;
	v37 =	vmul.f32 v29, v25  }
0xad: {  	v35 =	vld [tilespmem:s16+$0x1B20];
	[tilespmem:s16+$0x1AF0] =	vst v2;
	v2 =	vmul.f32 v33, v38  }
0xae: {  	v46 =	vld [tilespmem:s16+$0x1B90];
	v41 =	vmul.f32 v32, v38;
	[tilespmem:s16+$0x1AE0] =	vst v37  }
0xaf: {  	v26 =	vld [tilespmem:s16+$0x1CA0];
	[tilespmem:s16+$0x1B10] =	vst v2;
	v2 =	vmul.f32 v36, v38  }
0xb0: {  	v53 =	vld [tilespmem:s16+$0x1BD0];
	v50 =	vmul.f32 v42, v38;
	[tilespmem:s16+$0x1B00] =	vst v41  }
0xb1: {  	v39 =	vld [tilespmem:s16+$0x1B40];
	[tilespmem:s16+$0x1B30] =	vst v2;
	v2 =	vmul.f32 v40, v38  }
0xb2: {  	v29 =	vbroadcast v3, $0x9;
	v44 =	vmul.f32 v35, v38;
	[tilespmem:s16+$0x1B60] =	vst v50;
	v49 =	vld [tilespmem:s16+$0x1BB0]  }
0xb3: {  	v45 =	vld [tilespmem:s16+$0x1B80];
	v51 =	vbroadcast v3, $0x7;
	[tilespmem:s16+$0x1B50] =	vst v2;
	v2 =	vmul.f32 v43, v38  }
0xb4: {  	v56 =	vld [tilespmem:s16+$0x1BF0];
	v35 =	vmul.f32 v26, v29;
	[tilespmem:s16+$0x1B20] =	vst v44  }
0xb5: {  	v55 =	vld [tilespmem:s16+$0x1BE0];
	[tilespmem:s16+$0x1B70] =	vst v2;
	v2 =	vmul.f32 v46, v51  }
0xb6: {  	v59 =	vld [tilespmem:s16+$0x1C10];
	v47 =	vmul.f32 v39, v38;
	[tilespmem:s16+$0x1CA0] =	vst v35  }
0xb7: {  	v48 =	vld [tilespmem:s16+$0x1BA0];
	[tilespmem:s16+$0x1B90] =	vst v2;
	v2 =	vmul.f32 v49, v51  }
0xb8: {  	v52 =	vld [tilespmem:s16+$0x1BC0];
	[tilespmem:s16+$0x1B40] =	vst v47;
	v54 =	vmul.f32 v45, v51  }
0xb9: {  	v39 =	vld [tilespmem:s16+$0x1D20];
	[tilespmem:s16+$0x1BB0] =	vst v2;
	v2 =	vmul.f32 v53, v51  }
0xba: {  	v63 =	vmul.f32 v55, v51;
	[tilespmem:s16+$0x1B80] =	vst v54;
	v62 =	vld [tilespmem:s16+$0x1C30]  }
0xbb: {  	v18 =	vld [tilespmem:s16+$0x1C50];
	[tilespmem:s16+$0x1BD0] =	vst v2;
	v2 =	vmul.f32 v56, v51  }
0xbc: {  	v21 =	vld [tilespmem:s16+$0x1C70];
	v42 =	vbroadcast v3, $0xA;
	v57 =	vmul.f32 v48, v51;
	[tilespmem:s16+$0x1BE0] =	vst v63  }
0xbd: {  	v60 =	vmul.f32 v52, v51;
	v52 =	vld [tilespmem:s16+$0x1DA0];
	[tilespmem:s16+$0x1BF0] =	vst v2;
	v2 =	vmul.f32 v59, v16  }
0xbe: {  	v24 =	vld [tilespmem:s16+$0x1C90];
	v48 =	vmul.f32 v39, v42;
	[tilespmem:s16+$0x1BA0] =	vst v57  }
0xbf: {  	v20 =	vld [tilespmem:s16+$0x1C60];
	[tilespmem:s16+$0x1C10] =	vst v2;
	v2 =	vmul.f32 v62, v16  }
0xc0: {  	v31 =	vld [tilespmem:s16+$0x1CD0];
	v55 =	vbroadcast v3, $0xB;
	[tilespmem:s16+$0x1D20] =	vst v48  }
0xc1: {  	v17 =	vld [tilespmem:s16+$0x1C40];
	[tilespmem:s16+$0x1C30] =	vst v2;
	v2 =	vmul.f32 v18, v16  }
0xc2: {  	[tilespmem:s16+$0x1BC0] =	vst v60;
	v61 =	vmul.f32 v52, v55;
	v27 =	vld [tilespmem:s16+$0x1CB0]  }
0xc3: {  	v23 =	vld [tilespmem:s16+$0x1C80];
	[tilespmem:s16+$0x1C50] =	vst v2;
	v2 =	vmul.f32 v21, v16  }
0xc4: {  	v34 =	vld [tilespmem:s16+$0x1CF0];
	[tilespmem:s16+$0x1DA0] =	vst v61;
	v28 =	vmul.f32 v20, v16  }
0xc5: {  	v20 =	vld [tilespmem:s16+$0x1E40];
	[tilespmem:s16+$0x1C70] =	vst v2;
	v2 =	vmul.f32 v24, v29  }
0xc6: {  	v37 =	vld [tilespmem:s16+$0x1D10];
	v25 =	vmul.f32 v17, v16;
	[tilespmem:s16+$0x1C60] =	vst v28  }
0xc7: {  	v26 =	vld [tilespmem:s16+$0x1E80];
	[tilespmem:s16+$0x1C90] =	vst v2;
	v2 =	vmul.f32 v27, v29  }
0xc8: {  	v19 =	vbroadcast v3, $0xC;
	v50 =	vld [tilespmem:s16+$0x1D90];
	v32 =	vmul.f32 v23, v29;
	[tilespmem:s16+$0x1C40] =	vst v25  }
0xc9: {  	v33 =	vld [tilespmem:s16+$0x1CE0];
	[tilespmem:s16+$0x1CB0] =	vst v2;
	v2 =	vmul.f32 v31, v29  }
0xca: {  	[tilespmem:s16+$0x1C80] =	vst v32;
	v32 =	vbroadcast v3, $0xD;
	v28 =	vmul.f32 v20, v19;
	v40 =	vld [tilespmem:s16+$0x1D30]  }
0xcb: {  	v30 =	vld [tilespmem:s16+$0x1CC0];
	[tilespmem:s16+$0x1CD0] =	vst v2;
	v2 =	vmul.f32 v34, v29  }
0xcc: {  	v44 =	vld [tilespmem:s16+$0x1D50];
	v35 =	vmul.f32 v26, v32;
	[tilespmem:s16+$0x1E40] =	vst v28  }
0xcd: {  	v36 =	vld [tilespmem:s16+$0x1D00];
	[tilespmem:s16+$0x1CF0] =	vst v2;
	v2 =	vmul.f32 v37, v42  }
0xce: {  	v47 =	vld [tilespmem:s16+$0x1D70];
	v41 =	vmul.f32 v33, v29;
	[tilespmem:s16+$0x1E80] =	vst v35  }
0xcf: {  	v33 =	vld [tilespmem:s16+$0x1EC0];
	[tilespmem:s16+$0x1D10] =	vst v2;
	v2 =	vmul.f32 v40, v42  }
0xd0: {  	v63 =	vld [tilespmem:s16+$0x1E10];
	v38 =	vmul.f32 v30, v29;
	[tilespmem:s16+$0x1CE0] =	vst v41  }
0xd1: {  	v39 =	vld [tilespmem:s16+$0x1F00];
	[tilespmem:s16+$0x1D30] =	vst v2;
	v2 =	vmul.f32 v44, v42  }
0xd2: {  	v45 =	vmul.f32 v36, v42;
	[tilespmem:s16+$0x1CC0] =	vst v38;
	v53 =	vld [tilespmem:s16+$0x1DB0]  }
0xd3: {  	v52 =	vld [tilespmem:s16+$0x1F80];
	[tilespmem:s16+$0x1D50] =	vst v2;
	v2 =	vmul.f32 v47, v42  }
0xd4: {  	v57 =	vld [tilespmem:s16+$0x1DD0];
	[tilespmem:s16+$0x1D00] =	vst v45;
	v45 =	vbroadcast v3, $0xE;
	v41 =	vmul.f32 v33, v32  }
0xd5: {  	v46 =	vld [tilespmem:s16+$0x1D60];
	[tilespmem:s16+$0x1D70] =	vst v2;
	v2 =	vmul.f32 v50, v55  }
0xd6: {  	v60 =	vld [tilespmem:s16+$0x1DF0];
	v3 =	vbroadcast v3, $0xF;
	v48 =	vmul.f32 v39, v45;
	[tilespmem:s16+$0x1EC0] =	vst v41  }
0xd7: {  	v43 =	vld [tilespmem:s16+$0x1D40];
	[tilespmem:s16+$0x1D90] =	vst v2;
	v2 =	vmul.f32 v53, v55  }
0xd8: {  	v17 =	vld [tilespmem:s16+$0x1E30];
	v61 =	vmul.f32 v52, v3;
	[tilespmem:s16+$0x1F00] =	vst v48  }
0xd9: {  	v49 =	vld [tilespmem:s16+$0x1D80];
	[tilespmem:s16+$0x1DB0] =	vst v2;
	v2 =	vmul.f32 v57, v55  }
0xda: {  	v23 =	vld [tilespmem:s16+$0x1E60];
	v54 =	vmul.f32 v46, v42;
	[tilespmem:s16+$0x1F80] =	vst v61  }
0xdb: {  	v56 =	vld [tilespmem:s16+$0x1DC0];
	[tilespmem:s16+$0x1DD0] =	vst v2;
	v2 =	vmul.f32 v60, v55  }
0xdc: {  	v51 =	vmul.f32 v43, v42;
	[tilespmem:s16+$0x1D60] =	vst v54;
	v21 =	vld [tilespmem:s16+$0x1E50]  }
0xdd: {  	v43 =	vld [tilespmem:s16+$0x1F30];
	[tilespmem:s16+$0x1DF0] =	vst v2;
	v2 =	vmul.f32 v63, v19  }
0xde: {  	v58 =	vmul.f32 v49, v55;
	[tilespmem:s16+$0x1D40] =	vst v51;
	v24 =	vld [tilespmem:s16+$0x1E70]  }
0xdf: {  	v49 =	vld [tilespmem:s16+$0x1F60];
	[tilespmem:s16+$0x1E10] =	vst v2;
	v2 =	vmul.f32 v17, v19  }
0xe0: {  	[tilespmem:s16+$0x1D80] =	vst v58;
	v15 =	vmul.f32 v56, v55;
	v27 =	vld [tilespmem:s16+$0x1E90]  }
0xe1: {  	v59 =	vld [tilespmem:s16+$0x1DE0];
	[tilespmem:s16+$0x1E30] =	vst v2;
	v2 =	vmul.f32 v21, v19  }
0xe2: {  	v30 =	vld [tilespmem:s16+$0x1EB0];
	v6 =	vmul.f32 v43, v45;
	[tilespmem:s16+$0x1DC0] =	vst v15  }
0xe3: {  	v62 =	vld [tilespmem:s16+$0x1E00];
	[tilespmem:s16+$0x1E50] =	vst v2;
	v2 =	vmul.f32 v24, v19  }
0xe4: {  	v56 =	vmul.f32 v49, v45;
	[tilespmem:s16+$0x1F30] =	vst v6;
	v34 =	vld [tilespmem:s16+$0x1ED0]  }
0xe5: {  	v16 =	vld [tilespmem:s16+$0x1E20];
	[tilespmem:s16+$0x1E70] =	vst v2;
	v2 =	vmul.f32 v27, v32  }
0xe6: {  	v18 =	vmul.f32 v59, v55;
	[tilespmem:s16+$0x1F60] =	vst v56;
	v37 =	vld [tilespmem:s16+$0x1EF0]  }
0xe7: {  	v20 =	vld [tilespmem:s16+$0x1FC0];
	[tilespmem:s16+$0x1E90] =	vst v2;
	v2 =	vmul.f32 v30, v32  }
0xe8: {  	v36 =	vld [tilespmem:s16+$0x1EE0];
	[tilespmem:s16+$0x1DE0] =	vst v18;
	v22 =	vmul.f32 v62, v19  }
0xe9: {  	v29 =	vld [tilespmem:s16+$0x1EA0];
	[tilespmem:s16+$0x1EB0] =	vst v2;
	v2 =	vmul.f32 v34, v32  }
0xea: {  	[tilespmem:s16+$0x1E00] =	vst v22;
	v22 =	vld [tilespmem:s16+$0x1FE0];
	v25 =	vmul.f32 v16, v19  }
0xeb: {  	v46 =	vld [tilespmem:s16+$0x1F40];
	[tilespmem:s16+$0x1ED0] =	vst v2;
	v2 =	vmul.f32 v37, v32  }
0xec: {  	s17 =	sor.u32 $0x10, s17;
	v31 =	vmul.f32 v23, v19;
	[tilespmem:s16+$0x1E20] =	vst v25;
	v40 =	vld [tilespmem:s16+$0x1F10]  }
0xed: {  	v25 =	vmul.f32 v20, v3;
	[tilespmem:s16+$0x1EF0] =	vst v2;
	v2 =	vld.idx.msk [tilespmem:v1+s17+$0x0 ss:$0x1], $0xffff;
	s17 =	sshll.u32 s17, $0x7  }
0xee: {  	[tilespmem:s16+$0x1E60] =	vst v31;
	v38 =	vmul.f32 v29, v32;
	v42 =	vld [tilespmem:s16+$0x1F20];
	s17 =	sand.u32 $0x3FFFF800, s17  }
0xef: {  	[tilespmem:s16+$0x1FC0] =	vst v25;
	v29 =	vmul.f32 v22, v3;
	v54 =	vld [tilespmem:s17+$0x1800]  }
0xf0: {  	v44 =	vmul.f32 v36, v32;
	[tilespmem:s16+$0x1EA0] =	vst v38;
	v55 =	vld [tilespmem:s17+$0x1810]  }
0xf1: {  	[tilespmem:s16+$0x1FE0] =	vst v29;
	v7 =	vmul.f32 v40, v45;
	v57 =	vld [tilespmem:s17+$0x1820]  }
0xf2: {  	[tilespmem:s16+$0x1EE0] =	vst v44;
	v53 =	vmul.f32 v46, v45;
	v60 =	vld [tilespmem:s17+$0x1830];
	v59 =	vbroadcast v2, $0x0  }
0xf3: {  	[tilespmem:s16+$0x1F10] =	vst v7;
	v51 =	vmul.f32 v42, v45;
	v62 =	vld [tilespmem:s17+$0x1840]  }
0xf4: {  	[tilespmem:s16+$0x1F40] =	vst v53;
	v12 =	vld [tilespmem:s17+$0x1850];
	v63 =	vmul.f32 v59, v54  }
0xf5: {  	[tilespmem:s16+$0x1F20] =	vst v51;
	v14 =	vld [tilespmem:s17+$0x1860];
	v13 =	vmul.f32 v55, v59  }
0xf6: {  	v16 =	vld [tilespmem:s17+$0x1870];
	v15 =	vmul.f32 v57, v59;
	[tilespmem:s17+$0x1800] =	vst v63  }
0xf7: {  	v47 =	vld [tilespmem:s16+$0x1F50];
	v10 =	vmul.f32 v60, v59;
	[tilespmem:s17+$0x1810] =	vst v13  }
0xf8: {  	v50 =	vld [tilespmem:s16+$0x1F70];
	v7 =	vmul.f32 v62, v59;
	[tilespmem:s17+$0x1820] =	vst v15  }
0xf9: {  	v18 =	vld [tilespmem:s16+$0x1FA0];
	v11 =	vmul.f32 v12, v59;
	[tilespmem:s17+$0x1830] =	vst v10  }
0xfa: {  	v17 =	vld [tilespmem:s16+$0x1F90];
	v6 =	vmul.f32 v14, v59;
	[tilespmem:s17+$0x1840] =	vst v7  }
0xfb: {  	v21 =	vld [tilespmem:s16+$0x1FD0];
	v8 =	vmul.f32 v16, v59;
	[tilespmem:s17+$0x1850] =	vst v11  }
0xfc: {  	v5 =	vmul.f32 v47, v45;
	v19 =	vld [tilespmem:s16+$0x1FB0];
	[tilespmem:s17+$0x1860] =	vst v6  }
0xfd: {  	v23 =	vld [tilespmem:s16+$0x1FF0];
	v58 =	vmul.f32 v50, v45;
	[tilespmem:s17+$0x1870] =	vst v8  }
0xfe: {  	[tilespmem:s16+$0x1F50] =	vst v5;
	v5 =	vmul.f32 v18, v3;
	v8 =	vld [tilespmem:s16+$0x2080]  }
0xff: {  	[tilespmem:s16+$0x1F70] =	vst v58;
	v4 =	vmul.f32 v17, v3;
	v26 =	vld [tilespmem:s16+$0x2090]  }
0x100: {  	[tilespmem:s16+$0x1FA0] =	vst v5;
	v27 =	vmul.f32 v21, v3;
	v28 =	vld [tilespmem:s16+$0x20A0]  }
0x101: {  	[tilespmem:s16+$0x1F90] =	vst v4;
	v24 =	vmul.f32 v19, v3;
	v30 =	vbroadcast v2, $0x1;
	v32 =	vld [tilespmem:s16+$0x20C0]  }
0x102: {  	[tilespmem:s16+$0x1FD0] =	vst v27;
	v3 =	vmul.f32 v23, v3;
	v31 =	vld [tilespmem:s16+$0x20B0]  }
0x103: {  	[tilespmem:s16+$0x1FB0] =	vst v24;
	v35 =	vld [tilespmem:s16+$0x20E0];
	v33 =	vmul.f32 v8, v30  }
0x104: {  	[tilespmem:s16+$0x1FF0] =	vst v3;
	v34 =	vld [tilespmem:s16+$0x20D0];
	v3 =	vmul.f32 v26, v30  }
0x105: {  	v38 =	vld [tilespmem:s16+$0x2100];
	v36 =	vmul.f32 v28, v30;
	[tilespmem:s16+$0x2080] =	vst v33  }
0x106: {  	v37 =	vld [tilespmem:s16+$0x20F0];
	v4 =	vmul.f32 v32, v30;
	[tilespmem:s16+$0x2090] =	vst v3  }
0x107: {  	v40 =	vld [tilespmem:s16+$0x2120];
	v3 =	vmul.f32 v31, v30;
	[tilespmem:s16+$0x20A0] =	vst v36  }
0x108: {  	v42 =	vbroadcast v2, $0x2;
	v39 =	vld [tilespmem:s16+$0x2110];
	v41 =	vmul.f32 v35, v30;
	[tilespmem:s16+$0x20C0] =	vst v4  }
0x109: {  	v44 =	vld [tilespmem:s16+$0x2140];
	[tilespmem:s16+$0x20B0] =	vst v3;
	v3 =	vmul.f32 v34, v30  }
0x10a: {  	v43 =	vld [tilespmem:s16+$0x2130];
	v45 =	vmul.f32 v38, v42;
	[tilespmem:s16+$0x20E0] =	vst v41  }
0x10b: {  	v47 =	vld [tilespmem:s16+$0x2160];
	[tilespmem:s16+$0x20D0] =	vst v3;
	v3 =	vmul.f32 v37, v30  }
0x10c: {  	v46 =	vld [tilespmem:s16+$0x2150];
	v48 =	vmul.f32 v40, v42;
	[tilespmem:s16+$0x2100] =	vst v45  }
0x10d: {  	v50 =	vld [tilespmem:s16+$0x2180];
	[tilespmem:s16+$0x20F0] =	vst v3;
	v3 =	vmul.f32 v39, v42  }
0x10e: {  	v49 =	vld [tilespmem:s16+$0x2170];
	v51 =	vmul.f32 v44, v42;
	[tilespmem:s16+$0x2120] =	vst v48  }
0x10f: {  	v53 =	vld [tilespmem:s16+$0x21A0];
	[tilespmem:s16+$0x2110] =	vst v3;
	v3 =	vmul.f32 v43, v42  }
0x110: {  	v55 =	vbroadcast v2, $0x3;
	v52 =	vld [tilespmem:s16+$0x2190];
	v54 =	vmul.f32 v47, v42;
	[tilespmem:s16+$0x2140] =	vst v51  }
0x111: {  	v57 =	vld [tilespmem:s16+$0x21C0];
	[tilespmem:s16+$0x2130] =	vst v3;
	v3 =	vmul.f32 v46, v42  }
0x112: {  	v56 =	vld [tilespmem:s16+$0x21B0];
	v58 =	vmul.f32 v50, v55;
	[tilespmem:s16+$0x2160] =	vst v54  }
0x113: {  	v60 =	vld [tilespmem:s16+$0x21E0];
	[tilespmem:s16+$0x2150] =	vst v3;
	v3 =	vmul.f32 v49, v42  }
0x114: {  	v59 =	vld [tilespmem:s16+$0x21D0];
	v61 =	vmul.f32 v53, v55;
	[tilespmem:s16+$0x2180] =	vst v58  }
0x115: {  	v63 =	vld [tilespmem:s16+$0x2200];
	[tilespmem:s16+$0x2170] =	vst v3;
	v3 =	vmul.f32 v52, v55  }
0x116: {  	v62 =	vld [tilespmem:s16+$0x21F0];
	v12 =	vmul.f32 v57, v55;
	[tilespmem:s16+$0x21A0] =	vst v61  }
0x117: {  	v14 =	vld [tilespmem:s16+$0x2220];
	[tilespmem:s16+$0x2190] =	vst v3;
	v3 =	vmul.f32 v56, v55  }
0x118: {  	v16 =	vbroadcast v2, $0x4;
	v13 =	vld [tilespmem:s16+$0x2210];
	v15 =	vmul.f32 v60, v55;
	[tilespmem:s16+$0x21C0] =	vst v12  }
0x119: {  	v18 =	vld [tilespmem:s16+$0x2240];
	[tilespmem:s16+$0x21B0] =	vst v3;
	v3 =	vmul.f32 v59, v55  }
0x11a: {  	v17 =	vld [tilespmem:s16+$0x2230];
	v19 =	vmul.f32 v63, v16;
	[tilespmem:s16+$0x21E0] =	vst v15  }
0x11b: {  	v21 =	vld [tilespmem:s16+$0x2260];
	[tilespmem:s16+$0x21D0] =	vst v3;
	v3 =	vmul.f32 v62, v55  }
0x11c: {  	v20 =	vld [tilespmem:s16+$0x2250];
	v22 =	vmul.f32 v14, v16;
	[tilespmem:s16+$0x2200] =	vst v19  }
0x11d: {  	v24 =	vld [tilespmem:s16+$0x2280];
	[tilespmem:s16+$0x21F0] =	vst v3;
	v3 =	vmul.f32 v13, v16  }
0x11e: {  	v23 =	vld [tilespmem:s16+$0x2270];
	v25 =	vmul.f32 v18, v16;
	[tilespmem:s16+$0x2220] =	vst v22  }
0x11f: {  	v27 =	vld [tilespmem:s16+$0x22A0];
	[tilespmem:s16+$0x2210] =	vst v3;
	v3 =	vmul.f32 v17, v16  }
0x120: {  	v29 =	vbroadcast v2, $0x5;
	v26 =	vld [tilespmem:s16+$0x2290];
	v28 =	vmul.f32 v21, v16;
	[tilespmem:s16+$0x2240] =	vst v25  }
0x121: {  	v31 =	vld [tilespmem:s16+$0x22C0];
	[tilespmem:s16+$0x2230] =	vst v3;
	v3 =	vmul.f32 v20, v16  }
0x122: {  	v32 =	vmul.f32 v24, v29;
	[tilespmem:s16+$0x2260] =	vst v28;
	v30 =	vld [tilespmem:s16+$0x22B0]  }
0x123: {  	v34 =	vld [tilespmem:s16+$0x22E0];
	[tilespmem:s16+$0x2250] =	vst v3;
	v3 =	vmul.f32 v23, v16  }
0x124: {  	v35 =	vmul.f32 v27, v29;
	v33 =	vld [tilespmem:s16+$0x22D0];
	[tilespmem:s16+$0x2280] =	vst v32  }
0x125: {  	v37 =	vld [tilespmem:s16+$0x2300];
	[tilespmem:s16+$0x2270] =	vst v3;
	v3 =	vmul.f32 v26, v29  }
0x126: {  	v36 =	vld [tilespmem:s16+$0x22F0];
	[tilespmem:s16+$0x22A0] =	vst v35;
	v38 =	vmul.f32 v31, v29  }
0x127: {  	v40 =	vld [tilespmem:s16+$0x2320];
	[tilespmem:s16+$0x2290] =	vst v3;
	v3 =	vmul.f32 v30, v29  }
0x128: {  	v39 =	vld [tilespmem:s16+$0x2310];
	[tilespmem:s16+$0x22C0] =	vst v38;
	v41 =	vmul.f32 v34, v29;
	v42 =	vbroadcast v2, $0x6  }
0x129: {  	v44 =	vld [tilespmem:s16+$0x2340];
	[tilespmem:s16+$0x22B0] =	vst v3;
	v3 =	vmul.f32 v33, v29  }
0x12a: {  	v43 =	vld [tilespmem:s16+$0x2330];
	[tilespmem:s16+$0x22E0] =	vst v41;
	v45 =	vmul.f32 v37, v42  }
0x12b: {  	v47 =	vld [tilespmem:s16+$0x2360];
	[tilespmem:s16+$0x22D0] =	vst v3;
	v3 =	vmul.f32 v36, v29  }
0x12c: {  	v46 =	vld [tilespmem:s16+$0x2350];
	v48 =	vmul.f32 v40, v42;
	[tilespmem:s16+$0x2300] =	vst v45  }
0x12d: {  	v50 =	vld [tilespmem:s16+$0x2380];
	[tilespmem:s16+$0x22F0] =	vst v3;
	v3 =	vmul.f32 v39, v42  }
0x12e: {  	v49 =	vld [tilespmem:s16+$0x2370];
	v51 =	vmul.f32 v44, v42;
	[tilespmem:s16+$0x2320] =	vst v48  }
0x12f: {  	v53 =	vld [tilespmem:s16+$0x23A0];
	[tilespmem:s16+$0x2310] =	vst v3;
	v3 =	vmul.f32 v43, v42  }
0x130: {  	v52 =	vld [tilespmem:s16+$0x2390];
	v54 =	vmul.f32 v47, v42;
	[tilespmem:s16+$0x2340] =	vst v51;
	v55 =	vbroadcast v2, $0x7  }
0x131: {  	v57 =	vld [tilespmem:s16+$0x23C0];
	[tilespmem:s16+$0x2330] =	vst v3;
	v3 =	vmul.f32 v46, v42  }
0x132: {  	v56 =	vld [tilespmem:s16+$0x23B0];
	[tilespmem:s16+$0x2360] =	vst v54;
	v58 =	vmul.f32 v50, v55  }
0x133: {  	v60 =	vld [tilespmem:s16+$0x23E0];
	[tilespmem:s16+$0x2350] =	vst v3;
	v3 =	vmul.f32 v49, v42  }
0x134: {  	v59 =	vld [tilespmem:s16+$0x23D0];
	v61 =	vmul.f32 v53, v55;
	[tilespmem:s16+$0x2380] =	vst v58  }
0x135: {  	v63 =	vld [tilespmem:s16+$0x2400];
	[tilespmem:s16+$0x2370] =	vst v3;
	v3 =	vmul.f32 v52, v55  }
0x136: {  	v62 =	vld [tilespmem:s16+$0x23F0];
	v12 =	vmul.f32 v57, v55;
	[tilespmem:s16+$0x23A0] =	vst v61  }
0x137: {  	v14 =	vld [tilespmem:s16+$0x2420];
	[tilespmem:s16+$0x2390] =	vst v3;
	v3 =	vmul.f32 v56, v55  }
0x138: {  	v13 =	vld [tilespmem:s16+$0x2410];
	v15 =	vmul.f32 v60, v55;
	[tilespmem:s16+$0x23C0] =	vst v12;
	v16 =	vbroadcast v2, $0x8  }
0x139: {  	v18 =	vld [tilespmem:s16+$0x2440];
	[tilespmem:s16+$0x23B0] =	vst v3;
	v3 =	vmul.f32 v59, v55  }
0x13a: {  	v17 =	vld [tilespmem:s16+$0x2430];
	[tilespmem:s16+$0x23E0] =	vst v15;
	v19 =	vmul.f32 v63, v16  }
0x13b: {  	v21 =	vld [tilespmem:s16+$0x2460];
	[tilespmem:s16+$0x23D0] =	vst v3;
	v3 =	vmul.f32 v62, v55  }
0x13c: {  	v20 =	vld [tilespmem:s16+$0x2450];
	v22 =	vmul.f32 v14, v16;
	[tilespmem:s16+$0x2400] =	vst v19  }
0x13d: {  	v24 =	vld [tilespmem:s16+$0x2480];
	[tilespmem:s16+$0x23F0] =	vst v3;
	v3 =	vmul.f32 v13, v16  }
0x13e: {  	v23 =	vld [tilespmem:s16+$0x2470];
	v25 =	vmul.f32 v18, v16;
	[tilespmem:s16+$0x2420] =	vst v22  }
0x13f: {  	v27 =	vld [tilespmem:s16+$0x24A0];
	[tilespmem:s16+$0x2410] =	vst v3;
	v3 =	vmul.f32 v17, v16  }
0x140: {  	v26 =	vld [tilespmem:s16+$0x2490];
	v28 =	vmul.f32 v21, v16;
	[tilespmem:s16+$0x2440] =	vst v25;
	v29 =	vbroadcast v2, $0x9  }
0x141: {  	v31 =	vld [tilespmem:s16+$0x24C0];
	[tilespmem:s16+$0x2430] =	vst v3;
	v3 =	vmul.f32 v20, v16  }
0x142: {  	v30 =	vld [tilespmem:s16+$0x24B0];
	[tilespmem:s16+$0x2460] =	vst v28;
	v32 =	vmul.f32 v24, v29  }
0x143: {  	v34 =	vld [tilespmem:s16+$0x24E0];
	[tilespmem:s16+$0x2450] =	vst v3;
	v3 =	vmul.f32 v23, v16  }
0x144: {  	v33 =	vld [tilespmem:s16+$0x24D0];
	v35 =	vmul.f32 v27, v29;
	[tilespmem:s16+$0x2480] =	vst v32  }
0x145: {  	v37 =	vld [tilespmem:s16+$0x2500];
	[tilespmem:s16+$0x2470] =	vst v3;
	v3 =	vmul.f32 v26, v29  }
0x146: {  	v36 =	vld [tilespmem:s16+$0x24F0];
	v38 =	vmul.f32 v31, v29;
	[tilespmem:s16+$0x24A0] =	vst v35  }
0x147: {  	v40 =	vld [tilespmem:s16+$0x2520];
	[tilespmem:s16+$0x2490] =	vst v3;
	v3 =	vmul.f32 v30, v29  }
0x148: {  	v39 =	vld [tilespmem:s16+$0x2510];
	v41 =	vmul.f32 v34, v29;
	[tilespmem:s16+$0x24C0] =	vst v38;
	v42 =	vbroadcast v2, $0xA  }
0x149: {  	v44 =	vld [tilespmem:s16+$0x2540];
	[tilespmem:s16+$0x24B0] =	vst v3;
	v3 =	vmul.f32 v33, v29  }
0x14a: {  	v43 =	vld [tilespmem:s16+$0x2530];
	[tilespmem:s16+$0x24E0] =	vst v41;
	v45 =	vmul.f32 v37, v42  }
0x14b: {  	v47 =	vld [tilespmem:s16+$0x2560];
	[tilespmem:s16+$0x24D0] =	vst v3;
	v3 =	vmul.f32 v36, v29  }
0x14c: {  	v46 =	vld [tilespmem:s16+$0x2550];
	v48 =	vmul.f32 v40, v42;
	[tilespmem:s16+$0x2500] =	vst v45  }
0x14d: {  	v50 =	vld [tilespmem:s16+$0x2580];
	[tilespmem:s16+$0x24F0] =	vst v3;
	v3 =	vmul.f32 v39, v42  }
0x14e: {  	v49 =	vld [tilespmem:s16+$0x2570];
	v51 =	vmul.f32 v44, v42;
	[tilespmem:s16+$0x2520] =	vst v48  }
0x14f: {  	v53 =	vld [tilespmem:s16+$0x25A0];
	[tilespmem:s16+$0x2510] =	vst v3;
	v3 =	vmul.f32 v43, v42  }
0x150: {  	v52 =	vld [tilespmem:s16+$0x2590];
	v54 =	vmul.f32 v47, v42;
	[tilespmem:s16+$0x2540] =	vst v51;
	v55 =	vbroadcast v2, $0xB  }
0x151: {  	v57 =	vld [tilespmem:s16+$0x25C0];
	[tilespmem:s16+$0x2530] =	vst v3;
	v3 =	vmul.f32 v46, v42  }
0x152: {  	v56 =	vld [tilespmem:s16+$0x25B0];
	[tilespmem:s16+$0x2560] =	vst v54;
	v58 =	vmul.f32 v50, v55  }
0x153: {  	v60 =	vld [tilespmem:s16+$0x25E0];
	[tilespmem:s16+$0x2550] =	vst v3;
	v3 =	vmul.f32 v49, v42  }
0x154: {  	v59 =	vld [tilespmem:s16+$0x25D0];
	v61 =	vmul.f32 v53, v55;
	[tilespmem:s16+$0x2580] =	vst v58  }
0x155: {  	v63 =	vld [tilespmem:s16+$0x2600];
	[tilespmem:s16+$0x2570] =	vst v3;
	v3 =	vmul.f32 v52, v55  }
0x156: {  	v62 =	vld [tilespmem:s16+$0x25F0];
	v12 =	vmul.f32 v57, v55;
	[tilespmem:s16+$0x25A0] =	vst v61  }
0x157: {  	v14 =	vld [tilespmem:s16+$0x2620];
	[tilespmem:s16+$0x2590] =	vst v3;
	v3 =	vmul.f32 v56, v55  }
0x158: {  	v13 =	vld [tilespmem:s16+$0x2610];
	v15 =	vmul.f32 v60, v55;
	[tilespmem:s16+$0x25C0] =	vst v12;
	v16 =	vbroadcast v2, $0xC  }
0x159: {  	v18 =	vld [tilespmem:s16+$0x2640];
	[tilespmem:s16+$0x25B0] =	vst v3;
	v3 =	vmul.f32 v59, v55  }
0x15a: {  	v17 =	vld [tilespmem:s16+$0x2630];
	[tilespmem:s16+$0x25E0] =	vst v15;
	v19 =	vmul.f32 v63, v16  }
0x15b: {  	v21 =	vld [tilespmem:s16+$0x2660];
	[tilespmem:s16+$0x25D0] =	vst v3;
	v3 =	vmul.f32 v62, v55  }
0x15c: {  	v20 =	vld [tilespmem:s16+$0x2650];
	v22 =	vmul.f32 v14, v16;
	[tilespmem:s16+$0x2600] =	vst v19  }
0x15d: {  	v24 =	vld [tilespmem:s16+$0x2680];
	[tilespmem:s16+$0x25F0] =	vst v3;
	v3 =	vmul.f32 v13, v16  }
0x15e: {  	v23 =	vld [tilespmem:s16+$0x2670];
	v25 =	vmul.f32 v18, v16;
	[tilespmem:s16+$0x2620] =	vst v22  }
0x15f: {  	v27 =	vld [tilespmem:s16+$0x26A0];
	[tilespmem:s16+$0x2610] =	vst v3;
	v3 =	vmul.f32 v17, v16  }
0x160: {  	v26 =	vld [tilespmem:s16+$0x2690];
	v28 =	vmul.f32 v21, v16;
	[tilespmem:s16+$0x2640] =	vst v25;
	v29 =	vbroadcast v2, $0xD  }
0x161: {  	v31 =	vld [tilespmem:s16+$0x26C0];
	[tilespmem:s16+$0x2630] =	vst v3;
	v3 =	vmul.f32 v20, v16  }
0x162: {  	v30 =	vld [tilespmem:s16+$0x26B0];
	[tilespmem:s16+$0x2660] =	vst v28;
	v32 =	vmul.f32 v24, v29  }
0x163: {  	v34 =	vld [tilespmem:s16+$0x26E0];
	[tilespmem:s16+$0x2650] =	vst v3;
	v3 =	vmul.f32 v23, v16  }
0x164: {  	v33 =	vld [tilespmem:s16+$0x26D0];
	v35 =	vmul.f32 v27, v29;
	[tilespmem:s16+$0x2680] =	vst v32  }
0x165: {  	v37 =	vld [tilespmem:s16+$0x2700];
	[tilespmem:s16+$0x2670] =	vst v3;
	v3 =	vmul.f32 v26, v29  }
0x166: {  	v36 =	vld [tilespmem:s16+$0x26F0];
	v38 =	vmul.f32 v31, v29;
	[tilespmem:s16+$0x26A0] =	vst v35  }
0x167: {  	v40 =	vld [tilespmem:s16+$0x2720];
	[tilespmem:s16+$0x2690] =	vst v3;
	v3 =	vmul.f32 v30, v29  }
0x168: {  	v39 =	vld [tilespmem:s16+$0x2710];
	v41 =	vmul.f32 v34, v29;
	[tilespmem:s16+$0x26C0] =	vst v38;
	v42 =	vbroadcast v2, $0xE  }
0x169: {  	v44 =	vld [tilespmem:s16+$0x2740];
	[tilespmem:s16+$0x26B0] =	vst v3;
	v3 =	vmul.f32 v33, v29  }
0x16a: {  	v43 =	vld [tilespmem:s16+$0x2730];
	[tilespmem:s16+$0x26E0] =	vst v41;
	v45 =	vmul.f32 v37, v42  }
0x16b: {  	v47 =	vld [tilespmem:s16+$0x2760];
	[tilespmem:s16+$0x26D0] =	vst v3;
	v3 =	vmul.f32 v36, v29  }
0x16c: {  	v46 =	vld [tilespmem:s16+$0x2750];
	v48 =	vmul.f32 v40, v42;
	[tilespmem:s16+$0x2700] =	vst v45  }
0x16d: {  	v50 =	vld [tilespmem:s16+$0x2780];
	[tilespmem:s16+$0x26F0] =	vst v3;
	v3 =	vmul.f32 v39, v42  }
0x16e: {  	v49 =	vld [tilespmem:s16+$0x2770];
	v51 =	vmul.f32 v44, v42;
	[tilespmem:s16+$0x2720] =	vst v48  }
0x16f: {  	v53 =	vld [tilespmem:s16+$0x27A0];
	[tilespmem:s16+$0x2710] =	vst v3;
	v3 =	vmul.f32 v43, v42  }
0x170: {  	v2 =	vbroadcast v2, $0xF;
	v52 =	vld [tilespmem:s16+$0x2790];
	v54 =	vmul.f32 v47, v42;
	[tilespmem:s16+$0x2740] =	vst v51  }
0x171: {  	v56 =	vld [tilespmem:s16+$0x27C0];
	[tilespmem:s16+$0x2730] =	vst v3;
	v3 =	vmul.f32 v46, v42  }
0x172: {  	v57 =	vmul.f32 v50, v2;
	[tilespmem:s16+$0x2760] =	vst v54;
	v55 =	vld [tilespmem:s16+$0x27B0]  }
0x173: {  	v59 =	vld [tilespmem:s16+$0x27E0];
	[tilespmem:s16+$0x2750] =	vst v3;
	v3 =	vmul.f32 v49, v42  }
0x174: {  	v58 =	vld [tilespmem:s16+$0x27D0];
	v60 =	vmul.f32 v53, v2;
	[tilespmem:s16+$0x2780] =	vst v57  }
0x175: {  	v61 =	vld [tilespmem:s16+$0x27F0];
	[tilespmem:s16+$0x2770] =	vst v3;
	v3 =	vmul.f32 v52, v2  }
0x176: {  	[tilespmem:s16+$0x27A0] =	vst v60;
	v62 =	vmul.f32 v56, v2  }
0x177: {  	p1 =	slt.u32 s15, $0x6;
	[tilespmem:s16+$0x2790] =	vst v3;
	v3 =	vmul.f32 v55, v2  }
.Ltmp1:
0x178: {  	[tilespmem:s16+$0x27C0] =	vst v62;
	v63 =	vmul.f32 v59, v2;
	(pc) =	sbr.rel @p1 .LBB2_6-.Ltmp1, $4  }
0x179: {  	[tilespmem:s16+$0x27B0] =	vst v3;
	v3 =	vmul.f32 v58, v2  }
0x17a: {  	[tilespmem:s16+$0x27E0] =	vst v63;
	v2 =	vmul.f32 v61, v2  }
0x17b: {  	s18 =	sadd.s32 $0x2, s15;
	[tilespmem:s16+$0x27D0] =	vst v3  }
0x17c: {  	s15 =	smov.u32 s18;
	[tilespmem:s16+$0x27F0] =	vst v2  }
0x17d: {  	_ =	strace $0x9000004D;
	p1 =	seq.s32 s11, $0x0  }
0x17e: {  	_ =	strace @!p1 $0x8000004E;
	s15 =	simm.s32 @!p1 $0x4  }
0x17f: {  	_ =	swait.ge @!p1 [sflag:s15], $0x4000  }
0x180: {  	[sflag:s15] =	ssyncset.done @!p1 $0x0  }
0x181: {  	s17 =	simm.s32 @!p1 $0x80;
	[sflag:s15] =	ssyncadd.s32 @!p1 $0xFFFFC000;
	s15 =	sor.u32 @!p1 $0x200, s12  }
0x182: {  	s18 =	simm.s32 @!p1 $0x5800;
	_ =	strace @!p1 $0x9000004E;
	s16 =	sshrl.u32 @!p1 s15, $0x2  }
0x183: {  	[tilespmem:s18], [sflag:$0x2] =	stream.indirect.gather @!p1 [hbm4b:s1+s17], $0x80, s16, s17, $0xb8;
	[tilespmem:$0x1D080] =	vst v63  }
0x184: {  	s14 =	sadd.s32 $0x800, s14;
	_ =	strace $0x8000004F  }
0x185: {  	[spmem:s3] =	stream.indirect.scatter.add.f32 [tilespmem:s31], [sflag:$0x3], $0x80, s14, s30, $0x2000b8;
	[tilespmem:$0x1D080] =	vst v63  }
0x186: {  	_ =	strace $0x9000004F  }
0x187: {  	s15 =	simm.s32 @p1 $0x200;
	_ =	strace $0x80000050  }
0x188: {  	s14 =	sshrl.u32 s15, $0x2;
	_ =	swait.ge [sflag:s6], $0x4000  }
0x189: {  	s18 =	sadd.s32 $0x1000, s14;
	[sflag:s6] =	ssyncset.done $0x0  }
0x18a: {  	v1 =	vmov s18;
	[sflag:s6] =	ssyncadd.s32 $0xFFFFC000  }
0x18b: {  	_ =	strace $0x90000050  }
0x18c: {  	s15 =	simm.s32 $0x0;
	_ =	strace $0x80000051  }
.LBB2_8:
0x18d: {  	s17 =	sshll.u32 s15, $0x4  }
0x18e: {  	s16 =	sand.u32 $0x3FFFFFF0, s17  }
0x18f: {  	s18 =	sshll.u32 s15, $0xB;
	v3 =	vld.idx.msk [tilespmem:v1+s16+$0x0 ss:$0x1], $0xffff  }
0x190: {  	s16 =	sand.u32 $0x3FFFF800, s18  }
0x191: {  	v2 =	vld [tilespmem:s16+$0x5800]  }
0x192: {  	v4 =	vld [tilespmem:s16+$0x5810]  }
0x193: {  	v5 =	vld [tilespmem:s16+$0x5820]  }
0x194: {  	v7 =	vld [tilespmem:s16+$0x5830];
	v6 =	vbroadcast v3, $0x0  }
0x195: {  	v8 =	vld [tilespmem:s16+$0x5840]  }
0x196: {  	v9 =	vld [tilespmem:s16+$0x5850];
	v2 =	vmul.f32 v6, v2  }
0x197: {  	v10 =	vld [tilespmem:s16+$0x5860];
	v4 =	vmul.f32 v4, v6  }
0x198: {  	[tilespmem:s16+$0x5800] =	vst v2;
	v2 =	vmul.f32 v5, v6  }
0x199: {  	v20 =	vmul.f32 v7, v6;
	[tilespmem:s16+$0x5810] =	vst v4  }
0x19a: {  	[tilespmem:s16+$0x5820] =	vst v2;
	v2 =	vmul.f32 v8, v6  }
0x19b: {  	v21 =	vmul.f32 v9, v6;
	[tilespmem:s16+$0x5830] =	vst v20  }
0x19c: {  	[tilespmem:s16+$0x5840] =	vst v2;
	v2 =	vmul.f32 v10, v6  }
0x19d: {  	[tilespmem:s16+$0x5850] =	vst v21  }
0x19e: {  	[tilespmem:s16+$0x5860] =	vst v2  }
0x19f: {  	v2 =	vld [tilespmem:s16+$0x5870]  }
0x1a0: {  	v22 =	vld [tilespmem:s16+$0x5880]  }
0x1a1: {  	v23 =	vld [tilespmem:s16+$0x5890]  }
0x1a2: {  	v24 =	vld [tilespmem:s16+$0x58A0]  }
0x1a3: {  	v25 =	vld [tilespmem:s16+$0x58B0]  }
0x1a4: {  	v26 =	vbroadcast v3, $0x1;
	v27 =	vld [tilespmem:s16+$0x58C0]  }
0x1a5: {  	v28 =	vld [tilespmem:s16+$0x58D0];
	v2 =	vmul.f32 v2, v6  }
0x1a6: {  	v11 =	vld [tilespmem:s16+$0x58E0];
	v4 =	vmul.f32 v22, v26  }
0x1a7: {  	v29 =	vld [tilespmem:s16+$0x58F0];
	v30 =	vmul.f32 v24, v26;
	[tilespmem:s16+$0x5870] =	vst v2  }
0x1a8: {  	v31 =	vld [tilespmem:s16+$0x5900];
	v2 =	vmul.f32 v23, v26;
	[tilespmem:s16+$0x5880] =	vst v4  }
0x1a9: {  	v32 =	vld [tilespmem:s16+$0x5910];
	v33 =	vmul.f32 v27, v26;
	[tilespmem:s16+$0x58A0] =	vst v30  }
0x1aa: {  	v34 =	vld [tilespmem:s16+$0x5920];
	[tilespmem:s16+$0x5890] =	vst v2;
	v2 =	vmul.f32 v25, v26  }
0x1ab: {  	v37 =	vbroadcast v3, $0x2;
	v35 =	vld [tilespmem:s16+$0x5930];
	v36 =	vmul.f32 v11, v26;
	[tilespmem:s16+$0x58C0] =	vst v33  }
0x1ac: {  	v12 =	vld [tilespmem:s16+$0x5940];
	[tilespmem:s16+$0x58B0] =	vst v2;
	v2 =	vmul.f32 v28, v26  }
0x1ad: {  	v38 =	vld [tilespmem:s16+$0x5950];
	v39 =	vmul.f32 v31, v37;
	[tilespmem:s16+$0x58E0] =	vst v36  }
0x1ae: {  	v40 =	vld [tilespmem:s16+$0x5960];
	[tilespmem:s16+$0x58D0] =	vst v2;
	v2 =	vmul.f32 v29, v26  }
0x1af: {  	v41 =	vld [tilespmem:s16+$0x5970];
	v42 =	vmul.f32 v34, v37;
	[tilespmem:s16+$0x5900] =	vst v39  }
0x1b0: {  	v43 =	vld [tilespmem:s16+$0x5980];
	[tilespmem:s16+$0x58F0] =	vst v2;
	v2 =	vmul.f32 v32, v37  }
0x1b1: {  	v44 =	vld [tilespmem:s16+$0x5990];
	v45 =	vmul.f32 v12, v37;
	[tilespmem:s16+$0x5920] =	vst v42  }
0x1b2: {  	v46 =	vld [tilespmem:s16+$0x59A0];
	[tilespmem:s16+$0x5910] =	vst v2;
	v2 =	vmul.f32 v35, v37  }
0x1b3: {  	v49 =	vbroadcast v3, $0x3;
	v47 =	vld [tilespmem:s16+$0x59B0];
	v48 =	vmul.f32 v40, v37;
	[tilespmem:s16+$0x5940] =	vst v45  }
0x1b4: {  	v50 =	vld [tilespmem:s16+$0x59C0];
	[tilespmem:s16+$0x5930] =	vst v2;
	v2 =	vmul.f32 v38, v37  }
0x1b5: {  	v51 =	vld [tilespmem:s16+$0x59D0];
	v52 =	vmul.f32 v43, v49;
	[tilespmem:s16+$0x5960] =	vst v48  }
0x1b6: {  	v53 =	vld [tilespmem:s16+$0x59E0];
	[tilespmem:s16+$0x5950] =	vst v2;
	v2 =	vmul.f32 v41, v37  }
0x1b7: {  	v54 =	vld [tilespmem:s16+$0x59F0];
	v55 =	vmul.f32 v46, v49;
	[tilespmem:s16+$0x5980] =	vst v52  }
0x1b8: {  	v56 =	vld [tilespmem:s16+$0x5A00];
	[tilespmem:s16+$0x5970] =	vst v2;
	v2 =	vmul.f32 v44, v49  }
0x1b9: {  	v57 =	vld [tilespmem:s16+$0x5A10];
	v58 =	vmul.f32 v50, v49;
	[tilespmem:s16+$0x59A0] =	vst v55  }
0x1ba: {  	v59 =	vld [tilespmem:s16+$0x5A20];
	[tilespmem:s16+$0x5990] =	vst v2;
	v2 =	vmul.f32 v47, v49  }
0x1bb: {  	v62 =	vbroadcast v3, $0x4;
	v60 =	vld [tilespmem:s16+$0x5A30];
	v61 =	vmul.f32 v53, v49;
	[tilespmem:s16+$0x59C0] =	vst v58  }
0x1bc: {  	v63 =	vld [tilespmem:s16+$0x5A40];
	[tilespmem:s16+$0x59B0] =	vst v2;
	v2 =	vmul.f32 v51, v49  }
0x1bd: {  	v14 =	vld [tilespmem:s16+$0x5A50];
	v15 =	vmul.f32 v56, v62;
	[tilespmem:s16+$0x59E0] =	vst v61  }
0x1be: {  	v16 =	vld [tilespmem:s16+$0x5A60];
	[tilespmem:s16+$0x59D0] =	vst v2;
	v2 =	vmul.f32 v54, v49  }
0x1bf: {  	v17 =	vld [tilespmem:s16+$0x5A70];
	v18 =	vmul.f32 v59, v62;
	[tilespmem:s16+$0x5A00] =	vst v15  }
0x1c0: {  	v19 =	vld [tilespmem:s16+$0x5A80];
	[tilespmem:s16+$0x59F0] =	vst v2;
	v2 =	vmul.f32 v57, v62  }
0x1c1: {  	v20 =	vld [tilespmem:s16+$0x5A90];
	v21 =	vmul.f32 v63, v62;
	[tilespmem:s16+$0x5A20] =	vst v18  }
0x1c2: {  	v22 =	vld [tilespmem:s16+$0x5AA0];
	[tilespmem:s16+$0x5A10] =	vst v2;
	v2 =	vmul.f32 v60, v62  }
0x1c3: {  	v24 =	vmul.f32 v16, v62;
	v27 =	vld [tilespmem:s16+$0x5AD0];
	[tilespmem:s16+$0x5A40] =	vst v21;
	v25 =	vbroadcast v3, $0x5  }
0x1c4: {  	v58 =	vld [tilespmem:s16+$0x5C00];
	[tilespmem:s16+$0x5A30] =	vst v2;
	v2 =	vmul.f32 v14, v62  }
0x1c5: {  	v23 =	vld [tilespmem:s16+$0x5AB0];
	[tilespmem:s16+$0x5A60] =	vst v24;
	v28 =	vmul.f32 v19, v25  }
0x1c6: {  	v61 =	vld [tilespmem:s16+$0x5C20];
	[tilespmem:s16+$0x5A50] =	vst v2;
	v2 =	vmul.f32 v17, v62  }
0x1c7: {  	v40 =	vld [tilespmem:s16+$0x5B50];
	v16 =	vbroadcast v3, $0x8;
	v31 =	vmul.f32 v22, v25;
	[tilespmem:s16+$0x5A80] =	vst v28  }
0x1c8: {  	v26 =	vld [tilespmem:s16+$0x5AC0];
	[tilespmem:s16+$0x5A70] =	vst v2;
	v2 =	vmul.f32 v20, v25  }
0x1c9: {  	v30 =	vld [tilespmem:s16+$0x5AF0];
	v19 =	vmul.f32 v58, v16;
	[tilespmem:s16+$0x5AA0] =	vst v31  }
0x1ca: {  	v29 =	vld [tilespmem:s16+$0x5AE0];
	[tilespmem:s16+$0x5A90] =	vst v2;
	v2 =	vmul.f32 v23, v25  }
0x1cb: {  	v33 =	vld [tilespmem:s16+$0x5B10];
	v22 =	vmul.f32 v61, v16;
	[tilespmem:s16+$0x5C00] =	vst v19  }
0x1cc: {  	v32 =	vld [tilespmem:s16+$0x5B00];
	[tilespmem:s16+$0x5AB0] =	vst v2;
	v2 =	vmul.f32 v27, v25  }
0x1cd: {  	v36 =	vld [tilespmem:s16+$0x5B30];
	[tilespmem:s16+$0x5C20] =	vst v22;
	v34 =	vmul.f32 v26, v25  }
0x1ce: {  	v42 =	vld [tilespmem:s16+$0x5B60];
	v38 =	vbroadcast v3, $0x6;
	[tilespmem:s16+$0x5AD0] =	vst v2;
	v2 =	vmul.f32 v30, v25  }
0x1cf: {  	v43 =	vld [tilespmem:s16+$0x5B70];
	[tilespmem:s16+$0x5AC0] =	vst v34;
	v37 =	vmul.f32 v29, v25  }
0x1d0: {  	v35 =	vld [tilespmem:s16+$0x5B20];
	[tilespmem:s16+$0x5AF0] =	vst v2;
	v2 =	vmul.f32 v33, v38  }
0x1d1: {  	v46 =	vld [tilespmem:s16+$0x5B90];
	v41 =	vmul.f32 v32, v38;
	[tilespmem:s16+$0x5AE0] =	vst v37  }
0x1d2: {  	v26 =	vld [tilespmem:s16+$0x5CA0];
	[tilespmem:s16+$0x5B10] =	vst v2;
	v2 =	vmul.f32 v36, v38  }
0x1d3: {  	v53 =	vld [tilespmem:s16+$0x5BD0];
	v50 =	vmul.f32 v42, v38;
	[tilespmem:s16+$0x5B00] =	vst v41  }
0x1d4: {  	v39 =	vld [tilespmem:s16+$0x5B40];
	[tilespmem:s16+$0x5B30] =	vst v2;
	v2 =	vmul.f32 v40, v38  }
0x1d5: {  	v29 =	vbroadcast v3, $0x9;
	v44 =	vmul.f32 v35, v38;
	[tilespmem:s16+$0x5B60] =	vst v50;
	v49 =	vld [tilespmem:s16+$0x5BB0]  }
0x1d6: {  	v45 =	vld [tilespmem:s16+$0x5B80];
	v51 =	vbroadcast v3, $0x7;
	[tilespmem:s16+$0x5B50] =	vst v2;
	v2 =	vmul.f32 v43, v38  }
0x1d7: {  	v56 =	vld [tilespmem:s16+$0x5BF0];
	v35 =	vmul.f32 v26, v29;
	[tilespmem:s16+$0x5B20] =	vst v44  }
0x1d8: {  	v55 =	vld [tilespmem:s16+$0x5BE0];
	[tilespmem:s16+$0x5B70] =	vst v2;
	v2 =	vmul.f32 v46, v51  }
0x1d9: {  	v59 =	vld [tilespmem:s16+$0x5C10];
	v47 =	vmul.f32 v39, v38;
	[tilespmem:s16+$0x5CA0] =	vst v35  }
0x1da: {  	v48 =	vld [tilespmem:s16+$0x5BA0];
	[tilespmem:s16+$0x5B90] =	vst v2;
	v2 =	vmul.f32 v49, v51  }
0x1db: {  	v52 =	vld [tilespmem:s16+$0x5BC0];
	[tilespmem:s16+$0x5B40] =	vst v47;
	v54 =	vmul.f32 v45, v51  }
0x1dc: {  	v39 =	vld [tilespmem:s16+$0x5D20];
	[tilespmem:s16+$0x5BB0] =	vst v2;
	v2 =	vmul.f32 v53, v51  }
0x1dd: {  	v63 =	vmul.f32 v55, v51;
	[tilespmem:s16+$0x5B80] =	vst v54;
	v62 =	vld [tilespmem:s16+$0x5C30]  }
0x1de: {  	v18 =	vld [tilespmem:s16+$0x5C50];
	[tilespmem:s16+$0x5BD0] =	vst v2;
	v2 =	vmul.f32 v56, v51  }
0x1df: {  	v21 =	vld [tilespmem:s16+$0x5C70];
	v42 =	vbroadcast v3, $0xA;
	v57 =	vmul.f32 v48, v51;
	[tilespmem:s16+$0x5BE0] =	vst v63  }
0x1e0: {  	v60 =	vmul.f32 v52, v51;
	v52 =	vld [tilespmem:s16+$0x5DA0];
	[tilespmem:s16+$0x5BF0] =	vst v2;
	v2 =	vmul.f32 v59, v16  }
0x1e1: {  	v24 =	vld [tilespmem:s16+$0x5C90];
	v48 =	vmul.f32 v39, v42;
	[tilespmem:s16+$0x5BA0] =	vst v57  }
0x1e2: {  	v20 =	vld [tilespmem:s16+$0x5C60];
	[tilespmem:s16+$0x5C10] =	vst v2;
	v2 =	vmul.f32 v62, v16  }
0x1e3: {  	v31 =	vld [tilespmem:s16+$0x5CD0];
	v55 =	vbroadcast v3, $0xB;
	[tilespmem:s16+$0x5D20] =	vst v48  }
0x1e4: {  	v17 =	vld [tilespmem:s16+$0x5C40];
	[tilespmem:s16+$0x5C30] =	vst v2;
	v2 =	vmul.f32 v18, v16  }
0x1e5: {  	[tilespmem:s16+$0x5BC0] =	vst v60;
	v61 =	vmul.f32 v52, v55;
	v27 =	vld [tilespmem:s16+$0x5CB0]  }
0x1e6: {  	v23 =	vld [tilespmem:s16+$0x5C80];
	[tilespmem:s16+$0x5C50] =	vst v2;
	v2 =	vmul.f32 v21, v16  }
0x1e7: {  	v34 =	vld [tilespmem:s16+$0x5CF0];
	[tilespmem:s16+$0x5DA0] =	vst v61;
	v28 =	vmul.f32 v20, v16  }
0x1e8: {  	v20 =	vld [tilespmem:s16+$0x5E40];
	[tilespmem:s16+$0x5C70] =	vst v2;
	v2 =	vmul.f32 v24, v29  }
0x1e9: {  	v37 =	vld [tilespmem:s16+$0x5D10];
	v25 =	vmul.f32 v17, v16;
	[tilespmem:s16+$0x5C60] =	vst v28  }
0x1ea: {  	v26 =	vld [tilespmem:s16+$0x5E80];
	[tilespmem:s16+$0x5C90] =	vst v2;
	v2 =	vmul.f32 v27, v29  }
0x1eb: {  	v19 =	vbroadcast v3, $0xC;
	v50 =	vld [tilespmem:s16+$0x5D90];
	v32 =	vmul.f32 v23, v29;
	[tilespmem:s16+$0x5C40] =	vst v25  }
0x1ec: {  	v33 =	vld [tilespmem:s16+$0x5CE0];
	[tilespmem:s16+$0x5CB0] =	vst v2;
	v2 =	vmul.f32 v31, v29  }
0x1ed: {  	[tilespmem:s16+$0x5C80] =	vst v32;
	v32 =	vbroadcast v3, $0xD;
	v28 =	vmul.f32 v20, v19;
	v40 =	vld [tilespmem:s16+$0x5D30]  }
0x1ee: {  	v30 =	vld [tilespmem:s16+$0x5CC0];
	[tilespmem:s16+$0x5CD0] =	vst v2;
	v2 =	vmul.f32 v34, v29  }
0x1ef: {  	v44 =	vld [tilespmem:s16+$0x5D50];
	v35 =	vmul.f32 v26, v32;
	[tilespmem:s16+$0x5E40] =	vst v28  }
0x1f0: {  	v36 =	vld [tilespmem:s16+$0x5D00];
	[tilespmem:s16+$0x5CF0] =	vst v2;
	v2 =	vmul.f32 v37, v42  }
0x1f1: {  	v47 =	vld [tilespmem:s16+$0x5D70];
	v41 =	vmul.f32 v33, v29;
	[tilespmem:s16+$0x5E80] =	vst v35  }
0x1f2: {  	v33 =	vld [tilespmem:s16+$0x5EC0];
	[tilespmem:s16+$0x5D10] =	vst v2;
	v2 =	vmul.f32 v40, v42  }
0x1f3: {  	v63 =	vld [tilespmem:s16+$0x5E10];
	v38 =	vmul.f32 v30, v29;
	[tilespmem:s16+$0x5CE0] =	vst v41  }
0x1f4: {  	v39 =	vld [tilespmem:s16+$0x5F00];
	[tilespmem:s16+$0x5D30] =	vst v2;
	v2 =	vmul.f32 v44, v42  }
0x1f5: {  	v45 =	vmul.f32 v36, v42;
	[tilespmem:s16+$0x5CC0] =	vst v38;
	v53 =	vld [tilespmem:s16+$0x5DB0]  }
0x1f6: {  	v52 =	vld [tilespmem:s16+$0x5F80];
	[tilespmem:s16+$0x5D50] =	vst v2;
	v2 =	vmul.f32 v47, v42  }
0x1f7: {  	v57 =	vld [tilespmem:s16+$0x5DD0];
	[tilespmem:s16+$0x5D00] =	vst v45;
	v45 =	vbroadcast v3, $0xE;
	v41 =	vmul.f32 v33, v32  }
0x1f8: {  	v46 =	vld [tilespmem:s16+$0x5D60];
	[tilespmem:s16+$0x5D70] =	vst v2;
	v2 =	vmul.f32 v50, v55  }
0x1f9: {  	v60 =	vld [tilespmem:s16+$0x5DF0];
	v3 =	vbroadcast v3, $0xF;
	v48 =	vmul.f32 v39, v45;
	[tilespmem:s16+$0x5EC0] =	vst v41  }
0x1fa: {  	v43 =	vld [tilespmem:s16+$0x5D40];
	[tilespmem:s16+$0x5D90] =	vst v2;
	v2 =	vmul.f32 v53, v55  }
0x1fb: {  	v17 =	vld [tilespmem:s16+$0x5E30];
	v61 =	vmul.f32 v52, v3;
	[tilespmem:s16+$0x5F00] =	vst v48  }
0x1fc: {  	v49 =	vld [tilespmem:s16+$0x5D80];
	[tilespmem:s16+$0x5DB0] =	vst v2;
	v2 =	vmul.f32 v57, v55  }
0x1fd: {  	v23 =	vld [tilespmem:s16+$0x5E60];
	v54 =	vmul.f32 v46, v42;
	[tilespmem:s16+$0x5F80] =	vst v61  }
0x1fe: {  	v56 =	vld [tilespmem:s16+$0x5DC0];
	[tilespmem:s16+$0x5DD0] =	vst v2;
	v2 =	vmul.f32 v60, v55  }
0x1ff: {  	v51 =	vmul.f32 v43, v42;
	[tilespmem:s16+$0x5D60] =	vst v54;
	v21 =	vld [tilespmem:s16+$0x5E50]  }
0x200: {  	v43 =	vld [tilespmem:s16+$0x5F30];
	[tilespmem:s16+$0x5DF0] =	vst v2;
	v2 =	vmul.f32 v63, v19  }
0x201: {  	v58 =	vmul.f32 v49, v55;
	[tilespmem:s16+$0x5D40] =	vst v51;
	v24 =	vld [tilespmem:s16+$0x5E70]  }
0x202: {  	v49 =	vld [tilespmem:s16+$0x5F60];
	[tilespmem:s16+$0x5E10] =	vst v2;
	v2 =	vmul.f32 v17, v19  }
0x203: {  	[tilespmem:s16+$0x5D80] =	vst v58;
	v15 =	vmul.f32 v56, v55;
	v27 =	vld [tilespmem:s16+$0x5E90]  }
0x204: {  	v59 =	vld [tilespmem:s16+$0x5DE0];
	[tilespmem:s16+$0x5E30] =	vst v2;
	v2 =	vmul.f32 v21, v19  }
0x205: {  	v30 =	vld [tilespmem:s16+$0x5EB0];
	v6 =	vmul.f32 v43, v45;
	[tilespmem:s16+$0x5DC0] =	vst v15  }
0x206: {  	v62 =	vld [tilespmem:s16+$0x5E00];
	[tilespmem:s16+$0x5E50] =	vst v2;
	v2 =	vmul.f32 v24, v19  }
0x207: {  	v56 =	vmul.f32 v49, v45;
	[tilespmem:s16+$0x5F30] =	vst v6;
	v34 =	vld [tilespmem:s16+$0x5ED0]  }
0x208: {  	v16 =	vld [tilespmem:s16+$0x5E20];
	[tilespmem:s16+$0x5E70] =	vst v2;
	v2 =	vmul.f32 v27, v32  }
0x209: {  	v18 =	vmul.f32 v59, v55;
	[tilespmem:s16+$0x5F60] =	vst v56;
	v37 =	vld [tilespmem:s16+$0x5EF0]  }
0x20a: {  	v20 =	vld [tilespmem:s16+$0x5FC0];
	[tilespmem:s16+$0x5E90] =	vst v2;
	v2 =	vmul.f32 v30, v32  }
0x20b: {  	v36 =	vld [tilespmem:s16+$0x5EE0];
	[tilespmem:s16+$0x5DE0] =	vst v18;
	v22 =	vmul.f32 v62, v19  }
0x20c: {  	v29 =	vld [tilespmem:s16+$0x5EA0];
	[tilespmem:s16+$0x5EB0] =	vst v2;
	v2 =	vmul.f32 v34, v32  }
0x20d: {  	[tilespmem:s16+$0x5E00] =	vst v22;
	v22 =	vld [tilespmem:s16+$0x5FE0];
	v25 =	vmul.f32 v16, v19  }
0x20e: {  	v46 =	vld [tilespmem:s16+$0x5F40];
	[tilespmem:s16+$0x5ED0] =	vst v2;
	v2 =	vmul.f32 v37, v32  }
0x20f: {  	s17 =	sor.u32 $0x10, s17;
	v31 =	vmul.f32 v23, v19;
	[tilespmem:s16+$0x5E20] =	vst v25;
	v40 =	vld [tilespmem:s16+$0x5F10]  }
0x210: {  	v25 =	vmul.f32 v20, v3;
	[tilespmem:s16+$0x5EF0] =	vst v2;
	v2 =	vld.idx.msk [tilespmem:v1+s17+$0x0 ss:$0x1], $0xffff;
	s17 =	sshll.u32 s17, $0x7  }
0x211: {  	[tilespmem:s16+$0x5E60] =	vst v31;
	v38 =	vmul.f32 v29, v32;
	v42 =	vld [tilespmem:s16+$0x5F20];
	s17 =	sand.u32 $0x3FFFF800, s17  }
0x212: {  	[tilespmem:s16+$0x5FC0] =	vst v25;
	v29 =	vmul.f32 v22, v3;
	v54 =	vld [tilespmem:s17+$0x5800]  }
0x213: {  	v44 =	vmul.f32 v36, v32;
	[tilespmem:s16+$0x5EA0] =	vst v38;
	v55 =	vld [tilespmem:s17+$0x5810]  }
0x214: {  	[tilespmem:s16+$0x5FE0] =	vst v29;
	v7 =	vmul.f32 v40, v45;
	v57 =	vld [tilespmem:s17+$0x5820]  }
0x215: {  	[tilespmem:s16+$0x5EE0] =	vst v44;
	v53 =	vmul.f32 v46, v45;
	v60 =	vld [tilespmem:s17+$0x5830];
	v59 =	vbroadcast v2, $0x0  }
0x216: {  	[tilespmem:s16+$0x5F10] =	vst v7;
	v51 =	vmul.f32 v42, v45;
	v62 =	vld [tilespmem:s17+$0x5840]  }
0x217: {  	[tilespmem:s16+$0x5F40] =	vst v53;
	v12 =	vld [tilespmem:s17+$0x5850];
	v63 =	vmul.f32 v59, v54  }
0x218: {  	[tilespmem:s16+$0x5F20] =	vst v51;
	v14 =	vld [tilespmem:s17+$0x5860];
	v13 =	vmul.f32 v55, v59  }
0x219: {  	v16 =	vld [tilespmem:s17+$0x5870];
	v15 =	vmul.f32 v57, v59;
	[tilespmem:s17+$0x5800] =	vst v63  }
0x21a: {  	v47 =	vld [tilespmem:s16+$0x5F50];
	v10 =	vmul.f32 v60, v59;
	[tilespmem:s17+$0x5810] =	vst v13  }
0x21b: {  	v50 =	vld [tilespmem:s16+$0x5F70];
	v7 =	vmul.f32 v62, v59;
	[tilespmem:s17+$0x5820] =	vst v15  }
0x21c: {  	v18 =	vld [tilespmem:s16+$0x5FA0];
	v11 =	vmul.f32 v12, v59;
	[tilespmem:s17+$0x5830] =	vst v10  }
0x21d: {  	v17 =	vld [tilespmem:s16+$0x5F90];
	v6 =	vmul.f32 v14, v59;
	[tilespmem:s17+$0x5840] =	vst v7  }
0x21e: {  	v21 =	vld [tilespmem:s16+$0x5FD0];
	v8 =	vmul.f32 v16, v59;
	[tilespmem:s17+$0x5850] =	vst v11  }
0x21f: {  	v5 =	vmul.f32 v47, v45;
	v19 =	vld [tilespmem:s16+$0x5FB0];
	[tilespmem:s17+$0x5860] =	vst v6  }
0x220: {  	v23 =	vld [tilespmem:s16+$0x5FF0];
	v58 =	vmul.f32 v50, v45;
	[tilespmem:s17+$0x5870] =	vst v8  }
0x221: {  	[tilespmem:s16+$0x5F50] =	vst v5;
	v5 =	vmul.f32 v18, v3;
	v8 =	vld [tilespmem:s16+$0x6080]  }
0x222: {  	[tilespmem:s16+$0x5F70] =	vst v58;
	v4 =	vmul.f32 v17, v3;
	v26 =	vld [tilespmem:s16+$0x6090]  }
0x223: {  	[tilespmem:s16+$0x5FA0] =	vst v5;
	v27 =	vmul.f32 v21, v3;
	v28 =	vld [tilespmem:s16+$0x60A0]  }
0x224: {  	[tilespmem:s16+$0x5F90] =	vst v4;
	v24 =	vmul.f32 v19, v3;
	v30 =	vbroadcast v2, $0x1;
	v32 =	vld [tilespmem:s16+$0x60C0]  }
0x225: {  	[tilespmem:s16+$0x5FD0] =	vst v27;
	v3 =	vmul.f32 v23, v3;
	v31 =	vld [tilespmem:s16+$0x60B0]  }
0x226: {  	[tilespmem:s16+$0x5FB0] =	vst v24;
	v35 =	vld [tilespmem:s16+$0x60E0];
	v33 =	vmul.f32 v8, v30  }
0x227: {  	[tilespmem:s16+$0x5FF0] =	vst v3;
	v34 =	vld [tilespmem:s16+$0x60D0];
	v3 =	vmul.f32 v26, v30  }
0x228: {  	v38 =	vld [tilespmem:s16+$0x6100];
	v36 =	vmul.f32 v28, v30;
	[tilespmem:s16+$0x6080] =	vst v33  }
0x229: {  	v37 =	vld [tilespmem:s16+$0x60F0];
	v4 =	vmul.f32 v32, v30;
	[tilespmem:s16+$0x6090] =	vst v3  }
0x22a: {  	v40 =	vld [tilespmem:s16+$0x6120];
	v3 =	vmul.f32 v31, v30;
	[tilespmem:s16+$0x60A0] =	vst v36  }
0x22b: {  	v42 =	vbroadcast v2, $0x2;
	v39 =	vld [tilespmem:s16+$0x6110];
	v41 =	vmul.f32 v35, v30;
	[tilespmem:s16+$0x60C0] =	vst v4  }
0x22c: {  	v44 =	vld [tilespmem:s16+$0x6140];
	[tilespmem:s16+$0x60B0] =	vst v3;
	v3 =	vmul.f32 v34, v30  }
0x22d: {  	v43 =	vld [tilespmem:s16+$0x6130];
	v45 =	vmul.f32 v38, v42;
	[tilespmem:s16+$0x60E0] =	vst v41  }
0x22e: {  	v47 =	vld [tilespmem:s16+$0x6160];
	[tilespmem:s16+$0x60D0] =	vst v3;
	v3 =	vmul.f32 v37, v30  }
0x22f: {  	v46 =	vld [tilespmem:s16+$0x6150];
	v48 =	vmul.f32 v40, v42;
	[tilespmem:s16+$0x6100] =	vst v45  }
0x230: {  	v50 =	vld [tilespmem:s16+$0x6180];
	[tilespmem:s16+$0x60F0] =	vst v3;
	v3 =	vmul.f32 v39, v42  }
0x231: {  	v49 =	vld [tilespmem:s16+$0x6170];
	v51 =	vmul.f32 v44, v42;
	[tilespmem:s16+$0x6120] =	vst v48  }
0x232: {  	v53 =	vld [tilespmem:s16+$0x61A0];
	[tilespmem:s16+$0x6110] =	vst v3;
	v3 =	vmul.f32 v43, v42  }
0x233: {  	v55 =	vbroadcast v2, $0x3;
	v52 =	vld [tilespmem:s16+$0x6190];
	v54 =	vmul.f32 v47, v42;
	[tilespmem:s16+$0x6140] =	vst v51  }
0x234: {  	v57 =	vld [tilespmem:s16+$0x61C0];
	[tilespmem:s16+$0x6130] =	vst v3;
	v3 =	vmul.f32 v46, v42  }
0x235: {  	v56 =	vld [tilespmem:s16+$0x61B0];
	v58 =	vmul.f32 v50, v55;
	[tilespmem:s16+$0x6160] =	vst v54  }
0x236: {  	v60 =	vld [tilespmem:s16+$0x61E0];
	[tilespmem:s16+$0x6150] =	vst v3;
	v3 =	vmul.f32 v49, v42  }
0x237: {  	v59 =	vld [tilespmem:s16+$0x61D0];
	v61 =	vmul.f32 v53, v55;
	[tilespmem:s16+$0x6180] =	vst v58  }
0x238: {  	v63 =	vld [tilespmem:s16+$0x6200];
	[tilespmem:s16+$0x6170] =	vst v3;
	v3 =	vmul.f32 v52, v55  }
0x239: {  	v62 =	vld [tilespmem:s16+$0x61F0];
	v12 =	vmul.f32 v57, v55;
	[tilespmem:s16+$0x61A0] =	vst v61  }
0x23a: {  	v14 =	vld [tilespmem:s16+$0x6220];
	[tilespmem:s16+$0x6190] =	vst v3;
	v3 =	vmul.f32 v56, v55  }
0x23b: {  	v16 =	vbroadcast v2, $0x4;
	v13 =	vld [tilespmem:s16+$0x6210];
	v15 =	vmul.f32 v60, v55;
	[tilespmem:s16+$0x61C0] =	vst v12  }
0x23c: {  	v18 =	vld [tilespmem:s16+$0x6240];
	[tilespmem:s16+$0x61B0] =	vst v3;
	v3 =	vmul.f32 v59, v55  }
0x23d: {  	v17 =	vld [tilespmem:s16+$0x6230];
	v19 =	vmul.f32 v63, v16;
	[tilespmem:s16+$0x61E0] =	vst v15  }
0x23e: {  	v21 =	vld [tilespmem:s16+$0x6260];
	[tilespmem:s16+$0x61D0] =	vst v3;
	v3 =	vmul.f32 v62, v55  }
0x23f: {  	v20 =	vld [tilespmem:s16+$0x6250];
	v22 =	vmul.f32 v14, v16;
	[tilespmem:s16+$0x6200] =	vst v19  }
0x240: {  	v24 =	vld [tilespmem:s16+$0x6280];
	[tilespmem:s16+$0x61F0] =	vst v3;
	v3 =	vmul.f32 v13, v16  }
0x241: {  	v23 =	vld [tilespmem:s16+$0x6270];
	v25 =	vmul.f32 v18, v16;
	[tilespmem:s16+$0x6220] =	vst v22  }
0x242: {  	v27 =	vld [tilespmem:s16+$0x62A0];
	[tilespmem:s16+$0x6210] =	vst v3;
	v3 =	vmul.f32 v17, v16  }
0x243: {  	v29 =	vbroadcast v2, $0x5;
	v26 =	vld [tilespmem:s16+$0x6290];
	v28 =	vmul.f32 v21, v16;
	[tilespmem:s16+$0x6240] =	vst v25  }
0x244: {  	v31 =	vld [tilespmem:s16+$0x62C0];
	[tilespmem:s16+$0x6230] =	vst v3;
	v3 =	vmul.f32 v20, v16  }
0x245: {  	v32 =	vmul.f32 v24, v29;
	[tilespmem:s16+$0x6260] =	vst v28;
	v30 =	vld [tilespmem:s16+$0x62B0]  }
0x246: {  	v34 =	vld [tilespmem:s16+$0x62E0];
	[tilespmem:s16+$0x6250] =	vst v3;
	v3 =	vmul.f32 v23, v16  }
0x247: {  	v35 =	vmul.f32 v27, v29;
	v33 =	vld [tilespmem:s16+$0x62D0];
	[tilespmem:s16+$0x6280] =	vst v32  }
0x248: {  	v37 =	vld [tilespmem:s16+$0x6300];
	[tilespmem:s16+$0x6270] =	vst v3;
	v3 =	vmul.f32 v26, v29  }
0x249: {  	v36 =	vld [tilespmem:s16+$0x62F0];
	[tilespmem:s16+$0x62A0] =	vst v35;
	v38 =	vmul.f32 v31, v29  }
0x24a: {  	v40 =	vld [tilespmem:s16+$0x6320];
	[tilespmem:s16+$0x6290] =	vst v3;
	v3 =	vmul.f32 v30, v29  }
0x24b: {  	v39 =	vld [tilespmem:s16+$0x6310];
	[tilespmem:s16+$0x62C0] =	vst v38;
	v41 =	vmul.f32 v34, v29;
	v42 =	vbroadcast v2, $0x6  }
0x24c: {  	v44 =	vld [tilespmem:s16+$0x6340];
	[tilespmem:s16+$0x62B0] =	vst v3;
	v3 =	vmul.f32 v33, v29  }
0x24d: {  	v43 =	vld [tilespmem:s16+$0x6330];
	[tilespmem:s16+$0x62E0] =	vst v41;
	v45 =	vmul.f32 v37, v42  }
0x24e: {  	v47 =	vld [tilespmem:s16+$0x6360];
	[tilespmem:s16+$0x62D0] =	vst v3;
	v3 =	vmul.f32 v36, v29  }
0x24f: {  	v46 =	vld [tilespmem:s16+$0x6350];
	v48 =	vmul.f32 v40, v42;
	[tilespmem:s16+$0x6300] =	vst v45  }
0x250: {  	v50 =	vld [tilespmem:s16+$0x6380];
	[tilespmem:s16+$0x62F0] =	vst v3;
	v3 =	vmul.f32 v39, v42  }
0x251: {  	v49 =	vld [tilespmem:s16+$0x6370];
	v51 =	vmul.f32 v44, v42;
	[tilespmem:s16+$0x6320] =	vst v48  }
0x252: {  	v53 =	vld [tilespmem:s16+$0x63A0];
	[tilespmem:s16+$0x6310] =	vst v3;
	v3 =	vmul.f32 v43, v42  }
0x253: {  	v52 =	vld [tilespmem:s16+$0x6390];
	v54 =	vmul.f32 v47, v42;
	[tilespmem:s16+$0x6340] =	vst v51;
	v55 =	vbroadcast v2, $0x7  }
0x254: {  	v57 =	vld [tilespmem:s16+$0x63C0];
	[tilespmem:s16+$0x6330] =	vst v3;
	v3 =	vmul.f32 v46, v42  }
0x255: {  	v56 =	vld [tilespmem:s16+$0x63B0];
	[tilespmem:s16+$0x6360] =	vst v54;
	v58 =	vmul.f32 v50, v55  }
0x256: {  	v60 =	vld [tilespmem:s16+$0x63E0];
	[tilespmem:s16+$0x6350] =	vst v3;
	v3 =	vmul.f32 v49, v42  }
0x257: {  	v59 =	vld [tilespmem:s16+$0x63D0];
	v61 =	vmul.f32 v53, v55;
	[tilespmem:s16+$0x6380] =	vst v58  }
0x258: {  	v63 =	vld [tilespmem:s16+$0x6400];
	[tilespmem:s16+$0x6370] =	vst v3;
	v3 =	vmul.f32 v52, v55  }
0x259: {  	v62 =	vld [tilespmem:s16+$0x63F0];
	v12 =	vmul.f32 v57, v55;
	[tilespmem:s16+$0x63A0] =	vst v61  }
0x25a: {  	v14 =	vld [tilespmem:s16+$0x6420];
	[tilespmem:s16+$0x6390] =	vst v3;
	v3 =	vmul.f32 v56, v55  }
0x25b: {  	v13 =	vld [tilespmem:s16+$0x6410];
	v15 =	vmul.f32 v60, v55;
	[tilespmem:s16+$0x63C0] =	vst v12;
	v16 =	vbroadcast v2, $0x8  }
0x25c: {  	v18 =	vld [tilespmem:s16+$0x6440];
	[tilespmem:s16+$0x63B0] =	vst v3;
	v3 =	vmul.f32 v59, v55  }
0x25d: {  	v17 =	vld [tilespmem:s16+$0x6430];
	[tilespmem:s16+$0x63E0] =	vst v15;
	v19 =	vmul.f32 v63, v16  }
0x25e: {  	v21 =	vld [tilespmem:s16+$0x6460];
	[tilespmem:s16+$0x63D0] =	vst v3;
	v3 =	vmul.f32 v62, v55  }
0x25f: {  	v20 =	vld [tilespmem:s16+$0x6450];
	v22 =	vmul.f32 v14, v16;
	[tilespmem:s16+$0x6400] =	vst v19  }
0x260: {  	v24 =	vld [tilespmem:s16+$0x6480];
	[tilespmem:s16+$0x63F0] =	vst v3;
	v3 =	vmul.f32 v13, v16  }
0x261: {  	v23 =	vld [tilespmem:s16+$0x6470];
	v25 =	vmul.f32 v18, v16;
	[tilespmem:s16+$0x6420] =	vst v22  }
0x262: {  	v27 =	vld [tilespmem:s16+$0x64A0];
	[tilespmem:s16+$0x6410] =	vst v3;
	v3 =	vmul.f32 v17, v16  }
0x263: {  	v26 =	vld [tilespmem:s16+$0x6490];
	v28 =	vmul.f32 v21, v16;
	[tilespmem:s16+$0x6440] =	vst v25;
	v29 =	vbroadcast v2, $0x9  }
0x264: {  	v31 =	vld [tilespmem:s16+$0x64C0];
	[tilespmem:s16+$0x6430] =	vst v3;
	v3 =	vmul.f32 v20, v16  }
0x265: {  	v30 =	vld [tilespmem:s16+$0x64B0];
	[tilespmem:s16+$0x6460] =	vst v28;
	v32 =	vmul.f32 v24, v29  }
0x266: {  	v34 =	vld [tilespmem:s16+$0x64E0];
	[tilespmem:s16+$0x6450] =	vst v3;
	v3 =	vmul.f32 v23, v16  }
0x267: {  	v33 =	vld [tilespmem:s16+$0x64D0];
	v35 =	vmul.f32 v27, v29;
	[tilespmem:s16+$0x6480] =	vst v32  }
0x268: {  	v37 =	vld [tilespmem:s16+$0x6500];
	[tilespmem:s16+$0x6470] =	vst v3;
	v3 =	vmul.f32 v26, v29  }
0x269: {  	v36 =	vld [tilespmem:s16+$0x64F0];
	v38 =	vmul.f32 v31, v29;
	[tilespmem:s16+$0x64A0] =	vst v35  }
0x26a: {  	v40 =	vld [tilespmem:s16+$0x6520];
	[tilespmem:s16+$0x6490] =	vst v3;
	v3 =	vmul.f32 v30, v29  }
0x26b: {  	v39 =	vld [tilespmem:s16+$0x6510];
	v41 =	vmul.f32 v34, v29;
	[tilespmem:s16+$0x64C0] =	vst v38;
	v42 =	vbroadcast v2, $0xA  }
0x26c: {  	v44 =	vld [tilespmem:s16+$0x6540];
	[tilespmem:s16+$0x64B0] =	vst v3;
	v3 =	vmul.f32 v33, v29  }
0x26d: {  	v43 =	vld [tilespmem:s16+$0x6530];
	[tilespmem:s16+$0x64E0] =	vst v41;
	v45 =	vmul.f32 v37, v42  }
0x26e: {  	v47 =	vld [tilespmem:s16+$0x6560];
	[tilespmem:s16+$0x64D0] =	vst v3;
	v3 =	vmul.f32 v36, v29  }
0x26f: {  	v46 =	vld [tilespmem:s16+$0x6550];
	v48 =	vmul.f32 v40, v42;
	[tilespmem:s16+$0x6500] =	vst v45  }
0x270: {  	v50 =	vld [tilespmem:s16+$0x6580];
	[tilespmem:s16+$0x64F0] =	vst v3;
	v3 =	vmul.f32 v39, v42  }
0x271: {  	v49 =	vld [tilespmem:s16+$0x6570];
	v51 =	vmul.f32 v44, v42;
	[tilespmem:s16+$0x6520] =	vst v48  }
0x272: {  	v53 =	vld [tilespmem:s16+$0x65A0];
	[tilespmem:s16+$0x6510] =	vst v3;
	v3 =	vmul.f32 v43, v42  }
0x273: {  	v52 =	vld [tilespmem:s16+$0x6590];
	v54 =	vmul.f32 v47, v42;
	[tilespmem:s16+$0x6540] =	vst v51;
	v55 =	vbroadcast v2, $0xB  }
0x274: {  	v57 =	vld [tilespmem:s16+$0x65C0];
	[tilespmem:s16+$0x6530] =	vst v3;
	v3 =	vmul.f32 v46, v42  }
0x275: {  	v56 =	vld [tilespmem:s16+$0x65B0];
	[tilespmem:s16+$0x6560] =	vst v54;
	v58 =	vmul.f32 v50, v55  }
0x276: {  	v60 =	vld [tilespmem:s16+$0x65E0];
	[tilespmem:s16+$0x6550] =	vst v3;
	v3 =	vmul.f32 v49, v42  }
0x277: {  	v59 =	vld [tilespmem:s16+$0x65D0];
	v61 =	vmul.f32 v53, v55;
	[tilespmem:s16+$0x6580] =	vst v58  }
0x278: {  	v63 =	vld [tilespmem:s16+$0x6600];
	[tilespmem:s16+$0x6570] =	vst v3;
	v3 =	vmul.f32 v52, v55  }
0x279: {  	v62 =	vld [tilespmem:s16+$0x65F0];
	v12 =	vmul.f32 v57, v55;
	[tilespmem:s16+$0x65A0] =	vst v61  }
0x27a: {  	v14 =	vld [tilespmem:s16+$0x6620];
	[tilespmem:s16+$0x6590] =	vst v3;
	v3 =	vmul.f32 v56, v55  }
0x27b: {  	v13 =	vld [tilespmem:s16+$0x6610];
	v15 =	vmul.f32 v60, v55;
	[tilespmem:s16+$0x65C0] =	vst v12;
	v16 =	vbroadcast v2, $0xC  }
0x27c: {  	v18 =	vld [tilespmem:s16+$0x6640];
	[tilespmem:s16+$0x65B0] =	vst v3;
	v3 =	vmul.f32 v59, v55  }
0x27d: {  	v17 =	vld [tilespmem:s16+$0x6630];
	[tilespmem:s16+$0x65E0] =	vst v15;
	v19 =	vmul.f32 v63, v16  }
0x27e: {  	v21 =	vld [tilespmem:s16+$0x6660];
	[tilespmem:s16+$0x65D0] =	vst v3;
	v3 =	vmul.f32 v62, v55  }
0x27f: {  	v20 =	vld [tilespmem:s16+$0x6650];
	v22 =	vmul.f32 v14, v16;
	[tilespmem:s16+$0x6600] =	vst v19  }
0x280: {  	v24 =	vld [tilespmem:s16+$0x6680];
	[tilespmem:s16+$0x65F0] =	vst v3;
	v3 =	vmul.f32 v13, v16  }
0x281: {  	v23 =	vld [tilespmem:s16+$0x6670];
	v25 =	vmul.f32 v18, v16;
	[tilespmem:s16+$0x6620] =	vst v22  }
0x282: {  	v27 =	vld [tilespmem:s16+$0x66A0];
	[tilespmem:s16+$0x6610] =	vst v3;
	v3 =	vmul.f32 v17, v16  }
0x283: {  	v26 =	vld [tilespmem:s16+$0x6690];
	v28 =	vmul.f32 v21, v16;
	[tilespmem:s16+$0x6640] =	vst v25;
	v29 =	vbroadcast v2, $0xD  }
0x284: {  	v31 =	vld [tilespmem:s16+$0x66C0];
	[tilespmem:s16+$0x6630] =	vst v3;
	v3 =	vmul.f32 v20, v16  }
0x285: {  	v30 =	vld [tilespmem:s16+$0x66B0];
	[tilespmem:s16+$0x6660] =	vst v28;
	v32 =	vmul.f32 v24, v29  }
0x286: {  	v34 =	vld [tilespmem:s16+$0x66E0];
	[tilespmem:s16+$0x6650] =	vst v3;
	v3 =	vmul.f32 v23, v16  }
0x287: {  	v33 =	vld [tilespmem:s16+$0x66D0];
	v35 =	vmul.f32 v27, v29;
	[tilespmem:s16+$0x6680] =	vst v32  }
0x288: {  	v37 =	vld [tilespmem:s16+$0x6700];
	[tilespmem:s16+$0x6670] =	vst v3;
	v3 =	vmul.f32 v26, v29  }
0x289: {  	v36 =	vld [tilespmem:s16+$0x66F0];
	v38 =	vmul.f32 v31, v29;
	[tilespmem:s16+$0x66A0] =	vst v35  }
0x28a: {  	v40 =	vld [tilespmem:s16+$0x6720];
	[tilespmem:s16+$0x6690] =	vst v3;
	v3 =	vmul.f32 v30, v29  }
0x28b: {  	v39 =	vld [tilespmem:s16+$0x6710];
	v41 =	vmul.f32 v34, v29;
	[tilespmem:s16+$0x66C0] =	vst v38;
	v42 =	vbroadcast v2, $0xE  }
0x28c: {  	v44 =	vld [tilespmem:s16+$0x6740];
	[tilespmem:s16+$0x66B0] =	vst v3;
	v3 =	vmul.f32 v33, v29  }
0x28d: {  	v43 =	vld [tilespmem:s16+$0x6730];
	[tilespmem:s16+$0x66E0] =	vst v41;
	v45 =	vmul.f32 v37, v42  }
0x28e: {  	v47 =	vld [tilespmem:s16+$0x6760];
	[tilespmem:s16+$0x66D0] =	vst v3;
	v3 =	vmul.f32 v36, v29  }
0x28f: {  	v46 =	vld [tilespmem:s16+$0x6750];
	v48 =	vmul.f32 v40, v42;
	[tilespmem:s16+$0x6700] =	vst v45  }
0x290: {  	v50 =	vld [tilespmem:s16+$0x6780];
	[tilespmem:s16+$0x66F0] =	vst v3;
	v3 =	vmul.f32 v39, v42  }
0x291: {  	v49 =	vld [tilespmem:s16+$0x6770];
	v51 =	vmul.f32 v44, v42;
	[tilespmem:s16+$0x6720] =	vst v48  }
0x292: {  	v53 =	vld [tilespmem:s16+$0x67A0];
	[tilespmem:s16+$0x6710] =	vst v3;
	v3 =	vmul.f32 v43, v42  }
0x293: {  	v2 =	vbroadcast v2, $0xF;
	v52 =	vld [tilespmem:s16+$0x6790];
	v54 =	vmul.f32 v47, v42;
	[tilespmem:s16+$0x6740] =	vst v51  }
0x294: {  	v56 =	vld [tilespmem:s16+$0x67C0];
	[tilespmem:s16+$0x6730] =	vst v3;
	v3 =	vmul.f32 v46, v42  }
0x295: {  	v57 =	vmul.f32 v50, v2;
	[tilespmem:s16+$0x6760] =	vst v54;
	v55 =	vld [tilespmem:s16+$0x67B0]  }
0x296: {  	v59 =	vld [tilespmem:s16+$0x67E0];
	[tilespmem:s16+$0x6750] =	vst v3;
	v3 =	vmul.f32 v49, v42  }
0x297: {  	v58 =	vld [tilespmem:s16+$0x67D0];
	v60 =	vmul.f32 v53, v2;
	[tilespmem:s16+$0x6780] =	vst v57  }
0x298: {  	v61 =	vld [tilespmem:s16+$0x67F0];
	[tilespmem:s16+$0x6770] =	vst v3;
	v3 =	vmul.f32 v52, v2  }
0x299: {  	[tilespmem:s16+$0x67A0] =	vst v60;
	v62 =	vmul.f32 v56, v2  }
0x29a: {  	p1 =	slt.u32 s15, $0x6;
	[tilespmem:s16+$0x6790] =	vst v3;
	v3 =	vmul.f32 v55, v2  }
.Ltmp2:
0x29b: {  	[tilespmem:s16+$0x67C0] =	vst v62;
	v63 =	vmul.f32 v59, v2;
	(pc) =	sbr.rel @p1 .LBB2_8-.Ltmp2, $4  }
0x29c: {  	[tilespmem:s16+$0x67B0] =	vst v3;
	v3 =	vmul.f32 v58, v2  }
0x29d: {  	[tilespmem:s16+$0x67E0] =	vst v63;
	v2 =	vmul.f32 v61, v2  }
0x29e: {  	s18 =	sadd.s32 $0x2, s15;
	[tilespmem:s16+$0x67D0] =	vst v3  }
0x29f: {  	s15 =	smov.u32 s18;
	[tilespmem:s16+$0x67F0] =	vst v2  }
0x2a0: {  	_ =	strace $0x90000051;
	p1 =	seq.s32 s11, $0x7  }
0x2a1: {  	_ =	strace @!p1 $0x80000052;
	s15 =	simm.s32 @!p1 $0x3  }
0x2a2: {  	_ =	swait.ge @!p1 [sflag:s15], $0x4000  }
0x2a3: {  	s11 =	sadd.s32 $0x1, s11;
	[sflag:s15] =	ssyncset.done @!p1 $0x0  }
0x2a4: {  	s12 =	sshrl.u32 @!p1 s12, $0x2;
	s16 =	simm.s32 @!p1 $0x1800;
	[sflag:s15] =	ssyncadd.s32 @!p1 $0xFFFFC000  }
0x2a5: {  	s12 =	sadd.s32 @!p1 $0x100, s12;
	s15 =	simm.s32 @!p1 $0x80;
	_ =	strace @!p1 $0x90000052  }
0x2a6: {  	[tilespmem:s16], [sflag:$0x1] =	stream.indirect.gather @!p1 [hbm4b:s1+s15], $0x80, s12, s15, $0xb8;
	[tilespmem:$0x1D080] =	vst v63  }
0x2a7: {  	p1 =	sne.s32 s11, $0x8  }
.Ltmp3:
0x2a8: {  	_ = 	snop;
	(pc) =	sbr.rel @p1 .LBB2_5-.Ltmp3, $4  }
0x2a9: {  	_ = 	snop  }
0x2aa: {  	s18 =	sadd.s32 $0x800, s14;
	_ =	strace $0x80000053  }
0x2ab: {  	[spmem:s3] =	stream.indirect.scatter.add.f32 [tilespmem:s2], [sflag:$0x4], $0x80, s18, s30, $0x2000b8;
	[tilespmem:$0x1D080] =	vst v63  }
0x2ac: {  	_ =	strace $0x90000053  }
0x2ad: {  	s10 =	sadd.s32 $0x1, s10  }
0x2ae: {  	_ =	swait.ge [sflag:s7], $0x4000;
	p1 =	sne.s32 s10, $0x5  }
.Ltmp4:
0x2af: {  	[sflag:s7] =	ssyncset.done $0x0;
	(pc) =	sbr.rel @p1 .LBB2_4-.Ltmp4, $4  }
0x2b0: {  	[sflag:s7] =	ssyncadd.s32 $0xFFFFC000  }
0x2b1: {  	_ =	swait.ge [sflag:s8], $0x4000  }
0x2b2: {  	[sflag:s8] =	ssyncset.done $0x0  }
0x2b3: {  	[sflag:s8] =	ssyncadd.s32 $0xFFFFC000  }
0x2b4: {  	[bflag:$0x0] =	sbarrier.arrive $0xFFFF;
	s9 =	stileid.u32  }
0x2b5: {  	s9 =	sshll.u32 @!p0 s9, $0x6;
	_ =	strace $0x80000054  }
0x2b6: {  	s10 =	sshrl.u32 @!p0 s5, $0x3;
	s9 =	sor.u32 @!p0 $0x1C06, s9;
	s11 =	rddreg [dreg:$0xb]  }
0x2b7: {  	[hbm:s11], [sflag:s9] =	dma.local @!p0 [spmem:s10], $0xC80  }
0x2b8: {  	s10 =	simm.s32 @!p0 $0x6  }
0x2b9: {  	_ =	swait.ge @!p0 [sflag:s10], $0xC80  }
0x2ba: {  	[sflag:s10] =	ssyncset.done @!p0 $0x0  }
0x2bb: {  	s11 =	rddreg [dreg:$0xc];
	[sflag:s10] =	ssyncadd.s32 @!p0 $0xFFFFF380  }
0x2bc: {  	[hbm:s11], [sflag:s9] =	dma.local @!p0 [spmem:s22], $0xC80  }
0x2bd: {  	_ =	swait.ge @!p0 [sflag:s10], $0xC80  }
0x2be: {  	[sflag:s10] =	ssyncset.done @!p0 $0x0  }
0x2bf: {  	s11 =	rddreg [dreg:$0xd];
	[sflag:s10] =	ssyncadd.s32 @!p0 $0xFFFFF380  }
0x2c0: {  	[hbm:s11], [sflag:s9] =	dma.local @!p0 [spmem:s23], $0xC80  }
0x2c1: {  	_ =	swait.ge @!p0 [sflag:s10], $0xC80  }
0x2c2: {  	[sflag:s10] =	ssyncset.done @!p0 $0x0  }
0x2c3: {  	s11 =	rddreg [dreg:$0xe];
	[sflag:s10] =	ssyncadd.s32 @!p0 $0xFFFFF380  }
0x2c4: {  	[hbm:s11], [sflag:s9] =	dma.local @!p0 [spmem:s24], $0xC80  }
0x2c5: {  	_ =	swait.ge @!p0 [sflag:s10], $0xC80  }
0x2c6: {  	s4 =	sadd.s32 $0x1, s4;
	[sflag:s10] =	ssyncset.done @!p0 $0x0  }
0x2c7: {  	p1 =	sne.s32 s4, s21;
	s11 =	rddreg [dreg:$0xf];
	[sflag:s10] =	ssyncadd.s32 @!p0 $0xFFFFF380  }
0x2c8: {  	[hbm:s11], [sflag:s9] =	dma.local @!p0 [spmem:s25], $0xC80  }
.Ltmp5:
0x2c9: {  	_ = 	snop;
	(pc) =	sbr.rel @p1 .LBB2_1-.Ltmp5, $4  }
0x2ca: {  	_ =	swait.ge @!p0 [sflag:s10], $0xC80  }
0x2cb: {  	[sflag:s10] =	ssyncset.done @!p0 $0x0  }
0x2cc: {  	[sflag:s10] =	ssyncadd.s32 @!p0 $0xFFFFF380  }
0x2cd: {  	_ =	strace $0x90000054  }
0x2ce: {  	_ =	sfence.sel $0x180000  }
0x2cf: {  	[bflag:$0x0] =	sbarrier.arrive $0xFFFF  }
0x2d0: {  	_ =	strace $0x9000004A  }
0x2d1: {  	s0 =	stileid.u32;
	[bflag:$0x2] =	sbarrier.arrive $0xFFFF  }
0x2d2: {  	p0 =	sne.s32 s0, $0x0;
	s0 =	rddreg [dreg:$0x3]  }
0x2d3: {  	s0 =	sadd.s32 @!p0 $0x100000, s0  }
0x2d4: {  	[sflag:s0] =	ssyncadd.tile.s32 @!p0 $0x1;
	_ =	shalt  }
.Lfunc_end2:
_tile_overlayer_lowered:
.L_overlay_start_2:
0x2d5: {  	(tag) =	ssettag $0x2  }
0x2d6: {  	s0 =	rddreg [dreg:$0x0];
	s2 =	stileid.u32  }
0x2d7: {  	s1 =	rddreg [dreg:$0x1];
	p0 =	sne.s32 s2, $0x0  }
0x2d8: {  	s3 =	rddreg [dreg:$0x2];
	[bflag:$0x3] =	sbarrier.arrive $0xFFFF;
	s2 =	simm.s32 @!p0 $0x1C06  }
0x2d9: {  	[timem:s3], [sflag:s2] =	dma.local @!p0 [hbm:s0], s1  }
0x2da: {  	s0 =	simm.s32 @!p0 $0x6  }
0x2db: {  	_ =	swait.ge @!p0 [sflag:s0], s1  }
0x2dc: {  	s1 =	ssub.s32 @!p0 $0x0, s1;
	[sflag:s0] =	ssyncset.done @!p0 $0x0  }
0x2dd: {  	[sflag:s0] =	ssyncadd.s32 @!p0 s1  }
0x2de: {  	[bflag:$0x3] =	sbarrier.arrive $0xFFFF  }
0x2df: {  	_ =	shalt  }

</sc_bundles>
